<compile_context>
chip_gen: v7x
topology: tpu7x:2x2x1
jax: 0.10.2.dev20260603
libtpu: 0.0.44.dev20260713+nightly
codegen_flags: <defaults>
</compile_context>

<pallas_src>
import functools

import jax
import jax.numpy as jnp
from jax import lax
from jax.experimental import pallas as pl
from jax.experimental.pallas import tpu as pltpu, tpu_sc as plsc

N = 10000
E = 320000
D = 128
HEADS = 4
HID = 32
F = HEADS * HID
NC = 64

NCORES = 2
NSUB = 16
NW = NCORES * NSUB

CHUNK = 64
ETOT = E + N
CPW = -(-ETOT // (NW * CHUNK))
EPAD = NW * CPW * CHUNK
ROWS_PER_SUB = 640
NPAD = NSUB * ROWS_PER_SUB
ACCW = 144
RING = 3

RB = 256


def _bcast_lane(vec, idx):
    return lax.gather(
        vec, idx[:, None],
        dimension_numbers=lax.GatherDimensionNumbers(
            offset_dims=(), collapsed_slice_dims=(0,), start_index_map=(0,)),
        slice_sizes=(1,),
        mode=lax.GatherScatterMode.PROMISE_IN_BOUNDS)


def _edge_kernel_body(tg_hbm, gad_hbm, eidx_hbm, out_hbm,
                      ib0, ib1, ib2, tg0, tg1, tg2, gd0, gd1, gd2, acc,
                      gsem0, gsem1, gsem2, ssem0, ssem1, ssem2):
    c = lax.axis_index("c")
    s = lax.axis_index("s")
    ibs, tgs, gds = (ib0, ib1, ib2), (tg0, tg1, tg2), (gd0, gd1, gd2)
    gsems, ssems = (gsem0, gsem1, gsem2), (ssem0, ssem1, ssem2)

    def zrow(r, _):
        for jv in range(ACCW // 16):
            tg0[r, pl.ds(16 * jv, 16)] = jnp.zeros((16,), jnp.float32)
        return 0
    lax.fori_loop(0, CHUNK, zrow, 0)
    for k in range(ROWS_PER_SUB // CHUNK):
        pltpu.sync_copy(tg0, acc.at[pl.ds(s * ROWS_PER_SUB + k * CHUNK,
                                          CHUNK)])
    plsc.subcore_barrier()

    lane = lax.iota(jnp.int32, 16)
    head_mask = lane < HEADS
    bidx = [jnp.full((16,), h, jnp.int32) for h in range(HEADS)]
    wid = c * NSUB + s

    def fire(j, p):
        pltpu.sync_copy(eidx_hbm.at[pl.ds((wid * CPW + j) * 2, 2)], ibs[p])
        pltpu.async_copy(tg_hbm.at[ibs[p].at[0]], tgs[p], gsems[p])
        pltpu.async_copy(gad_hbm.at[ibs[p].at[1]], gds[p], gsems[p])

    def drain_gathers(p):
        pltpu.make_async_copy(tg_hbm.at[ibs[p].at[0]], tgs[p],
                              gsems[p]).wait()
        pltpu.make_async_copy(gad_hbm.at[ibs[p].at[1]], gds[p],
                              gsems[p]).wait()

    def drain_scatter(p):
        pltpu.make_async_copy(tgs[p], acc.at[ibs[p].at[1]],
                              ssems[p]).wait()

    def process(p):
        tg, gd = tgs[p], gds[p]

        def edge2(i, _):
            for u in range(2):
                e = 2 * i + u
                a = tg[e, pl.ds(F, 16)] + gd[e, :]
                w = jnp.exp(jnp.maximum(a, 0.2 * a))
                tg[e, pl.ds(F, 16)] = jnp.where(head_mask, w, 0.0)
                wb = [_bcast_lane(w, bidx[h]) for h in range(HEADS)]
                for jv in range(F // 16):
                    tg[e, pl.ds(16 * jv, 16)] = (tg[e, pl.ds(16 * jv, 16)]
                                                 * wb[jv // 2])
            return 0
        lax.fori_loop(0, CHUNK // 2, edge2, 0)
        pltpu.async_copy(tg, acc.at[ibs[p].at[1]], ssems[p], add=True)

    fire(0, 0)
    fire(1, 1)

    def ring_body(k, _):
        for u in range(RING):
            j = RING * k + u
            p = u
            pn = (u + 2) % RING
            if u == 0:
                @pl.when(k > 0)
                def _():
                    drain_scatter((u + 2) % RING)
            else:
                drain_scatter((u + 2) % RING)
            if u == 0:
                fire(j + 2, pn)
            else:
                @pl.when(k < CPW // RING - 1)
                def _():
                    fire(j + 2, pn)
            drain_gathers(p)
            process(p)
        return 0
    lax.fori_loop(0, CPW // RING, ring_body, 0)

    drain_scatter((CPW - 1) % RING)
    plsc.subcore_barrier()
    pltpu.sync_copy(acc.at[pl.ds(s * ROWS_PER_SUB, ROWS_PER_SUB)],
                    out_hbm.at[pl.ds(c * NPAD + s * ROWS_PER_SUB,
                                     ROWS_PER_SUB)])


@functools.cache
def _edge_kernel():
    return functools.partial(
        pl.kernel,
        out_type=jax.ShapeDtypeStruct((NCORES * NPAD, ACCW), jnp.float32),
        mesh=plsc.VectorSubcoreMesh(core_axis_name="c", subcore_axis_name="s",
                                    num_cores=NCORES, num_subcores=NSUB),
        scratch_types=(
            [pltpu.VMEM((2, CHUNK), jnp.int32) for _ in range(RING)]
            + [pltpu.VMEM((CHUNK, ACCW), jnp.float32) for _ in range(RING)]
            + [pltpu.VMEM((CHUNK, 16), jnp.float32) for _ in range(RING)]
            + [pltpu.VMEM_SHARED((NPAD, ACCW), jnp.float32)]
            + [pltpu.SemaphoreType.DMA] * (2 * RING)
        ),
        compiler_params=pltpu.CompilerParams(use_tc_tiling_on_sc=False),
    )(_edge_kernel_body)


def _pre_body(x_ref, wcat_ref, wd_ref, tg_ref, gd_ref):
    x = x_ref[:]
    tg_ref[:] = jnp.dot(x, wcat_ref[:], preferred_element_type=jnp.float32)
    gd_ref[:] = jnp.dot(x, wd_ref[:], preferred_element_type=jnp.float32)


def _finish(acc0, acc1, b):
    na = acc0 + acc1
    numer = na[:, 0:F]
    den = na[:, F:F + HEADS]
    denb = jnp.broadcast_to(den[:, :, None], (na.shape[0], HEADS, HID))
    denb = denb.reshape(na.shape[0], F)
    return jax.nn.relu(numer / (denb + 1e-16) + b)


def _mid_body(a0_ref, a1_ref, b1_ref, wcat_ref, wd_ref, tg_ref, gd_ref):
    out1 = _finish(a0_ref[:], a1_ref[:], b1_ref[:])
    tg_ref[:] = jnp.dot(out1, wcat_ref[:], preferred_element_type=jnp.float32)
    gd_ref[:] = jnp.dot(out1, wd_ref[:], preferred_element_type=jnp.float32)


def _post_body(a0_ref, a1_ref, b2_ref, wc_ref, bc_ref, o_ref):
    out2 = _finish(a0_ref[:], a1_ref[:], b2_ref[:])
    lg = jnp.dot(out2, wc_ref[:], preferred_element_type=jnp.float32) + bc_ref[:]
    m = jnp.max(lg, axis=1, keepdims=True)
    ex = jnp.exp(lg - m)
    o_ref[:] = lg - m - jnp.log(jnp.sum(ex, axis=1, keepdims=True))


def _row_spec(w):
    return pl.BlockSpec((RB, w), lambda i: (i, 0))


def _full_spec(shape):
    return pl.BlockSpec(shape, lambda i: tuple(0 for _ in shape))


_GRID = NPAD // RB

_pre_call = pl.pallas_call(
    _pre_body,
    grid=(_GRID,),
    in_specs=[_row_spec(D), _full_spec((D, ACCW)), _full_spec((D, 16))],
    out_specs=[_row_spec(ACCW), _row_spec(16)],
    out_shape=[jax.ShapeDtypeStruct((NPAD, ACCW), jnp.float32),
               jax.ShapeDtypeStruct((NPAD, 16), jnp.float32)],
)

_mid_call = pl.pallas_call(
    _mid_body,
    grid=(_GRID,),
    in_specs=[_row_spec(ACCW), _row_spec(ACCW), _full_spec((1, F)),
              _full_spec((F, ACCW)), _full_spec((F, 16))],
    out_specs=[_row_spec(ACCW), _row_spec(16)],
    out_shape=[jax.ShapeDtypeStruct((NPAD, ACCW), jnp.float32),
               jax.ShapeDtypeStruct((NPAD, 16), jnp.float32)],
)

_post_call = pl.pallas_call(
    _post_body,
    grid=(_GRID,),
    in_specs=[_row_spec(ACCW), _row_spec(ACCW), _full_spec((1, F)),
              _full_spec((F, NC)), _full_spec((1, NC))],
    out_specs=_row_spec(NC),
    out_shape=jax.ShapeDtypeStruct((NPAD, NC), jnp.float32),
)


def _attn_block(a_vec):
    eye = jnp.eye(HEADS, dtype=jnp.float32)
    return (a_vec[:, :, None] * eye[:, None, :]).reshape(F, HEADS)


def _compose_weights(W, a_src, a_dst):
    din = W.shape[0]
    wcat = jnp.concatenate(
        [W, W @ _attn_block(a_src),
         jnp.zeros((din, ACCW - F - HEADS), jnp.float32)], axis=1)
    wd = jnp.concatenate(
        [W @ _attn_block(a_dst), jnp.zeros((din, 16 - HEADS), jnp.float32)],
        axis=1)
    return wcat, wd


def kernel(x, edge_index, W1, a_src1, a_dst1, b1, W2, a_src2, a_dst2, b2,
           Wc, bc):
    idt = jnp.int32
    loop = jnp.arange(N, dtype=idt)
    pad = jnp.full((EPAD - ETOT,), N, idt)
    src_r = jnp.concatenate([edge_index[0].astype(idt), loop, pad])
    dst_r = jnp.concatenate([edge_index[1].astype(idt), loop, pad])
    eidx = jnp.stack([src_r.reshape(-1, CHUNK), dst_r.reshape(-1, CHUNK)],
                     axis=1).reshape(-1, CHUNK)

    x_pad = jnp.concatenate(
        [x, jnp.zeros((NPAD - N, D), jnp.float32)], axis=0)

    wcat1, wd1 = _compose_weights(W1, a_src1, a_dst1)
    wcat2, wd2 = _compose_weights(W2, a_src2, a_dst2)

    edge = _edge_kernel()
    tg1, gd1 = _pre_call(x_pad, wcat1, wd1)
    acc1 = edge(tg1, gd1, eidx)
    tg2, gd2 = _mid_call(acc1[:NPAD], acc1[NPAD:], b1.reshape(1, F),
                         wcat2, wd2)
    acc2 = edge(tg2, gd2, eidx)
    out = _post_call(acc2[:NPAD], acc2[NPAD:], b2.reshape(1, F), Wc,
                     bc.reshape(1, NC))
    return out[:N]

# --- scband reference (transcript-rebuilt; emitter-appended) ---
"""Pipeline reference for scband-node-gat-9045201125524 (READ-ONLY COPY).

The authoritative reference and input builder live on the scoring server;
editing this copy changes nothing except your own understanding.
"""

import jax, jax.numpy as jnp
import numpy as np

N = 10000
E = 320000
D = 128
HID = 32
HEADS = 4
NC = 64


def gat_conv(x, edge_index, W, a_src, a_dst, b):
    # Faithful PyG GATConv (concat=True, add_self_loops=True, negative_slope=0.2)
    n = x.shape[0]
    loop = jnp.arange(n, dtype=edge_index.dtype)
    src = jnp.concatenate([edge_index[0], loop])
    dst = jnp.concatenate([edge_index[1], loop])
    h = (x @ W).reshape(n, HEADS, -1)                      # [N, H, C]
    alpha_src = (h * a_src).sum(-1)                        # [N, H]
    alpha_dst = (h * a_dst).sum(-1)                        # [N, H]
    alpha = alpha_src[src] + alpha_dst[dst]                # [E+N, H]
    alpha = jax.nn.leaky_relu(alpha, 0.2)
    amax = jax.ops.segment_max(alpha, dst, num_segments=n)
    ex = jnp.exp(alpha - amax[dst])
    denom = jax.ops.segment_sum(ex, dst, num_segments=n)
    coef = ex / (denom[dst] + 1e-16)                       # softmax over incoming edges
    msg = h[src] * coef[:, :, None]                        # [E+N, H, C]
    out = jax.ops.segment_sum(msg, dst, num_segments=n)    # [N, H, C]
    return out.reshape(n, HEADS * h.shape[-1]) + b


def setup_inputs(seed: int = 0) -> dict:
    key = jax.random.key(seed)
    ks = jax.random.split(key, 12)
    x = jax.random.normal(ks[0], (N, D), dtype=jnp.float32)
    edge_index = jax.random.randint(ks[1], (2, E), 0, N)
    W1 = jax.random.normal(ks[2], (D, HEADS * HID), dtype=jnp.float32) * (1.0 / np.sqrt(D))
    a_src1 = jax.random.normal(ks[3], (HEADS, HID), dtype=jnp.float32) * 0.1
    a_dst1 = jax.random.normal(ks[4], (HEADS, HID), dtype=jnp.float32) * 0.1
    b1 = jnp.zeros((HEADS * HID,), dtype=jnp.float32)
    W2 = jax.random.normal(ks[5], (HEADS * HID, HEADS * HID), dtype=jnp.float32) * (1.0 / np.sqrt(HEADS * HID))
    a_src2 = jax.random.normal(ks[6], (HEADS, HID), dtype=jnp.float32) * 0.1
    a_dst2 = jax.random.normal(ks[7], (HEADS, HID), dtype=jnp.float32) * 0.1
    b2 = jnp.zeros((HEADS * HID,), dtype=jnp.float32)
    Wc = jax.random.normal(ks[8], (HEADS * HID, NC), dtype=jnp.float32) * (1.0 / np.sqrt(HEADS * HID))
    bc = jnp.zeros((NC,), dtype=jnp.float32)
    return {"x": x, "edge_index": edge_index, "W1": W1, "a_src1": a_src1, "a_dst1": a_dst1, "b1": b1,
            "W2": W2, "a_src2": a_src2, "a_dst2": a_dst2, "b2": b2, "Wc": Wc, "bc": bc}


def reference(x, edge_index, W1, a_src1, a_dst1, b1, W2, a_src2, a_dst2, b2, Wc, bc):
    h = jax.nn.relu(gat_conv(x, edge_index, W1, a_src1, a_dst1, b1))
    # F.dropout with training=False is identity (inference)
    h = jax.nn.relu(gat_conv(h, edge_index, W2, a_src2, a_dst2, b2))
    logits = h @ Wc + bc
    return jax.nn.log_softmax(logits, axis=1)

if __name__ == "__main__":
    import jax
    _d = setup_inputs()
    print(jax.jit(kernel)(*tuple(_d.values())))

</pallas_src>

<mosaic_0001>
#map = affine_map<(d0, d1) -> (0, 0)>
module attributes {stable_mosaic.version = 14 : i64} {
  func.func @_edge_kernel_body(%arg0: i32, %arg1: i32, %arg2: memref<10240x144xf32, #tpu.memory_space<hbm>>, %arg3: memref<10240x16xf32, #tpu.memory_space<hbm>>, %arg4: memref<10368x64xi32, #tpu.memory_space<hbm>>, %arg5: memref<20480x144xf32, #tpu.memory_space<hbm>>, %arg6: memref<2x64xi32, #tpu.memory_space<vmem>>, %arg7: memref<2x64xi32, #tpu.memory_space<vmem>>, %arg8: memref<2x64xi32, #tpu.memory_space<vmem>>, %arg9: memref<64x144xf32, #tpu.memory_space<vmem>>, %arg10: memref<64x144xf32, #tpu.memory_space<vmem>>, %arg11: memref<64x144xf32, #tpu.memory_space<vmem>>, %arg12: memref<64x16xf32, #tpu.memory_space<vmem>>, %arg13: memref<64x16xf32, #tpu.memory_space<vmem>>, %arg14: memref<64x16xf32, #tpu.memory_space<vmem>>, %arg15: memref<10240x144xf32, #tpu.memory_space<vmem_shared>>, %arg16: memref<!tpu.dma_semaphore, #tpu.memory_space<semaphore_mem>>, %arg17: memref<!tpu.dma_semaphore, #tpu.memory_space<semaphore_mem>>, %arg18: memref<!tpu.dma_semaphore, #tpu.memory_space<semaphore_mem>>, %arg19: memref<!tpu.dma_semaphore, #tpu.memory_space<semaphore_mem>>, %arg20: memref<!tpu.dma_semaphore, #tpu.memory_space<semaphore_mem>>, %arg21: memref<!tpu.dma_semaphore, #tpu.memory_space<semaphore_mem>>) attributes {dimension_semantics = [#tpu.dimension_semantics<core_parallel>, #tpu.dimension_semantics<subcore_parallel>], iteration_bounds = array<i64: 2, 16>, scalar_prefetch = 0 : i64, scratch_operands = 16 : i64, tpu.core_type = #tpu.core_type<sc_vector_subcore>, window_params = [{transform_indices = #map}, {transform_indices = #map}, {transform_indices = #map}, {transform_indices = #map}]} {
    %scan3A = arith.constant 0 : i32
    %scan3A_0 = arith.constant 0 : i32
    %scan3A_1 = arith.constant 64 : i32
    %scan3A_2 = arith.addi %scan3A_0, %scan3A_1 : i32
    %scan3A_3 = arith.constant 1 : i32
    %scan3A_4 = scf.for %scan3A_116 = %scan3A_0 to %scan3A_2 step %scan3A_3 iter_args(%scan3A_117 = %scan3A) -> (i32)  : i32 {
      %broadcast_in_dim3A_118 = arith.constant 0.000000e+00 : f32
      %broadcast_in_dim3A_119 = vector.broadcast %broadcast_in_dim3A_118 : f32 to vector<16xf32>
      %swap3A = arith.index_cast %scan3A_116 : i32 to index
      %swap3A_120 = arith.constant 0 : index
      %swap3A_121 = tpu.vector_load %arg9[%swap3A, %swap3A_120] {strides = array<i32>} : memref<64x144xf32, #tpu.memory_space<vmem>>, vector<1x16xf32>,
      %swap3A_122 = vector.shape_cast %swap3A_121 : vector<1x16xf32> to vector<16xf32>
      %swap3A_123 = vector.shape_cast %broadcast_in_dim3A_119 : vector<16xf32> to vector<1x16xf32>
      tpu.vector_store %arg9[%swap3A, %swap3A_120], %swap3A_123 {strides = array<i32>} : memref<64x144xf32, #tpu.memory_space<vmem>>, vector<1x16xf32>,
      %broadcast_in_dim3A_124 = arith.constant 0.000000e+00 : f32
      %broadcast_in_dim3A_125 = vector.broadcast %broadcast_in_dim3A_124 : f32 to vector<16xf32>
      %swap3A_126 = arith.index_cast %scan3A_116 : i32 to index
      %swap3A_127 = arith.constant 16 : index
      %swap3A_128 = tpu.vector_load %arg9[%swap3A_126, %swap3A_127] {strides = array<i32>} : memref<64x144xf32, #tpu.memory_space<vmem>>, vector<1x16xf32>,
      %swap3A_129 = vector.shape_cast %swap3A_128 : vector<1x16xf32> to vector<16xf32>
      %swap3A_130 = vector.shape_cast %broadcast_in_dim3A_125 : vector<16xf32> to vector<1x16xf32>
      tpu.vector_store %arg9[%swap3A_126, %swap3A_127], %swap3A_130 {strides = array<i32>} : memref<64x144xf32, #tpu.memory_space<vmem>>, vector<1x16xf32>,
      %broadcast_in_dim3A_131 = arith.constant 0.000000e+00 : f32
      %broadcast_in_dim3A_132 = vector.broadcast %broadcast_in_dim3A_131 : f32 to vector<16xf32>
      %swap3A_133 = arith.index_cast %scan3A_116 : i32 to index
      %swap3A_134 = arith.constant 32 : index
      %swap3A_135 = tpu.vector_load %arg9[%swap3A_133, %swap3A_134] {strides = array<i32>} : memref<64x144xf32, #tpu.memory_space<vmem>>, vector<1x16xf32>,
      %swap3A_136 = vector.shape_cast %swap3A_135 : vector<1x16xf32> to vector<16xf32>
      %swap3A_137 = vector.shape_cast %broadcast_in_dim3A_132 : vector<16xf32> to vector<1x16xf32>
      tpu.vector_store %arg9[%swap3A_133, %swap3A_134], %swap3A_137 {strides = array<i32>} : memref<64x144xf32, #tpu.memory_space<vmem>>, vector<1x16xf32>,
      %broadcast_in_dim3A_138 = arith.constant 0.000000e+00 : f32
      %broadcast_in_dim3A_139 = vector.broadcast %broadcast_in_dim3A_138 : f32 to vector<16xf32>
      %swap3A_140 = arith.index_cast %scan3A_116 : i32 to index
      %swap3A_141 = arith.constant 48 : index
      %swap3A_142 = tpu.vector_load %arg9[%swap3A_140, %swap3A_141] {strides = array<i32>} : memref<64x144xf32, #tpu.memory_space<vmem>>, vector<1x16xf32>,
      %swap3A_143 = vector.shape_cast %swap3A_142 : vector<1x16xf32> to vector<16xf32>
      %swap3A_144 = vector.shape_cast %broadcast_in_dim3A_139 : vector<16xf32> to vector<1x16xf32>
      tpu.vector_store %arg9[%swap3A_140, %swap3A_141], %swap3A_144 {strides = array<i32>} : memref<64x144xf32, #tpu.memory_space<vmem>>, vector<1x16xf32>,
      %broadcast_in_dim3A_145 = arith.constant 0.000000e+00 : f32
      %broadcast_in_dim3A_146 = vector.broadcast %broadcast_in_dim3A_145 : f32 to vector<16xf32>
      %swap3A_147 = arith.index_cast %scan3A_116 : i32 to index
      %swap3A_148 = arith.constant 64 : index
      %swap3A_149 = tpu.vector_load %arg9[%swap3A_147, %swap3A_148] {strides = array<i32>} : memref<64x144xf32, #tpu.memory_space<vmem>>, vector<1x16xf32>,
      %swap3A_150 = vector.shape_cast %swap3A_149 : vector<1x16xf32> to vector<16xf32>
      %swap3A_151 = vector.shape_cast %broadcast_in_dim3A_146 : vector<16xf32> to vector<1x16xf32>
      tpu.vector_store %arg9[%swap3A_147, %swap3A_148], %swap3A_151 {strides = array<i32>} : memref<64x144xf32, #tpu.memory_space<vmem>>, vector<1x16xf32>,
      %broadcast_in_dim3A_152 = arith.constant 0.000000e+00 : f32
      %broadcast_in_dim3A_153 = vector.broadcast %broadcast_in_dim3A_152 : f32 to vector<16xf32>
      %swap3A_154 = arith.index_cast %scan3A_116 : i32 to index
      %swap3A_155 = arith.constant 80 : index
      %swap3A_156 = tpu.vector_load %arg9[%swap3A_154, %swap3A_155] {strides = array<i32>} : memref<64x144xf32, #tpu.memory_space<vmem>>, vector<1x16xf32>,
      %swap3A_157 = vector.shape_cast %swap3A_156 : vector<1x16xf32> to vector<16xf32>
      %swap3A_158 = vector.shape_cast %broadcast_in_dim3A_153 : vector<16xf32> to vector<1x16xf32>
      tpu.vector_store %arg9[%swap3A_154, %swap3A_155], %swap3A_158 {strides = array<i32>} : memref<64x144xf32, #tpu.memory_space<vmem>>, vector<1x16xf32>,
      %broadcast_in_dim3A_159 = arith.constant 0.000000e+00 : f32
      %broadcast_in_dim3A_160 = vector.broadcast %broadcast_in_dim3A_159 : f32 to vector<16xf32>
      %swap3A_161 = arith.index_cast %scan3A_116 : i32 to index
      %swap3A_162 = arith.constant 96 : index
      %swap3A_163 = tpu.vector_load %arg9[%swap3A_161, %swap3A_162] {strides = array<i32>} : memref<64x144xf32, #tpu.memory_space<vmem>>, vector<1x16xf32>,
      %swap3A_164 = vector.shape_cast %swap3A_163 : vector<1x16xf32> to vector<16xf32>
      %swap3A_165 = vector.shape_cast %broadcast_in_dim3A_160 : vector<16xf32> to vector<1x16xf32>
      tpu.vector_store %arg9[%swap3A_161, %swap3A_162], %swap3A_165 {strides = array<i32>} : memref<64x144xf32, #tpu.memory_space<vmem>>, vector<1x16xf32>,
      %broadcast_in_dim3A_166 = arith.constant 0.000000e+00 : f32
      %broadcast_in_dim3A_167 = vector.broadcast %broadcast_in_dim3A_166 : f32 to vector<16xf32>
      %swap3A_168 = arith.index_cast %scan3A_116 : i32 to index
      %swap3A_169 = arith.constant 112 : index
      %swap3A_170 = tpu.vector_load %arg9[%swap3A_168, %swap3A_169] {strides = array<i32>} : memref<64x144xf32, #tpu.memory_space<vmem>>, vector<1x16xf32>,
      %swap3A_171 = vector.shape_cast %swap3A_170 : vector<1x16xf32> to vector<16xf32>
      %swap3A_172 = vector.shape_cast %broadcast_in_dim3A_167 : vector<16xf32> to vector<1x16xf32>
      tpu.vector_store %arg9[%swap3A_168, %swap3A_169], %swap3A_172 {strides = array<i32>} : memref<64x144xf32, #tpu.memory_space<vmem>>, vector<1x16xf32>,
      %broadcast_in_dim3A_173 = arith.constant 0.000000e+00 : f32
      %broadcast_in_dim3A_174 = vector.broadcast %broadcast_in_dim3A_173 : f32 to vector<16xf32>
      %swap3A_175 = arith.index_cast %scan3A_116 : i32 to index
      %swap3A_176 = arith.constant 128 : index
      %swap3A_177 = tpu.vector_load %arg9[%swap3A_175, %swap3A_176] {strides = array<i32>} : memref<64x144xf32, #tpu.memory_space<vmem>>, vector<1x16xf32>,
      %swap3A_178 = vector.shape_cast %swap3A_177 : vector<1x16xf32> to vector<16xf32>
      %swap3A_179 = vector.shape_cast %broadcast_in_dim3A_174 : vector<16xf32> to vector<1x16xf32>
      tpu.vector_store %arg9[%swap3A_175, %swap3A_176], %swap3A_179 {strides = array<i32>} : memref<64x144xf32, #tpu.memory_space<vmem>>, vector<1x16xf32>,
      %scan3A_180 = arith.constant 0 : i32
      scf.yield %scan3A_180 : i32
    }
    %scan3A_5 = arith.constant 64 : i32
    %mul3A = arith.constant 640 : i32
    %mul3A_6 = arith.muli %arg1, %mul3A : i32
    %add3A = arith.constant 0 : i32
    %add3A_7 = arith.addi %mul3A_6, %add3A : i32
    "tpu.region"() ({
      %run_scoped3A = tpu.sem_alloc : memref<!tpu.dma_semaphore, #tpu.memory_space<semaphore_mem>>
      %dma_start3A_116 = arith.constant 0 : i32
      %dma_start3A_117 = tpu.memref_slice %arg15[%add3A_7, %dma_start3A_116] : memref<10240x144xf32, #tpu.memory_space<vmem_shared>> -> memref<64x144xf32, #tpu.memory_space<vmem_shared>>
      %dma_start3A_118 = arith.constant 0 : i32
      %dma_start3A_119 = tpu.memref_slice %arg15[%add3A_7, %dma_start3A_118] : memref<10240x144xf32, #tpu.memory_space<vmem_shared>> -> memref<64x144xf32, #tpu.memory_space<vmem_shared>>
      tpu.enqueue_dma source(%arg9 : memref<64x144xf32, #tpu.memory_space<vmem>>) target(%dma_start3A_119 : memref<64x144xf32, #tpu.memory_space<vmem_shared>>) target_semaphore(%run_scoped3A : memref<!tpu.dma_semaphore, #tpu.memory_space<semaphore_mem>>)
      %dma_wait3A_120 = arith.constant 0 : i32
      %dma_wait3A_121 = tpu.memref_slice %arg15[%add3A_7, %dma_wait3A_120] : memref<10240x144xf32, #tpu.memory_space<vmem_shared>> -> memref<64x144xf32, #tpu.memory_space<vmem_shared>>
      %dma_wait3A_122 = arith.constant 0 : i32
      %dma_wait3A_123 = tpu.memref_slice %arg15[%add3A_7, %dma_wait3A_122] : memref<10240x144xf32, #tpu.memory_space<vmem_shared>> -> memref<64x144xf32, #tpu.memory_space<vmem_shared>>
      tpu.wait_dma2 semaphore(%run_scoped3A : memref<!tpu.dma_semaphore, #tpu.memory_space<semaphore_mem>>) src(%arg9 : memref<64x144xf32, #tpu.memory_space<vmem>>) dst(%dma_wait3A_123 : memref<64x144xf32, #tpu.memory_space<vmem_shared>>)
      tpu.yield
    }) : () -> ()
    %mul3A_8 = arith.constant 640 : i32
    %mul3A_9 = arith.muli %arg1, %mul3A_8 : i32
    %add3A_10 = arith.constant 64 : i32
    %add3A_11 = arith.addi %mul3A_9, %add3A_10 : i32
    "tpu.region"() ({
      %run_scoped3A = tpu.sem_alloc : memref<!tpu.dma_semaphore, #tpu.memory_space<semaphore_mem>>
      %dma_start3A_116 = arith.constant 0 : i32
      %dma_start3A_117 = tpu.memref_slice %arg15[%add3A_11, %dma_start3A_116] : memref<10240x144xf32, #tpu.memory_space<vmem_shared>> -> memref<64x144xf32, #tpu.memory_space<vmem_shared>>
      %dma_start3A_118 = arith.constant 0 : i32
      %dma_start3A_119 = tpu.memref_slice %arg15[%add3A_11, %dma_start3A_118] : memref<10240x144xf32, #tpu.memory_space<vmem_shared>> -> memref<64x144xf32, #tpu.memory_space<vmem_shared>>
      tpu.enqueue_dma source(%arg9 : memref<64x144xf32, #tpu.memory_space<vmem>>) target(%dma_start3A_119 : memref<64x144xf32, #tpu.memory_space<vmem_shared>>) target_semaphore(%run_scoped3A : memref<!tpu.dma_semaphore, #tpu.memory_space<semaphore_mem>>)
      %dma_wait3A_120 = arith.constant 0 : i32
      %dma_wait3A_121 = tpu.memref_slice %arg15[%add3A_11, %dma_wait3A_120] : memref<10240x144xf32, #tpu.memory_space<vmem_shared>> -> memref<64x144xf32, #tpu.memory_space<vmem_shared>>
      %dma_wait3A_122 = arith.constant 0 : i32
      %dma_wait3A_123 = tpu.memref_slice %arg15[%add3A_11, %dma_wait3A_122] : memref<10240x144xf32, #tpu.memory_space<vmem_shared>> -> memref<64x144xf32, #tpu.memory_space<vmem_shared>>
      tpu.wait_dma2 semaphore(%run_scoped3A : memref<!tpu.dma_semaphore, #tpu.memory_space<semaphore_mem>>) src(%arg9 : memref<64x144xf32, #tpu.memory_space<vmem>>) dst(%dma_wait3A_123 : memref<64x144xf32, #tpu.memory_space<vmem_shared>>)
      tpu.yield
    }) : () -> ()
    %mul3A_12 = arith.constant 640 : i32
    %mul3A_13 = arith.muli %arg1, %mul3A_12 : i32
    %add3A_14 = arith.constant 128 : i32
    %add3A_15 = arith.addi %mul3A_13, %add3A_14 : i32
    "tpu.region"() ({
      %run_scoped3A = tpu.sem_alloc : memref<!tpu.dma_semaphore, #tpu.memory_space<semaphore_mem>>
      %dma_start3A_116 = arith.constant 0 : i32
      %dma_start3A_117 = tpu.memref_slice %arg15[%add3A_15, %dma_start3A_116] : memref<10240x144xf32, #tpu.memory_space<vmem_shared>> -> memref<64x144xf32, #tpu.memory_space<vmem_shared>>
      %dma_start3A_118 = arith.constant 0 : i32
      %dma_start3A_119 = tpu.memref_slice %arg15[%add3A_15, %dma_start3A_118] : memref<10240x144xf32, #tpu.memory_space<vmem_shared>> -> memref<64x144xf32, #tpu.memory_space<vmem_shared>>
      tpu.enqueue_dma source(%arg9 : memref<64x144xf32, #tpu.memory_space<vmem>>) target(%dma_start3A_119 : memref<64x144xf32, #tpu.memory_space<vmem_shared>>) target_semaphore(%run_scoped3A : memref<!tpu.dma_semaphore, #tpu.memory_space<semaphore_mem>>)
      %dma_wait3A_120 = arith.constant 0 : i32
      %dma_wait3A_121 = tpu.memref_slice %arg15[%add3A_15, %dma_wait3A_120] : memref<10240x144xf32, #tpu.memory_space<vmem_shared>> -> memref<64x144xf32, #tpu.memory_space<vmem_shared>>
      %dma_wait3A_122 = arith.constant 0 : i32
      %dma_wait3A_123 = tpu.memref_slice %arg15[%add3A_15, %dma_wait3A_122] : memref<10240x144xf32, #tpu.memory_space<vmem_shared>> -> memref<64x144xf32, #tpu.memory_space<vmem_shared>>
      tpu.wait_dma2 semaphore(%run_scoped3A : memref<!tpu.dma_semaphore, #tpu.memory_space<semaphore_mem>>) src(%arg9 : memref<64x144xf32, #tpu.memory_space<vmem>>) dst(%dma_wait3A_123 : memref<64x144xf32, #tpu.memory_space<vmem_shared>>)
      tpu.yield
    }) : () -> ()
    %mul3A_16 = arith.constant 640 : i32
    %mul3A_17 = arith.muli %arg1, %mul3A_16 : i32
    %add3A_18 = arith.constant 192 : i32
    %add3A_19 = arith.addi %mul3A_17, %add3A_18 : i32
    "tpu.region"() ({
      %run_scoped3A = tpu.sem_alloc : memref<!tpu.dma_semaphore, #tpu.memory_space<semaphore_mem>>
      %dma_start3A_116 = arith.constant 0 : i32
      %dma_start3A_117 = tpu.memref_slice %arg15[%add3A_19, %dma_start3A_116] : memref<10240x144xf32, #tpu.memory_space<vmem_shared>> -> memref<64x144xf32, #tpu.memory_space<vmem_shared>>
      %dma_start3A_118 = arith.constant 0 : i32
      %dma_start3A_119 = tpu.memref_slice %arg15[%add3A_19, %dma_start3A_118] : memref<10240x144xf32, #tpu.memory_space<vmem_shared>> -> memref<64x144xf32, #tpu.memory_space<vmem_shared>>
      tpu.enqueue_dma source(%arg9 : memref<64x144xf32, #tpu.memory_space<vmem>>) target(%dma_start3A_119 : memref<64x144xf32, #tpu.memory_space<vmem_shared>>) target_semaphore(%run_scoped3A : memref<!tpu.dma_semaphore, #tpu.memory_space<semaphore_mem>>)
      %dma_wait3A_120 = arith.constant 0 : i32
      %dma_wait3A_121 = tpu.memref_slice %arg15[%add3A_19, %dma_wait3A_120] : memref<10240x144xf32, #tpu.memory_space<vmem_shared>> -> memref<64x144xf32, #tpu.memory_space<vmem_shared>>
      %dma_wait3A_122 = arith.constant 0 : i32
      %dma_wait3A_123 = tpu.memref_slice %arg15[%add3A_19, %dma_wait3A_122] : memref<10240x144xf32, #tpu.memory_space<vmem_shared>> -> memref<64x144xf32, #tpu.memory_space<vmem_shared>>
      tpu.wait_dma2 semaphore(%run_scoped3A : memref<!tpu.dma_semaphore, #tpu.memory_space<semaphore_mem>>) src(%arg9 : memref<64x144xf32, #tpu.memory_space<vmem>>) dst(%dma_wait3A_123 : memref<64x144xf32, #tpu.memory_space<vmem_shared>>)
      tpu.yield
    }) : () -> ()
    %mul3A_20 = arith.constant 640 : i32
    %mul3A_21 = arith.muli %arg1, %mul3A_20 : i32
    %add3A_22 = arith.constant 256 : i32
    %add3A_23 = arith.addi %mul3A_21, %add3A_22 : i32
    "tpu.region"() ({
      %run_scoped3A = tpu.sem_alloc : memref<!tpu.dma_semaphore, #tpu.memory_space<semaphore_mem>>
      %dma_start3A_116 = arith.constant 0 : i32
      %dma_start3A_117 = tpu.memref_slice %arg15[%add3A_23, %dma_start3A_116] : memref<10240x144xf32, #tpu.memory_space<vmem_shared>> -> memref<64x144xf32, #tpu.memory_space<vmem_shared>>
      %dma_start3A_118 = arith.constant 0 : i32
      %dma_start3A_119 = tpu.memref_slice %arg15[%add3A_23, %dma_start3A_118] : memref<10240x144xf32, #tpu.memory_space<vmem_shared>> -> memref<64x144xf32, #tpu.memory_space<vmem_shared>>
      tpu.enqueue_dma source(%arg9 : memref<64x144xf32, #tpu.memory_space<vmem>>) target(%dma_start3A_119 : memref<64x144xf32, #tpu.memory_space<vmem_shared>>) target_semaphore(%run_scoped3A : memref<!tpu.dma_semaphore, #tpu.memory_space<semaphore_mem>>)
      %dma_wait3A_120 = arith.constant 0 : i32
      %dma_wait3A_121 = tpu.memref_slice %arg15[%add3A_23, %dma_wait3A_120] : memref<10240x144xf32, #tpu.memory_space<vmem_shared>> -> memref<64x144xf32, #tpu.memory_space<vmem_shared>>
      %dma_wait3A_122 = arith.constant 0 : i32
      %dma_wait3A_123 = tpu.memref_slice %arg15[%add3A_23, %dma_wait3A_122] : memref<10240x144xf32, #tpu.memory_space<vmem_shared>> -> memref<64x144xf32, #tpu.memory_space<vmem_shared>>
      tpu.wait_dma2 semaphore(%run_scoped3A : memref<!tpu.dma_semaphore, #tpu.memory_space<semaphore_mem>>) src(%arg9 : memref<64x144xf32, #tpu.memory_space<vmem>>) dst(%dma_wait3A_123 : memref<64x144xf32, #tpu.memory_space<vmem_shared>>)
      tpu.yield
    }) : () -> ()
    %mul3A_24 = arith.constant 640 : i32
    %mul3A_25 = arith.muli %arg1, %mul3A_24 : i32
    %add3A_26 = arith.constant 320 : i32
    %add3A_27 = arith.addi %mul3A_25, %add3A_26 : i32
    "tpu.region"() ({
      %run_scoped3A = tpu.sem_alloc : memref<!tpu.dma_semaphore, #tpu.memory_space<semaphore_mem>>
      %dma_start3A_116 = arith.constant 0 : i32
      %dma_start3A_117 = tpu.memref_slice %arg15[%add3A_27, %dma_start3A_116] : memref<10240x144xf32, #tpu.memory_space<vmem_shared>> -> memref<64x144xf32, #tpu.memory_space<vmem_shared>>
      %dma_start3A_118 = arith.constant 0 : i32
      %dma_start3A_119 = tpu.memref_slice %arg15[%add3A_27, %dma_start3A_118] : memref<10240x144xf32, #tpu.memory_space<vmem_shared>> -> memref<64x144xf32, #tpu.memory_space<vmem_shared>>
      tpu.enqueue_dma source(%arg9 : memref<64x144xf32, #tpu.memory_space<vmem>>) target(%dma_start3A_119 : memref<64x144xf32, #tpu.memory_space<vmem_shared>>) target_semaphore(%run_scoped3A : memref<!tpu.dma_semaphore, #tpu.memory_space<semaphore_mem>>)
      %dma_wait3A_120 = arith.constant 0 : i32
      %dma_wait3A_121 = tpu.memref_slice %arg15[%add3A_27, %dma_wait3A_120] : memref<10240x144xf32, #tpu.memory_space<vmem_shared>> -> memref<64x144xf32, #tpu.memory_space<vmem_shared>>
      %dma_wait3A_122 = arith.constant 0 : i32
      %dma_wait3A_123 = tpu.memref_slice %arg15[%add3A_27, %dma_wait3A_122] : memref<10240x144xf32, #tpu.memory_space<vmem_shared>> -> memref<64x144xf32, #tpu.memory_space<vmem_shared>>
      tpu.wait_dma2 semaphore(%run_scoped3A : memref<!tpu.dma_semaphore, #tpu.memory_space<semaphore_mem>>) src(%arg9 : memref<64x144xf32, #tpu.memory_space<vmem>>) dst(%dma_wait3A_123 : memref<64x144xf32, #tpu.memory_space<vmem_shared>>)
      tpu.yield
    }) : () -> ()
    %mul3A_28 = arith.constant 640 : i32
    %mul3A_29 = arith.muli %arg1, %mul3A_28 : i32
    %add3A_30 = arith.constant 384 : i32
    %add3A_31 = arith.addi %mul3A_29, %add3A_30 : i32
    "tpu.region"() ({
      %run_scoped3A = tpu.sem_alloc : memref<!tpu.dma_semaphore, #tpu.memory_space<semaphore_mem>>
      %dma_start3A_116 = arith.constant 0 : i32
      %dma_start3A_117 = tpu.memref_slice %arg15[%add3A_31, %dma_start3A_116] : memref<10240x144xf32, #tpu.memory_space<vmem_shared>> -> memref<64x144xf32, #tpu.memory_space<vmem_shared>>
      %dma_start3A_118 = arith.constant 0 : i32
      %dma_start3A_119 = tpu.memref_slice %arg15[%add3A_31, %dma_start3A_118] : memref<10240x144xf32, #tpu.memory_space<vmem_shared>> -> memref<64x144xf32, #tpu.memory_space<vmem_shared>>
      tpu.enqueue_dma source(%arg9 : memref<64x144xf32, #tpu.memory_space<vmem>>) target(%dma_start3A_119 : memref<64x144xf32, #tpu.memory_space<vmem_shared>>) target_semaphore(%run_scoped3A : memref<!tpu.dma_semaphore, #tpu.memory_space<semaphore_mem>>)
      %dma_wait3A_120 = arith.constant 0 : i32
      %dma_wait3A_121 = tpu.memref_slice %arg15[%add3A_31, %dma_wait3A_120] : memref<10240x144xf32, #tpu.memory_space<vmem_shared>> -> memref<64x144xf32, #tpu.memory_space<vmem_shared>>
      %dma_wait3A_122 = arith.constant 0 : i32
      %dma_wait3A_123 = tpu.memref_slice %arg15[%add3A_31, %dma_wait3A_122] : memref<10240x144xf32, #tpu.memory_space<vmem_shared>> -> memref<64x144xf32, #tpu.memory_space<vmem_shared>>
      tpu.wait_dma2 semaphore(%run_scoped3A : memref<!tpu.dma_semaphore, #tpu.memory_space<semaphore_mem>>) src(%arg9 : memref<64x144xf32, #tpu.memory_space<vmem>>) dst(%dma_wait3A_123 : memref<64x144xf32, #tpu.memory_space<vmem_shared>>)
      tpu.yield
    }) : () -> ()
    %mul3A_32 = arith.constant 640 : i32
    %mul3A_33 = arith.muli %arg1, %mul3A_32 : i32
    %add3A_34 = arith.constant 448 : i32
    %add3A_35 = arith.addi %mul3A_33, %add3A_34 : i32
    "tpu.region"() ({
      %run_scoped3A = tpu.sem_alloc : memref<!tpu.dma_semaphore, #tpu.memory_space<semaphore_mem>>
      %dma_start3A_116 = arith.constant 0 : i32
      %dma_start3A_117 = tpu.memref_slice %arg15[%add3A_35, %dma_start3A_116] : memref<10240x144xf32, #tpu.memory_space<vmem_shared>> -> memref<64x144xf32, #tpu.memory_space<vmem_shared>>
      %dma_start3A_118 = arith.constant 0 : i32
      %dma_start3A_119 = tpu.memref_slice %arg15[%add3A_35, %dma_start3A_118] : memref<10240x144xf32, #tpu.memory_space<vmem_shared>> -> memref<64x144xf32, #tpu.memory_space<vmem_shared>>
      tpu.enqueue_dma source(%arg9 : memref<64x144xf32, #tpu.memory_space<vmem>>) target(%dma_start3A_119 : memref<64x144xf32, #tpu.memory_space<vmem_shared>>) target_semaphore(%run_scoped3A : memref<!tpu.dma_semaphore, #tpu.memory_space<semaphore_mem>>)
      %dma_wait3A_120 = arith.constant 0 : i32
      %dma_wait3A_121 = tpu.memref_slice %arg15[%add3A_35, %dma_wait3A_120] : memref<10240x144xf32, #tpu.memory_space<vmem_shared>> -> memref<64x144xf32, #tpu.memory_space<vmem_shared>>
      %dma_wait3A_122 = arith.constant 0 : i32
      %dma_wait3A_123 = tpu.memref_slice %arg15[%add3A_35, %dma_wait3A_122] : memref<10240x144xf32, #tpu.memory_space<vmem_shared>> -> memref<64x144xf32, #tpu.memory_space<vmem_shared>>
      tpu.wait_dma2 semaphore(%run_scoped3A : memref<!tpu.dma_semaphore, #tpu.memory_space<semaphore_mem>>) src(%arg9 : memref<64x144xf32, #tpu.memory_space<vmem>>) dst(%dma_wait3A_123 : memref<64x144xf32, #tpu.memory_space<vmem_shared>>)
      tpu.yield
    }) : () -> ()
    %mul3A_36 = arith.constant 640 : i32
    %mul3A_37 = arith.muli %arg1, %mul3A_36 : i32
    %add3A_38 = arith.constant 512 : i32
    %add3A_39 = arith.addi %mul3A_37, %add3A_38 : i32
    "tpu.region"() ({
      %run_scoped3A = tpu.sem_alloc : memref<!tpu.dma_semaphore, #tpu.memory_space<semaphore_mem>>
      %dma_start3A_116 = arith.constant 0 : i32
      %dma_start3A_117 = tpu.memref_slice %arg15[%add3A_39, %dma_start3A_116] : memref<10240x144xf32, #tpu.memory_space<vmem_shared>> -> memref<64x144xf32, #tpu.memory_space<vmem_shared>>
      %dma_start3A_118 = arith.constant 0 : i32
      %dma_start3A_119 = tpu.memref_slice %arg15[%add3A_39, %dma_start3A_118] : memref<10240x144xf32, #tpu.memory_space<vmem_shared>> -> memref<64x144xf32, #tpu.memory_space<vmem_shared>>
      tpu.enqueue_dma source(%arg9 : memref<64x144xf32, #tpu.memory_space<vmem>>) target(%dma_start3A_119 : memref<64x144xf32, #tpu.memory_space<vmem_shared>>) target_semaphore(%run_scoped3A : memref<!tpu.dma_semaphore, #tpu.memory_space<semaphore_mem>>)
      %dma_wait3A_120 = arith.constant 0 : i32
      %dma_wait3A_121 = tpu.memref_slice %arg15[%add3A_39, %dma_wait3A_120] : memref<10240x144xf32, #tpu.memory_space<vmem_shared>> -> memref<64x144xf32, #tpu.memory_space<vmem_shared>>
      %dma_wait3A_122 = arith.constant 0 : i32
      %dma_wait3A_123 = tpu.memref_slice %arg15[%add3A_39, %dma_wait3A_122] : memref<10240x144xf32, #tpu.memory_space<vmem_shared>> -> memref<64x144xf32, #tpu.memory_space<vmem_shared>>
      tpu.wait_dma2 semaphore(%run_scoped3A : memref<!tpu.dma_semaphore, #tpu.memory_space<semaphore_mem>>) src(%arg9 : memref<64x144xf32, #tpu.memory_space<vmem>>) dst(%dma_wait3A_123 : memref<64x144xf32, #tpu.memory_space<vmem_shared>>)
      tpu.yield
    }) : () -> ()
    %mul3A_40 = arith.constant 640 : i32
    %mul3A_41 = arith.muli %arg1, %mul3A_40 : i32
    %add3A_42 = arith.constant 576 : i32
    %add3A_43 = arith.addi %mul3A_41, %add3A_42 : i32
    "tpu.region"() ({
      %run_scoped3A = tpu.sem_alloc : memref<!tpu.dma_semaphore, #tpu.memory_space<semaphore_mem>>
      %dma_start3A_116 = arith.constant 0 : i32
      %dma_start3A_117 = tpu.memref_slice %arg15[%add3A_43, %dma_start3A_116] : memref<10240x144xf32, #tpu.memory_space<vmem_shared>> -> memref<64x144xf32, #tpu.memory_space<vmem_shared>>
      %dma_start3A_118 = arith.constant 0 : i32
      %dma_start3A_119 = tpu.memref_slice %arg15[%add3A_43, %dma_start3A_118] : memref<10240x144xf32, #tpu.memory_space<vmem_shared>> -> memref<64x144xf32, #tpu.memory_space<vmem_shared>>
      tpu.enqueue_dma source(%arg9 : memref<64x144xf32, #tpu.memory_space<vmem>>) target(%dma_start3A_119 : memref<64x144xf32, #tpu.memory_space<vmem_shared>>) target_semaphore(%run_scoped3A : memref<!tpu.dma_semaphore, #tpu.memory_space<semaphore_mem>>)
      %dma_wait3A_120 = arith.constant 0 : i32
      %dma_wait3A_121 = tpu.memref_slice %arg15[%add3A_43, %dma_wait3A_120] : memref<10240x144xf32, #tpu.memory_space<vmem_shared>> -> memref<64x144xf32, #tpu.memory_space<vmem_shared>>
      %dma_wait3A_122 = arith.constant 0 : i32
      %dma_wait3A_123 = tpu.memref_slice %arg15[%add3A_43, %dma_wait3A_122] : memref<10240x144xf32, #tpu.memory_space<vmem_shared>> -> memref<64x144xf32, #tpu.memory_space<vmem_shared>>
      tpu.wait_dma2 semaphore(%run_scoped3A : memref<!tpu.dma_semaphore, #tpu.memory_space<semaphore_mem>>) src(%arg9 : memref<64x144xf32, #tpu.memory_space<vmem>>) dst(%dma_wait3A_123 : memref<64x144xf32, #tpu.memory_space<vmem_shared>>)
      tpu.yield
    }) : () -> ()
    %barrier3A = arith.constant 0 : index
    tpu.barrier barrier_id(%barrier3A)
    %iota3A = tpu.iota {dimensions = array<i32: 0>} : vector<16xi32>
    %lt3A = arith.constant 4 : i32
    %lt3A_44 = vector.broadcast %lt3A : i32 to vector<16xi32>
    %lt3A_45 = arith.cmpi slt, %iota3A, %lt3A_44 : vector<16xi32>
    %broadcast_in_dim3A = arith.constant 0 : i32
    %broadcast_in_dim3A_46 = vector.broadcast %broadcast_in_dim3A : i32 to vector<16xi32>
    %broadcast_in_dim3A_47 = arith.constant 1 : i32
    %broadcast_in_dim3A_48 = vector.broadcast %broadcast_in_dim3A_47 : i32 to vector<16xi32>
    %broadcast_in_dim3A_49 = arith.constant 2 : i32
    %broadcast_in_dim3A_50 = vector.broadcast %broadcast_in_dim3A_49 : i32 to vector<16xi32>
    %broadcast_in_dim3A_51 = arith.constant 3 : i32
    %broadcast_in_dim3A_52 = vector.broadcast %broadcast_in_dim3A_51 : i32 to vector<16xi32>
    %mul3A_53 = arith.constant 16 : i32
    %mul3A_54 = arith.muli %arg0, %mul3A_53 : i32
    %add3A_55 = arith.addi %mul3A_54, %arg1 : i32
    %mul3A_56 = arith.constant 162 : i32
    %mul3A_57 = arith.muli %add3A_55, %mul3A_56 : i32
    %add3A_58 = arith.constant 0 : i32
    %add3A_59 = arith.addi %mul3A_57, %add3A_58 : i32
    %mul3A_60 = arith.constant 2 : i32
    %mul3A_61 = arith.muli %add3A_59, %mul3A_60 : i32
    "tpu.region"() ({
      %run_scoped3A = tpu.sem_alloc : memref<!tpu.dma_semaphore, #tpu.memory_space<semaphore_mem>>
      %dma_start3A_116 = arith.constant 0 : i32
      %dma_start3A_117 = tpu.memref_slice %arg4[%mul3A_61, %dma_start3A_116] : memref<10368x64xi32, #tpu.memory_space<hbm>> -> memref<2x64xi32, #tpu.memory_space<hbm>>
      %dma_start3A_118 = arith.constant 0 : i32
      %dma_start3A_119 = tpu.memref_slice %arg4[%mul3A_61, %dma_start3A_118] : memref<10368x64xi32, #tpu.memory_space<hbm>> -> memref<2x64xi32, #tpu.memory_space<hbm>>
      tpu.enqueue_dma source(%dma_start3A_119 : memref<2x64xi32, #tpu.memory_space<hbm>>) target(%arg6 : memref<2x64xi32, #tpu.memory_space<vmem>>) target_semaphore(%run_scoped3A : memref<!tpu.dma_semaphore, #tpu.memory_space<semaphore_mem>>)
      %dma_wait3A_120 = arith.constant 0 : i32
      %dma_wait3A_121 = tpu.memref_slice %arg4[%mul3A_61, %dma_wait3A_120] : memref<10368x64xi32, #tpu.memory_space<hbm>> -> memref<2x64xi32, #tpu.memory_space<hbm>>
      %dma_wait3A_122 = arith.constant 0 : i32
      %dma_wait3A_123 = tpu.memref_slice %arg4[%mul3A_61, %dma_wait3A_122] : memref<10368x64xi32, #tpu.memory_space<hbm>> -> memref<2x64xi32, #tpu.memory_space<hbm>>
      tpu.wait_dma2 semaphore(%run_scoped3A : memref<!tpu.dma_semaphore, #tpu.memory_space<semaphore_mem>>) src(%dma_wait3A_123 : memref<2x64xi32, #tpu.memory_space<hbm>>) dst(%arg6 : memref<2x64xi32, #tpu.memory_space<vmem>>)
      tpu.yield
    }) : () -> ()
    %dma_start3A = arith.constant 0 : i32
    %dma_start3A_62 = arith.constant 0 : i32
    %dma_start3A_63 = tpu.memref_slice %arg6[%dma_start3A, %dma_start3A_62] : memref<2x64xi32, #tpu.memory_space<vmem>> -> memref<1x64xi32, #tpu.memory_space<vmem>>
    %dma_start3A_64 = tpu.memref_squeeze %dma_start3A_63 : memref<1x64xi32, #tpu.memory_space<vmem>> -> memref<64xi32, #tpu.memory_space<vmem>>
    %dma_start3A_65 = arith.constant 0 : i32
    %dma_start3A_66 = arith.constant 0 : i32
    %dma_start3A_67 = tpu.memref_slice %arg2[%dma_start3A_65, %dma_start3A_66] : memref<10240x144xf32, #tpu.memory_space<hbm>> -> memref<10240x144xf32, #tpu.memory_space<hbm>>
    tpu.enqueue_indirect_dma source(%dma_start3A_67 : memref<10240x144xf32, #tpu.memory_space<hbm>>) target(%arg9 : memref<64x144xf32, #tpu.memory_space<vmem>>) offsets(%dma_start3A_64 : memref<64xi32, #tpu.memory_space<vmem>>) semaphore(%arg16 : memref<!tpu.dma_semaphore, #tpu.memory_space<semaphore_mem>>)
    %dma_start3A_68 = arith.constant 1 : i32
    %dma_start3A_69 = arith.constant 0 : i32
    %dma_start3A_70 = tpu.memref_slice %arg6[%dma_start3A_68, %dma_start3A_69] : memref<2x64xi32, #tpu.memory_space<vmem>> -> memref<1x64xi32, #tpu.memory_space<vmem>>
    %dma_start3A_71 = tpu.memref_squeeze %dma_start3A_70 : memref<1x64xi32, #tpu.memory_space<vmem>> -> memref<64xi32, #tpu.memory_space<vmem>>
    %dma_start3A_72 = arith.constant 0 : i32
    %dma_start3A_73 = arith.constant 0 : i32
    %dma_start3A_74 = tpu.memref_slice %arg3[%dma_start3A_72, %dma_start3A_73] : memref<10240x16xf32, #tpu.memory_space<hbm>> -> memref<10240x16xf32, #tpu.memory_space<hbm>>
    tpu.enqueue_indirect_dma source(%dma_start3A_74 : memref<10240x16xf32, #tpu.memory_space<hbm>>) target(%arg12 : memref<64x16xf32, #tpu.memory_space<vmem>>) offsets(%dma_start3A_71 : memref<64xi32, #tpu.memory_space<vmem>>) semaphore(%arg16 : memref<!tpu.dma_semaphore, #tpu.memory_space<semaphore_mem>>)
    %mul3A_75 = arith.constant 162 : i32
    %mul3A_76 = arith.muli %add3A_55, %mul3A_75 : i32
    %add3A_77 = arith.constant 1 : i32
    %add3A_78 = arith.addi %mul3A_76, %add3A_77 : i32
    %mul3A_79 = arith.constant 2 : i32
    %mul3A_80 = arith.muli %add3A_78, %mul3A_79 : i32
    "tpu.region"() ({
      %run_scoped3A = tpu.sem_alloc : memref<!tpu.dma_semaphore, #tpu.memory_space<semaphore_mem>>
      %dma_start3A_116 = arith.constant 0 : i32
      %dma_start3A_117 = tpu.memref_slice %arg4[%mul3A_80, %dma_start3A_116] : memref<10368x64xi32, #tpu.memory_space<hbm>> -> memref<2x64xi32, #tpu.memory_space<hbm>>
      %dma_start3A_118 = arith.constant 0 : i32
      %dma_start3A_119 = tpu.memref_slice %arg4[%mul3A_80, %dma_start3A_118] : memref<10368x64xi32, #tpu.memory_space<hbm>> -> memref<2x64xi32, #tpu.memory_space<hbm>>
      tpu.enqueue_dma source(%dma_start3A_119 : memref<2x64xi32, #tpu.memory_space<hbm>>) target(%arg7 : memref<2x64xi32, #tpu.memory_space<vmem>>) target_semaphore(%run_scoped3A : memref<!tpu.dma_semaphore, #tpu.memory_space<semaphore_mem>>)
      %dma_wait3A_120 = arith.constant 0 : i32
      %dma_wait3A_121 = tpu.memref_slice %arg4[%mul3A_80, %dma_wait3A_120] : memref<10368x64xi32, #tpu.memory_space<hbm>> -> memref<2x64xi32, #tpu.memory_space<hbm>>
      %dma_wait3A_122 = arith.constant 0 : i32
      %dma_wait3A_123 = tpu.memref_slice %arg4[%mul3A_80, %dma_wait3A_122] : memref<10368x64xi32, #tpu.memory_space<hbm>> -> memref<2x64xi32, #tpu.memory_space<hbm>>
      tpu.wait_dma2 semaphore(%run_scoped3A : memref<!tpu.dma_semaphore, #tpu.memory_space<semaphore_mem>>) src(%dma_wait3A_123 : memref<2x64xi32, #tpu.memory_space<hbm>>) dst(%arg7 : memref<2x64xi32, #tpu.memory_space<vmem>>)
      tpu.yield
    }) : () -> ()
    %dma_start3A_81 = arith.constant 0 : i32
    %dma_start3A_82 = arith.constant 0 : i32
    %dma_start3A_83 = tpu.memref_slice %arg7[%dma_start3A_81, %dma_start3A_82] : memref<2x64xi32, #tpu.memory_space<vmem>> -> memref<1x64xi32, #tpu.memory_space<vmem>>
    %dma_start3A_84 = tpu.memref_squeeze %dma_start3A_83 : memref<1x64xi32, #tpu.memory_space<vmem>> -> memref<64xi32, #tpu.memory_space<vmem>>
    %dma_start3A_85 = arith.constant 0 : i32
    %dma_start3A_86 = arith.constant 0 : i32
    %dma_start3A_87 = tpu.memref_slice %arg2[%dma_start3A_85, %dma_start3A_86] : memref<10240x144xf32, #tpu.memory_space<hbm>> -> memref<10240x144xf32, #tpu.memory_space<hbm>>
    tpu.enqueue_indirect_dma source(%dma_start3A_87 : memref<10240x144xf32, #tpu.memory_space<hbm>>) target(%arg10 : memref<64x144xf32, #tpu.memory_space<vmem>>) offsets(%dma_start3A_84 : memref<64xi32, #tpu.memory_space<vmem>>) semaphore(%arg17 : memref<!tpu.dma_semaphore, #tpu.memory_space<semaphore_mem>>)
    %dma_start3A_88 = arith.constant 1 : i32
    %dma_start3A_89 = arith.constant 0 : i32
    %dma_start3A_90 = tpu.memref_slice %arg7[%dma_start3A_88, %dma_start3A_89] : memref<2x64xi32, #tpu.memory_space<vmem>> -> memref<1x64xi32, #tpu.memory_space<vmem>>
    %dma_start3A_91 = tpu.memref_squeeze %dma_start3A_90 : memref<1x64xi32, #tpu.memory_space<vmem>> -> memref<64xi32, #tpu.memory_space<vmem>>
    %dma_start3A_92 = arith.constant 0 : i32
    %dma_start3A_93 = arith.constant 0 : i32
    %dma_start3A_94 = tpu.memref_slice %arg3[%dma_start3A_92, %dma_start3A_93] : memref<10240x16xf32, #tpu.memory_space<hbm>> -> memref<10240x16xf32, #tpu.memory_space<hbm>>
    tpu.enqueue_indirect_dma source(%dma_start3A_94 : memref<10240x16xf32, #tpu.memory_space<hbm>>) target(%arg13 : memref<64x16xf32, #tpu.memory_space<vmem>>) offsets(%dma_start3A_91 : memref<64xi32, #tpu.memory_space<vmem>>) semaphore(%arg17 : memref<!tpu.dma_semaphore, #tpu.memory_space<semaphore_mem>>)
    %scan3A_95 = arith.constant 0 : i32
    %scan3A_96 = arith.constant 0 : i32
    %scan3A_97 = arith.constant 54 : i32
    %scan3A_98 = arith.addi %scan3A_96, %scan3A_97 : i32
    %scan3A_99 = arith.constant 1 : i32
    %scan3A_100 = scf.for %scan3A_116 = %scan3A_96 to %scan3A_98 step %scan3A_99 iter_args(%scan3A_117 = %scan3A_95) -> (i32)  : i32 {
      %mul3A_118 = arith.constant 3 : i32
      %mul3A_119 = arith.muli %mul3A_118, %scan3A_116 : i32
      %add3A_120 = arith.constant 0 : i32
      %add3A_121 = arith.addi %mul3A_119, %add3A_120 : i32
      %gt3A = arith.constant 0 : i32
      %gt3A_122 = arith.cmpi sgt, %scan3A_116, %gt3A : i32
      %convert_element_type3A = arith.extui %gt3A_122 : i1 to i32
      %cond3A = arith.constant 0 : i32
      %cond3A_123 = arith.cmpi ne, %convert_element_type3A, %cond3A : i32
      scf.if %cond3A_123 {
        %dma_wait3A_262 = arith.constant 1 : i32
        %dma_wait3A_263 = arith.constant 0 : i32
        %dma_wait3A_264 = tpu.memref_slice %arg8[%dma_wait3A_262, %dma_wait3A_263] : memref<2x64xi32, #tpu.memory_space<vmem>> -> memref<1x64xi32, #tpu.memory_space<vmem>>
        %dma_wait3A_265 = tpu.memref_squeeze %dma_wait3A_264 : memref<1x64xi32, #tpu.memory_space<vmem>> -> memref<64xi32, #tpu.memory_space<vmem>>
        %dma_wait3A_266 = arith.constant 0 : i32
        %dma_wait3A_267 = arith.constant 0 : i32
        %dma_wait3A_268 = tpu.memref_slice %arg15[%dma_wait3A_266, %dma_wait3A_267] : memref<10240x144xf32, #tpu.memory_space<vmem_shared>> -> memref<10240x144xf32, #tpu.memory_space<vmem_shared>>
        tpu.wait_indirect_dma semaphore(%arg21 : memref<!tpu.dma_semaphore, #tpu.memory_space<semaphore_mem>>) src(%arg11 : memref<64x144xf32, #tpu.memory_space<vmem>>) dst(%dma_wait3A_268 : memref<10240x144xf32, #tpu.memory_space<vmem_shared>>)
      } else {
      }
      %add3A_124 = arith.constant 2 : i32
      %add3A_125 = arith.addi %add3A_121, %add3A_124 : i32
      %mul3A_126 = arith.constant 162 : i32
      %mul3A_127 = arith.muli %add3A_55, %mul3A_126 : i32
      %add3A_128 = arith.addi %mul3A_127, %add3A_125 : i32
      %mul3A_129 = arith.constant 2 : i32
      %mul3A_130 = arith.muli %add3A_128, %mul3A_129 : i32
      "tpu.region"() ({
        %run_scoped3A = tpu.sem_alloc : memref<!tpu.dma_semaphore, #tpu.memory_space<semaphore_mem>>
        %dma_start3A_262 = arith.constant 0 : i32
        %dma_start3A_263 = tpu.memref_slice %arg4[%mul3A_130, %dma_start3A_262] : memref<10368x64xi32, #tpu.memory_space<hbm>> -> memref<2x64xi32, #tpu.memory_space<hbm>>
        %dma_start3A_264 = arith.constant 0 : i32
        %dma_start3A_265 = tpu.memref_slice %arg4[%mul3A_130, %dma_start3A_264] : memref<10368x64xi32, #tpu.memory_space<hbm>> -> memref<2x64xi32, #tpu.memory_space<hbm>>
        tpu.enqueue_dma source(%dma_start3A_265 : memref<2x64xi32, #tpu.memory_space<hbm>>) target(%arg8 : memref<2x64xi32, #tpu.memory_space<vmem>>) target_semaphore(%run_scoped3A : memref<!tpu.dma_semaphore, #tpu.memory_space<semaphore_mem>>)
        %dma_wait3A_266 = arith.constant 0 : i32
        %dma_wait3A_267 = tpu.memref_slice %arg4[%mul3A_130, %dma_wait3A_266] : memref<10368x64xi32, #tpu.memory_space<hbm>> -> memref<2x64xi32, #tpu.memory_space<hbm>>
        %dma_wait3A_268 = arith.constant 0 : i32
        %dma_wait3A_269 = tpu.memref_slice %arg4[%mul3A_130, %dma_wait3A_268] : memref<10368x64xi32, #tpu.memory_space<hbm>> -> memref<2x64xi32, #tpu.memory_space<hbm>>
        tpu.wait_dma2 semaphore(%run_scoped3A : memref<!tpu.dma_semaphore, #tpu.memory_space<semaphore_mem>>) src(%dma_wait3A_269 : memref<2x64xi32, #tpu.memory_space<hbm>>) dst(%arg8 : memref<2x64xi32, #tpu.memory_space<vmem>>)
        tpu.yield
      }) : () -> ()
      %dma_start3A_131 = arith.constant 0 : i32
      %dma_start3A_132 = arith.constant 0 : i32
      %dma_start3A_133 = tpu.memref_slice %arg8[%dma_start3A_131, %dma_start3A_132] : memref<2x64xi32, #tpu.memory_space<vmem>> -> memref<1x64xi32, #tpu.memory_space<vmem>>
      %dma_start3A_134 = tpu.memref_squeeze %dma_start3A_133 : memref<1x64xi32, #tpu.memory_space<vmem>> -> memref<64xi32, #tpu.memory_space<vmem>>
      %dma_start3A_135 = arith.constant 0 : i32
      %dma_start3A_136 = arith.constant 0 : i32
      %dma_start3A_137 = tpu.memref_slice %arg2[%dma_start3A_135, %dma_start3A_136] : memref<10240x144xf32, #tpu.memory_space<hbm>> -> memref<10240x144xf32, #tpu.memory_space<hbm>>
      tpu.enqueue_indirect_dma source(%dma_start3A_137 : memref<10240x144xf32, #tpu.memory_space<hbm>>) target(%arg11 : memref<64x144xf32, #tpu.memory_space<vmem>>) offsets(%dma_start3A_134 : memref<64xi32, #tpu.memory_space<vmem>>) semaphore(%arg18 : memref<!tpu.dma_semaphore, #tpu.memory_space<semaphore_mem>>)
      %dma_start3A_138 = arith.constant 1 : i32
      %dma_start3A_139 = arith.constant 0 : i32
      %dma_start3A_140 = tpu.memref_slice %arg8[%dma_start3A_138, %dma_start3A_139] : memref<2x64xi32, #tpu.memory_space<vmem>> -> memref<1x64xi32, #tpu.memory_space<vmem>>
      %dma_start3A_141 = tpu.memref_squeeze %dma_start3A_140 : memref<1x64xi32, #tpu.memory_space<vmem>> -> memref<64xi32, #tpu.memory_space<vmem>>
      %dma_start3A_142 = arith.constant 0 : i32
      %dma_start3A_143 = arith.constant 0 : i32
      %dma_start3A_144 = tpu.memref_slice %arg3[%dma_start3A_142, %dma_start3A_143] : memref<10240x16xf32, #tpu.memory_space<hbm>> -> memref<10240x16xf32, #tpu.memory_space<hbm>>
      tpu.enqueue_indirect_dma source(%dma_start3A_144 : memref<10240x16xf32, #tpu.memory_space<hbm>>) target(%arg14 : memref<64x16xf32, #tpu.memory_space<vmem>>) offsets(%dma_start3A_141 : memref<64xi32, #tpu.memory_space<vmem>>) semaphore(%arg18 : memref<!tpu.dma_semaphore, #tpu.memory_space<semaphore_mem>>)
      %dma_wait3A_145 = arith.constant 0 : i32
      %dma_wait3A_146 = arith.constant 0 : i32
      %dma_wait3A_147 = tpu.memref_slice %arg6[%dma_wait3A_145, %dma_wait3A_146] : memref<2x64xi32, #tpu.memory_space<vmem>> -> memref<1x64xi32, #tpu.memory_space<vmem>>
      %dma_wait3A_148 = tpu.memref_squeeze %dma_wait3A_147 : memref<1x64xi32, #tpu.memory_space<vmem>> -> memref<64xi32, #tpu.memory_space<vmem>>
      %dma_wait3A_149 = arith.constant 0 : i32
      %dma_wait3A_150 = arith.constant 0 : i32
      %dma_wait3A_151 = tpu.memref_slice %arg2[%dma_wait3A_149, %dma_wait3A_150] : memref<10240x144xf32, #tpu.memory_space<hbm>> -> memref<10240x144xf32, #tpu.memory_space<hbm>>
      tpu.wait_indirect_dma semaphore(%arg16 : memref<!tpu.dma_semaphore, #tpu.memory_space<semaphore_mem>>) src(%dma_wait3A_151 : memref<10240x144xf32, #tpu.memory_space<hbm>>) dst(%arg9 : memref<64x144xf32, #tpu.memory_space<vmem>>)
      %dma_wait3A_152 = arith.constant 1 : i32
      %dma_wait3A_153 = arith.constant 0 : i32
      %dma_wait3A_154 = tpu.memref_slice %arg6[%dma_wait3A_152, %dma_wait3A_153] : memref<2x64xi32, #tpu.memory_space<vmem>> -> memref<1x64xi32, #tpu.memory_space<vmem>>
      %dma_wait3A_155 = tpu.memref_squeeze %dma_wait3A_154 : memref<1x64xi32, #tpu.memory_space<vmem>> -> memref<64xi32, #tpu.memory_space<vmem>>
      %dma_wait3A_156 = arith.constant 0 : i32
      %dma_wait3A_157 = arith.constant 0 : i32
      %dma_wait3A_158 = tpu.memref_slice %arg3[%dma_wait3A_156, %dma_wait3A_157] : memref<10240x16xf32, #tpu.memory_space<hbm>> -> memref<10240x16xf32, #tpu.memory_space<hbm>>
      tpu.wait_indirect_dma semaphore(%arg16 : memref<!tpu.dma_semaphore, #tpu.memory_space<semaphore_mem>>) src(%dma_wait3A_158 : memref<10240x16xf32, #tpu.memory_space<hbm>>) dst(%arg12 : memref<64x16xf32, #tpu.memory_space<vmem>>)
      %scan3A_159 = arith.constant 0 : i32
      %scan3A_160 = arith.constant 0 : i32
      %scan3A_161 = arith.constant 32 : i32
      %scan3A_162 = arith.addi %scan3A_160, %scan3A_161 : i32
      %scan3A_163 = arith.constant 1 : i32
      %scan3A_164 = scf.for %scan3A_262 = %scan3A_160 to %scan3A_162 step %scan3A_163 iter_args(%scan3A_263 = %scan3A_159) -> (i32)  : i32 {
        %mul3A_264 = arith.constant 2 : i32
        %mul3A_265 = arith.muli %mul3A_264, %scan3A_262 : i32
        %add3A_266 = arith.constant 0 : i32
        %add3A_267 = arith.addi %mul3A_265, %add3A_266 : i32
        %get3A = arith.index_cast %add3A_267 : i32 to index
        %get3A_268 = arith.constant 128 : index
        %get3A_269 = tpu.vector_load %arg9[%get3A, %get3A_268] {strides = array<i32>} : memref<64x144xf32, #tpu.memory_space<vmem>>, vector<1x16xf32>,
        %get3A_270 = vector.shape_cast %get3A_269 : vector<1x16xf32> to vector<16xf32>
        %get3A_271 = arith.index_cast %add3A_267 : i32 to index
        %get3A_272 = arith.constant 0 : index
        %get3A_273 = tpu.vector_load %arg12[%get3A_271, %get3A_272] {strides = array<i32>} : memref<64x16xf32, #tpu.memory_space<vmem>>, vector<1x16xf32>,
        %get3A_274 = vector.shape_cast %get3A_273 : vector<1x16xf32> to vector<16xf32>
        %add3A_275 = arith.addf %get3A_270, %get3A_274 : vector<16xf32>
        %mul3A_276 = arith.constant 2.000000e-01 : f32
        %mul3A_277 = vector.broadcast %mul3A_276 : f32 to vector<16xf32>
        %mul3A_278 = arith.mulf %mul3A_277, %add3A_275 : vector<16xf32>
        %max3A = arith.maximumf %add3A_275, %mul3A_278 : vector<16xf32>
        %exp3A = math.exp %max3A : vector<16xf32>
        %jit3A = arith.constant 0.000000e+00 : f32
        %broadcast_in_dim3A_279 = vector.broadcast %jit3A : f32 to vector<16xf32>
        %select_n3A = arith.select %lt3A_45, %exp3A, %broadcast_in_dim3A_279 : vector<16xi1>, vector<16xf32>
        %swap3A = arith.index_cast %add3A_267 : i32 to index
        %swap3A_280 = arith.constant 128 : index
        %swap3A_281 = tpu.vector_load %arg9[%swap3A, %swap3A_280] {strides = array<i32>} : memref<64x144xf32, #tpu.memory_space<vmem>>, vector<1x16xf32>,
        %swap3A_282 = vector.shape_cast %swap3A_281 : vector<1x16xf32> to vector<16xf32>
        %swap3A_283 = vector.shape_cast %select_n3A : vector<16xf32> to vector<1x16xf32>
        tpu.vector_store %arg9[%swap3A, %swap3A_280], %swap3A_283 {strides = array<i32>} : memref<64x144xf32, #tpu.memory_space<vmem>>, vector<1x16xf32>,
        %broadcast_in_dim3A_284 = vector.shape_cast %broadcast_in_dim3A_46 : vector<16xi32> to vector<16x1xi32>
        %gather3A = vector.shape_cast %broadcast_in_dim3A_284 : vector<16x1xi32> to vector<16xi32>
        %gather3A_285 = tpu.dynamic_gather %exp3A[%gather3A] in [0] : vector<16xf32>, vector<16xi32> -> vector<16xf32>
        %broadcast_in_dim3A_286 = vector.shape_cast %broadcast_in_dim3A_48 : vector<16xi32> to vector<16x1xi32>
        %gather3A_287 = vector.shape_cast %broadcast_in_dim3A_286 : vector<16x1xi32> to vector<16xi32>
        %gather3A_288 = tpu.dynamic_gather %exp3A[%gather3A_287] in [0] : vector<16xf32>, vector<16xi32> -> vector<16xf32>
        %broadcast_in_dim3A_289 = vector.shape_cast %broadcast_in_dim3A_50 : vector<16xi32> to vector<16x1xi32>
        %gather3A_290 = vector.shape_cast %broadcast_in_dim3A_289 : vector<16x1xi32> to vector<16xi32>
        %gather3A_291 = tpu.dynamic_gather %exp3A[%gather3A_290] in [0] : vector<16xf32>, vector<16xi32> -> vector<16xf32>
        %broadcast_in_dim3A_292 = vector.shape_cast %broadcast_in_dim3A_52 : vector<16xi32> to vector<16x1xi32>
        %gather3A_293 = vector.shape_cast %broadcast_in_dim3A_292 : vector<16x1xi32> to vector<16xi32>
        %gather3A_294 = tpu.dynamic_gather %exp3A[%gather3A_293] in [0] : vector<16xf32>, vector<16xi32> -> vector<16xf32>
        %get3A_295 = arith.index_cast %add3A_267 : i32 to index
        %get3A_296 = arith.constant 0 : index
        %get3A_297 = tpu.vector_load %arg9[%get3A_295, %get3A_296] {strides = array<i32>} : memref<64x144xf32, #tpu.memory_space<vmem>>, vector<1x16xf32>,
        %get3A_298 = vector.shape_cast %get3A_297 : vector<1x16xf32> to vector<16xf32>
        %mul3A_299 = arith.mulf %get3A_298, %gather3A_285 : vector<16xf32>
        %swap3A_300 = arith.index_cast %add3A_267 : i32 to index
        %swap3A_301 = arith.constant 0 : index
        %swap3A_302 = tpu.vector_load %arg9[%swap3A_300, %swap3A_301] {strides = array<i32>} : memref<64x144xf32, #tpu.memory_space<vmem>>, vector<1x16xf32>,
        %swap3A_303 = vector.shape_cast %swap3A_302 : vector<1x16xf32> to vector<16xf32>
        %swap3A_304 = vector.shape_cast %mul3A_299 : vector<16xf32> to vector<1x16xf32>
        tpu.vector_store %arg9[%swap3A_300, %swap3A_301], %swap3A_304 {strides = array<i32>} : memref<64x144xf32, #tpu.memory_space<vmem>>, vector<1x16xf32>,
        %get3A_305 = arith.index_cast %add3A_267 : i32 to index
        %get3A_306 = arith.constant 16 : index
        %get3A_307 = tpu.vector_load %arg9[%get3A_305, %get3A_306] {strides = array<i32>} : memref<64x144xf32, #tpu.memory_space<vmem>>, vector<1x16xf32>,
        %get3A_308 = vector.shape_cast %get3A_307 : vector<1x16xf32> to vector<16xf32>
        %mul3A_309 = arith.mulf %get3A_308, %gather3A_285 : vector<16xf32>
        %swap3A_310 = arith.index_cast %add3A_267 : i32 to index
        %swap3A_311 = arith.constant 16 : index
        %swap3A_312 = tpu.vector_load %arg9[%swap3A_310, %swap3A_311] {strides = array<i32>} : memref<64x144xf32, #tpu.memory_space<vmem>>, vector<1x16xf32>,
        %swap3A_313 = vector.shape_cast %swap3A_312 : vector<1x16xf32> to vector<16xf32>
        %swap3A_314 = vector.shape_cast %mul3A_309 : vector<16xf32> to vector<1x16xf32>
        tpu.vector_store %arg9[%swap3A_310, %swap3A_311], %swap3A_314 {strides = array<i32>} : memref<64x144xf32, #tpu.memory_space<vmem>>, vector<1x16xf32>,
        %get3A_315 = arith.index_cast %add3A_267 : i32 to index
        %get3A_316 = arith.constant 32 : index
        %get3A_317 = tpu.vector_load %arg9[%get3A_315, %get3A_316] {strides = array<i32>} : memref<64x144xf32, #tpu.memory_space<vmem>>, vector<1x16xf32>,
        %get3A_318 = vector.shape_cast %get3A_317 : vector<1x16xf32> to vector<16xf32>
        %mul3A_319 = arith.mulf %get3A_318, %gather3A_288 : vector<16xf32>
        %swap3A_320 = arith.index_cast %add3A_267 : i32 to index
        %swap3A_321 = arith.constant 32 : index
        %swap3A_322 = tpu.vector_load %arg9[%swap3A_320, %swap3A_321] {strides = array<i32>} : memref<64x144xf32, #tpu.memory_space<vmem>>, vector<1x16xf32>,
        %swap3A_323 = vector.shape_cast %swap3A_322 : vector<1x16xf32> to vector<16xf32>
        %swap3A_324 = vector.shape_cast %mul3A_319 : vector<16xf32> to vector<1x16xf32>
        tpu.vector_store %arg9[%swap3A_320, %swap3A_321], %swap3A_324 {strides = array<i32>} : memref<64x144xf32, #tpu.memory_space<vmem>>, vector<1x16xf32>,
        %get3A_325 = arith.index_cast %add3A_267 : i32 to index
        %get3A_326 = arith.constant 48 : index
        %get3A_327 = tpu.vector_load %arg9[%get3A_325, %get3A_326] {strides = array<i32>} : memref<64x144xf32, #tpu.memory_space<vmem>>, vector<1x16xf32>,
        %get3A_328 = vector.shape_cast %get3A_327 : vector<1x16xf32> to vector<16xf32>
        %mul3A_329 = arith.mulf %get3A_328, %gather3A_288 : vector<16xf32>
        %swap3A_330 = arith.index_cast %add3A_267 : i32 to index
        %swap3A_331 = arith.constant 48 : index
        %swap3A_332 = tpu.vector_load %arg9[%swap3A_330, %swap3A_331] {strides = array<i32>} : memref<64x144xf32, #tpu.memory_space<vmem>>, vector<1x16xf32>,
        %swap3A_333 = vector.shape_cast %swap3A_332 : vector<1x16xf32> to vector<16xf32>
        %swap3A_334 = vector.shape_cast %mul3A_329 : vector<16xf32> to vector<1x16xf32>
        tpu.vector_store %arg9[%swap3A_330, %swap3A_331], %swap3A_334 {strides = array<i32>} : memref<64x144xf32, #tpu.memory_space<vmem>>, vector<1x16xf32>,
        %get3A_335 = arith.index_cast %add3A_267 : i32 to index
        %get3A_336 = arith.constant 64 : index
        %get3A_337 = tpu.vector_load %arg9[%get3A_335, %get3A_336] {strides = array<i32>} : memref<64x144xf32, #tpu.memory_space<vmem>>, vector<1x16xf32>,
        %get3A_338 = vector.shape_cast %get3A_337 : vector<1x16xf32> to vector<16xf32>
        %mul3A_339 = arith.mulf %get3A_338, %gather3A_291 : vector<16xf32>
        %swap3A_340 = arith.index_cast %add3A_267 : i32 to index
        %swap3A_341 = arith.constant 64 : index
        %swap3A_342 = tpu.vector_load %arg9[%swap3A_340, %swap3A_341] {strides = array<i32>} : memref<64x144xf32, #tpu.memory_space<vmem>>, vector<1x16xf32>,
        %swap3A_343 = vector.shape_cast %swap3A_342 : vector<1x16xf32> to vector<16xf32>
        %swap3A_344 = vector.shape_cast %mul3A_339 : vector<16xf32> to vector<1x16xf32>
        tpu.vector_store %arg9[%swap3A_340, %swap3A_341], %swap3A_344 {strides = array<i32>} : memref<64x144xf32, #tpu.memory_space<vmem>>, vector<1x16xf32>,
        %get3A_345 = arith.index_cast %add3A_267 : i32 to index
        %get3A_346 = arith.constant 80 : index
        %get3A_347 = tpu.vector_load %arg9[%get3A_345, %get3A_346] {strides = array<i32>} : memref<64x144xf32, #tpu.memory_space<vmem>>, vector<1x16xf32>,
        %get3A_348 = vector.shape_cast %get3A_347 : vector<1x16xf32> to vector<16xf32>
        %mul3A_349 = arith.mulf %get3A_348, %gather3A_291 : vector<16xf32>
        %swap3A_350 = arith.index_cast %add3A_267 : i32 to index
        %swap3A_351 = arith.constant 80 : index
        %swap3A_352 = tpu.vector_load %arg9[%swap3A_350, %swap3A_351] {strides = array<i32>} : memref<64x144xf32, #tpu.memory_space<vmem>>, vector<1x16xf32>,
        %swap3A_353 = vector.shape_cast %swap3A_352 : vector<1x16xf32> to vector<16xf32>
        %swap3A_354 = vector.shape_cast %mul3A_349 : vector<16xf32> to vector<1x16xf32>
        tpu.vector_store %arg9[%swap3A_350, %swap3A_351], %swap3A_354 {strides = array<i32>} : memref<64x144xf32, #tpu.memory_space<vmem>>, vector<1x16xf32>,
        %get3A_355 = arith.index_cast %add3A_267 : i32 to index
        %get3A_356 = arith.constant 96 : index
        %get3A_357 = tpu.vector_load %arg9[%get3A_355, %get3A_356] {strides = array<i32>} : memref<64x144xf32, #tpu.memory_space<vmem>>, vector<1x16xf32>,
        %get3A_358 = vector.shape_cast %get3A_357 : vector<1x16xf32> to vector<16xf32>
        %mul3A_359 = arith.mulf %get3A_358, %gather3A_294 : vector<16xf32>
        %swap3A_360 = arith.index_cast %add3A_267 : i32 to index
        %swap3A_361 = arith.constant 96 : index
        %swap3A_362 = tpu.vector_load %arg9[%swap3A_360, %swap3A_361] {strides = array<i32>} : memref<64x144xf32, #tpu.memory_space<vmem>>, vector<1x16xf32>,
        %swap3A_363 = vector.shape_cast %swap3A_362 : vector<1x16xf32> to vector<16xf32>
        %swap3A_364 = vector.shape_cast %mul3A_359 : vector<16xf32> to vector<1x16xf32>
        tpu.vector_store %arg9[%swap3A_360, %swap3A_361], %swap3A_364 {strides = array<i32>} : memref<64x144xf32, #tpu.memory_space<vmem>>, vector<1x16xf32>,
        %get3A_365 = arith.index_cast %add3A_267 : i32 to index
        %get3A_366 = arith.constant 112 : index
        %get3A_367 = tpu.vector_load %arg9[%get3A_365, %get3A_366] {strides = array<i32>} : memref<64x144xf32, #tpu.memory_space<vmem>>, vector<1x16xf32>,
        %get3A_368 = vector.shape_cast %get3A_367 : vector<1x16xf32> to vector<16xf32>
        %mul3A_369 = arith.mulf %get3A_368, %gather3A_294 : vector<16xf32>
        %swap3A_370 = arith.index_cast %add3A_267 : i32 to index
        %swap3A_371 = arith.constant 112 : index
        %swap3A_372 = tpu.vector_load %arg9[%swap3A_370, %swap3A_371] {strides = array<i32>} : memref<64x144xf32, #tpu.memory_space<vmem>>, vector<1x16xf32>,
        %swap3A_373 = vector.shape_cast %swap3A_372 : vector<1x16xf32> to vector<16xf32>
        %swap3A_374 = vector.shape_cast %mul3A_369 : vector<16xf32> to vector<1x16xf32>
        tpu.vector_store %arg9[%swap3A_370, %swap3A_371], %swap3A_374 {strides = array<i32>} : memref<64x144xf32, #tpu.memory_space<vmem>>, vector<1x16xf32>,
        %mul3A_375 = arith.constant 2 : i32
        %mul3A_376 = arith.muli %mul3A_375, %scan3A_262 : i32
        %add3A_377 = arith.constant 1 : i32
        %add3A_378 = arith.addi %mul3A_376, %add3A_377 : i32
        %get3A_379 = arith.index_cast %add3A_378 : i32 to index
        %get3A_380 = arith.constant 128 : index
        %get3A_381 = tpu.vector_load %arg9[%get3A_379, %get3A_380] {strides = array<i32>} : memref<64x144xf32, #tpu.memory_space<vmem>>, vector<1x16xf32>,
        %get3A_382 = vector.shape_cast %get3A_381 : vector<1x16xf32> to vector<16xf32>
        %get3A_383 = arith.index_cast %add3A_378 : i32 to index
        %get3A_384 = arith.constant 0 : index
        %get3A_385 = tpu.vector_load %arg12[%get3A_383, %get3A_384] {strides = array<i32>} : memref<64x16xf32, #tpu.memory_space<vmem>>, vector<1x16xf32>,
        %get3A_386 = vector.shape_cast %get3A_385 : vector<1x16xf32> to vector<16xf32>
        %add3A_387 = arith.addf %get3A_382, %get3A_386 : vector<16xf32>
        %mul3A_388 = arith.constant 2.000000e-01 : f32
        %mul3A_389 = vector.broadcast %mul3A_388 : f32 to vector<16xf32>
        %mul3A_390 = arith.mulf %mul3A_389, %add3A_387 : vector<16xf32>
        %max3A_391 = arith.maximumf %add3A_387, %mul3A_390 : vector<16xf32>
        %exp3A_392 = math.exp %max3A_391 : vector<16xf32>
        %jit3A_393 = arith.constant 0.000000e+00 : f32
        %broadcast_in_dim3A_394 = vector.broadcast %jit3A_393 : f32 to vector<16xf32>
        %select_n3A_395 = arith.select %lt3A_45, %exp3A_392, %broadcast_in_dim3A_394 : vector<16xi1>, vector<16xf32>
        %swap3A_396 = arith.index_cast %add3A_378 : i32 to index
        %swap3A_397 = arith.constant 128 : index
        %swap3A_398 = tpu.vector_load %arg9[%swap3A_396, %swap3A_397] {strides = array<i32>} : memref<64x144xf32, #tpu.memory_space<vmem>>, vector<1x16xf32>,
        %swap3A_399 = vector.shape_cast %swap3A_398 : vector<1x16xf32> to vector<16xf32>
        %swap3A_400 = vector.shape_cast %select_n3A_395 : vector<16xf32> to vector<1x16xf32>
        tpu.vector_store %arg9[%swap3A_396, %swap3A_397], %swap3A_400 {strides = array<i32>} : memref<64x144xf32, #tpu.memory_space<vmem>>, vector<1x16xf32>,
        %broadcast_in_dim3A_401 = vector.shape_cast %broadcast_in_dim3A_46 : vector<16xi32> to vector<16x1xi32>
        %gather3A_402 = vector.shape_cast %broadcast_in_dim3A_401 : vector<16x1xi32> to vector<16xi32>
        %gather3A_403 = tpu.dynamic_gather %exp3A_392[%gather3A_402] in [0] : vector<16xf32>, vector<16xi32> -> vector<16xf32>
        %broadcast_in_dim3A_404 = vector.shape_cast %broadcast_in_dim3A_48 : vector<16xi32> to vector<16x1xi32>
        %gather3A_405 = vector.shape_cast %broadcast_in_dim3A_404 : vector<16x1xi32> to vector<16xi32>
        %gather3A_406 = tpu.dynamic_gather %exp3A_392[%gather3A_405] in [0] : vector<16xf32>, vector<16xi32> -> vector<16xf32>
        %broadcast_in_dim3A_407 = vector.shape_cast %broadcast_in_dim3A_50 : vector<16xi32> to vector<16x1xi32>
        %gather3A_408 = vector.shape_cast %broadcast_in_dim3A_407 : vector<16x1xi32> to vector<16xi32>
        %gather3A_409 = tpu.dynamic_gather %exp3A_392[%gather3A_408] in [0] : vector<16xf32>, vector<16xi32> -> vector<16xf32>
        %broadcast_in_dim3A_410 = vector.shape_cast %broadcast_in_dim3A_52 : vector<16xi32> to vector<16x1xi32>
        %gather3A_411 = vector.shape_cast %broadcast_in_dim3A_410 : vector<16x1xi32> to vector<16xi32>
        %gather3A_412 = tpu.dynamic_gather %exp3A_392[%gather3A_411] in [0] : vector<16xf32>, vector<16xi32> -> vector<16xf32>
        %get3A_413 = arith.index_cast %add3A_378 : i32 to index
        %get3A_414 = arith.constant 0 : index
        %get3A_415 = tpu.vector_load %arg9[%get3A_413, %get3A_414] {strides = array<i32>} : memref<64x144xf32, #tpu.memory_space<vmem>>, vector<1x16xf32>,
        %get3A_416 = vector.shape_cast %get3A_415 : vector<1x16xf32> to vector<16xf32>
        %mul3A_417 = arith.mulf %get3A_416, %gather3A_403 : vector<16xf32>
        %swap3A_418 = arith.index_cast %add3A_378 : i32 to index
        %swap3A_419 = arith.constant 0 : index
        %swap3A_420 = tpu.vector_load %arg9[%swap3A_418, %swap3A_419] {strides = array<i32>} : memref<64x144xf32, #tpu.memory_space<vmem>>, vector<1x16xf32>,
        %swap3A_421 = vector.shape_cast %swap3A_420 : vector<1x16xf32> to vector<16xf32>
        %swap3A_422 = vector.shape_cast %mul3A_417 : vector<16xf32> to vector<1x16xf32>
        tpu.vector_store %arg9[%swap3A_418, %swap3A_419], %swap3A_422 {strides = array<i32>} : memref<64x144xf32, #tpu.memory_space<vmem>>, vector<1x16xf32>,
        %get3A_423 = arith.index_cast %add3A_378 : i32 to index
        %get3A_424 = arith.constant 16 : index
        %get3A_425 = tpu.vector_load %arg9[%get3A_423, %get3A_424] {strides = array<i32>} : memref<64x144xf32, #tpu.memory_space<vmem>>, vector<1x16xf32>,
        %get3A_426 = vector.shape_cast %get3A_425 : vector<1x16xf32> to vector<16xf32>
        %mul3A_427 = arith.mulf %get3A_426, %gather3A_403 : vector<16xf32>
        %swap3A_428 = arith.index_cast %add3A_378 : i32 to index
        %swap3A_429 = arith.constant 16 : index
        %swap3A_430 = tpu.vector_load %arg9[%swap3A_428, %swap3A_429] {strides = array<i32>} : memref<64x144xf32, #tpu.memory_space<vmem>>, vector<1x16xf32>,
        %swap3A_431 = vector.shape_cast %swap3A_430 : vector<1x16xf32> to vector<16xf32>
        %swap3A_432 = vector.shape_cast %mul3A_427 : vector<16xf32> to vector<1x16xf32>
        tpu.vector_store %arg9[%swap3A_428, %swap3A_429], %swap3A_432 {strides = array<i32>} : memref<64x144xf32, #tpu.memory_space<vmem>>, vector<1x16xf32>,
        %get3A_433 = arith.index_cast %add3A_378 : i32 to index
        %get3A_434 = arith.constant 32 : index
        %get3A_435 = tpu.vector_load %arg9[%get3A_433, %get3A_434] {strides = array<i32>} : memref<64x144xf32, #tpu.memory_space<vmem>>, vector<1x16xf32>,
        %get3A_436 = vector.shape_cast %get3A_435 : vector<1x16xf32> to vector<16xf32>
        %mul3A_437 = arith.mulf %get3A_436, %gather3A_406 : vector<16xf32>
        %swap3A_438 = arith.index_cast %add3A_378 : i32 to index
        %swap3A_439 = arith.constant 32 : index
        %swap3A_440 = tpu.vector_load %arg9[%swap3A_438, %swap3A_439] {strides = array<i32>} : memref<64x144xf32, #tpu.memory_space<vmem>>, vector<1x16xf32>,
        %swap3A_441 = vector.shape_cast %swap3A_440 : vector<1x16xf32> to vector<16xf32>
        %swap3A_442 = vector.shape_cast %mul3A_437 : vector<16xf32> to vector<1x16xf32>
        tpu.vector_store %arg9[%swap3A_438, %swap3A_439], %swap3A_442 {strides = array<i32>} : memref<64x144xf32, #tpu.memory_space<vmem>>, vector<1x16xf32>,
        %get3A_443 = arith.index_cast %add3A_378 : i32 to index
        %get3A_444 = arith.constant 48 : index
        %get3A_445 = tpu.vector_load %arg9[%get3A_443, %get3A_444] {strides = array<i32>} : memref<64x144xf32, #tpu.memory_space<vmem>>, vector<1x16xf32>,
        %get3A_446 = vector.shape_cast %get3A_445 : vector<1x16xf32> to vector<16xf32>
        %mul3A_447 = arith.mulf %get3A_446, %gather3A_406 : vector<16xf32>
        %swap3A_448 = arith.index_cast %add3A_378 : i32 to index
        %swap3A_449 = arith.constant 48 : index
        %swap3A_450 = tpu.vector_load %arg9[%swap3A_448, %swap3A_449] {strides = array<i32>} : memref<64x144xf32, #tpu.memory_space<vmem>>, vector<1x16xf32>,
        %swap3A_451 = vector.shape_cast %swap3A_450 : vector<1x16xf32> to vector<16xf32>
        %swap3A_452 = vector.shape_cast %mul3A_447 : vector<16xf32> to vector<1x16xf32>
        tpu.vector_store %arg9[%swap3A_448, %swap3A_449], %swap3A_452 {strides = array<i32>} : memref<64x144xf32, #tpu.memory_space<vmem>>, vector<1x16xf32>,
        %get3A_453 = arith.index_cast %add3A_378 : i32 to index
        %get3A_454 = arith.constant 64 : index
        %get3A_455 = tpu.vector_load %arg9[%get3A_453, %get3A_454] {strides = array<i32>} : memref<64x144xf32, #tpu.memory_space<vmem>>, vector<1x16xf32>,
        %get3A_456 = vector.shape_cast %get3A_455 : vector<1x16xf32> to vector<16xf32>
        %mul3A_457 = arith.mulf %get3A_456, %gather3A_409 : vector<16xf32>
        %swap3A_458 = arith.index_cast %add3A_378 : i32 to index
        %swap3A_459 = arith.constant 64 : index
        %swap3A_460 = tpu.vector_load %arg9[%swap3A_458, %swap3A_459] {strides = array<i32>} : memref<64x144xf32, #tpu.memory_space<vmem>>, vector<1x16xf32>,
        %swap3A_461 = vector.shape_cast %swap3A_460 : vector<1x16xf32> to vector<16xf32>
        %swap3A_462 = vector.shape_cast %mul3A_457 : vector<16xf32> to vector<1x16xf32>
        tpu.vector_store %arg9[%swap3A_458, %swap3A_459], %swap3A_462 {strides = array<i32>} : memref<64x144xf32, #tpu.memory_space<vmem>>, vector<1x16xf32>,
        %get3A_463 = arith.index_cast %add3A_378 : i32 to index
        %get3A_464 = arith.constant 80 : index
        %get3A_465 = tpu.vector_load %arg9[%get3A_463, %get3A_464] {strides = array<i32>} : memref<64x144xf32, #tpu.memory_space<vmem>>, vector<1x16xf32>,
        %get3A_466 = vector.shape_cast %get3A_465 : vector<1x16xf32> to vector<16xf32>
        %mul3A_467 = arith.mulf %get3A_466, %gather3A_409 : vector<16xf32>
        %swap3A_468 = arith.index_cast %add3A_378 : i32 to index
        %swap3A_469 = arith.constant 80 : index
        %swap3A_470 = tpu.vector_load %arg9[%swap3A_468, %swap3A_469] {strides = array<i32>} : memref<64x144xf32, #tpu.memory_space<vmem>>, vector<1x16xf32>,
        %swap3A_471 = vector.shape_cast %swap3A_470 : vector<1x16xf32> to vector<16xf32>
        %swap3A_472 = vector.shape_cast %mul3A_467 : vector<16xf32> to vector<1x16xf32>
        tpu.vector_store %arg9[%swap3A_468, %swap3A_469], %swap3A_472 {strides = array<i32>} : memref<64x144xf32, #tpu.memory_space<vmem>>, vector<1x16xf32>,
        %get3A_473 = arith.index_cast %add3A_378 : i32 to index
        %get3A_474 = arith.constant 96 : index
        %get3A_475 = tpu.vector_load %arg9[%get3A_473, %get3A_474] {strides = array<i32>} : memref<64x144xf32, #tpu.memory_space<vmem>>, vector<1x16xf32>,
        %get3A_476 = vector.shape_cast %get3A_475 : vector<1x16xf32> to vector<16xf32>
        %mul3A_477 = arith.mulf %get3A_476, %gather3A_412 : vector<16xf32>
        %swap3A_478 = arith.index_cast %add3A_378 : i32 to index
        %swap3A_479 = arith.constant 96 : index
        %swap3A_480 = tpu.vector_load %arg9[%swap3A_478, %swap3A_479] {strides = array<i32>} : memref<64x144xf32, #tpu.memory_space<vmem>>, vector<1x16xf32>,
        %swap3A_481 = vector.shape_cast %swap3A_480 : vector<1x16xf32> to vector<16xf32>
        %swap3A_482 = vector.shape_cast %mul3A_477 : vector<16xf32> to vector<1x16xf32>
        tpu.vector_store %arg9[%swap3A_478, %swap3A_479], %swap3A_482 {strides = array<i32>} : memref<64x144xf32, #tpu.memory_space<vmem>>, vector<1x16xf32>,
        %get3A_483 = arith.index_cast %add3A_378 : i32 to index
        %get3A_484 = arith.constant 112 : index
        %get3A_485 = tpu.vector_load %arg9[%get3A_483, %get3A_484] {strides = array<i32>} : memref<64x144xf32, #tpu.memory_space<vmem>>, vector<1x16xf32>,
        %get3A_486 = vector.shape_cast %get3A_485 : vector<1x16xf32> to vector<16xf32>
        %mul3A_487 = arith.mulf %get3A_486, %gather3A_412 : vector<16xf32>
        %swap3A_488 = arith.index_cast %add3A_378 : i32 to index
        %swap3A_489 = arith.constant 112 : index
        %swap3A_490 = tpu.vector_load %arg9[%swap3A_488, %swap3A_489] {strides = array<i32>} : memref<64x144xf32, #tpu.memory_space<vmem>>, vector<1x16xf32>,
        %swap3A_491 = vector.shape_cast %swap3A_490 : vector<1x16xf32> to vector<16xf32>
        %swap3A_492 = vector.shape_cast %mul3A_487 : vector<16xf32> to vector<1x16xf32>
        tpu.vector_store %arg9[%swap3A_488, %swap3A_489], %swap3A_492 {strides = array<i32>} : memref<64x144xf32, #tpu.memory_space<vmem>>, vector<1x16xf32>,
        %scan3A_493 = arith.constant 0 : i32
        scf.yield %scan3A_493 : i32
      }
      %scan3A_165 = arith.constant 32 : i32
      %dma_start3A_166 = arith.constant 1 : i32
      %dma_start3A_167 = arith.constant 0 : i32
      %dma_start3A_168 = tpu.memref_slice %arg6[%dma_start3A_166, %dma_start3A_167] : memref<2x64xi32, #tpu.memory_space<vmem>> -> memref<1x64xi32, #tpu.memory_space<vmem>>
      %dma_start3A_169 = tpu.memref_squeeze %dma_start3A_168 : memref<1x64xi32, #tpu.memory_space<vmem>> -> memref<64xi32, #tpu.memory_space<vmem>>
      %dma_start3A_170 = arith.constant 0 : i32
      %dma_start3A_171 = arith.constant 0 : i32
      %dma_start3A_172 = tpu.memref_slice %arg15[%dma_start3A_170, %dma_start3A_171] : memref<10240x144xf32, #tpu.memory_space<vmem_shared>> -> memref<10240x144xf32, #tpu.memory_space<vmem_shared>>
      tpu.enqueue_indirect_dma source(%arg9 : memref<64x144xf32, #tpu.memory_space<vmem>>) target(%dma_start3A_172 : memref<10240x144xf32, #tpu.memory_space<vmem_shared>>) offsets(%dma_start3A_169 : memref<64xi32, #tpu.memory_space<vmem>>) semaphore(%arg19 : memref<!tpu.dma_semaphore, #tpu.memory_space<semaphore_mem>>) {add = true}
      %mul3A_173 = arith.constant 3 : i32
      %mul3A_174 = arith.muli %mul3A_173, %scan3A_116 : i32
      %add3A_175 = arith.constant 1 : i32
      %add3A_176 = arith.addi %mul3A_174, %add3A_175 : i32
      %dma_wait3A_177 = arith.constant 1 : i32
      %dma_wait3A_178 = arith.constant 0 : i32
      %dma_wait3A_179 = tpu.memref_slice %arg6[%dma_wait3A_177, %dma_wait3A_178] : memref<2x64xi32, #tpu.memory_space<vmem>> -> memref<1x64xi32, #tpu.memory_space<vmem>>
      %dma_wait3A_180 = tpu.memref_squeeze %dma_wait3A_179 : memref<1x64xi32, #tpu.memory_space<vmem>> -> memref<64xi32, #tpu.memory_space<vmem>>
      %dma_wait3A_181 = arith.constant 0 : i32
      %dma_wait3A_182 = arith.constant 0 : i32
      %dma_wait3A_183 = tpu.memref_slice %arg15[%dma_wait3A_181, %dma_wait3A_182] : memref<10240x144xf32, #tpu.memory_space<vmem_shared>> -> memref<10240x144xf32, #tpu.memory_space<vmem_shared>>
      tpu.wait_indirect_dma semaphore(%arg19 : memref<!tpu.dma_semaphore, #tpu.memory_space<semaphore_mem>>) src(%arg9 : memref<64x144xf32, #tpu.memory_space<vmem>>) dst(%dma_wait3A_183 : memref<10240x144xf32, #tpu.memory_space<vmem_shared>>)
      %lt3A_184 = arith.constant 53 : i32
      %lt3A_185 = arith.cmpi slt, %scan3A_116, %lt3A_184 : i32
      %convert_element_type3A_186 = arith.extui %lt3A_185 : i1 to i32
      %cond3A_187 = arith.constant 0 : i32
      %cond3A_188 = arith.cmpi ne, %convert_element_type3A_186, %cond3A_187 : i32
      scf.if %cond3A_188 {
        %add3A_262 = arith.constant 2 : i32
        %add3A_263 = arith.addi %add3A_176, %add3A_262 : i32
        %mul3A_264 = arith.constant 162 : i32
        %mul3A_265 = arith.muli %add3A_55, %mul3A_264 : i32
        %add3A_266 = arith.addi %mul3A_265, %add3A_263 : i32
        %mul3A_267 = arith.constant 2 : i32
        %mul3A_268 = arith.muli %add3A_266, %mul3A_267 : i32
        "tpu.region"() ({
          %run_scoped3A = tpu.sem_alloc : memref<!tpu.dma_semaphore, #tpu.memory_space<semaphore_mem>>
          %dma_start3A_283 = arith.constant 0 : i32
          %dma_start3A_284 = tpu.memref_slice %arg4[%mul3A_268, %dma_start3A_283] : memref<10368x64xi32, #tpu.memory_space<hbm>> -> memref<2x64xi32, #tpu.memory_space<hbm>>
          %dma_start3A_285 = arith.constant 0 : i32
          %dma_start3A_286 = tpu.memref_slice %arg4[%mul3A_268, %dma_start3A_285] : memref<10368x64xi32, #tpu.memory_space<hbm>> -> memref<2x64xi32, #tpu.memory_space<hbm>>
          tpu.enqueue_dma source(%dma_start3A_286 : memref<2x64xi32, #tpu.memory_space<hbm>>) target(%arg6 : memref<2x64xi32, #tpu.memory_space<vmem>>) target_semaphore(%run_scoped3A : memref<!tpu.dma_semaphore, #tpu.memory_space<semaphore_mem>>)
          %dma_wait3A_287 = arith.constant 0 : i32
          %dma_wait3A_288 = tpu.memref_slice %arg4[%mul3A_268, %dma_wait3A_287] : memref<10368x64xi32, #tpu.memory_space<hbm>> -> memref<2x64xi32, #tpu.memory_space<hbm>>
          %dma_wait3A_289 = arith.constant 0 : i32
          %dma_wait3A_290 = tpu.memref_slice %arg4[%mul3A_268, %dma_wait3A_289] : memref<10368x64xi32, #tpu.memory_space<hbm>> -> memref<2x64xi32, #tpu.memory_space<hbm>>
          tpu.wait_dma2 semaphore(%run_scoped3A : memref<!tpu.dma_semaphore, #tpu.memory_space<semaphore_mem>>) src(%dma_wait3A_290 : memref<2x64xi32, #tpu.memory_space<hbm>>) dst(%arg6 : memref<2x64xi32, #tpu.memory_space<vmem>>)
          tpu.yield
        }) : () -> ()
        %dma_start3A_269 = arith.constant 0 : i32
        %dma_start3A_270 = arith.constant 0 : i32
        %dma_start3A_271 = tpu.memref_slice %arg6[%dma_start3A_269, %dma_start3A_270] : memref<2x64xi32, #tpu.memory_space<vmem>> -> memref<1x64xi32, #tpu.memory_space<vmem>>
        %dma_start3A_272 = tpu.memref_squeeze %dma_start3A_271 : memref<1x64xi32, #tpu.memory_space<vmem>> -> memref<64xi32, #tpu.memory_space<vmem>>
        %dma_start3A_273 = arith.constant 0 : i32
        %dma_start3A_274 = arith.constant 0 : i32
        %dma_start3A_275 = tpu.memref_slice %arg2[%dma_start3A_273, %dma_start3A_274] : memref<10240x144xf32, #tpu.memory_space<hbm>> -> memref<10240x144xf32, #tpu.memory_space<hbm>>
        tpu.enqueue_indirect_dma source(%dma_start3A_275 : memref<10240x144xf32, #tpu.memory_space<hbm>>) target(%arg9 : memref<64x144xf32, #tpu.memory_space<vmem>>) offsets(%dma_start3A_272 : memref<64xi32, #tpu.memory_space<vmem>>) semaphore(%arg16 : memref<!tpu.dma_semaphore, #tpu.memory_space<semaphore_mem>>)
        %dma_start3A_276 = arith.constant 1 : i32
        %dma_start3A_277 = arith.constant 0 : i32
        %dma_start3A_278 = tpu.memref_slice %arg6[%dma_start3A_276, %dma_start3A_277] : memref<2x64xi32, #tpu.memory_space<vmem>> -> memref<1x64xi32, #tpu.memory_space<vmem>>
        %dma_start3A_279 = tpu.memref_squeeze %dma_start3A_278 : memref<1x64xi32, #tpu.memory_space<vmem>> -> memref<64xi32, #tpu.memory_space<vmem>>
        %dma_start3A_280 = arith.constant 0 : i32
        %dma_start3A_281 = arith.constant 0 : i32
        %dma_start3A_282 = tpu.memref_slice %arg3[%dma_start3A_280, %dma_start3A_281] : memref<10240x16xf32, #tpu.memory_space<hbm>> -> memref<10240x16xf32, #tpu.memory_space<hbm>>
        tpu.enqueue_indirect_dma source(%dma_start3A_282 : memref<10240x16xf32, #tpu.memory_space<hbm>>) target(%arg12 : memref<64x16xf32, #tpu.memory_space<vmem>>) offsets(%dma_start3A_279 : memref<64xi32, #tpu.memory_space<vmem>>) semaphore(%arg16 : memref<!tpu.dma_semaphore, #tpu.memory_space<semaphore_mem>>)
      } else {
      }
      %dma_wait3A_189 = arith.constant 0 : i32
      %dma_wait3A_190 = arith.constant 0 : i32
      %dma_wait3A_191 = tpu.memref_slice %arg7[%dma_wait3A_189, %dma_wait3A_190] : memref<2x64xi32, #tpu.memory_space<vmem>> -> memref<1x64xi32, #tpu.memory_space<vmem>>
      %dma_wait3A_192 = tpu.memref_squeeze %dma_wait3A_191 : memref<1x64xi32, #tpu.memory_space<vmem>> -> memref<64xi32, #tpu.memory_space<vmem>>
      %dma_wait3A_193 = arith.constant 0 : i32
      %dma_wait3A_194 = arith.constant 0 : i32
      %dma_wait3A_195 = tpu.memref_slice %arg2[%dma_wait3A_193, %dma_wait3A_194] : memref<10240x144xf32, #tpu.memory_space<hbm>> -> memref<10240x144xf32, #tpu.memory_space<hbm>>
      tpu.wait_indirect_dma semaphore(%arg17 : memref<!tpu.dma_semaphore, #tpu.memory_space<semaphore_mem>>) src(%dma_wait3A_195 : memref<10240x144xf32, #tpu.memory_space<hbm>>) dst(%arg10 : memref<64x144xf32, #tpu.memory_space<vmem>>)
      %dma_wait3A_196 = arith.constant 1 : i32
      %dma_wait3A_197 = arith.constant 0 : i32
      %dma_wait3A_198 = tpu.memref_slice %arg7[%dma_wait3A_196, %dma_wait3A_197] : memref<2x64xi32, #tpu.memory_space<vmem>> -> memref<1x64xi32, #tpu.memory_space<vmem>>
      %dma_wait3A_199 = tpu.memref_squeeze %dma_wait3A_198 : memref<1x64xi32, #tpu.memory_space<vmem>> -> memref<64xi32, #tpu.memory_space<vmem>>
      %dma_wait3A_200 = arith.constant 0 : i32
      %dma_wait3A_201 = arith.constant 0 : i32
      %dma_wait3A_202 = tpu.memref_slice %arg3[%dma_wait3A_200, %dma_wait3A_201] : memref<10240x16xf32, #tpu.memory_space<hbm>> -> memref<10240x16xf32, #tpu.memory_space<hbm>>
      tpu.wait_indirect_dma semaphore(%arg17 : memref<!tpu.dma_semaphore, #tpu.memory_space<semaphore_mem>>) src(%dma_wait3A_202 : memref<10240x16xf32, #tpu.memory_space<hbm>>) dst(%arg13 : memref<64x16xf32, #tpu.memory_space<vmem>>)
      %scan3A_203 = arith.constant 0 : i32
      %scan3A_204 = arith.constant 0 : i32
      %scan3A_205 = arith.constant 32 : i32
      %scan3A_206 = arith.addi %scan3A_204, %scan3A_205 : i32
      %scan3A_207 = arith.constant 1 : i32
      %scan3A_208 = scf.for %scan3A_262 = %scan3A_204 to %scan3A_206 step %scan3A_207 iter_args(%scan3A_263 = %scan3A_203) -> (i32)  : i32 {
        %mul3A_264 = arith.constant 2 : i32
        %mul3A_265 = arith.muli %mul3A_264, %scan3A_262 : i32
        %add3A_266 = arith.constant 0 : i32
        %add3A_267 = arith.addi %mul3A_265, %add3A_266 : i32
        %get3A = arith.index_cast %add3A_267 : i32 to index
        %get3A_268 = arith.constant 128 : index
        %get3A_269 = tpu.vector_load %arg10[%get3A, %get3A_268] {strides = array<i32>} : memref<64x144xf32, #tpu.memory_space<vmem>>, vector<1x16xf32>,
        %get3A_270 = vector.shape_cast %get3A_269 : vector<1x16xf32> to vector<16xf32>
        %get3A_271 = arith.index_cast %add3A_267 : i32 to index
        %get3A_272 = arith.constant 0 : index
        %get3A_273 = tpu.vector_load %arg13[%get3A_271, %get3A_272] {strides = array<i32>} : memref<64x16xf32, #tpu.memory_space<vmem>>, vector<1x16xf32>,
        %get3A_274 = vector.shape_cast %get3A_273 : vector<1x16xf32> to vector<16xf32>
        %add3A_275 = arith.addf %get3A_270, %get3A_274 : vector<16xf32>
        %mul3A_276 = arith.constant 2.000000e-01 : f32
        %mul3A_277 = vector.broadcast %mul3A_276 : f32 to vector<16xf32>
        %mul3A_278 = arith.mulf %mul3A_277, %add3A_275 : vector<16xf32>
        %max3A = arith.maximumf %add3A_275, %mul3A_278 : vector<16xf32>
        %exp3A = math.exp %max3A : vector<16xf32>
        %jit3A = arith.constant 0.000000e+00 : f32
        %broadcast_in_dim3A_279 = vector.broadcast %jit3A : f32 to vector<16xf32>
        %select_n3A = arith.select %lt3A_45, %exp3A, %broadcast_in_dim3A_279 : vector<16xi1>, vector<16xf32>
        %swap3A = arith.index_cast %add3A_267 : i32 to index
        %swap3A_280 = arith.constant 128 : index
        %swap3A_281 = tpu.vector_load %arg10[%swap3A, %swap3A_280] {strides = array<i32>} : memref<64x144xf32, #tpu.memory_space<vmem>>, vector<1x16xf32>,
        %swap3A_282 = vector.shape_cast %swap3A_281 : vector<1x16xf32> to vector<16xf32>
        %swap3A_283 = vector.shape_cast %select_n3A : vector<16xf32> to vector<1x16xf32>
        tpu.vector_store %arg10[%swap3A, %swap3A_280], %swap3A_283 {strides = array<i32>} : memref<64x144xf32, #tpu.memory_space<vmem>>, vector<1x16xf32>,
        %broadcast_in_dim3A_284 = vector.shape_cast %broadcast_in_dim3A_46 : vector<16xi32> to vector<16x1xi32>
        %gather3A = vector.shape_cast %broadcast_in_dim3A_284 : vector<16x1xi32> to vector<16xi32>
        %gather3A_285 = tpu.dynamic_gather %exp3A[%gather3A] in [0] : vector<16xf32>, vector<16xi32> -> vector<16xf32>
        %broadcast_in_dim3A_286 = vector.shape_cast %broadcast_in_dim3A_48 : vector<16xi32> to vector<16x1xi32>
        %gather3A_287 = vector.shape_cast %broadcast_in_dim3A_286 : vector<16x1xi32> to vector<16xi32>
        %gather3A_288 = tpu.dynamic_gather %exp3A[%gather3A_287] in [0] : vector<16xf32>, vector<16xi32> -> vector<16xf32>
        %broadcast_in_dim3A_289 = vector.shape_cast %broadcast_in_dim3A_50 : vector<16xi32> to vector<16x1xi32>
        %gather3A_290 = vector.shape_cast %broadcast_in_dim3A_289 : vector<16x1xi32> to vector<16xi32>
        %gather3A_291 = tpu.dynamic_gather %exp3A[%gather3A_290] in [0] : vector<16xf32>, vector<16xi32> -> vector<16xf32>
        %broadcast_in_dim3A_292 = vector.shape_cast %broadcast_in_dim3A_52 : vector<16xi32> to vector<16x1xi32>
        %gather3A_293 = vector.shape_cast %broadcast_in_dim3A_292 : vector<16x1xi32> to vector<16xi32>
        %gather3A_294 = tpu.dynamic_gather %exp3A[%gather3A_293] in [0] : vector<16xf32>, vector<16xi32> -> vector<16xf32>
        %get3A_295 = arith.index_cast %add3A_267 : i32 to index
        %get3A_296 = arith.constant 0 : index
        %get3A_297 = tpu.vector_load %arg10[%get3A_295, %get3A_296] {strides = array<i32>} : memref<64x144xf32, #tpu.memory_space<vmem>>, vector<1x16xf32>,
        %get3A_298 = vector.shape_cast %get3A_297 : vector<1x16xf32> to vector<16xf32>
        %mul3A_299 = arith.mulf %get3A_298, %gather3A_285 : vector<16xf32>
        %swap3A_300 = arith.index_cast %add3A_267 : i32 to index
        %swap3A_301 = arith.constant 0 : index
        %swap3A_302 = tpu.vector_load %arg10[%swap3A_300, %swap3A_301] {strides = array<i32>} : memref<64x144xf32, #tpu.memory_space<vmem>>, vector<1x16xf32>,
        %swap3A_303 = vector.shape_cast %swap3A_302 : vector<1x16xf32> to vector<16xf32>
        %swap3A_304 = vector.shape_cast %mul3A_299 : vector<16xf32> to vector<1x16xf32>
        tpu.vector_store %arg10[%swap3A_300, %swap3A_301], %swap3A_304 {strides = array<i32>} : memref<64x144xf32, #tpu.memory_space<vmem>>, vector<1x16xf32>,
        %get3A_305 = arith.index_cast %add3A_267 : i32 to index
        %get3A_306 = arith.constant 16 : index
        %get3A_307 = tpu.vector_load %arg10[%get3A_305, %get3A_306] {strides = array<i32>} : memref<64x144xf32, #tpu.memory_space<vmem>>, vector<1x16xf32>,
        %get3A_308 = vector.shape_cast %get3A_307 : vector<1x16xf32> to vector<16xf32>
        %mul3A_309 = arith.mulf %get3A_308, %gather3A_285 : vector<16xf32>
        %swap3A_310 = arith.index_cast %add3A_267 : i32 to index
        %swap3A_311 = arith.constant 16 : index
        %swap3A_312 = tpu.vector_load %arg10[%swap3A_310, %swap3A_311] {strides = array<i32>} : memref<64x144xf32, #tpu.memory_space<vmem>>, vector<1x16xf32>,
        %swap3A_313 = vector.shape_cast %swap3A_312 : vector<1x16xf32> to vector<16xf32>
        %swap3A_314 = vector.shape_cast %mul3A_309 : vector<16xf32> to vector<1x16xf32>
        tpu.vector_store %arg10[%swap3A_310, %swap3A_311], %swap3A_314 {strides = array<i32>} : memref<64x144xf32, #tpu.memory_space<vmem>>, vector<1x16xf32>,
        %get3A_315 = arith.index_cast %add3A_267 : i32 to index
        %get3A_316 = arith.constant 32 : index
        %get3A_317 = tpu.vector_load %arg10[%get3A_315, %get3A_316] {strides = array<i32>} : memref<64x144xf32, #tpu.memory_space<vmem>>, vector<1x16xf32>,
        %get3A_318 = vector.shape_cast %get3A_317 : vector<1x16xf32> to vector<16xf32>
        %mul3A_319 = arith.mulf %get3A_318, %gather3A_288 : vector<16xf32>
        %swap3A_320 = arith.index_cast %add3A_267 : i32 to index
        %swap3A_321 = arith.constant 32 : index
        %swap3A_322 = tpu.vector_load %arg10[%swap3A_320, %swap3A_321] {strides = array<i32>} : memref<64x144xf32, #tpu.memory_space<vmem>>, vector<1x16xf32>,
        %swap3A_323 = vector.shape_cast %swap3A_322 : vector<1x16xf32> to vector<16xf32>
        %swap3A_324 = vector.shape_cast %mul3A_319 : vector<16xf32> to vector<1x16xf32>
        tpu.vector_store %arg10[%swap3A_320, %swap3A_321], %swap3A_324 {strides = array<i32>} : memref<64x144xf32, #tpu.memory_space<vmem>>, vector<1x16xf32>,
        %get3A_325 = arith.index_cast %add3A_267 : i32 to index
        %get3A_326 = arith.constant 48 : index
        %get3A_327 = tpu.vector_load %arg10[%get3A_325, %get3A_326] {strides = array<i32>} : memref<64x144xf32, #tpu.memory_space<vmem>>, vector<1x16xf32>,
        %get3A_328 = vector.shape_cast %get3A_327 : vector<1x16xf32> to vector<16xf32>
        %mul3A_329 = arith.mulf %get3A_328, %gather3A_288 : vector<16xf32>
        %swap3A_330 = arith.index_cast %add3A_267 : i32 to index
        %swap3A_331 = arith.constant 48 : index
        %swap3A_332 = tpu.vector_load %arg10[%swap3A_330, %swap3A_331] {strides = array<i32>} : memref<64x144xf32, #tpu.memory_space<vmem>>, vector<1x16xf32>,
        %swap3A_333 = vector.shape_cast %swap3A_332 : vector<1x16xf32> to vector<16xf32>
        %swap3A_334 = vector.shape_cast %mul3A_329 : vector<16xf32> to vector<1x16xf32>
        tpu.vector_store %arg10[%swap3A_330, %swap3A_331], %swap3A_334 {strides = array<i32>} : memref<64x144xf32, #tpu.memory_space<vmem>>, vector<1x16xf32>,
        %get3A_335 = arith.index_cast %add3A_267 : i32 to index
        %get3A_336 = arith.constant 64 : index
        %get3A_337 = tpu.vector_load %arg10[%get3A_335, %get3A_336] {strides = array<i32>} : memref<64x144xf32, #tpu.memory_space<vmem>>, vector<1x16xf32>,
        %get3A_338 = vector.shape_cast %get3A_337 : vector<1x16xf32> to vector<16xf32>
        %mul3A_339 = arith.mulf %get3A_338, %gather3A_291 : vector<16xf32>
        %swap3A_340 = arith.index_cast %add3A_267 : i32 to index
        %swap3A_341 = arith.constant 64 : index
        %swap3A_342 = tpu.vector_load %arg10[%swap3A_340, %swap3A_341] {strides = array<i32>} : memref<64x144xf32, #tpu.memory_space<vmem>>, vector<1x16xf32>,
        %swap3A_343 = vector.shape_cast %swap3A_342 : vector<1x16xf32> to vector<16xf32>
        %swap3A_344 = vector.shape_cast %mul3A_339 : vector<16xf32> to vector<1x16xf32>
        tpu.vector_store %arg10[%swap3A_340, %swap3A_341], %swap3A_344 {strides = array<i32>} : memref<64x144xf32, #tpu.memory_space<vmem>>, vector<1x16xf32>,
        %get3A_345 = arith.index_cast %add3A_267 : i32 to index
        %get3A_346 = arith.constant 80 : index
        %get3A_347 = tpu.vector_load %arg10[%get3A_345, %get3A_346] {strides = array<i32>} : memref<64x144xf32, #tpu.memory_space<vmem>>, vector<1x16xf32>,
        %get3A_348 = vector.shape_cast %get3A_347 : vector<1x16xf32> to vector<16xf32>
        %mul3A_349 = arith.mulf %get3A_348, %gather3A_291 : vector<16xf32>
        %swap3A_350 = arith.index_cast %add3A_267 : i32 to index
        %swap3A_351 = arith.constant 80 : index
        %swap3A_352 = tpu.vector_load %arg10[%swap3A_350, %swap3A_351] {strides = array<i32>} : memref<64x144xf32, #tpu.memory_space<vmem>>, vector<1x16xf32>,
        %swap3A_353 = vector.shape_cast %swap3A_352 : vector<1x16xf32> to vector<16xf32>
        %swap3A_354 = vector.shape_cast %mul3A_349 : vector<16xf32> to vector<1x16xf32>
        tpu.vector_store %arg10[%swap3A_350, %swap3A_351], %swap3A_354 {strides = array<i32>} : memref<64x144xf32, #tpu.memory_space<vmem>>, vector<1x16xf32>,
        %get3A_355 = arith.index_cast %add3A_267 : i32 to index
        %get3A_356 = arith.constant 96 : index
        %get3A_357 = tpu.vector_load %arg10[%get3A_355, %get3A_356] {strides = array<i32>} : memref<64x144xf32, #tpu.memory_space<vmem>>, vector<1x16xf32>,
        %get3A_358 = vector.shape_cast %get3A_357 : vector<1x16xf32> to vector<16xf32>
        %mul3A_359 = arith.mulf %get3A_358, %gather3A_294 : vector<16xf32>
        %swap3A_360 = arith.index_cast %add3A_267 : i32 to index
        %swap3A_361 = arith.constant 96 : index
        %swap3A_362 = tpu.vector_load %arg10[%swap3A_360, %swap3A_361] {strides = array<i32>} : memref<64x144xf32, #tpu.memory_space<vmem>>, vector<1x16xf32>,
        %swap3A_363 = vector.shape_cast %swap3A_362 : vector<1x16xf32> to vector<16xf32>
        %swap3A_364 = vector.shape_cast %mul3A_359 : vector<16xf32> to vector<1x16xf32>
        tpu.vector_store %arg10[%swap3A_360, %swap3A_361], %swap3A_364 {strides = array<i32>} : memref<64x144xf32, #tpu.memory_space<vmem>>, vector<1x16xf32>,
        %get3A_365 = arith.index_cast %add3A_267 : i32 to index
        %get3A_366 = arith.constant 112 : index
        %get3A_367 = tpu.vector_load %arg10[%get3A_365, %get3A_366] {strides = array<i32>} : memref<64x144xf32, #tpu.memory_space<vmem>>, vector<1x16xf32>,
        %get3A_368 = vector.shape_cast %get3A_367 : vector<1x16xf32> to vector<16xf32>
        %mul3A_369 = arith.mulf %get3A_368, %gather3A_294 : vector<16xf32>
        %swap3A_370 = arith.index_cast %add3A_267 : i32 to index
        %swap3A_371 = arith.constant 112 : index
        %swap3A_372 = tpu.vector_load %arg10[%swap3A_370, %swap3A_371] {strides = array<i32>} : memref<64x144xf32, #tpu.memory_space<vmem>>, vector<1x16xf32>,
        %swap3A_373 = vector.shape_cast %swap3A_372 : vector<1x16xf32> to vector<16xf32>
        %swap3A_374 = vector.shape_cast %mul3A_369 : vector<16xf32> to vector<1x16xf32>
        tpu.vector_store %arg10[%swap3A_370, %swap3A_371], %swap3A_374 {strides = array<i32>} : memref<64x144xf32, #tpu.memory_space<vmem>>, vector<1x16xf32>,
        %mul3A_375 = arith.constant 2 : i32
        %mul3A_376 = arith.muli %mul3A_375, %scan3A_262 : i32
        %add3A_377 = arith.constant 1 : i32
        %add3A_378 = arith.addi %mul3A_376, %add3A_377 : i32
        %get3A_379 = arith.index_cast %add3A_378 : i32 to index
        %get3A_380 = arith.constant 128 : index
        %get3A_381 = tpu.vector_load %arg10[%get3A_379, %get3A_380] {strides = array<i32>} : memref<64x144xf32, #tpu.memory_space<vmem>>, vector<1x16xf32>,
        %get3A_382 = vector.shape_cast %get3A_381 : vector<1x16xf32> to vector<16xf32>
        %get3A_383 = arith.index_cast %add3A_378 : i32 to index
        %get3A_384 = arith.constant 0 : index
        %get3A_385 = tpu.vector_load %arg13[%get3A_383, %get3A_384] {strides = array<i32>} : memref<64x16xf32, #tpu.memory_space<vmem>>, vector<1x16xf32>,
        %get3A_386 = vector.shape_cast %get3A_385 : vector<1x16xf32> to vector<16xf32>
        %add3A_387 = arith.addf %get3A_382, %get3A_386 : vector<16xf32>
        %mul3A_388 = arith.constant 2.000000e-01 : f32
        %mul3A_389 = vector.broadcast %mul3A_388 : f32 to vector<16xf32>
        %mul3A_390 = arith.mulf %mul3A_389, %add3A_387 : vector<16xf32>
        %max3A_391 = arith.maximumf %add3A_387, %mul3A_390 : vector<16xf32>
        %exp3A_392 = math.exp %max3A_391 : vector<16xf32>
        %jit3A_393 = arith.constant 0.000000e+00 : f32
        %broadcast_in_dim3A_394 = vector.broadcast %jit3A_393 : f32 to vector<16xf32>
        %select_n3A_395 = arith.select %lt3A_45, %exp3A_392, %broadcast_in_dim3A_394 : vector<16xi1>, vector<16xf32>
        %swap3A_396 = arith.index_cast %add3A_378 : i32 to index
        %swap3A_397 = arith.constant 128 : index
        %swap3A_398 = tpu.vector_load %arg10[%swap3A_396, %swap3A_397] {strides = array<i32>} : memref<64x144xf32, #tpu.memory_space<vmem>>, vector<1x16xf32>,
        %swap3A_399 = vector.shape_cast %swap3A_398 : vector<1x16xf32> to vector<16xf32>
        %swap3A_400 = vector.shape_cast %select_n3A_395 : vector<16xf32> to vector<1x16xf32>
        tpu.vector_store %arg10[%swap3A_396, %swap3A_397], %swap3A_400 {strides = array<i32>} : memref<64x144xf32, #tpu.memory_space<vmem>>, vector<1x16xf32>,
        %broadcast_in_dim3A_401 = vector.shape_cast %broadcast_in_dim3A_46 : vector<16xi32> to vector<16x1xi32>
        %gather3A_402 = vector.shape_cast %broadcast_in_dim3A_401 : vector<16x1xi32> to vector<16xi32>
        %gather3A_403 = tpu.dynamic_gather %exp3A_392[%gather3A_402] in [0] : vector<16xf32>, vector<16xi32> -> vector<16xf32>
        %broadcast_in_dim3A_404 = vector.shape_cast %broadcast_in_dim3A_48 : vector<16xi32> to vector<16x1xi32>
        %gather3A_405 = vector.shape_cast %broadcast_in_dim3A_404 : vector<16x1xi32> to vector<16xi32>
        %gather3A_406 = tpu.dynamic_gather %exp3A_392[%gather3A_405] in [0] : vector<16xf32>, vector<16xi32> -> vector<16xf32>
        %broadcast_in_dim3A_407 = vector.shape_cast %broadcast_in_dim3A_50 : vector<16xi32> to vector<16x1xi32>
        %gather3A_408 = vector.shape_cast %broadcast_in_dim3A_407 : vector<16x1xi32> to vector<16xi32>
        %gather3A_409 = tpu.dynamic_gather %exp3A_392[%gather3A_408] in [0] : vector<16xf32>, vector<16xi32> -> vector<16xf32>
        %broadcast_in_dim3A_410 = vector.shape_cast %broadcast_in_dim3A_52 : vector<16xi32> to vector<16x1xi32>
        %gather3A_411 = vector.shape_cast %broadcast_in_dim3A_410 : vector<16x1xi32> to vector<16xi32>
        %gather3A_412 = tpu.dynamic_gather %exp3A_392[%gather3A_411] in [0] : vector<16xf32>, vector<16xi32> -> vector<16xf32>
        %get3A_413 = arith.index_cast %add3A_378 : i32 to index
        %get3A_414 = arith.constant 0 : index
        %get3A_415 = tpu.vector_load %arg10[%get3A_413, %get3A_414] {strides = array<i32>} : memref<64x144xf32, #tpu.memory_space<vmem>>, vector<1x16xf32>,
        %get3A_416 = vector.shape_cast %get3A_415 : vector<1x16xf32> to vector<16xf32>
        %mul3A_417 = arith.mulf %get3A_416, %gather3A_403 : vector<16xf32>
        %swap3A_418 = arith.index_cast %add3A_378 : i32 to index
        %swap3A_419 = arith.constant 0 : index
        %swap3A_420 = tpu.vector_load %arg10[%swap3A_418, %swap3A_419] {strides = array<i32>} : memref<64x144xf32, #tpu.memory_space<vmem>>, vector<1x16xf32>,
        %swap3A_421 = vector.shape_cast %swap3A_420 : vector<1x16xf32> to vector<16xf32>
        %swap3A_422 = vector.shape_cast %mul3A_417 : vector<16xf32> to vector<1x16xf32>
        tpu.vector_store %arg10[%swap3A_418, %swap3A_419], %swap3A_422 {strides = array<i32>} : memref<64x144xf32, #tpu.memory_space<vmem>>, vector<1x16xf32>,
        %get3A_423 = arith.index_cast %add3A_378 : i32 to index
        %get3A_424 = arith.constant 16 : index
        %get3A_425 = tpu.vector_load %arg10[%get3A_423, %get3A_424] {strides = array<i32>} : memref<64x144xf32, #tpu.memory_space<vmem>>, vector<1x16xf32>,
        %get3A_426 = vector.shape_cast %get3A_425 : vector<1x16xf32> to vector<16xf32>
        %mul3A_427 = arith.mulf %get3A_426, %gather3A_403 : vector<16xf32>
        %swap3A_428 = arith.index_cast %add3A_378 : i32 to index
        %swap3A_429 = arith.constant 16 : index
        %swap3A_430 = tpu.vector_load %arg10[%swap3A_428, %swap3A_429] {strides = array<i32>} : memref<64x144xf32, #tpu.memory_space<vmem>>, vector<1x16xf32>,
        %swap3A_431 = vector.shape_cast %swap3A_430 : vector<1x16xf32> to vector<16xf32>
        %swap3A_432 = vector.shape_cast %mul3A_427 : vector<16xf32> to vector<1x16xf32>
        tpu.vector_store %arg10[%swap3A_428, %swap3A_429], %swap3A_432 {strides = array<i32>} : memref<64x144xf32, #tpu.memory_space<vmem>>, vector<1x16xf32>,
        %get3A_433 = arith.index_cast %add3A_378 : i32 to index
        %get3A_434 = arith.constant 32 : index
        %get3A_435 = tpu.vector_load %arg10[%get3A_433, %get3A_434] {strides = array<i32>} : memref<64x144xf32, #tpu.memory_space<vmem>>, vector<1x16xf32>,
        %get3A_436 = vector.shape_cast %get3A_435 : vector<1x16xf32> to vector<16xf32>
        %mul3A_437 = arith.mulf %get3A_436, %gather3A_406 : vector<16xf32>
        %swap3A_438 = arith.index_cast %add3A_378 : i32 to index
        %swap3A_439 = arith.constant 32 : index
        %swap3A_440 = tpu.vector_load %arg10[%swap3A_438, %swap3A_439] {strides = array<i32>} : memref<64x144xf32, #tpu.memory_space<vmem>>, vector<1x16xf32>,
        %swap3A_441 = vector.shape_cast %swap3A_440 : vector<1x16xf32> to vector<16xf32>
        %swap3A_442 = vector.shape_cast %mul3A_437 : vector<16xf32> to vector<1x16xf32>
        tpu.vector_store %arg10[%swap3A_438, %swap3A_439], %swap3A_442 {strides = array<i32>} : memref<64x144xf32, #tpu.memory_space<vmem>>, vector<1x16xf32>,
        %get3A_443 = arith.index_cast %add3A_378 : i32 to index
        %get3A_444 = arith.constant 48 : index
        %get3A_445 = tpu.vector_load %arg10[%get3A_443, %get3A_444] {strides = array<i32>} : memref<64x144xf32, #tpu.memory_space<vmem>>, vector<1x16xf32>,
        %get3A_446 = vector.shape_cast %get3A_445 : vector<1x16xf32> to vector<16xf32>
        %mul3A_447 = arith.mulf %get3A_446, %gather3A_406 : vector<16xf32>
        %swap3A_448 = arith.index_cast %add3A_378 : i32 to index
        %swap3A_449 = arith.constant 48 : index
        %swap3A_450 = tpu.vector_load %arg10[%swap3A_448, %swap3A_449] {strides = array<i32>} : memref<64x144xf32, #tpu.memory_space<vmem>>, vector<1x16xf32>,
        %swap3A_451 = vector.shape_cast %swap3A_450 : vector<1x16xf32> to vector<16xf32>
        %swap3A_452 = vector.shape_cast %mul3A_447 : vector<16xf32> to vector<1x16xf32>
        tpu.vector_store %arg10[%swap3A_448, %swap3A_449], %swap3A_452 {strides = array<i32>} : memref<64x144xf32, #tpu.memory_space<vmem>>, vector<1x16xf32>,
        %get3A_453 = arith.index_cast %add3A_378 : i32 to index
        %get3A_454 = arith.constant 64 : index
        %get3A_455 = tpu.vector_load %arg10[%get3A_453, %get3A_454] {strides = array<i32>} : memref<64x144xf32, #tpu.memory_space<vmem>>, vector<1x16xf32>,
        %get3A_456 = vector.shape_cast %get3A_455 : vector<1x16xf32> to vector<16xf32>
        %mul3A_457 = arith.mulf %get3A_456, %gather3A_409 : vector<16xf32>
        %swap3A_458 = arith.index_cast %add3A_378 : i32 to index
        %swap3A_459 = arith.constant 64 : index
        %swap3A_460 = tpu.vector_load %arg10[%swap3A_458, %swap3A_459] {strides = array<i32>} : memref<64x144xf32, #tpu.memory_space<vmem>>, vector<1x16xf32>,
        %swap3A_461 = vector.shape_cast %swap3A_460 : vector<1x16xf32> to vector<16xf32>
        %swap3A_462 = vector.shape_cast %mul3A_457 : vector<16xf32> to vector<1x16xf32>
        tpu.vector_store %arg10[%swap3A_458, %swap3A_459], %swap3A_462 {strides = array<i32>} : memref<64x144xf32, #tpu.memory_space<vmem>>, vector<1x16xf32>,
        %get3A_463 = arith.index_cast %add3A_378 : i32 to index
        %get3A_464 = arith.constant 80 : index
        %get3A_465 = tpu.vector_load %arg10[%get3A_463, %get3A_464] {strides = array<i32>} : memref<64x144xf32, #tpu.memory_space<vmem>>, vector<1x16xf32>,
        %get3A_466 = vector.shape_cast %get3A_465 : vector<1x16xf32> to vector<16xf32>
        %mul3A_467 = arith.mulf %get3A_466, %gather3A_409 : vector<16xf32>
        %swap3A_468 = arith.index_cast %add3A_378 : i32 to index
        %swap3A_469 = arith.constant 80 : index
        %swap3A_470 = tpu.vector_load %arg10[%swap3A_468, %swap3A_469] {strides = array<i32>} : memref<64x144xf32, #tpu.memory_space<vmem>>, vector<1x16xf32>,
        %swap3A_471 = vector.shape_cast %swap3A_470 : vector<1x16xf32> to vector<16xf32>
        %swap3A_472 = vector.shape_cast %mul3A_467 : vector<16xf32> to vector<1x16xf32>
        tpu.vector_store %arg10[%swap3A_468, %swap3A_469], %swap3A_472 {strides = array<i32>} : memref<64x144xf32, #tpu.memory_space<vmem>>, vector<1x16xf32>,
        %get3A_473 = arith.index_cast %add3A_378 : i32 to index
        %get3A_474 = arith.constant 96 : index
        %get3A_475 = tpu.vector_load %arg10[%get3A_473, %get3A_474] {strides = array<i32>} : memref<64x144xf32, #tpu.memory_space<vmem>>, vector<1x16xf32>,
        %get3A_476 = vector.shape_cast %get3A_475 : vector<1x16xf32> to vector<16xf32>
        %mul3A_477 = arith.mulf %get3A_476, %gather3A_412 : vector<16xf32>
        %swap3A_478 = arith.index_cast %add3A_378 : i32 to index
        %swap3A_479 = arith.constant 96 : index
        %swap3A_480 = tpu.vector_load %arg10[%swap3A_478, %swap3A_479] {strides = array<i32>} : memref<64x144xf32, #tpu.memory_space<vmem>>, vector<1x16xf32>,
        %swap3A_481 = vector.shape_cast %swap3A_480 : vector<1x16xf32> to vector<16xf32>
        %swap3A_482 = vector.shape_cast %mul3A_477 : vector<16xf32> to vector<1x16xf32>
        tpu.vector_store %arg10[%swap3A_478, %swap3A_479], %swap3A_482 {strides = array<i32>} : memref<64x144xf32, #tpu.memory_space<vmem>>, vector<1x16xf32>,
        %get3A_483 = arith.index_cast %add3A_378 : i32 to index
        %get3A_484 = arith.constant 112 : index
        %get3A_485 = tpu.vector_load %arg10[%get3A_483, %get3A_484] {strides = array<i32>} : memref<64x144xf32, #tpu.memory_space<vmem>>, vector<1x16xf32>,
        %get3A_486 = vector.shape_cast %get3A_485 : vector<1x16xf32> to vector<16xf32>
        %mul3A_487 = arith.mulf %get3A_486, %gather3A_412 : vector<16xf32>
        %swap3A_488 = arith.index_cast %add3A_378 : i32 to index
        %swap3A_489 = arith.constant 112 : index
        %swap3A_490 = tpu.vector_load %arg10[%swap3A_488, %swap3A_489] {strides = array<i32>} : memref<64x144xf32, #tpu.memory_space<vmem>>, vector<1x16xf32>,
        %swap3A_491 = vector.shape_cast %swap3A_490 : vector<1x16xf32> to vector<16xf32>
        %swap3A_492 = vector.shape_cast %mul3A_487 : vector<16xf32> to vector<1x16xf32>
        tpu.vector_store %arg10[%swap3A_488, %swap3A_489], %swap3A_492 {strides = array<i32>} : memref<64x144xf32, #tpu.memory_space<vmem>>, vector<1x16xf32>,
        %scan3A_493 = arith.constant 0 : i32
        scf.yield %scan3A_493 : i32
      }
      %scan3A_209 = arith.constant 32 : i32
      %dma_start3A_210 = arith.constant 1 : i32
      %dma_start3A_211 = arith.constant 0 : i32
      %dma_start3A_212 = tpu.memref_slice %arg7[%dma_start3A_210, %dma_start3A_211] : memref<2x64xi32, #tpu.memory_space<vmem>> -> memref<1x64xi32, #tpu.memory_space<vmem>>
      %dma_start3A_213 = tpu.memref_squeeze %dma_start3A_212 : memref<1x64xi32, #tpu.memory_space<vmem>> -> memref<64xi32, #tpu.memory_space<vmem>>
      %dma_start3A_214 = arith.constant 0 : i32
      %dma_start3A_215 = arith.constant 0 : i32
      %dma_start3A_216 = tpu.memref_slice %arg15[%dma_start3A_214, %dma_start3A_215] : memref<10240x144xf32, #tpu.memory_space<vmem_shared>> -> memref<10240x144xf32, #tpu.memory_space<vmem_shared>>
      tpu.enqueue_indirect_dma source(%arg10 : memref<64x144xf32, #tpu.memory_space<vmem>>) target(%dma_start3A_216 : memref<10240x144xf32, #tpu.memory_space<vmem_shared>>) offsets(%dma_start3A_213 : memref<64xi32, #tpu.memory_space<vmem>>) semaphore(%arg20 : memref<!tpu.dma_semaphore, #tpu.memory_space<semaphore_mem>>) {add = true}
      %mul3A_217 = arith.constant 3 : i32
      %mul3A_218 = arith.muli %mul3A_217, %scan3A_116 : i32
      %add3A_219 = arith.constant 2 : i32
      %add3A_220 = arith.addi %mul3A_218, %add3A_219 : i32
      %dma_wait3A_221 = arith.constant 1 : i32
      %dma_wait3A_222 = arith.constant 0 : i32
      %dma_wait3A_223 = tpu.memref_slice %arg7[%dma_wait3A_221, %dma_wait3A_222] : memref<2x64xi32, #tpu.memory_space<vmem>> -> memref<1x64xi32, #tpu.memory_space<vmem>>
      %dma_wait3A_224 = tpu.memref_squeeze %dma_wait3A_223 : memref<1x64xi32, #tpu.memory_space<vmem>> -> memref<64xi32, #tpu.memory_space<vmem>>
      %dma_wait3A_225 = arith.constant 0 : i32
      %dma_wait3A_226 = arith.constant 0 : i32
      %dma_wait3A_227 = tpu.memref_slice %arg15[%dma_wait3A_225, %dma_wait3A_226] : memref<10240x144xf32, #tpu.memory_space<vmem_shared>> -> memref<10240x144xf32, #tpu.memory_space<vmem_shared>>
      tpu.wait_indirect_dma semaphore(%arg20 : memref<!tpu.dma_semaphore, #tpu.memory_space<semaphore_mem>>) src(%arg10 : memref<64x144xf32, #tpu.memory_space<vmem>>) dst(%dma_wait3A_227 : memref<10240x144xf32, #tpu.memory_space<vmem_shared>>)
      %lt3A_228 = arith.constant 53 : i32
      %lt3A_229 = arith.cmpi slt, %scan3A_116, %lt3A_228 : i32
      %convert_element_type3A_230 = arith.extui %lt3A_229 : i1 to i32
      %cond3A_231 = arith.constant 0 : i32
      %cond3A_232 = arith.cmpi ne, %convert_element_type3A_230, %cond3A_231 : i32
      scf.if %cond3A_232 {
        %add3A_262 = arith.constant 2 : i32
        %add3A_263 = arith.addi %add3A_220, %add3A_262 : i32
        %mul3A_264 = arith.constant 162 : i32
        %mul3A_265 = arith.muli %add3A_55, %mul3A_264 : i32
        %add3A_266 = arith.addi %mul3A_265, %add3A_263 : i32
        %mul3A_267 = arith.constant 2 : i32
        %mul3A_268 = arith.muli %add3A_266, %mul3A_267 : i32
        "tpu.region"() ({
          %run_scoped3A = tpu.sem_alloc : memref<!tpu.dma_semaphore, #tpu.memory_space<semaphore_mem>>
          %dma_start3A_283 = arith.constant 0 : i32
          %dma_start3A_284 = tpu.memref_slice %arg4[%mul3A_268, %dma_start3A_283] : memref<10368x64xi32, #tpu.memory_space<hbm>> -> memref<2x64xi32, #tpu.memory_space<hbm>>
          %dma_start3A_285 = arith.constant 0 : i32
          %dma_start3A_286 = tpu.memref_slice %arg4[%mul3A_268, %dma_start3A_285] : memref<10368x64xi32, #tpu.memory_space<hbm>> -> memref<2x64xi32, #tpu.memory_space<hbm>>
          tpu.enqueue_dma source(%dma_start3A_286 : memref<2x64xi32, #tpu.memory_space<hbm>>) target(%arg7 : memref<2x64xi32, #tpu.memory_space<vmem>>) target_semaphore(%run_scoped3A : memref<!tpu.dma_semaphore, #tpu.memory_space<semaphore_mem>>)
          %dma_wait3A_287 = arith.constant 0 : i32
          %dma_wait3A_288 = tpu.memref_slice %arg4[%mul3A_268, %dma_wait3A_287] : memref<10368x64xi32, #tpu.memory_space<hbm>> -> memref<2x64xi32, #tpu.memory_space<hbm>>
          %dma_wait3A_289 = arith.constant 0 : i32
          %dma_wait3A_290 = tpu.memref_slice %arg4[%mul3A_268, %dma_wait3A_289] : memref<10368x64xi32, #tpu.memory_space<hbm>> -> memref<2x64xi32, #tpu.memory_space<hbm>>
          tpu.wait_dma2 semaphore(%run_scoped3A : memref<!tpu.dma_semaphore, #tpu.memory_space<semaphore_mem>>) src(%dma_wait3A_290 : memref<2x64xi32, #tpu.memory_space<hbm>>) dst(%arg7 : memref<2x64xi32, #tpu.memory_space<vmem>>)
          tpu.yield
        }) : () -> ()
        %dma_start3A_269 = arith.constant 0 : i32
        %dma_start3A_270 = arith.constant 0 : i32
        %dma_start3A_271 = tpu.memref_slice %arg7[%dma_start3A_269, %dma_start3A_270] : memref<2x64xi32, #tpu.memory_space<vmem>> -> memref<1x64xi32, #tpu.memory_space<vmem>>
        %dma_start3A_272 = tpu.memref_squeeze %dma_start3A_271 : memref<1x64xi32, #tpu.memory_space<vmem>> -> memref<64xi32, #tpu.memory_space<vmem>>
        %dma_start3A_273 = arith.constant 0 : i32
        %dma_start3A_274 = arith.constant 0 : i32
        %dma_start3A_275 = tpu.memref_slice %arg2[%dma_start3A_273, %dma_start3A_274] : memref<10240x144xf32, #tpu.memory_space<hbm>> -> memref<10240x144xf32, #tpu.memory_space<hbm>>
        tpu.enqueue_indirect_dma source(%dma_start3A_275 : memref<10240x144xf32, #tpu.memory_space<hbm>>) target(%arg10 : memref<64x144xf32, #tpu.memory_space<vmem>>) offsets(%dma_start3A_272 : memref<64xi32, #tpu.memory_space<vmem>>) semaphore(%arg17 : memref<!tpu.dma_semaphore, #tpu.memory_space<semaphore_mem>>)
        %dma_start3A_276 = arith.constant 1 : i32
        %dma_start3A_277 = arith.constant 0 : i32
        %dma_start3A_278 = tpu.memref_slice %arg7[%dma_start3A_276, %dma_start3A_277] : memref<2x64xi32, #tpu.memory_space<vmem>> -> memref<1x64xi32, #tpu.memory_space<vmem>>
        %dma_start3A_279 = tpu.memref_squeeze %dma_start3A_278 : memref<1x64xi32, #tpu.memory_space<vmem>> -> memref<64xi32, #tpu.memory_space<vmem>>
        %dma_start3A_280 = arith.constant 0 : i32
        %dma_start3A_281 = arith.constant 0 : i32
        %dma_start3A_282 = tpu.memref_slice %arg3[%dma_start3A_280, %dma_start3A_281] : memref<10240x16xf32, #tpu.memory_space<hbm>> -> memref<10240x16xf32, #tpu.memory_space<hbm>>
        tpu.enqueue_indirect_dma source(%dma_start3A_282 : memref<10240x16xf32, #tpu.memory_space<hbm>>) target(%arg13 : memref<64x16xf32, #tpu.memory_space<vmem>>) offsets(%dma_start3A_279 : memref<64xi32, #tpu.memory_space<vmem>>) semaphore(%arg17 : memref<!tpu.dma_semaphore, #tpu.memory_space<semaphore_mem>>)
      } else {
      }
      %dma_wait3A_233 = arith.constant 0 : i32
      %dma_wait3A_234 = arith.constant 0 : i32
      %dma_wait3A_235 = tpu.memref_slice %arg8[%dma_wait3A_233, %dma_wait3A_234] : memref<2x64xi32, #tpu.memory_space<vmem>> -> memref<1x64xi32, #tpu.memory_space<vmem>>
      %dma_wait3A_236 = tpu.memref_squeeze %dma_wait3A_235 : memref<1x64xi32, #tpu.memory_space<vmem>> -> memref<64xi32, #tpu.memory_space<vmem>>
      %dma_wait3A_237 = arith.constant 0 : i32
      %dma_wait3A_238 = arith.constant 0 : i32
      %dma_wait3A_239 = tpu.memref_slice %arg2[%dma_wait3A_237, %dma_wait3A_238] : memref<10240x144xf32, #tpu.memory_space<hbm>> -> memref<10240x144xf32, #tpu.memory_space<hbm>>
      tpu.wait_indirect_dma semaphore(%arg18 : memref<!tpu.dma_semaphore, #tpu.memory_space<semaphore_mem>>) src(%dma_wait3A_239 : memref<10240x144xf32, #tpu.memory_space<hbm>>) dst(%arg11 : memref<64x144xf32, #tpu.memory_space<vmem>>)
      %dma_wait3A_240 = arith.constant 1 : i32
      %dma_wait3A_241 = arith.constant 0 : i32
      %dma_wait3A_242 = tpu.memref_slice %arg8[%dma_wait3A_240, %dma_wait3A_241] : memref<2x64xi32, #tpu.memory_space<vmem>> -> memref<1x64xi32, #tpu.memory_space<vmem>>
      %dma_wait3A_243 = tpu.memref_squeeze %dma_wait3A_242 : memref<1x64xi32, #tpu.memory_space<vmem>> -> memref<64xi32, #tpu.memory_space<vmem>>
      %dma_wait3A_244 = arith.constant 0 : i32
      %dma_wait3A_245 = arith.constant 0 : i32
      %dma_wait3A_246 = tpu.memref_slice %arg3[%dma_wait3A_244, %dma_wait3A_245] : memref<10240x16xf32, #tpu.memory_space<hbm>> -> memref<10240x16xf32, #tpu.memory_space<hbm>>
      tpu.wait_indirect_dma semaphore(%arg18 : memref<!tpu.dma_semaphore, #tpu.memory_space<semaphore_mem>>) src(%dma_wait3A_246 : memref<10240x16xf32, #tpu.memory_space<hbm>>) dst(%arg14 : memref<64x16xf32, #tpu.memory_space<vmem>>)
      %scan3A_247 = arith.constant 0 : i32
      %scan3A_248 = arith.constant 0 : i32
      %scan3A_249 = arith.constant 32 : i32
      %scan3A_250 = arith.addi %scan3A_248, %scan3A_249 : i32
      %scan3A_251 = arith.constant 1 : i32
      %scan3A_252 = scf.for %scan3A_262 = %scan3A_248 to %scan3A_250 step %scan3A_251 iter_args(%scan3A_263 = %scan3A_247) -> (i32)  : i32 {
        %mul3A_264 = arith.constant 2 : i32
        %mul3A_265 = arith.muli %mul3A_264, %scan3A_262 : i32
        %add3A_266 = arith.constant 0 : i32
        %add3A_267 = arith.addi %mul3A_265, %add3A_266 : i32
        %get3A = arith.index_cast %add3A_267 : i32 to index
        %get3A_268 = arith.constant 128 : index
        %get3A_269 = tpu.vector_load %arg11[%get3A, %get3A_268] {strides = array<i32>} : memref<64x144xf32, #tpu.memory_space<vmem>>, vector<1x16xf32>,
        %get3A_270 = vector.shape_cast %get3A_269 : vector<1x16xf32> to vector<16xf32>
        %get3A_271 = arith.index_cast %add3A_267 : i32 to index
        %get3A_272 = arith.constant 0 : index
        %get3A_273 = tpu.vector_load %arg14[%get3A_271, %get3A_272] {strides = array<i32>} : memref<64x16xf32, #tpu.memory_space<vmem>>, vector<1x16xf32>,
        %get3A_274 = vector.shape_cast %get3A_273 : vector<1x16xf32> to vector<16xf32>
        %add3A_275 = arith.addf %get3A_270, %get3A_274 : vector<16xf32>
        %mul3A_276 = arith.constant 2.000000e-01 : f32
        %mul3A_277 = vector.broadcast %mul3A_276 : f32 to vector<16xf32>
        %mul3A_278 = arith.mulf %mul3A_277, %add3A_275 : vector<16xf32>
        %max3A = arith.maximumf %add3A_275, %mul3A_278 : vector<16xf32>
        %exp3A = math.exp %max3A : vector<16xf32>
        %jit3A = arith.constant 0.000000e+00 : f32
        %broadcast_in_dim3A_279 = vector.broadcast %jit3A : f32 to vector<16xf32>
        %select_n3A = arith.select %lt3A_45, %exp3A, %broadcast_in_dim3A_279 : vector<16xi1>, vector<16xf32>
        %swap3A = arith.index_cast %add3A_267 : i32 to index
        %swap3A_280 = arith.constant 128 : index
        %swap3A_281 = tpu.vector_load %arg11[%swap3A, %swap3A_280] {strides = array<i32>} : memref<64x144xf32, #tpu.memory_space<vmem>>, vector<1x16xf32>,
        %swap3A_282 = vector.shape_cast %swap3A_281 : vector<1x16xf32> to vector<16xf32>
        %swap3A_283 = vector.shape_cast %select_n3A : vector<16xf32> to vector<1x16xf32>
        tpu.vector_store %arg11[%swap3A, %swap3A_280], %swap3A_283 {strides = array<i32>} : memref<64x144xf32, #tpu.memory_space<vmem>>, vector<1x16xf32>,
        %broadcast_in_dim3A_284 = vector.shape_cast %broadcast_in_dim3A_46 : vector<16xi32> to vector<16x1xi32>
        %gather3A = vector.shape_cast %broadcast_in_dim3A_284 : vector<16x1xi32> to vector<16xi32>
        %gather3A_285 = tpu.dynamic_gather %exp3A[%gather3A] in [0] : vector<16xf32>, vector<16xi32> -> vector<16xf32>
        %broadcast_in_dim3A_286 = vector.shape_cast %broadcast_in_dim3A_48 : vector<16xi32> to vector<16x1xi32>
        %gather3A_287 = vector.shape_cast %broadcast_in_dim3A_286 : vector<16x1xi32> to vector<16xi32>
        %gather3A_288 = tpu.dynamic_gather %exp3A[%gather3A_287] in [0] : vector<16xf32>, vector<16xi32> -> vector<16xf32>
        %broadcast_in_dim3A_289 = vector.shape_cast %broadcast_in_dim3A_50 : vector<16xi32> to vector<16x1xi32>
        %gather3A_290 = vector.shape_cast %broadcast_in_dim3A_289 : vector<16x1xi32> to vector<16xi32>
        %gather3A_291 = tpu.dynamic_gather %exp3A[%gather3A_290] in [0] : vector<16xf32>, vector<16xi32> -> vector<16xf32>
        %broadcast_in_dim3A_292 = vector.shape_cast %broadcast_in_dim3A_52 : vector<16xi32> to vector<16x1xi32>
        %gather3A_293 = vector.shape_cast %broadcast_in_dim3A_292 : vector<16x1xi32> to vector<16xi32>
        %gather3A_294 = tpu.dynamic_gather %exp3A[%gather3A_293] in [0] : vector<16xf32>, vector<16xi32> -> vector<16xf32>
        %get3A_295 = arith.index_cast %add3A_267 : i32 to index
        %get3A_296 = arith.constant 0 : index
        %get3A_297 = tpu.vector_load %arg11[%get3A_295, %get3A_296] {strides = array<i32>} : memref<64x144xf32, #tpu.memory_space<vmem>>, vector<1x16xf32>,
        %get3A_298 = vector.shape_cast %get3A_297 : vector<1x16xf32> to vector<16xf32>
        %mul3A_299 = arith.mulf %get3A_298, %gather3A_285 : vector<16xf32>
        %swap3A_300 = arith.index_cast %add3A_267 : i32 to index
        %swap3A_301 = arith.constant 0 : index
        %swap3A_302 = tpu.vector_load %arg11[%swap3A_300, %swap3A_301] {strides = array<i32>} : memref<64x144xf32, #tpu.memory_space<vmem>>, vector<1x16xf32>,
        %swap3A_303 = vector.shape_cast %swap3A_302 : vector<1x16xf32> to vector<16xf32>
        %swap3A_304 = vector.shape_cast %mul3A_299 : vector<16xf32> to vector<1x16xf32>
        tpu.vector_store %arg11[%swap3A_300, %swap3A_301], %swap3A_304 {strides = array<i32>} : memref<64x144xf32, #tpu.memory_space<vmem>>, vector<1x16xf32>,
        %get3A_305 = arith.index_cast %add3A_267 : i32 to index
        %get3A_306 = arith.constant 16 : index
        %get3A_307 = tpu.vector_load %arg11[%get3A_305, %get3A_306] {strides = array<i32>} : memref<64x144xf32, #tpu.memory_space<vmem>>, vector<1x16xf32>,
        %get3A_308 = vector.shape_cast %get3A_307 : vector<1x16xf32> to vector<16xf32>
        %mul3A_309 = arith.mulf %get3A_308, %gather3A_285 : vector<16xf32>
        %swap3A_310 = arith.index_cast %add3A_267 : i32 to index
        %swap3A_311 = arith.constant 16 : index
        %swap3A_312 = tpu.vector_load %arg11[%swap3A_310, %swap3A_311] {strides = array<i32>} : memref<64x144xf32, #tpu.memory_space<vmem>>, vector<1x16xf32>,
        %swap3A_313 = vector.shape_cast %swap3A_312 : vector<1x16xf32> to vector<16xf32>
        %swap3A_314 = vector.shape_cast %mul3A_309 : vector<16xf32> to vector<1x16xf32>
        tpu.vector_store %arg11[%swap3A_310, %swap3A_311], %swap3A_314 {strides = array<i32>} : memref<64x144xf32, #tpu.memory_space<vmem>>, vector<1x16xf32>,
        %get3A_315 = arith.index_cast %add3A_267 : i32 to index
        %get3A_316 = arith.constant 32 : index
        %get3A_317 = tpu.vector_load %arg11[%get3A_315, %get3A_316] {strides = array<i32>} : memref<64x144xf32, #tpu.memory_space<vmem>>, vector<1x16xf32>,
        %get3A_318 = vector.shape_cast %get3A_317 : vector<1x16xf32> to vector<16xf32>
        %mul3A_319 = arith.mulf %get3A_318, %gather3A_288 : vector<16xf32>
        %swap3A_320 = arith.index_cast %add3A_267 : i32 to index
        %swap3A_321 = arith.constant 32 : index
        %swap3A_322 = tpu.vector_load %arg11[%swap3A_320, %swap3A_321] {strides = array<i32>} : memref<64x144xf32, #tpu.memory_space<vmem>>, vector<1x16xf32>,
        %swap3A_323 = vector.shape_cast %swap3A_322 : vector<1x16xf32> to vector<16xf32>
        %swap3A_324 = vector.shape_cast %mul3A_319 : vector<16xf32> to vector<1x16xf32>
        tpu.vector_store %arg11[%swap3A_320, %swap3A_321], %swap3A_324 {strides = array<i32>} : memref<64x144xf32, #tpu.memory_space<vmem>>, vector<1x16xf32>,
        %get3A_325 = arith.index_cast %add3A_267 : i32 to index
        %get3A_326 = arith.constant 48 : index
        %get3A_327 = tpu.vector_load %arg11[%get3A_325, %get3A_326] {strides = array<i32>} : memref<64x144xf32, #tpu.memory_space<vmem>>, vector<1x16xf32>,
        %get3A_328 = vector.shape_cast %get3A_327 : vector<1x16xf32> to vector<16xf32>
        %mul3A_329 = arith.mulf %get3A_328, %gather3A_288 : vector<16xf32>
        %swap3A_330 = arith.index_cast %add3A_267 : i32 to index
        %swap3A_331 = arith.constant 48 : index
        %swap3A_332 = tpu.vector_load %arg11[%swap3A_330, %swap3A_331] {strides = array<i32>} : memref<64x144xf32, #tpu.memory_space<vmem>>, vector<1x16xf32>,
        %swap3A_333 = vector.shape_cast %swap3A_332 : vector<1x16xf32> to vector<16xf32>
        %swap3A_334 = vector.shape_cast %mul3A_329 : vector<16xf32> to vector<1x16xf32>
        tpu.vector_store %arg11[%swap3A_330, %swap3A_331], %swap3A_334 {strides = array<i32>} : memref<64x144xf32, #tpu.memory_space<vmem>>, vector<1x16xf32>,
        %get3A_335 = arith.index_cast %add3A_267 : i32 to index
        %get3A_336 = arith.constant 64 : index
        %get3A_337 = tpu.vector_load %arg11[%get3A_335, %get3A_336] {strides = array<i32>} : memref<64x144xf32, #tpu.memory_space<vmem>>, vector<1x16xf32>,
        %get3A_338 = vector.shape_cast %get3A_337 : vector<1x16xf32> to vector<16xf32>
        %mul3A_339 = arith.mulf %get3A_338, %gather3A_291 : vector<16xf32>
        %swap3A_340 = arith.index_cast %add3A_267 : i32 to index
        %swap3A_341 = arith.constant 64 : index
        %swap3A_342 = tpu.vector_load %arg11[%swap3A_340, %swap3A_341] {strides = array<i32>} : memref<64x144xf32, #tpu.memory_space<vmem>>, vector<1x16xf32>,
        %swap3A_343 = vector.shape_cast %swap3A_342 : vector<1x16xf32> to vector<16xf32>
        %swap3A_344 = vector.shape_cast %mul3A_339 : vector<16xf32> to vector<1x16xf32>
        tpu.vector_store %arg11[%swap3A_340, %swap3A_341], %swap3A_344 {strides = array<i32>} : memref<64x144xf32, #tpu.memory_space<vmem>>, vector<1x16xf32>,
        %get3A_345 = arith.index_cast %add3A_267 : i32 to index
        %get3A_346 = arith.constant 80 : index
        %get3A_347 = tpu.vector_load %arg11[%get3A_345, %get3A_346] {strides = array<i32>} : memref<64x144xf32, #tpu.memory_space<vmem>>, vector<1x16xf32>,
        %get3A_348 = vector.shape_cast %get3A_347 : vector<1x16xf32> to vector<16xf32>
        %mul3A_349 = arith.mulf %get3A_348, %gather3A_291 : vector<16xf32>
        %swap3A_350 = arith.index_cast %add3A_267 : i32 to index
        %swap3A_351 = arith.constant 80 : index
        %swap3A_352 = tpu.vector_load %arg11[%swap3A_350, %swap3A_351] {strides = array<i32>} : memref<64x144xf32, #tpu.memory_space<vmem>>, vector<1x16xf32>,
        %swap3A_353 = vector.shape_cast %swap3A_352 : vector<1x16xf32> to vector<16xf32>
        %swap3A_354 = vector.shape_cast %mul3A_349 : vector<16xf32> to vector<1x16xf32>
        tpu.vector_store %arg11[%swap3A_350, %swap3A_351], %swap3A_354 {strides = array<i32>} : memref<64x144xf32, #tpu.memory_space<vmem>>, vector<1x16xf32>,
        %get3A_355 = arith.index_cast %add3A_267 : i32 to index
        %get3A_356 = arith.constant 96 : index
        %get3A_357 = tpu.vector_load %arg11[%get3A_355, %get3A_356] {strides = array<i32>} : memref<64x144xf32, #tpu.memory_space<vmem>>, vector<1x16xf32>,
        %get3A_358 = vector.shape_cast %get3A_357 : vector<1x16xf32> to vector<16xf32>
        %mul3A_359 = arith.mulf %get3A_358, %gather3A_294 : vector<16xf32>
        %swap3A_360 = arith.index_cast %add3A_267 : i32 to index
        %swap3A_361 = arith.constant 96 : index
        %swap3A_362 = tpu.vector_load %arg11[%swap3A_360, %swap3A_361] {strides = array<i32>} : memref<64x144xf32, #tpu.memory_space<vmem>>, vector<1x16xf32>,
        %swap3A_363 = vector.shape_cast %swap3A_362 : vector<1x16xf32> to vector<16xf32>
        %swap3A_364 = vector.shape_cast %mul3A_359 : vector<16xf32> to vector<1x16xf32>
        tpu.vector_store %arg11[%swap3A_360, %swap3A_361], %swap3A_364 {strides = array<i32>} : memref<64x144xf32, #tpu.memory_space<vmem>>, vector<1x16xf32>,
        %get3A_365 = arith.index_cast %add3A_267 : i32 to index
        %get3A_366 = arith.constant 112 : index
        %get3A_367 = tpu.vector_load %arg11[%get3A_365, %get3A_366] {strides = array<i32>} : memref<64x144xf32, #tpu.memory_space<vmem>>, vector<1x16xf32>,
        %get3A_368 = vector.shape_cast %get3A_367 : vector<1x16xf32> to vector<16xf32>
        %mul3A_369 = arith.mulf %get3A_368, %gather3A_294 : vector<16xf32>
        %swap3A_370 = arith.index_cast %add3A_267 : i32 to index
        %swap3A_371 = arith.constant 112 : index
        %swap3A_372 = tpu.vector_load %arg11[%swap3A_370, %swap3A_371] {strides = array<i32>} : memref<64x144xf32, #tpu.memory_space<vmem>>, vector<1x16xf32>,
        %swap3A_373 = vector.shape_cast %swap3A_372 : vector<1x16xf32> to vector<16xf32>
        %swap3A_374 = vector.shape_cast %mul3A_369 : vector<16xf32> to vector<1x16xf32>
        tpu.vector_store %arg11[%swap3A_370, %swap3A_371], %swap3A_374 {strides = array<i32>} : memref<64x144xf32, #tpu.memory_space<vmem>>, vector<1x16xf32>,
        %mul3A_375 = arith.constant 2 : i32
        %mul3A_376 = arith.muli %mul3A_375, %scan3A_262 : i32
        %add3A_377 = arith.constant 1 : i32
        %add3A_378 = arith.addi %mul3A_376, %add3A_377 : i32
        %get3A_379 = arith.index_cast %add3A_378 : i32 to index
        %get3A_380 = arith.constant 128 : index
        %get3A_381 = tpu.vector_load %arg11[%get3A_379, %get3A_380] {strides = array<i32>} : memref<64x144xf32, #tpu.memory_space<vmem>>, vector<1x16xf32>,
        %get3A_382 = vector.shape_cast %get3A_381 : vector<1x16xf32> to vector<16xf32>
        %get3A_383 = arith.index_cast %add3A_378 : i32 to index
        %get3A_384 = arith.constant 0 : index
        %get3A_385 = tpu.vector_load %arg14[%get3A_383, %get3A_384] {strides = array<i32>} : memref<64x16xf32, #tpu.memory_space<vmem>>, vector<1x16xf32>,
        %get3A_386 = vector.shape_cast %get3A_385 : vector<1x16xf32> to vector<16xf32>
        %add3A_387 = arith.addf %get3A_382, %get3A_386 : vector<16xf32>
        %mul3A_388 = arith.constant 2.000000e-01 : f32
        %mul3A_389 = vector.broadcast %mul3A_388 : f32 to vector<16xf32>
        %mul3A_390 = arith.mulf %mul3A_389, %add3A_387 : vector<16xf32>
        %max3A_391 = arith.maximumf %add3A_387, %mul3A_390 : vector<16xf32>
        %exp3A_392 = math.exp %max3A_391 : vector<16xf32>
        %jit3A_393 = arith.constant 0.000000e+00 : f32
        %broadcast_in_dim3A_394 = vector.broadcast %jit3A_393 : f32 to vector<16xf32>
        %select_n3A_395 = arith.select %lt3A_45, %exp3A_392, %broadcast_in_dim3A_394 : vector<16xi1>, vector<16xf32>
        %swap3A_396 = arith.index_cast %add3A_378 : i32 to index
        %swap3A_397 = arith.constant 128 : index
        %swap3A_398 = tpu.vector_load %arg11[%swap3A_396, %swap3A_397] {strides = array<i32>} : memref<64x144xf32, #tpu.memory_space<vmem>>, vector<1x16xf32>,
        %swap3A_399 = vector.shape_cast %swap3A_398 : vector<1x16xf32> to vector<16xf32>
        %swap3A_400 = vector.shape_cast %select_n3A_395 : vector<16xf32> to vector<1x16xf32>
        tpu.vector_store %arg11[%swap3A_396, %swap3A_397], %swap3A_400 {strides = array<i32>} : memref<64x144xf32, #tpu.memory_space<vmem>>, vector<1x16xf32>,
        %broadcast_in_dim3A_401 = vector.shape_cast %broadcast_in_dim3A_46 : vector<16xi32> to vector<16x1xi32>
        %gather3A_402 = vector.shape_cast %broadcast_in_dim3A_401 : vector<16x1xi32> to vector<16xi32>
        %gather3A_403 = tpu.dynamic_gather %exp3A_392[%gather3A_402] in [0] : vector<16xf32>, vector<16xi32> -> vector<16xf32>
        %broadcast_in_dim3A_404 = vector.shape_cast %broadcast_in_dim3A_48 : vector<16xi32> to vector<16x1xi32>
        %gather3A_405 = vector.shape_cast %broadcast_in_dim3A_404 : vector<16x1xi32> to vector<16xi32>
        %gather3A_406 = tpu.dynamic_gather %exp3A_392[%gather3A_405] in [0] : vector<16xf32>, vector<16xi32> -> vector<16xf32>
        %broadcast_in_dim3A_407 = vector.shape_cast %broadcast_in_dim3A_50 : vector<16xi32> to vector<16x1xi32>
        %gather3A_408 = vector.shape_cast %broadcast_in_dim3A_407 : vector<16x1xi32> to vector<16xi32>
        %gather3A_409 = tpu.dynamic_gather %exp3A_392[%gather3A_408] in [0] : vector<16xf32>, vector<16xi32> -> vector<16xf32>
        %broadcast_in_dim3A_410 = vector.shape_cast %broadcast_in_dim3A_52 : vector<16xi32> to vector<16x1xi32>
        %gather3A_411 = vector.shape_cast %broadcast_in_dim3A_410 : vector<16x1xi32> to vector<16xi32>
        %gather3A_412 = tpu.dynamic_gather %exp3A_392[%gather3A_411] in [0] : vector<16xf32>, vector<16xi32> -> vector<16xf32>
        %get3A_413 = arith.index_cast %add3A_378 : i32 to index
        %get3A_414 = arith.constant 0 : index
        %get3A_415 = tpu.vector_load %arg11[%get3A_413, %get3A_414] {strides = array<i32>} : memref<64x144xf32, #tpu.memory_space<vmem>>, vector<1x16xf32>,
        %get3A_416 = vector.shape_cast %get3A_415 : vector<1x16xf32> to vector<16xf32>
        %mul3A_417 = arith.mulf %get3A_416, %gather3A_403 : vector<16xf32>
        %swap3A_418 = arith.index_cast %add3A_378 : i32 to index
        %swap3A_419 = arith.constant 0 : index
        %swap3A_420 = tpu.vector_load %arg11[%swap3A_418, %swap3A_419] {strides = array<i32>} : memref<64x144xf32, #tpu.memory_space<vmem>>, vector<1x16xf32>,
        %swap3A_421 = vector.shape_cast %swap3A_420 : vector<1x16xf32> to vector<16xf32>
        %swap3A_422 = vector.shape_cast %mul3A_417 : vector<16xf32> to vector<1x16xf32>
        tpu.vector_store %arg11[%swap3A_418, %swap3A_419], %swap3A_422 {strides = array<i32>} : memref<64x144xf32, #tpu.memory_space<vmem>>, vector<1x16xf32>,
        %get3A_423 = arith.index_cast %add3A_378 : i32 to index
        %get3A_424 = arith.constant 16 : index
        %get3A_425 = tpu.vector_load %arg11[%get3A_423, %get3A_424] {strides = array<i32>} : memref<64x144xf32, #tpu.memory_space<vmem>>, vector<1x16xf32>,
        %get3A_426 = vector.shape_cast %get3A_425 : vector<1x16xf32> to vector<16xf32>
        %mul3A_427 = arith.mulf %get3A_426, %gather3A_403 : vector<16xf32>
        %swap3A_428 = arith.index_cast %add3A_378 : i32 to index
        %swap3A_429 = arith.constant 16 : index
        %swap3A_430 = tpu.vector_load %arg11[%swap3A_428, %swap3A_429] {strides = array<i32>} : memref<64x144xf32, #tpu.memory_space<vmem>>, vector<1x16xf32>,
        %swap3A_431 = vector.shape_cast %swap3A_430 : vector<1x16xf32> to vector<16xf32>
        %swap3A_432 = vector.shape_cast %mul3A_427 : vector<16xf32> to vector<1x16xf32>
        tpu.vector_store %arg11[%swap3A_428, %swap3A_429], %swap3A_432 {strides = array<i32>} : memref<64x144xf32, #tpu.memory_space<vmem>>, vector<1x16xf32>,
        %get3A_433 = arith.index_cast %add3A_378 : i32 to index
        %get3A_434 = arith.constant 32 : index
        %get3A_435 = tpu.vector_load %arg11[%get3A_433, %get3A_434] {strides = array<i32>} : memref<64x144xf32, #tpu.memory_space<vmem>>, vector<1x16xf32>,
        %get3A_436 = vector.shape_cast %get3A_435 : vector<1x16xf32> to vector<16xf32>
        %mul3A_437 = arith.mulf %get3A_436, %gather3A_406 : vector<16xf32>
        %swap3A_438 = arith.index_cast %add3A_378 : i32 to index
        %swap3A_439 = arith.constant 32 : index
        %swap3A_440 = tpu.vector_load %arg11[%swap3A_438, %swap3A_439] {strides = array<i32>} : memref<64x144xf32, #tpu.memory_space<vmem>>, vector<1x16xf32>,
        %swap3A_441 = vector.shape_cast %swap3A_440 : vector<1x16xf32> to vector<16xf32>
        %swap3A_442 = vector.shape_cast %mul3A_437 : vector<16xf32> to vector<1x16xf32>
        tpu.vector_store %arg11[%swap3A_438, %swap3A_439], %swap3A_442 {strides = array<i32>} : memref<64x144xf32, #tpu.memory_space<vmem>>, vector<1x16xf32>,
        %get3A_443 = arith.index_cast %add3A_378 : i32 to index
        %get3A_444 = arith.constant 48 : index
        %get3A_445 = tpu.vector_load %arg11[%get3A_443, %get3A_444] {strides = array<i32>} : memref<64x144xf32, #tpu.memory_space<vmem>>, vector<1x16xf32>,
        %get3A_446 = vector.shape_cast %get3A_445 : vector<1x16xf32> to vector<16xf32>
        %mul3A_447 = arith.mulf %get3A_446, %gather3A_406 : vector<16xf32>
        %swap3A_448 = arith.index_cast %add3A_378 : i32 to index
        %swap3A_449 = arith.constant 48 : index
        %swap3A_450 = tpu.vector_load %arg11[%swap3A_448, %swap3A_449] {strides = array<i32>} : memref<64x144xf32, #tpu.memory_space<vmem>>, vector<1x16xf32>,
        %swap3A_451 = vector.shape_cast %swap3A_450 : vector<1x16xf32> to vector<16xf32>
        %swap3A_452 = vector.shape_cast %mul3A_447 : vector<16xf32> to vector<1x16xf32>
        tpu.vector_store %arg11[%swap3A_448, %swap3A_449], %swap3A_452 {strides = array<i32>} : memref<64x144xf32, #tpu.memory_space<vmem>>, vector<1x16xf32>,
        %get3A_453 = arith.index_cast %add3A_378 : i32 to index
        %get3A_454 = arith.constant 64 : index
        %get3A_455 = tpu.vector_load %arg11[%get3A_453, %get3A_454] {strides = array<i32>} : memref<64x144xf32, #tpu.memory_space<vmem>>, vector<1x16xf32>,
        %get3A_456 = vector.shape_cast %get3A_455 : vector<1x16xf32> to vector<16xf32>
        %mul3A_457 = arith.mulf %get3A_456, %gather3A_409 : vector<16xf32>
        %swap3A_458 = arith.index_cast %add3A_378 : i32 to index
        %swap3A_459 = arith.constant 64 : index
        %swap3A_460 = tpu.vector_load %arg11[%swap3A_458, %swap3A_459] {strides = array<i32>} : memref<64x144xf32, #tpu.memory_space<vmem>>, vector<1x16xf32>,
        %swap3A_461 = vector.shape_cast %swap3A_460 : vector<1x16xf32> to vector<16xf32>
        %swap3A_462 = vector.shape_cast %mul3A_457 : vector<16xf32> to vector<1x16xf32>
        tpu.vector_store %arg11[%swap3A_458, %swap3A_459], %swap3A_462 {strides = array<i32>} : memref<64x144xf32, #tpu.memory_space<vmem>>, vector<1x16xf32>,
        %get3A_463 = arith.index_cast %add3A_378 : i32 to index
        %get3A_464 = arith.constant 80 : index
        %get3A_465 = tpu.vector_load %arg11[%get3A_463, %get3A_464] {strides = array<i32>} : memref<64x144xf32, #tpu.memory_space<vmem>>, vector<1x16xf32>,
        %get3A_466 = vector.shape_cast %get3A_465 : vector<1x16xf32> to vector<16xf32>
        %mul3A_467 = arith.mulf %get3A_466, %gather3A_409 : vector<16xf32>
        %swap3A_468 = arith.index_cast %add3A_378 : i32 to index
        %swap3A_469 = arith.constant 80 : index
        %swap3A_470 = tpu.vector_load %arg11[%swap3A_468, %swap3A_469] {strides = array<i32>} : memref<64x144xf32, #tpu.memory_space<vmem>>, vector<1x16xf32>,
        %swap3A_471 = vector.shape_cast %swap3A_470 : vector<1x16xf32> to vector<16xf32>
        %swap3A_472 = vector.shape_cast %mul3A_467 : vector<16xf32> to vector<1x16xf32>
        tpu.vector_store %arg11[%swap3A_468, %swap3A_469], %swap3A_472 {strides = array<i32>} : memref<64x144xf32, #tpu.memory_space<vmem>>, vector<1x16xf32>,
        %get3A_473 = arith.index_cast %add3A_378 : i32 to index
        %get3A_474 = arith.constant 96 : index
        %get3A_475 = tpu.vector_load %arg11[%get3A_473, %get3A_474] {strides = array<i32>} : memref<64x144xf32, #tpu.memory_space<vmem>>, vector<1x16xf32>,
        %get3A_476 = vector.shape_cast %get3A_475 : vector<1x16xf32> to vector<16xf32>
        %mul3A_477 = arith.mulf %get3A_476, %gather3A_412 : vector<16xf32>
        %swap3A_478 = arith.index_cast %add3A_378 : i32 to index
        %swap3A_479 = arith.constant 96 : index
        %swap3A_480 = tpu.vector_load %arg11[%swap3A_478, %swap3A_479] {strides = array<i32>} : memref<64x144xf32, #tpu.memory_space<vmem>>, vector<1x16xf32>,
        %swap3A_481 = vector.shape_cast %swap3A_480 : vector<1x16xf32> to vector<16xf32>
        %swap3A_482 = vector.shape_cast %mul3A_477 : vector<16xf32> to vector<1x16xf32>
        tpu.vector_store %arg11[%swap3A_478, %swap3A_479], %swap3A_482 {strides = array<i32>} : memref<64x144xf32, #tpu.memory_space<vmem>>, vector<1x16xf32>,
        %get3A_483 = arith.index_cast %add3A_378 : i32 to index
        %get3A_484 = arith.constant 112 : index
        %get3A_485 = tpu.vector_load %arg11[%get3A_483, %get3A_484] {strides = array<i32>} : memref<64x144xf32, #tpu.memory_space<vmem>>, vector<1x16xf32>,
        %get3A_486 = vector.shape_cast %get3A_485 : vector<1x16xf32> to vector<16xf32>
        %mul3A_487 = arith.mulf %get3A_486, %gather3A_412 : vector<16xf32>
        %swap3A_488 = arith.index_cast %add3A_378 : i32 to index
        %swap3A_489 = arith.constant 112 : index
        %swap3A_490 = tpu.vector_load %arg11[%swap3A_488, %swap3A_489] {strides = array<i32>} : memref<64x144xf32, #tpu.memory_space<vmem>>, vector<1x16xf32>,
        %swap3A_491 = vector.shape_cast %swap3A_490 : vector<1x16xf32> to vector<16xf32>
        %swap3A_492 = vector.shape_cast %mul3A_487 : vector<16xf32> to vector<1x16xf32>
        tpu.vector_store %arg11[%swap3A_488, %swap3A_489], %swap3A_492 {strides = array<i32>} : memref<64x144xf32, #tpu.memory_space<vmem>>, vector<1x16xf32>,
        %scan3A_493 = arith.constant 0 : i32
        scf.yield %scan3A_493 : i32
      }
      %scan3A_253 = arith.constant 32 : i32
      %dma_start3A_254 = arith.constant 1 : i32
      %dma_start3A_255 = arith.constant 0 : i32
      %dma_start3A_256 = tpu.memref_slice %arg8[%dma_start3A_254, %dma_start3A_255] : memref<2x64xi32, #tpu.memory_space<vmem>> -> memref<1x64xi32, #tpu.memory_space<vmem>>
      %dma_start3A_257 = tpu.memref_squeeze %dma_start3A_256 : memref<1x64xi32, #tpu.memory_space<vmem>> -> memref<64xi32, #tpu.memory_space<vmem>>
      %dma_start3A_258 = arith.constant 0 : i32
      %dma_start3A_259 = arith.constant 0 : i32
      %dma_start3A_260 = tpu.memref_slice %arg15[%dma_start3A_258, %dma_start3A_259] : memref<10240x144xf32, #tpu.memory_space<vmem_shared>> -> memref<10240x144xf32, #tpu.memory_space<vmem_shared>>
      tpu.enqueue_indirect_dma source(%arg11 : memref<64x144xf32, #tpu.memory_space<vmem>>) target(%dma_start3A_260 : memref<10240x144xf32, #tpu.memory_space<vmem_shared>>) offsets(%dma_start3A_257 : memref<64xi32, #tpu.memory_space<vmem>>) semaphore(%arg21 : memref<!tpu.dma_semaphore, #tpu.memory_space<semaphore_mem>>) {add = true}
      %scan3A_261 = arith.constant 0 : i32
      scf.yield %scan3A_261 : i32
    }
    %scan3A_101 = arith.constant 54 : i32
    %dma_wait3A = arith.constant 1 : i32
    %dma_wait3A_102 = arith.constant 0 : i32
    %dma_wait3A_103 = tpu.memref_slice %arg8[%dma_wait3A, %dma_wait3A_102] : memref<2x64xi32, #tpu.memory_space<vmem>> -> memref<1x64xi32, #tpu.memory_space<vmem>>
    %dma_wait3A_104 = tpu.memref_squeeze %dma_wait3A_103 : memref<1x64xi32, #tpu.memory_space<vmem>> -> memref<64xi32, #tpu.memory_space<vmem>>
    %dma_wait3A_105 = arith.constant 0 : i32
    %dma_wait3A_106 = arith.constant 0 : i32
    %dma_wait3A_107 = tpu.memref_slice %arg15[%dma_wait3A_105, %dma_wait3A_106] : memref<10240x144xf32, #tpu.memory_space<vmem_shared>> -> memref<10240x144xf32, #tpu.memory_space<vmem_shared>>
    tpu.wait_indirect_dma semaphore(%arg21 : memref<!tpu.dma_semaphore, #tpu.memory_space<semaphore_mem>>) src(%arg11 : memref<64x144xf32, #tpu.memory_space<vmem>>) dst(%dma_wait3A_107 : memref<10240x144xf32, #tpu.memory_space<vmem_shared>>)
    %barrier3A_108 = arith.constant 0 : index
    tpu.barrier barrier_id(%barrier3A_108)
    %mul3A_109 = arith.constant 640 : i32
    %mul3A_110 = arith.muli %arg1, %mul3A_109 : i32
    %mul3A_111 = arith.constant 10240 : i32
    %mul3A_112 = arith.muli %arg0, %mul3A_111 : i32
    %mul3A_113 = arith.constant 640 : i32
    %mul3A_114 = arith.muli %arg1, %mul3A_113 : i32
    %add3A_115 = arith.addi %mul3A_112, %mul3A_114 : i32
    "tpu.region"() ({
      %run_scoped3A = tpu.sem_alloc : memref<!tpu.dma_semaphore, #tpu.memory_space<semaphore_mem>>
      %dma_start3A_116 = arith.constant 0 : i32
      %dma_start3A_117 = tpu.memref_slice %arg5[%add3A_115, %dma_start3A_116] : memref<20480x144xf32, #tpu.memory_space<hbm>> -> memref<640x144xf32, #tpu.memory_space<hbm>>
      %dma_start3A_118 = arith.constant 0 : i32
      %dma_start3A_119 = tpu.memref_slice %arg15[%mul3A_110, %dma_start3A_118] : memref<10240x144xf32, #tpu.memory_space<vmem_shared>> -> memref<640x144xf32, #tpu.memory_space<vmem_shared>>
      tpu.enqueue_dma source(%dma_start3A_119 : memref<640x144xf32, #tpu.memory_space<vmem_shared>>) target(%dma_start3A_117 : memref<640x144xf32, #tpu.memory_space<hbm>>) target_semaphore(%run_scoped3A : memref<!tpu.dma_semaphore, #tpu.memory_space<semaphore_mem>>)
      %dma_wait3A_120 = arith.constant 0 : i32
      %dma_wait3A_121 = tpu.memref_slice %arg5[%add3A_115, %dma_wait3A_120] : memref<20480x144xf32, #tpu.memory_space<hbm>> -> memref<640x144xf32, #tpu.memory_space<hbm>>
      %dma_wait3A_122 = arith.constant 0 : i32
      %dma_wait3A_123 = tpu.memref_slice %arg15[%mul3A_110, %dma_wait3A_122] : memref<10240x144xf32, #tpu.memory_space<vmem_shared>> -> memref<640x144xf32, #tpu.memory_space<vmem_shared>>
      tpu.wait_dma2 semaphore(%run_scoped3A : memref<!tpu.dma_semaphore, #tpu.memory_space<semaphore_mem>>) src(%dma_wait3A_123 : memref<640x144xf32, #tpu.memory_space<vmem_shared>>) dst(%dma_wait3A_121 : memref<640x144xf32, #tpu.memory_space<hbm>>)
      tpu.yield
    }) : () -> ()
    return
  }
}

#map = affine_map<(d0, d1) -> (0, 0)>
module attributes {stable_mosaic.version = 14 : i64} {
  func.func @_edge_kernel_body(%arg0: i32, %arg1: i32, %arg2: memref<10240x144xf32, #tpu.memory_space<hbm>>, %arg3: memref<10240x16xf32, #tpu.memory_space<hbm>>, %arg4: memref<10368x64xi32, #tpu.memory_space<hbm>>, %arg5: memref<20480x144xf32, #tpu.memory_space<hbm>>, %arg6: memref<2x64xi32, #tpu.memory_space<vmem>>, %arg7: memref<2x64xi32, #tpu.memory_space<vmem>>, %arg8: memref<2x64xi32, #tpu.memory_space<vmem>>, %arg9: memref<64x144xf32, #tpu.memory_space<vmem>>, %arg10: memref<64x144xf32, #tpu.memory_space<vmem>>, %arg11: memref<64x144xf32, #tpu.memory_space<vmem>>, %arg12: memref<64x16xf32, #tpu.memory_space<vmem>>, %arg13: memref<64x16xf32, #tpu.memory_space<vmem>>, %arg14: memref<64x16xf32, #tpu.memory_space<vmem>>, %arg15: memref<10240x144xf32, #tpu.memory_space<vmem_shared>>, %arg16: memref<!tpu.dma_semaphore, #tpu.memory_space<semaphore_mem>>, %arg17: memref<!tpu.dma_semaphore, #tpu.memory_space<semaphore_mem>>, %arg18: memref<!tpu.dma_semaphore, #tpu.memory_space<semaphore_mem>>, %arg19: memref<!tpu.dma_semaphore, #tpu.memory_space<semaphore_mem>>, %arg20: memref<!tpu.dma_semaphore, #tpu.memory_space<semaphore_mem>>, %arg21: memref<!tpu.dma_semaphore, #tpu.memory_space<semaphore_mem>>) attributes {dimension_semantics = [#tpu.dimension_semantics<core_parallel>, #tpu.dimension_semantics<subcore_parallel>], iteration_bounds = array<i64: 2, 16>, scalar_prefetch = 0 : i64, scratch_operands = 16 : i64, tpu.core_type = #tpu.core_type<sc_vector_subcore>, window_params = [{transform_indices = #map}, {transform_indices = #map}, {transform_indices = #map}, {transform_indices = #map}]} {
    %scan3A = arith.constant 0 : i32
    %scan3A_0 = arith.constant 0 : i32
    %scan3A_1 = arith.constant 64 : i32
    %scan3A_2 = arith.addi %scan3A_0, %scan3A_1 : i32
    %scan3A_3 = arith.constant 1 : i32
    %scan3A_4 = scf.for %scan3A_116 = %scan3A_0 to %scan3A_2 step %scan3A_3 iter_args(%scan3A_117 = %scan3A) -> (i32)  : i32 {
      %broadcast_in_dim3A_118 = arith.constant 0.000000e+00 : f32
      %broadcast_in_dim3A_119 = vector.broadcast %broadcast_in_dim3A_118 : f32 to vector<16xf32>
      %swap3A = arith.index_cast %scan3A_116 : i32 to index
      %swap3A_120 = arith.constant 0 : index
      %swap3A_121 = tpu.vector_load %arg9[%swap3A, %swap3A_120] {strides = array<i32>} : memref<64x144xf32, #tpu.memory_space<vmem>>, vector<1x16xf32>,
      %swap3A_122 = vector.shape_cast %swap3A_121 : vector<1x16xf32> to vector<16xf32>
      %swap3A_123 = vector.shape_cast %broadcast_in_dim3A_119 : vector<16xf32> to vector<1x16xf32>
      tpu.vector_store %arg9[%swap3A, %swap3A_120], %swap3A_123 {strides = array<i32>} : memref<64x144xf32, #tpu.memory_space<vmem>>, vector<1x16xf32>,
      %broadcast_in_dim3A_124 = arith.constant 0.000000e+00 : f32
      %broadcast_in_dim3A_125 = vector.broadcast %broadcast_in_dim3A_124 : f32 to vector<16xf32>
      %swap3A_126 = arith.index_cast %scan3A_116 : i32 to index
      %swap3A_127 = arith.constant 16 : index
      %swap3A_128 = tpu.vector_load %arg9[%swap3A_126, %swap3A_127] {strides = array<i32>} : memref<64x144xf32, #tpu.memory_space<vmem>>, vector<1x16xf32>,
      %swap3A_129 = vector.shape_cast %swap3A_128 : vector<1x16xf32> to vector<16xf32>
      %swap3A_130 = vector.shape_cast %broadcast_in_dim3A_125 : vector<16xf32> to vector<1x16xf32>
      tpu.vector_store %arg9[%swap3A_126, %swap3A_127], %swap3A_130 {strides = array<i32>} : memref<64x144xf32, #tpu.memory_space<vmem>>, vector<1x16xf32>,
      %broadcast_in_dim3A_131 = arith.constant 0.000000e+00 : f32
      %broadcast_in_dim3A_132 = vector.broadcast %broadcast_in_dim3A_131 : f32 to vector<16xf32>
      %swap3A_133 = arith.index_cast %scan3A_116 : i32 to index
      %swap3A_134 = arith.constant 32 : index
      %swap3A_135 = tpu.vector_load %arg9[%swap3A_133, %swap3A_134] {strides = array<i32>} : memref<64x144xf32, #tpu.memory_space<vmem>>, vector<1x16xf32>,
      %swap3A_136 = vector.shape_cast %swap3A_135 : vector<1x16xf32> to vector<16xf32>
      %swap3A_137 = vector.shape_cast %broadcast_in_dim3A_132 : vector<16xf32> to vector<1x16xf32>
      tpu.vector_store %arg9[%swap3A_133, %swap3A_134], %swap3A_137 {strides = array<i32>} : memref<64x144xf32, #tpu.memory_space<vmem>>, vector<1x16xf32>,
      %broadcast_in_dim3A_138 = arith.constant 0.000000e+00 : f32
      %broadcast_in_dim3A_139 = vector.broadcast %broadcast_in_dim3A_138 : f32 to vector<16xf32>
      %swap3A_140 = arith.index_cast %scan3A_116 : i32 to index
      %swap3A_141 = arith.constant 48 : index
      %swap3A_142 = tpu.vector_load %arg9[%swap3A_140, %swap3A_141] {strides = array<i32>} : memref<64x144xf32, #tpu.memory_space<vmem>>, vector<1x16xf32>,
      %swap3A_143 = vector.shape_cast %swap3A_142 : vector<1x16xf32> to vector<16xf32>
      %swap3A_144 = vector.shape_cast %broadcast_in_dim3A_139 : vector<16xf32> to vector<1x16xf32>
      tpu.vector_store %arg9[%swap3A_140, %swap3A_141], %swap3A_144 {strides = array<i32>} : memref<64x144xf32, #tpu.memory_space<vmem>>, vector<1x16xf32>,
      %broadcast_in_dim3A_145 = arith.constant 0.000000e+00 : f32
      %broadcast_in_dim3A_146 = vector.broadcast %broadcast_in_dim3A_145 : f32 to vector<16xf32>
      %swap3A_147 = arith.index_cast %scan3A_116 : i32 to index
      %swap3A_148 = arith.constant 64 : index
      %swap3A_149 = tpu.vector_load %arg9[%swap3A_147, %swap3A_148] {strides = array<i32>} : memref<64x144xf32, #tpu.memory_space<vmem>>, vector<1x16xf32>,
      %swap3A_150 = vector.shape_cast %swap3A_149 : vector<1x16xf32> to vector<16xf32>
      %swap3A_151 = vector.shape_cast %broadcast_in_dim3A_146 : vector<16xf32> to vector<1x16xf32>
      tpu.vector_store %arg9[%swap3A_147, %swap3A_148], %swap3A_151 {strides = array<i32>} : memref<64x144xf32, #tpu.memory_space<vmem>>, vector<1x16xf32>,
      %broadcast_in_dim3A_152 = arith.constant 0.000000e+00 : f32
      %broadcast_in_dim3A_153 = vector.broadcast %broadcast_in_dim3A_152 : f32 to vector<16xf32>
      %swap3A_154 = arith.index_cast %scan3A_116 : i32 to index
      %swap3A_155 = arith.constant 80 : index
      %swap3A_156 = tpu.vector_load %arg9[%swap3A_154, %swap3A_155] {strides = array<i32>} : memref<64x144xf32, #tpu.memory_space<vmem>>, vector<1x16xf32>,
      %swap3A_157 = vector.shape_cast %swap3A_156 : vector<1x16xf32> to vector<16xf32>
      %swap3A_158 = vector.shape_cast %broadcast_in_dim3A_153 : vector<16xf32> to vector<1x16xf32>
      tpu.vector_store %arg9[%swap3A_154, %swap3A_155], %swap3A_158 {strides = array<i32>} : memref<64x144xf32, #tpu.memory_space<vmem>>, vector<1x16xf32>,
      %broadcast_in_dim3A_159 = arith.constant 0.000000e+00 : f32
      %broadcast_in_dim3A_160 = vector.broadcast %broadcast_in_dim3A_159 : f32 to vector<16xf32>
      %swap3A_161 = arith.index_cast %scan3A_116 : i32 to index
      %swap3A_162 = arith.constant 96 : index
      %swap3A_163 = tpu.vector_load %arg9[%swap3A_161, %swap3A_162] {strides = array<i32>} : memref<64x144xf32, #tpu.memory_space<vmem>>, vector<1x16xf32>,
      %swap3A_164 = vector.shape_cast %swap3A_163 : vector<1x16xf32> to vector<16xf32>
      %swap3A_165 = vector.shape_cast %broadcast_in_dim3A_160 : vector<16xf32> to vector<1x16xf32>
      tpu.vector_store %arg9[%swap3A_161, %swap3A_162], %swap3A_165 {strides = array<i32>} : memref<64x144xf32, #tpu.memory_space<vmem>>, vector<1x16xf32>,
      %broadcast_in_dim3A_166 = arith.constant 0.000000e+00 : f32
      %broadcast_in_dim3A_167 = vector.broadcast %broadcast_in_dim3A_166 : f32 to vector<16xf32>
      %swap3A_168 = arith.index_cast %scan3A_116 : i32 to index
      %swap3A_169 = arith.constant 112 : index
      %swap3A_170 = tpu.vector_load %arg9[%swap3A_168, %swap3A_169] {strides = array<i32>} : memref<64x144xf32, #tpu.memory_space<vmem>>, vector<1x16xf32>,
      %swap3A_171 = vector.shape_cast %swap3A_170 : vector<1x16xf32> to vector<16xf32>
      %swap3A_172 = vector.shape_cast %broadcast_in_dim3A_167 : vector<16xf32> to vector<1x16xf32>
      tpu.vector_store %arg9[%swap3A_168, %swap3A_169], %swap3A_172 {strides = array<i32>} : memref<64x144xf32, #tpu.memory_space<vmem>>, vector<1x16xf32>,
      %broadcast_in_dim3A_173 = arith.constant 0.000000e+00 : f32
      %broadcast_in_dim3A_174 = vector.broadcast %broadcast_in_dim3A_173 : f32 to vector<16xf32>
      %swap3A_175 = arith.index_cast %scan3A_116 : i32 to index
      %swap3A_176 = arith.constant 128 : index
      %swap3A_177 = tpu.vector_load %arg9[%swap3A_175, %swap3A_176] {strides = array<i32>} : memref<64x144xf32, #tpu.memory_space<vmem>>, vector<1x16xf32>,
      %swap3A_178 = vector.shape_cast %swap3A_177 : vector<1x16xf32> to vector<16xf32>
      %swap3A_179 = vector.shape_cast %broadcast_in_dim3A_174 : vector<16xf32> to vector<1x16xf32>
      tpu.vector_store %arg9[%swap3A_175, %swap3A_176], %swap3A_179 {strides = array<i32>} : memref<64x144xf32, #tpu.memory_space<vmem>>, vector<1x16xf32>,
      %scan3A_180 = arith.constant 0 : i32
      scf.yield %scan3A_180 : i32
    }
    %scan3A_5 = arith.constant 64 : i32
    %mul3A = arith.constant 640 : i32
    %mul3A_6 = arith.muli %arg1, %mul3A : i32
    %add3A = arith.constant 0 : i32
    %add3A_7 = arith.addi %mul3A_6, %add3A : i32
    "tpu.region"() ({
      %run_scoped3A = tpu.sem_alloc : memref<!tpu.dma_semaphore, #tpu.memory_space<semaphore_mem>>
      %dma_start3A_116 = arith.constant 0 : i32
      %dma_start3A_117 = tpu.memref_slice %arg15[%add3A_7, %dma_start3A_116] : memref<10240x144xf32, #tpu.memory_space<vmem_shared>> -> memref<64x144xf32, #tpu.memory_space<vmem_shared>>
      %dma_start3A_118 = arith.constant 0 : i32
      %dma_start3A_119 = tpu.memref_slice %arg15[%add3A_7, %dma_start3A_118] : memref<10240x144xf32, #tpu.memory_space<vmem_shared>> -> memref<64x144xf32, #tpu.memory_space<vmem_shared>>
      tpu.enqueue_dma source(%arg9 : memref<64x144xf32, #tpu.memory_space<vmem>>) target(%dma_start3A_119 : memref<64x144xf32, #tpu.memory_space<vmem_shared>>) target_semaphore(%run_scoped3A : memref<!tpu.dma_semaphore, #tpu.memory_space<semaphore_mem>>)
      %dma_wait3A_120 = arith.constant 0 : i32
      %dma_wait3A_121 = tpu.memref_slice %arg15[%add3A_7, %dma_wait3A_120] : memref<10240x144xf32, #tpu.memory_space<vmem_shared>> -> memref<64x144xf32, #tpu.memory_space<vmem_shared>>
      %dma_wait3A_122 = arith.constant 0 : i32
      %dma_wait3A_123 = tpu.memref_slice %arg15[%add3A_7, %dma_wait3A_122] : memref<10240x144xf32, #tpu.memory_space<vmem_shared>> -> memref<64x144xf32, #tpu.memory_space<vmem_shared>>
      tpu.wait_dma2 semaphore(%run_scoped3A : memref<!tpu.dma_semaphore, #tpu.memory_space<semaphore_mem>>) src(%arg9 : memref<64x144xf32, #tpu.memory_space<vmem>>) dst(%dma_wait3A_123 : memref<64x144xf32, #tpu.memory_space<vmem_shared>>)
      tpu.yield
    }) : () -> ()
    %mul3A_8 = arith.constant 640 : i32
    %mul3A_9 = arith.muli %arg1, %mul3A_8 : i32
    %add3A_10 = arith.constant 64 : i32
    %add3A_11 = arith.addi %mul3A_9, %add3A_10 : i32
    "tpu.region"() ({
      %run_scoped3A = tpu.sem_alloc : memref<!tpu.dma_semaphore, #tpu.memory_space<semaphore_mem>>
      %dma_start3A_116 = arith.constant 0 : i32
      %dma_start3A_117 = tpu.memref_slice %arg15[%add3A_11, %dma_start3A_116] : memref<10240x144xf32, #tpu.memory_space<vmem_shared>> -> memref<64x144xf32, #tpu.memory_space<vmem_shared>>
      %dma_start3A_118 = arith.constant 0 : i32
      %dma_start3A_119 = tpu.memref_slice %arg15[%add3A_11, %dma_start3A_118] : memref<10240x144xf32, #tpu.memory_space<vmem_shared>> -> memref<64x144xf32, #tpu.memory_space<vmem_shared>>
      tpu.enqueue_dma source(%arg9 : memref<64x144xf32, #tpu.memory_space<vmem>>) target(%dma_start3A_119 : memref<64x144xf32, #tpu.memory_space<vmem_shared>>) target_semaphore(%run_scoped3A : memref<!tpu.dma_semaphore, #tpu.memory_space<semaphore_mem>>)
      %dma_wait3A_120 = arith.constant 0 : i32
      %dma_wait3A_121 = tpu.memref_slice %arg15[%add3A_11, %dma_wait3A_120] : memref<10240x144xf32, #tpu.memory_space<vmem_shared>> -> memref<64x144xf32, #tpu.memory_space<vmem_shared>>
      %dma_wait3A_122 = arith.constant 0 : i32
      %dma_wait3A_123 = tpu.memref_slice %arg15[%add3A_11, %dma_wait3A_122] : memref<10240x144xf32, #tpu.memory_space<vmem_shared>> -> memref<64x144xf32, #tpu.memory_space<vmem_shared>>
      tpu.wait_dma2 semaphore(%run_scoped3A : memref<!tpu.dma_semaphore, #tpu.memory_space<semaphore_mem>>) src(%arg9 : memref<64x144xf32, #tpu.memory_space<vmem>>) dst(%dma_wait3A_123 : memref<64x144xf32, #tpu.memory_space<vmem_shared>>)
      tpu.yield
    }) : () -> ()
    %mul3A_12 = arith.constant 640 : i32
    %mul3A_13 = arith.muli %arg1, %mul3A_12 : i32
    %add3A_14 = arith.constant 128 : i32
    %add3A_15 = arith.addi %mul3A_13, %add3A_14 : i32
    "tpu.region"() ({
      %run_scoped3A = tpu.sem_alloc : memref<!tpu.dma_semaphore, #tpu.memory_space<semaphore_mem>>
      %dma_start3A_116 = arith.constant 0 : i32
      %dma_start3A_117 = tpu.memref_slice %arg15[%add3A_15, %dma_start3A_116] : memref<10240x144xf32, #tpu.memory_space<vmem_shared>> -> memref<64x144xf32, #tpu.memory_space<vmem_shared>>
      %dma_start3A_118 = arith.constant 0 : i32
      %dma_start3A_119 = tpu.memref_slice %arg15[%add3A_15, %dma_start3A_118] : memref<10240x144xf32, #tpu.memory_space<vmem_shared>> -> memref<64x144xf32, #tpu.memory_space<vmem_shared>>
      tpu.enqueue_dma source(%arg9 : memref<64x144xf32, #tpu.memory_space<vmem>>) target(%dma_start3A_119 : memref<64x144xf32, #tpu.memory_space<vmem_shared>>) target_semaphore(%run_scoped3A : memref<!tpu.dma_semaphore, #tpu.memory_space<semaphore_mem>>)
      %dma_wait3A_120 = arith.constant 0 : i32
      %dma_wait3A_121 = tpu.memref_slice %arg15[%add3A_15, %dma_wait3A_120] : memref<10240x144xf32, #tpu.memory_space<vmem_shared>> -> memref<64x144xf32, #tpu.memory_space<vmem_shared>>
      %dma_wait3A_122 = arith.constant 0 : i32
      %dma_wait3A_123 = tpu.memref_slice %arg15[%add3A_15, %dma_wait3A_122] : memref<10240x144xf32, #tpu.memory_space<vmem_shared>> -> memref<64x144xf32, #tpu.memory_space<vmem_shared>>
      tpu.wait_dma2 semaphore(%run_scoped3A : memref<!tpu.dma_semaphore, #tpu.memory_space<semaphore_mem>>) src(%arg9 : memref<64x144xf32, #tpu.memory_space<vmem>>) dst(%dma_wait3A_123 : memref<64x144xf32, #tpu.memory_space<vmem_shared>>)
      tpu.yield
    }) : () -> ()
    %mul3A_16 = arith.constant 640 : i32
    %mul3A_17 = arith.muli %arg1, %mul3A_16 : i32
    %add3A_18 = arith.constant 192 : i32
    %add3A_19 = arith.addi %mul3A_17, %add3A_18 : i32
    "tpu.region"() ({
      %run_scoped3A = tpu.sem_alloc : memref<!tpu.dma_semaphore, #tpu.memory_space<semaphore_mem>>
      %dma_start3A_116 = arith.constant 0 : i32
      %dma_start3A_117 = tpu.memref_slice %arg15[%add3A_19, %dma_start3A_116] : memref<10240x144xf32, #tpu.memory_space<vmem_shared>> -> memref<64x144xf32, #tpu.memory_space<vmem_shared>>
      %dma_start3A_118 = arith.constant 0 : i32
      %dma_start3A_119 = tpu.memref_slice %arg15[%add3A_19, %dma_start3A_118] : memref<10240x144xf32, #tpu.memory_space<vmem_shared>> -> memref<64x144xf32, #tpu.memory_space<vmem_shared>>
      tpu.enqueue_dma source(%arg9 : memref<64x144xf32, #tpu.memory_space<vmem>>) target(%dma_start3A_119 : memref<64x144xf32, #tpu.memory_space<vmem_shared>>) target_semaphore(%run_scoped3A : memref<!tpu.dma_semaphore, #tpu.memory_space<semaphore_mem>>)
      %dma_wait3A_120 = arith.constant 0 : i32
      %dma_wait3A_121 = tpu.memref_slice %arg15[%add3A_19, %dma_wait3A_120] : memref<10240x144xf32, #tpu.memory_space<vmem_shared>> -> memref<64x144xf32, #tpu.memory_space<vmem_shared>>
      %dma_wait3A_122 = arith.constant 0 : i32
      %dma_wait3A_123 = tpu.memref_slice %arg15[%add3A_19, %dma_wait3A_122] : memref<10240x144xf32, #tpu.memory_space<vmem_shared>> -> memref<64x144xf32, #tpu.memory_space<vmem_shared>>
      tpu.wait_dma2 semaphore(%run_scoped3A : memref<!tpu.dma_semaphore, #tpu.memory_space<semaphore_mem>>) src(%arg9 : memref<64x144xf32, #tpu.memory_space<vmem>>) dst(%dma_wait3A_123 : memref<64x144xf32, #tpu.memory_space<vmem_shared>>)
      tpu.yield
    }) : () -> ()
    %mul3A_20 = arith.constant 640 : i32
    %mul3A_21 = arith.muli %arg1, %mul3A_20 : i32
    %add3A_22 = arith.constant 256 : i32
    %add3A_23 = arith.addi %mul3A_21, %add3A_22 : i32
    "tpu.region"() ({
      %run_scoped3A = tpu.sem_alloc : memref<!tpu.dma_semaphore, #tpu.memory_space<semaphore_mem>>
      %dma_start3A_116 = arith.constant 0 : i32
      %dma_start3A_117 = tpu.memref_slice %arg15[%add3A_23, %dma_start3A_116] : memref<10240x144xf32, #tpu.memory_space<vmem_shared>> -> memref<64x144xf32, #tpu.memory_space<vmem_shared>>
      %dma_start3A_118 = arith.constant 0 : i32
      %dma_start3A_119 = tpu.memref_slice %arg15[%add3A_23, %dma_start3A_118] : memref<10240x144xf32, #tpu.memory_space<vmem_shared>> -> memref<64x144xf32, #tpu.memory_space<vmem_shared>>
      tpu.enqueue_dma source(%arg9 : memref<64x144xf32, #tpu.memory_space<vmem>>) target(%dma_start3A_119 : memref<64x144xf32, #tpu.memory_space<vmem_shared>>) target_semaphore(%run_scoped3A : memref<!tpu.dma_semaphore, #tpu.memory_space<semaphore_mem>>)
      %dma_wait3A_120 = arith.constant 0 : i32
      %dma_wait3A_121 = tpu.memref_slice %arg15[%add3A_23, %dma_wait3A_120] : memref<10240x144xf32, #tpu.memory_space<vmem_shared>> -> memref<64x144xf32, #tpu.memory_space<vmem_shared>>
      %dma_wait3A_122 = arith.constant 0 : i32
      %dma_wait3A_123 = tpu.memref_slice %arg15[%add3A_23, %dma_wait3A_122] : memref<10240x144xf32, #tpu.memory_space<vmem_shared>> -> memref<64x144xf32, #tpu.memory_space<vmem_shared>>
      tpu.wait_dma2 semaphore(%run_scoped3A : memref<!tpu.dma_semaphore, #tpu.memory_space<semaphore_mem>>) src(%arg9 : memref<64x144xf32, #tpu.memory_space<vmem>>) dst(%dma_wait3A_123 : memref<64x144xf32, #tpu.memory_space<vmem_shared>>)
      tpu.yield
    }) : () -> ()
    %mul3A_24 = arith.constant 640 : i32
    %mul3A_25 = arith.muli %arg1, %mul3A_24 : i32
    %add3A_26 = arith.constant 320 : i32
    %add3A_27 = arith.addi %mul3A_25, %add3A_26 : i32
    "tpu.region"() ({
      %run_scoped3A = tpu.sem_alloc : memref<!tpu.dma_semaphore, #tpu.memory_space<semaphore_mem>>
      %dma_start3A_116 = arith.constant 0 : i32
      %dma_start3A_117 = tpu.memref_slice %arg15[%add3A_27, %dma_start3A_116] : memref<10240x144xf32, #tpu.memory_space<vmem_shared>> -> memref<64x144xf32, #tpu.memory_space<vmem_shared>>
      %dma_start3A_118 = arith.constant 0 : i32
      %dma_start3A_119 = tpu.memref_slice %arg15[%add3A_27, %dma_start3A_118] : memref<10240x144xf32, #tpu.memory_space<vmem_shared>> -> memref<64x144xf32, #tpu.memory_space<vmem_shared>>
      tpu.enqueue_dma source(%arg9 : memref<64x144xf32, #tpu.memory_space<vmem>>) target(%dma_start3A_119 : memref<64x144xf32, #tpu.memory_space<vmem_shared>>) target_semaphore(%run_scoped3A : memref<!tpu.dma_semaphore, #tpu.memory_space<semaphore_mem>>)
      %dma_wait3A_120 = arith.constant 0 : i32
      %dma_wait3A_121 = tpu.memref_slice %arg15[%add3A_27, %dma_wait3A_120] : memref<10240x144xf32, #tpu.memory_space<vmem_shared>> -> memref<64x144xf32, #tpu.memory_space<vmem_shared>>
      %dma_wait3A_122 = arith.constant 0 : i32
      %dma_wait3A_123 = tpu.memref_slice %arg15[%add3A_27, %dma_wait3A_122] : memref<10240x144xf32, #tpu.memory_space<vmem_shared>> -> memref<64x144xf32, #tpu.memory_space<vmem_shared>>
      tpu.wait_dma2 semaphore(%run_scoped3A : memref<!tpu.dma_semaphore, #tpu.memory_space<semaphore_mem>>) src(%arg9 : memref<64x144xf32, #tpu.memory_space<vmem>>) dst(%dma_wait3A_123 : memref<64x144xf32, #tpu.memory_space<vmem_shared>>)
      tpu.yield
    }) : () -> ()
    %mul3A_28 = arith.constant 640 : i32
    %mul3A_29 = arith.muli %arg1, %mul3A_28 : i32
    %add3A_30 = arith.constant 384 : i32
    %add3A_31 = arith.addi %mul3A_29, %add3A_30 : i32
    "tpu.region"() ({
      %run_scoped3A = tpu.sem_alloc : memref<!tpu.dma_semaphore, #tpu.memory_space<semaphore_mem>>
      %dma_start3A_116 = arith.constant 0 : i32
      %dma_start3A_117 = tpu.memref_slice %arg15[%add3A_31, %dma_start3A_116] : memref<10240x144xf32, #tpu.memory_space<vmem_shared>> -> memref<64x144xf32, #tpu.memory_space<vmem_shared>>
      %dma_start3A_118 = arith.constant 0 : i32
      %dma_start3A_119 = tpu.memref_slice %arg15[%add3A_31, %dma_start3A_118] : memref<10240x144xf32, #tpu.memory_space<vmem_shared>> -> memref<64x144xf32, #tpu.memory_space<vmem_shared>>
      tpu.enqueue_dma source(%arg9 : memref<64x144xf32, #tpu.memory_space<vmem>>) target(%dma_start3A_119 : memref<64x144xf32, #tpu.memory_space<vmem_shared>>) target_semaphore(%run_scoped3A : memref<!tpu.dma_semaphore, #tpu.memory_space<semaphore_mem>>)
      %dma_wait3A_120 = arith.constant 0 : i32
      %dma_wait3A_121 = tpu.memref_slice %arg15[%add3A_31, %dma_wait3A_120] : memref<10240x144xf32, #tpu.memory_space<vmem_shared>> -> memref<64x144xf32, #tpu.memory_space<vmem_shared>>
      %dma_wait3A_122 = arith.constant 0 : i32
      %dma_wait3A_123 = tpu.memref_slice %arg15[%add3A_31, %dma_wait3A_122] : memref<10240x144xf32, #tpu.memory_space<vmem_shared>> -> memref<64x144xf32, #tpu.memory_space<vmem_shared>>
      tpu.wait_dma2 semaphore(%run_scoped3A : memref<!tpu.dma_semaphore, #tpu.memory_space<semaphore_mem>>) src(%arg9 : memref<64x144xf32, #tpu.memory_space<vmem>>) dst(%dma_wait3A_123 : memref<64x144xf32, #tpu.memory_space<vmem_shared>>)
      tpu.yield
    }) : () -> ()
    %mul3A_32 = arith.constant 640 : i32
    %mul3A_33 = arith.muli %arg1, %mul3A_32 : i32
    %add3A_34 = arith.constant 448 : i32
    %add3A_35 = arith.addi %mul3A_33, %add3A_34 : i32
    "tpu.region"() ({
      %run_scoped3A = tpu.sem_alloc : memref<!tpu.dma_semaphore, #tpu.memory_space<semaphore_mem>>
      %dma_start3A_116 = arith.constant 0 : i32
      %dma_start3A_117 = tpu.memref_slice %arg15[%add3A_35, %dma_start3A_116] : memref<10240x144xf32, #tpu.memory_space<vmem_shared>> -> memref<64x144xf32, #tpu.memory_space<vmem_shared>>
      %dma_start3A_118 = arith.constant 0 : i32
      %dma_start3A_119 = tpu.memref_slice %arg15[%add3A_35, %dma_start3A_118] : memref<10240x144xf32, #tpu.memory_space<vmem_shared>> -> memref<64x144xf32, #tpu.memory_space<vmem_shared>>
      tpu.enqueue_dma source(%arg9 : memref<64x144xf32, #tpu.memory_space<vmem>>) target(%dma_start3A_119 : memref<64x144xf32, #tpu.memory_space<vmem_shared>>) target_semaphore(%run_scoped3A : memref<!tpu.dma_semaphore, #tpu.memory_space<semaphore_mem>>)
      %dma_wait3A_120 = arith.constant 0 : i32
      %dma_wait3A_121 = tpu.memref_slice %arg15[%add3A_35, %dma_wait3A_120] : memref<10240x144xf32, #tpu.memory_space<vmem_shared>> -> memref<64x144xf32, #tpu.memory_space<vmem_shared>>
      %dma_wait3A_122 = arith.constant 0 : i32
      %dma_wait3A_123 = tpu.memref_slice %arg15[%add3A_35, %dma_wait3A_122] : memref<10240x144xf32, #tpu.memory_space<vmem_shared>> -> memref<64x144xf32, #tpu.memory_space<vmem_shared>>
      tpu.wait_dma2 semaphore(%run_scoped3A : memref<!tpu.dma_semaphore, #tpu.memory_space<semaphore_mem>>) src(%arg9 : memref<64x144xf32, #tpu.memory_space<vmem>>) dst(%dma_wait3A_123 : memref<64x144xf32, #tpu.memory_space<vmem_shared>>)
      tpu.yield
    }) : () -> ()
    %mul3A_36 = arith.constant 640 : i32
    %mul3A_37 = arith.muli %arg1, %mul3A_36 : i32
    %add3A_38 = arith.constant 512 : i32
    %add3A_39 = arith.addi %mul3A_37, %add3A_38 : i32
    "tpu.region"() ({
      %run_scoped3A = tpu.sem_alloc : memref<!tpu.dma_semaphore, #tpu.memory_space<semaphore_mem>>
      %dma_start3A_116 = arith.constant 0 : i32
      %dma_start3A_117 = tpu.memref_slice %arg15[%add3A_39, %dma_start3A_116] : memref<10240x144xf32, #tpu.memory_space<vmem_shared>> -> memref<64x144xf32, #tpu.memory_space<vmem_shared>>
      %dma_start3A_118 = arith.constant 0 : i32
      %dma_start3A_119 = tpu.memref_slice %arg15[%add3A_39, %dma_start3A_118] : memref<10240x144xf32, #tpu.memory_space<vmem_shared>> -> memref<64x144xf32, #tpu.memory_space<vmem_shared>>
      tpu.enqueue_dma source(%arg9 : memref<64x144xf32, #tpu.memory_space<vmem>>) target(%dma_start3A_119 : memref<64x144xf32, #tpu.memory_space<vmem_shared>>) target_semaphore(%run_scoped3A : memref<!tpu.dma_semaphore, #tpu.memory_space<semaphore_mem>>)
      %dma_wait3A_120 = arith.constant 0 : i32
      %dma_wait3A_121 = tpu.memref_slice %arg15[%add3A_39, %dma_wait3A_120] : memref<10240x144xf32, #tpu.memory_space<vmem_shared>> -> memref<64x144xf32, #tpu.memory_space<vmem_shared>>
      %dma_wait3A_122 = arith.constant 0 : i32
      %dma_wait3A_123 = tpu.memref_slice %arg15[%add3A_39, %dma_wait3A_122] : memref<10240x144xf32, #tpu.memory_space<vmem_shared>> -> memref<64x144xf32, #tpu.memory_space<vmem_shared>>
      tpu.wait_dma2 semaphore(%run_scoped3A : memref<!tpu.dma_semaphore, #tpu.memory_space<semaphore_mem>>) src(%arg9 : memref<64x144xf32, #tpu.memory_space<vmem>>) dst(%dma_wait3A_123 : memref<64x144xf32, #tpu.memory_space<vmem_shared>>)
      tpu.yield
    }) : () -> ()
    %mul3A_40 = arith.constant 640 : i32
    %mul3A_41 = arith.muli %arg1, %mul3A_40 : i32
    %add3A_42 = arith.constant 576 : i32
    %add3A_43 = arith.addi %mul3A_41, %add3A_42 : i32
    "tpu.region"() ({
      %run_scoped3A = tpu.sem_alloc : memref<!tpu.dma_semaphore, #tpu.memory_space<semaphore_mem>>
      %dma_start3A_116 = arith.constant 0 : i32
      %dma_start3A_117 = tpu.memref_slice %arg15[%add3A_43, %dma_start3A_116] : memref<10240x144xf32, #tpu.memory_space<vmem_shared>> -> memref<64x144xf32, #tpu.memory_space<vmem_shared>>
      %dma_start3A_118 = arith.constant 0 : i32
      %dma_start3A_119 = tpu.memref_slice %arg15[%add3A_43, %dma_start3A_118] : memref<10240x144xf32, #tpu.memory_space<vmem_shared>> -> memref<64x144xf32, #tpu.memory_space<vmem_shared>>
      tpu.enqueue_dma source(%arg9 : memref<64x144xf32, #tpu.memory_space<vmem>>) target(%dma_start3A_119 : memref<64x144xf32, #tpu.memory_space<vmem_shared>>) target_semaphore(%run_scoped3A : memref<!tpu.dma_semaphore, #tpu.memory_space<semaphore_mem>>)
      %dma_wait3A_120 = arith.constant 0 : i32
      %dma_wait3A_121 = tpu.memref_slice %arg15[%add3A_43, %dma_wait3A_120] : memref<10240x144xf32, #tpu.memory_space<vmem_shared>> -> memref<64x144xf32, #tpu.memory_space<vmem_shared>>
      %dma_wait3A_122 = arith.constant 0 : i32
      %dma_wait3A_123 = tpu.memref_slice %arg15[%add3A_43, %dma_wait3A_122] : memref<10240x144xf32, #tpu.memory_space<vmem_shared>> -> memref<64x144xf32, #tpu.memory_space<vmem_shared>>
      tpu.wait_dma2 semaphore(%run_scoped3A : memref<!tpu.dma_semaphore, #tpu.memory_space<semaphore_mem>>) src(%arg9 : memref<64x144xf32, #tpu.memory_space<vmem>>) dst(%dma_wait3A_123 : memref<64x144xf32, #tpu.memory_space<vmem_shared>>)
      tpu.yield
    }) : () -> ()
    %barrier3A = arith.constant 0 : index
    tpu.barrier barrier_id(%barrier3A)
    %iota3A = tpu.iota {dimensions = array<i32: 0>} : vector<16xi32>
    %lt3A = arith.constant 4 : i32
    %lt3A_44 = vector.broadcast %lt3A : i32 to vector<16xi32>
    %lt3A_45 = arith.cmpi slt, %iota3A, %lt3A_44 : vector<16xi32>
    %broadcast_in_dim3A = arith.constant 0 : i32
    %broadcast_in_dim3A_46 = vector.broadcast %broadcast_in_dim3A : i32 to vector<16xi32>
    %broadcast_in_dim3A_47 = arith.constant 1 : i32
    %broadcast_in_dim3A_48 = vector.broadcast %broadcast_in_dim3A_47 : i32 to vector<16xi32>
    %broadcast_in_dim3A_49 = arith.constant 2 : i32
    %broadcast_in_dim3A_50 = vector.broadcast %broadcast_in_dim3A_49 : i32 to vector<16xi32>
    %broadcast_in_dim3A_51 = arith.constant 3 : i32
    %broadcast_in_dim3A_52 = vector.broadcast %broadcast_in_dim3A_51 : i32 to vector<16xi32>
    %mul3A_53 = arith.constant 16 : i32
    %mul3A_54 = arith.muli %arg0, %mul3A_53 : i32
    %add3A_55 = arith.addi %mul3A_54, %arg1 : i32
    %mul3A_56 = arith.constant 162 : i32
    %mul3A_57 = arith.muli %add3A_55, %mul3A_56 : i32
    %add3A_58 = arith.constant 0 : i32
    %add3A_59 = arith.addi %mul3A_57, %add3A_58 : i32
    %mul3A_60 = arith.constant 2 : i32
    %mul3A_61 = arith.muli %add3A_59, %mul3A_60 : i32
    "tpu.region"() ({
      %run_scoped3A = tpu.sem_alloc : memref<!tpu.dma_semaphore, #tpu.memory_space<semaphore_mem>>
      %dma_start3A_116 = arith.constant 0 : i32
      %dma_start3A_117 = tpu.memref_slice %arg4[%mul3A_61, %dma_start3A_116] : memref<10368x64xi32, #tpu.memory_space<hbm>> -> memref<2x64xi32, #tpu.memory_space<hbm>>
      %dma_start3A_118 = arith.constant 0 : i32
      %dma_start3A_119 = tpu.memref_slice %arg4[%mul3A_61, %dma_start3A_118] : memref<10368x64xi32, #tpu.memory_space<hbm>> -> memref<2x64xi32, #tpu.memory_space<hbm>>
      tpu.enqueue_dma source(%dma_start3A_119 : memref<2x64xi32, #tpu.memory_space<hbm>>) target(%arg6 : memref<2x64xi32, #tpu.memory_space<vmem>>) target_semaphore(%run_scoped3A : memref<!tpu.dma_semaphore, #tpu.memory_space<semaphore_mem>>)
      %dma_wait3A_120 = arith.constant 0 : i32
      %dma_wait3A_121 = tpu.memref_slice %arg4[%mul3A_61, %dma_wait3A_120] : memref<10368x64xi32, #tpu.memory_space<hbm>> -> memref<2x64xi32, #tpu.memory_space<hbm>>
      %dma_wait3A_122 = arith.constant 0 : i32
      %dma_wait3A_123 = tpu.memref_slice %arg4[%mul3A_61, %dma_wait3A_122] : memref<10368x64xi32, #tpu.memory_space<hbm>> -> memref<2x64xi32, #tpu.memory_space<hbm>>
      tpu.wait_dma2 semaphore(%run_scoped3A : memref<!tpu.dma_semaphore, #tpu.memory_space<semaphore_mem>>) src(%dma_wait3A_123 : memref<2x64xi32, #tpu.memory_space<hbm>>) dst(%arg6 : memref<2x64xi32, #tpu.memory_space<vmem>>)
      tpu.yield
    }) : () -> ()
    %dma_start3A = arith.constant 0 : i32
    %dma_start3A_62 = arith.constant 0 : i32
    %dma_start3A_63 = tpu.memref_slice %arg6[%dma_start3A, %dma_start3A_62] : memref<2x64xi32, #tpu.memory_space<vmem>> -> memref<1x64xi32, #tpu.memory_space<vmem>>
    %dma_start3A_64 = tpu.memref_squeeze %dma_start3A_63 : memref<1x64xi32, #tpu.memory_space<vmem>> -> memref<64xi32, #tpu.memory_space<vmem>>
    %dma_start3A_65 = arith.constant 0 : i32
    %dma_start3A_66 = arith.constant 0 : i32
    %dma_start3A_67 = tpu.memref_slice %arg2[%dma_start3A_65, %dma_start3A_66] : memref<10240x144xf32, #tpu.memory_space<hbm>> -> memref<10240x144xf32, #tpu.memory_space<hbm>>
    tpu.enqueue_indirect_dma source(%dma_start3A_67 : memref<10240x144xf32, #tpu.memory_space<hbm>>) target(%arg9 : memref<64x144xf32, #tpu.memory_space<vmem>>) offsets(%dma_start3A_64 : memref<64xi32, #tpu.memory_space<vmem>>) semaphore(%arg16 : memref<!tpu.dma_semaphore, #tpu.memory_space<semaphore_mem>>)
    %dma_start3A_68 = arith.constant 1 : i32
    %dma_start3A_69 = arith.constant 0 : i32
    %dma_start3A_70 = tpu.memref_slice %arg6[%dma_start3A_68, %dma_start3A_69] : memref<2x64xi32, #tpu.memory_space<vmem>> -> memref<1x64xi32, #tpu.memory_space<vmem>>
    %dma_start3A_71 = tpu.memref_squeeze %dma_start3A_70 : memref<1x64xi32, #tpu.memory_space<vmem>> -> memref<64xi32, #tpu.memory_space<vmem>>
    %dma_start3A_72 = arith.constant 0 : i32
    %dma_start3A_73 = arith.constant 0 : i32
    %dma_start3A_74 = tpu.memref_slice %arg3[%dma_start3A_72, %dma_start3A_73] : memref<10240x16xf32, #tpu.memory_space<hbm>> -> memref<10240x16xf32, #tpu.memory_space<hbm>>
    tpu.enqueue_indirect_dma source(%dma_start3A_74 : memref<10240x16xf32, #tpu.memory_space<hbm>>) target(%arg12 : memref<64x16xf32, #tpu.memory_space<vmem>>) offsets(%dma_start3A_71 : memref<64xi32, #tpu.memory_space<vmem>>) semaphore(%arg16 : memref<!tpu.dma_semaphore, #tpu.memory_space<semaphore_mem>>)
    %mul3A_75 = arith.constant 162 : i32
    %mul3A_76 = arith.muli %add3A_55, %mul3A_75 : i32
    %add3A_77 = arith.constant 1 : i32
    %add3A_78 = arith.addi %mul3A_76, %add3A_77 : i32
    %mul3A_79 = arith.constant 2 : i32
    %mul3A_80 = arith.muli %add3A_78, %mul3A_79 : i32
    "tpu.region"() ({
      %run_scoped3A = tpu.sem_alloc : memref<!tpu.dma_semaphore, #tpu.memory_space<semaphore_mem>>
      %dma_start3A_116 = arith.constant 0 : i32
      %dma_start3A_117 = tpu.memref_slice %arg4[%mul3A_80, %dma_start3A_116] : memref<10368x64xi32, #tpu.memory_space<hbm>> -> memref<2x64xi32, #tpu.memory_space<hbm>>
      %dma_start3A_118 = arith.constant 0 : i32
      %dma_start3A_119 = tpu.memref_slice %arg4[%mul3A_80, %dma_start3A_118] : memref<10368x64xi32, #tpu.memory_space<hbm>> -> memref<2x64xi32, #tpu.memory_space<hbm>>
      tpu.enqueue_dma source(%dma_start3A_119 : memref<2x64xi32, #tpu.memory_space<hbm>>) target(%arg7 : memref<2x64xi32, #tpu.memory_space<vmem>>) target_semaphore(%run_scoped3A : memref<!tpu.dma_semaphore, #tpu.memory_space<semaphore_mem>>)
      %dma_wait3A_120 = arith.constant 0 : i32
      %dma_wait3A_121 = tpu.memref_slice %arg4[%mul3A_80, %dma_wait3A_120] : memref<10368x64xi32, #tpu.memory_space<hbm>> -> memref<2x64xi32, #tpu.memory_space<hbm>>
      %dma_wait3A_122 = arith.constant 0 : i32
      %dma_wait3A_123 = tpu.memref_slice %arg4[%mul3A_80, %dma_wait3A_122] : memref<10368x64xi32, #tpu.memory_space<hbm>> -> memref<2x64xi32, #tpu.memory_space<hbm>>
      tpu.wait_dma2 semaphore(%run_scoped3A : memref<!tpu.dma_semaphore, #tpu.memory_space<semaphore_mem>>) src(%dma_wait3A_123 : memref<2x64xi32, #tpu.memory_space<hbm>>) dst(%arg7 : memref<2x64xi32, #tpu.memory_space<vmem>>)
      tpu.yield
    }) : () -> ()
    %dma_start3A_81 = arith.constant 0 : i32
    %dma_start3A_82 = arith.constant 0 : i32
    %dma_start3A_83 = tpu.memref_slice %arg7[%dma_start3A_81, %dma_start3A_82] : memref<2x64xi32, #tpu.memory_space<vmem>> -> memref<1x64xi32, #tpu.memory_space<vmem>>
    %dma_start3A_84 = tpu.memref_squeeze %dma_start3A_83 : memref<1x64xi32, #tpu.memory_space<vmem>> -> memref<64xi32, #tpu.memory_space<vmem>>
    %dma_start3A_85 = arith.constant 0 : i32
    %dma_start3A_86 = arith.constant 0 : i32
    %dma_start3A_87 = tpu.memref_slice %arg2[%dma_start3A_85, %dma_start3A_86] : memref<10240x144xf32, #tpu.memory_space<hbm>> -> memref<10240x144xf32, #tpu.memory_space<hbm>>
    tpu.enqueue_indirect_dma source(%dma_start3A_87 : memref<10240x144xf32, #tpu.memory_space<hbm>>) target(%arg10 : memref<64x144xf32, #tpu.memory_space<vmem>>) offsets(%dma_start3A_84 : memref<64xi32, #tpu.memory_space<vmem>>) semaphore(%arg17 : memref<!tpu.dma_semaphore, #tpu.memory_space<semaphore_mem>>)
    %dma_start3A_88 = arith.constant 1 : i32
    %dma_start3A_89 = arith.constant 0 : i32
    %dma_start3A_90 = tpu.memref_slice %arg7[%dma_start3A_88, %dma_start3A_89] : memref<2x64xi32, #tpu.memory_space<vmem>> -> memref<1x64xi32, #tpu.memory_space<vmem>>
    %dma_start3A_91 = tpu.memref_squeeze %dma_start3A_90 : memref<1x64xi32, #tpu.memory_space<vmem>> -> memref<64xi32, #tpu.memory_space<vmem>>
    %dma_start3A_92 = arith.constant 0 : i32
    %dma_start3A_93 = arith.constant 0 : i32
    %dma_start3A_94 = tpu.memref_slice %arg3[%dma_start3A_92, %dma_start3A_93] : memref<10240x16xf32, #tpu.memory_space<hbm>> -> memref<10240x16xf32, #tpu.memory_space<hbm>>
    tpu.enqueue_indirect_dma source(%dma_start3A_94 : memref<10240x16xf32, #tpu.memory_space<hbm>>) target(%arg13 : memref<64x16xf32, #tpu.memory_space<vmem>>) offsets(%dma_start3A_91 : memref<64xi32, #tpu.memory_space<vmem>>) semaphore(%arg17 : memref<!tpu.dma_semaphore, #tpu.memory_space<semaphore_mem>>)
    %scan3A_95 = arith.constant 0 : i32
    %scan3A_96 = arith.constant 0 : i32
    %scan3A_97 = arith.constant 54 : i32
    %scan3A_98 = arith.addi %scan3A_96, %scan3A_97 : i32
    %scan3A_99 = arith.constant 1 : i32
    %scan3A_100 = scf.for %scan3A_116 = %scan3A_96 to %scan3A_98 step %scan3A_99 iter_args(%scan3A_117 = %scan3A_95) -> (i32)  : i32 {
      %mul3A_118 = arith.constant 3 : i32
      %mul3A_119 = arith.muli %mul3A_118, %scan3A_116 : i32
      %add3A_120 = arith.constant 0 : i32
      %add3A_121 = arith.addi %mul3A_119, %add3A_120 : i32
      %gt3A = arith.constant 0 : i32
      %gt3A_122 = arith.cmpi sgt, %scan3A_116, %gt3A : i32
      %convert_element_type3A = arith.extui %gt3A_122 : i1 to i32
      %cond3A = arith.constant 0 : i32
      %cond3A_123 = arith.cmpi ne, %convert_element_type3A, %cond3A : i32
      scf.if %cond3A_123 {
        %dma_wait3A_262 = arith.constant 1 : i32
        %dma_wait3A_263 = arith.constant 0 : i32
        %dma_wait3A_264 = tpu.memref_slice %arg8[%dma_wait3A_262, %dma_wait3A_263] : memref<2x64xi32, #tpu.memory_space<vmem>> -> memref<1x64xi32, #tpu.memory_space<vmem>>
        %dma_wait3A_265 = tpu.memref_squeeze %dma_wait3A_264 : memref<1x64xi32, #tpu.memory_space<vmem>> -> memref<64xi32, #tpu.memory_space<vmem>>
        %dma_wait3A_266 = arith.constant 0 : i32
        %dma_wait3A_267 = arith.constant 0 : i32
        %dma_wait3A_268 = tpu.memref_slice %arg15[%dma_wait3A_266, %dma_wait3A_267] : memref<10240x144xf32, #tpu.memory_space<vmem_shared>> -> memref<10240x144xf32, #tpu.memory_space<vmem_shared>>
        tpu.wait_indirect_dma semaphore(%arg21 : memref<!tpu.dma_semaphore, #tpu.memory_space<semaphore_mem>>) src(%arg11 : memref<64x144xf32, #tpu.memory_space<vmem>>) dst(%dma_wait3A_268 : memref<10240x144xf32, #tpu.memory_space<vmem_shared>>)
      } else {
      }
      %add3A_124 = arith.constant 2 : i32
      %add3A_125 = arith.addi %add3A_121, %add3A_124 : i32
      %mul3A_126 = arith.constant 162 : i32
      %mul3A_127 = arith.muli %add3A_55, %mul3A_126 : i32
      %add3A_128 = arith.addi %mul3A_127, %add3A_125 : i32
      %mul3A_129 = arith.constant 2 : i32
      %mul3A_130 = arith.muli %add3A_128, %mul3A_129 : i32
      "tpu.region"() ({
        %run_scoped3A = tpu.sem_alloc : memref<!tpu.dma_semaphore, #tpu.memory_space<semaphore_mem>>
        %dma_start3A_262 = arith.constant 0 : i32
        %dma_start3A_263 = tpu.memref_slice %arg4[%mul3A_130, %dma_start3A_262] : memref<10368x64xi32, #tpu.memory_space<hbm>> -> memref<2x64xi32, #tpu.memory_space<hbm>>
        %dma_start3A_264 = arith.constant 0 : i32
        %dma_start3A_265 = tpu.memref_slice %arg4[%mul3A_130, %dma_start3A_264] : memref<10368x64xi32, #tpu.memory_space<hbm>> -> memref<2x64xi32, #tpu.memory_space<hbm>>
        tpu.enqueue_dma source(%dma_start3A_265 : memref<2x64xi32, #tpu.memory_space<hbm>>) target(%arg8 : memref<2x64xi32, #tpu.memory_space<vmem>>) target_semaphore(%run_scoped3A : memref<!tpu.dma_semaphore, #tpu.memory_space<semaphore_mem>>)
        %dma_wait3A_266 = arith.constant 0 : i32
        %dma_wait3A_267 = tpu.memref_slice %arg4[%mul3A_130, %dma_wait3A_266] : memref<10368x64xi32, #tpu.memory_space<hbm>> -> memref<2x64xi32, #tpu.memory_space<hbm>>
        %dma_wait3A_268 = arith.constant 0 : i32
        %dma_wait3A_269 = tpu.memref_slice %arg4[%mul3A_130, %dma_wait3A_268] : memref<10368x64xi32, #tpu.memory_space<hbm>> -> memref<2x64xi32, #tpu.memory_space<hbm>>
        tpu.wait_dma2 semaphore(%run_scoped3A : memref<!tpu.dma_semaphore, #tpu.memory_space<semaphore_mem>>) src(%dma_wait3A_269 : memref<2x64xi32, #tpu.memory_space<hbm>>) dst(%arg8 : memref<2x64xi32, #tpu.memory_space<vmem>>)
        tpu.yield
      }) : () -> ()
      %dma_start3A_131 = arith.constant 0 : i32
      %dma_start3A_132 = arith.constant 0 : i32
      %dma_start3A_133 = tpu.memref_slice %arg8[%dma_start3A_131, %dma_start3A_132] : memref<2x64xi32, #tpu.memory_space<vmem>> -> memref<1x64xi32, #tpu.memory_space<vmem>>
      %dma_start3A_134 = tpu.memref_squeeze %dma_start3A_133 : memref<1x64xi32, #tpu.memory_space<vmem>> -> memref<64xi32, #tpu.memory_space<vmem>>
      %dma_start3A_135 = arith.constant 0 : i32
      %dma_start3A_136 = arith.constant 0 : i32
      %dma_start3A_137 = tpu.memref_slice %arg2[%dma_start3A_135, %dma_start3A_136] : memref<10240x144xf32, #tpu.memory_space<hbm>> -> memref<10240x144xf32, #tpu.memory_space<hbm>>
      tpu.enqueue_indirect_dma source(%dma_start3A_137 : memref<10240x144xf32, #tpu.memory_space<hbm>>) target(%arg11 : memref<64x144xf32, #tpu.memory_space<vmem>>) offsets(%dma_start3A_134 : memref<64xi32, #tpu.memory_space<vmem>>) semaphore(%arg18 : memref<!tpu.dma_semaphore, #tpu.memory_space<semaphore_mem>>)
      %dma_start3A_138 = arith.constant 1 : i32
      %dma_start3A_139 = arith.constant 0 : i32
      %dma_start3A_140 = tpu.memref_slice %arg8[%dma_start3A_138, %dma_start3A_139] : memref<2x64xi32, #tpu.memory_space<vmem>> -> memref<1x64xi32, #tpu.memory_space<vmem>>
      %dma_start3A_141 = tpu.memref_squeeze %dma_start3A_140 : memref<1x64xi32, #tpu.memory_space<vmem>> -> memref<64xi32, #tpu.memory_space<vmem>>
      %dma_start3A_142 = arith.constant 0 : i32
      %dma_start3A_143 = arith.constant 0 : i32
      %dma_start3A_144 = tpu.memref_slice %arg3[%dma_start3A_142, %dma_start3A_143] : memref<10240x16xf32, #tpu.memory_space<hbm>> -> memref<10240x16xf32, #tpu.memory_space<hbm>>
      tpu.enqueue_indirect_dma source(%dma_start3A_144 : memref<10240x16xf32, #tpu.memory_space<hbm>>) target(%arg14 : memref<64x16xf32, #tpu.memory_space<vmem>>) offsets(%dma_start3A_141 : memref<64xi32, #tpu.memory_space<vmem>>) semaphore(%arg18 : memref<!tpu.dma_semaphore, #tpu.memory_space<semaphore_mem>>)
      %dma_wait3A_145 = arith.constant 0 : i32
      %dma_wait3A_146 = arith.constant 0 : i32
      %dma_wait3A_147 = tpu.memref_slice %arg6[%dma_wait3A_145, %dma_wait3A_146] : memref<2x64xi32, #tpu.memory_space<vmem>> -> memref<1x64xi32, #tpu.memory_space<vmem>>
      %dma_wait3A_148 = tpu.memref_squeeze %dma_wait3A_147 : memref<1x64xi32, #tpu.memory_space<vmem>> -> memref<64xi32, #tpu.memory_space<vmem>>
      %dma_wait3A_149 = arith.constant 0 : i32
      %dma_wait3A_150 = arith.constant 0 : i32
      %dma_wait3A_151 = tpu.memref_slice %arg2[%dma_wait3A_149, %dma_wait3A_150] : memref<10240x144xf32, #tpu.memory_space<hbm>> -> memref<10240x144xf32, #tpu.memory_space<hbm>>
      tpu.wait_indirect_dma semaphore(%arg16 : memref<!tpu.dma_semaphore, #tpu.memory_space<semaphore_mem>>) src(%dma_wait3A_151 : memref<10240x144xf32, #tpu.memory_space<hbm>>) dst(%arg9 : memref<64x144xf32, #tpu.memory_space<vmem>>)
      %dma_wait3A_152 = arith.constant 1 : i32
      %dma_wait3A_153 = arith.constant 0 : i32
      %dma_wait3A_154 = tpu.memref_slice %arg6[%dma_wait3A_152, %dma_wait3A_153] : memref<2x64xi32, #tpu.memory_space<vmem>> -> memref<1x64xi32, #tpu.memory_space<vmem>>
      %dma_wait3A_155 = tpu.memref_squeeze %dma_wait3A_154 : memref<1x64xi32, #tpu.memory_space<vmem>> -> memref<64xi32, #tpu.memory_space<vmem>>
      %dma_wait3A_156 = arith.constant 0 : i32
      %dma_wait3A_157 = arith.constant 0 : i32
      %dma_wait3A_158 = tpu.memref_slice %arg3[%dma_wait3A_156, %dma_wait3A_157] : memref<10240x16xf32, #tpu.memory_space<hbm>> -> memref<10240x16xf32, #tpu.memory_space<hbm>>
      tpu.wait_indirect_dma semaphore(%arg16 : memref<!tpu.dma_semaphore, #tpu.memory_space<semaphore_mem>>) src(%dma_wait3A_158 : memref<10240x16xf32, #tpu.memory_space<hbm>>) dst(%arg12 : memref<64x16xf32, #tpu.memory_space<vmem>>)
      %scan3A_159 = arith.constant 0 : i32
      %scan3A_160 = arith.constant 0 : i32
      %scan3A_161 = arith.constant 32 : i32
      %scan3A_162 = arith.addi %scan3A_160, %scan3A_161 : i32
      %scan3A_163 = arith.constant 1 : i32
      %scan3A_164 = scf.for %scan3A_262 = %scan3A_160 to %scan3A_162 step %scan3A_163 iter_args(%scan3A_263 = %scan3A_159) -> (i32)  : i32 {
        %mul3A_264 = arith.constant 2 : i32
        %mul3A_265 = arith.muli %mul3A_264, %scan3A_262 : i32
        %add3A_266 = arith.constant 0 : i32
        %add3A_267 = arith.addi %mul3A_265, %add3A_266 : i32
        %get3A = arith.index_cast %add3A_267 : i32 to index
        %get3A_268 = arith.constant 128 : index
        %get3A_269 = tpu.vector_load %arg9[%get3A, %get3A_268] {strides = array<i32>} : memref<64x144xf32, #tpu.memory_space<vmem>>, vector<1x16xf32>,
        %get3A_270 = vector.shape_cast %get3A_269 : vector<1x16xf32> to vector<16xf32>
        %get3A_271 = arith.index_cast %add3A_267 : i32 to index
        %get3A_272 = arith.constant 0 : index
        %get3A_273 = tpu.vector_load %arg12[%get3A_271, %get3A_272] {strides = array<i32>} : memref<64x16xf32, #tpu.memory_space<vmem>>, vector<1x16xf32>,
        %get3A_274 = vector.shape_cast %get3A_273 : vector<1x16xf32> to vector<16xf32>
        %add3A_275 = arith.addf %get3A_270, %get3A_274 : vector<16xf32>
        %mul3A_276 = arith.constant 2.000000e-01 : f32
        %mul3A_277 = vector.broadcast %mul3A_276 : f32 to vector<16xf32>
        %mul3A_278 = arith.mulf %mul3A_277, %add3A_275 : vector<16xf32>
        %max3A = arith.maximumf %add3A_275, %mul3A_278 : vector<16xf32>
        %exp3A = math.exp %max3A : vector<16xf32>
        %jit3A = arith.constant 0.000000e+00 : f32
        %broadcast_in_dim3A_279 = vector.broadcast %jit3A : f32 to vector<16xf32>
        %select_n3A = arith.select %lt3A_45, %exp3A, %broadcast_in_dim3A_279 : vector<16xi1>, vector<16xf32>
        %swap3A = arith.index_cast %add3A_267 : i32 to index
        %swap3A_280 = arith.constant 128 : index
        %swap3A_281 = tpu.vector_load %arg9[%swap3A, %swap3A_280] {strides = array<i32>} : memref<64x144xf32, #tpu.memory_space<vmem>>, vector<1x16xf32>,
        %swap3A_282 = vector.shape_cast %swap3A_281 : vector<1x16xf32> to vector<16xf32>
        %swap3A_283 = vector.shape_cast %select_n3A : vector<16xf32> to vector<1x16xf32>
        tpu.vector_store %arg9[%swap3A, %swap3A_280], %swap3A_283 {strides = array<i32>} : memref<64x144xf32, #tpu.memory_space<vmem>>, vector<1x16xf32>,
        %broadcast_in_dim3A_284 = vector.shape_cast %broadcast_in_dim3A_46 : vector<16xi32> to vector<16x1xi32>
        %gather3A = vector.shape_cast %broadcast_in_dim3A_284 : vector<16x1xi32> to vector<16xi32>
        %gather3A_285 = tpu.dynamic_gather %exp3A[%gather3A] in [0] : vector<16xf32>, vector<16xi32> -> vector<16xf32>
        %broadcast_in_dim3A_286 = vector.shape_cast %broadcast_in_dim3A_48 : vector<16xi32> to vector<16x1xi32>
        %gather3A_287 = vector.shape_cast %broadcast_in_dim3A_286 : vector<16x1xi32> to vector<16xi32>
        %gather3A_288 = tpu.dynamic_gather %exp3A[%gather3A_287] in [0] : vector<16xf32>, vector<16xi32> -> vector<16xf32>
        %broadcast_in_dim3A_289 = vector.shape_cast %broadcast_in_dim3A_50 : vector<16xi32> to vector<16x1xi32>
        %gather3A_290 = vector.shape_cast %broadcast_in_dim3A_289 : vector<16x1xi32> to vector<16xi32>
        %gather3A_291 = tpu.dynamic_gather %exp3A[%gather3A_290] in [0] : vector<16xf32>, vector<16xi32> -> vector<16xf32>
        %broadcast_in_dim3A_292 = vector.shape_cast %broadcast_in_dim3A_52 : vector<16xi32> to vector<16x1xi32>
        %gather3A_293 = vector.shape_cast %broadcast_in_dim3A_292 : vector<16x1xi32> to vector<16xi32>
        %gather3A_294 = tpu.dynamic_gather %exp3A[%gather3A_293] in [0] : vector<16xf32>, vector<16xi32> -> vector<16xf32>
        %get3A_295 = arith.index_cast %add3A_267 : i32 to index
        %get3A_296 = arith.constant 0 : index
        %get3A_297 = tpu.vector_load %arg9[%get3A_295, %get3A_296] {strides = array<i32>} : memref<64x144xf32, #tpu.memory_space<vmem>>, vector<1x16xf32>,
        %get3A_298 = vector.shape_cast %get3A_297 : vector<1x16xf32> to vector<16xf32>
        %mul3A_299 = arith.mulf %get3A_298, %gather3A_285 : vector<16xf32>
        %swap3A_300 = arith.index_cast %add3A_267 : i32 to index
        %swap3A_301 = arith.constant 0 : index
        %swap3A_302 = tpu.vector_load %arg9[%swap3A_300, %swap3A_301] {strides = array<i32>} : memref<64x144xf32, #tpu.memory_space<vmem>>, vector<1x16xf32>,
        %swap3A_303 = vector.shape_cast %swap3A_302 : vector<1x16xf32> to vector<16xf32>
        %swap3A_304 = vector.shape_cast %mul3A_299 : vector<16xf32> to vector<1x16xf32>
        tpu.vector_store %arg9[%swap3A_300, %swap3A_301], %swap3A_304 {strides = array<i32>} : memref<64x144xf32, #tpu.memory_space<vmem>>, vector<1x16xf32>,
        %get3A_305 = arith.index_cast %add3A_267 : i32 to index
        %get3A_306 = arith.constant 16 : index
        %get3A_307 = tpu.vector_load %arg9[%get3A_305, %get3A_306] {strides = array<i32>} : memref<64x144xf32, #tpu.memory_space<vmem>>, vector<1x16xf32>,
        %get3A_308 = vector.shape_cast %get3A_307 : vector<1x16xf32> to vector<16xf32>
        %mul3A_309 = arith.mulf %get3A_308, %gather3A_285 : vector<16xf32>
        %swap3A_310 = arith.index_cast %add3A_267 : i32 to index
        %swap3A_311 = arith.constant 16 : index
        %swap3A_312 = tpu.vector_load %arg9[%swap3A_310, %swap3A_311] {strides = array<i32>} : memref<64x144xf32, #tpu.memory_space<vmem>>, vector<1x16xf32>,
        %swap3A_313 = vector.shape_cast %swap3A_312 : vector<1x16xf32> to vector<16xf32>
        %swap3A_314 = vector.shape_cast %mul3A_309 : vector<16xf32> to vector<1x16xf32>
        tpu.vector_store %arg9[%swap3A_310, %swap3A_311], %swap3A_314 {strides = array<i32>} : memref<64x144xf32, #tpu.memory_space<vmem>>, vector<1x16xf32>,
        %get3A_315 = arith.index_cast %add3A_267 : i32 to index
        %get3A_316 = arith.constant 32 : index
        %get3A_317 = tpu.vector_load %arg9[%get3A_315, %get3A_316] {strides = array<i32>} : memref<64x144xf32, #tpu.memory_space<vmem>>, vector<1x16xf32>,
        %get3A_318 = vector.shape_cast %get3A_317 : vector<1x16xf32> to vector<16xf32>
        %mul3A_319 = arith.mulf %get3A_318, %gather3A_288 : vector<16xf32>
        %swap3A_320 = arith.index_cast %add3A_267 : i32 to index
        %swap3A_321 = arith.constant 32 : index
        %swap3A_322 = tpu.vector_load %arg9[%swap3A_320, %swap3A_321] {strides = array<i32>} : memref<64x144xf32, #tpu.memory_space<vmem>>, vector<1x16xf32>,
        %swap3A_323 = vector.shape_cast %swap3A_322 : vector<1x16xf32> to vector<16xf32>
        %swap3A_324 = vector.shape_cast %mul3A_319 : vector<16xf32> to vector<1x16xf32>
        tpu.vector_store %arg9[%swap3A_320, %swap3A_321], %swap3A_324 {strides = array<i32>} : memref<64x144xf32, #tpu.memory_space<vmem>>, vector<1x16xf32>,
        %get3A_325 = arith.index_cast %add3A_267 : i32 to index
        %get3A_326 = arith.constant 48 : index
        %get3A_327 = tpu.vector_load %arg9[%get3A_325, %get3A_326] {strides = array<i32>} : memref<64x144xf32, #tpu.memory_space<vmem>>, vector<1x16xf32>,
        %get3A_328 = vector.shape_cast %get3A_327 : vector<1x16xf32> to vector<16xf32>
        %mul3A_329 = arith.mulf %get3A_328, %gather3A_288 : vector<16xf32>
        %swap3A_330 = arith.index_cast %add3A_267 : i32 to index
        %swap3A_331 = arith.constant 48 : index
        %swap3A_332 = tpu.vector_load %arg9[%swap3A_330, %swap3A_331] {strides = array<i32>} : memref<64x144xf32, #tpu.memory_space<vmem>>, vector<1x16xf32>,
        %swap3A_333 = vector.shape_cast %swap3A_332 : vector<1x16xf32> to vector<16xf32>
        %swap3A_334 = vector.shape_cast %mul3A_329 : vector<16xf32> to vector<1x16xf32>
        tpu.vector_store %arg9[%swap3A_330, %swap3A_331], %swap3A_334 {strides = array<i32>} : memref<64x144xf32, #tpu.memory_space<vmem>>, vector<1x16xf32>,
        %get3A_335 = arith.index_cast %add3A_267 : i32 to index
        %get3A_336 = arith.constant 64 : index
        %get3A_337 = tpu.vector_load %arg9[%get3A_335, %get3A_336] {strides = array<i32>} : memref<64x144xf32, #tpu.memory_space<vmem>>, vector<1x16xf32>,
        %get3A_338 = vector.shape_cast %get3A_337 : vector<1x16xf32> to vector<16xf32>
        %mul3A_339 = arith.mulf %get3A_338, %gather3A_291 : vector<16xf32>
        %swap3A_340 = arith.index_cast %add3A_267 : i32 to index
        %swap3A_341 = arith.constant 64 : index
        %swap3A_342 = tpu.vector_load %arg9[%swap3A_340, %swap3A_341] {strides = array<i32>} : memref<64x144xf32, #tpu.memory_space<vmem>>, vector<1x16xf32>,
        %swap3A_343 = vector.shape_cast %swap3A_342 : vector<1x16xf32> to vector<16xf32>
        %swap3A_344 = vector.shape_cast %mul3A_339 : vector<16xf32> to vector<1x16xf32>
        tpu.vector_store %arg9[%swap3A_340, %swap3A_341], %swap3A_344 {strides = array<i32>} : memref<64x144xf32, #tpu.memory_space<vmem>>, vector<1x16xf32>,
        %get3A_345 = arith.index_cast %add3A_267 : i32 to index
        %get3A_346 = arith.constant 80 : index
        %get3A_347 = tpu.vector_load %arg9[%get3A_345, %get3A_346] {strides = array<i32>} : memref<64x144xf32, #tpu.memory_space<vmem>>, vector<1x16xf32>,
        %get3A_348 = vector.shape_cast %get3A_347 : vector<1x16xf32> to vector<16xf32>
        %mul3A_349 = arith.mulf %get3A_348, %gather3A_291 : vector<16xf32>
        %swap3A_350 = arith.index_cast %add3A_267 : i32 to index
        %swap3A_351 = arith.constant 80 : index
        %swap3A_352 = tpu.vector_load %arg9[%swap3A_350, %swap3A_351] {strides = array<i32>} : memref<64x144xf32, #tpu.memory_space<vmem>>, vector<1x16xf32>,
        %swap3A_353 = vector.shape_cast %swap3A_352 : vector<1x16xf32> to vector<16xf32>
        %swap3A_354 = vector.shape_cast %mul3A_349 : vector<16xf32> to vector<1x16xf32>
        tpu.vector_store %arg9[%swap3A_350, %swap3A_351], %swap3A_354 {strides = array<i32>} : memref<64x144xf32, #tpu.memory_space<vmem>>, vector<1x16xf32>,
        %get3A_355 = arith.index_cast %add3A_267 : i32 to index
        %get3A_356 = arith.constant 96 : index
        %get3A_357 = tpu.vector_load %arg9[%get3A_355, %get3A_356] {strides = array<i32>} : memref<64x144xf32, #tpu.memory_space<vmem>>, vector<1x16xf32>,
        %get3A_358 = vector.shape_cast %get3A_357 : vector<1x16xf32> to vector<16xf32>
        %mul3A_359 = arith.mulf %get3A_358, %gather3A_294 : vector<16xf32>
        %swap3A_360 = arith.index_cast %add3A_267 : i32 to index
        %swap3A_361 = arith.constant 96 : index
        %swap3A_362 = tpu.vector_load %arg9[%swap3A_360, %swap3A_361] {strides = array<i32>} : memref<64x144xf32, #tpu.memory_space<vmem>>, vector<1x16xf32>,
        %swap3A_363 = vector.shape_cast %swap3A_362 : vector<1x16xf32> to vector<16xf32>
        %swap3A_364 = vector.shape_cast %mul3A_359 : vector<16xf32> to vector<1x16xf32>
        tpu.vector_store %arg9[%swap3A_360, %swap3A_361], %swap3A_364 {strides = array<i32>} : memref<64x144xf32, #tpu.memory_space<vmem>>, vector<1x16xf32>,
        %get3A_365 = arith.index_cast %add3A_267 : i32 to index
        %get3A_366 = arith.constant 112 : index
        %get3A_367 = tpu.vector_load %arg9[%get3A_365, %get3A_366] {strides = array<i32>} : memref<64x144xf32, #tpu.memory_space<vmem>>, vector<1x16xf32>,
        %get3A_368 = vector.shape_cast %get3A_367 : vector<1x16xf32> to vector<16xf32>
        %mul3A_369 = arith.mulf %get3A_368, %gather3A_294 : vector<16xf32>
        %swap3A_370 = arith.index_cast %add3A_267 : i32 to index
        %swap3A_371 = arith.constant 112 : index
        %swap3A_372 = tpu.vector_load %arg9[%swap3A_370, %swap3A_371] {strides = array<i32>} : memref<64x144xf32, #tpu.memory_space<vmem>>, vector<1x16xf32>,
        %swap3A_373 = vector.shape_cast %swap3A_372 : vector<1x16xf32> to vector<16xf32>
        %swap3A_374 = vector.shape_cast %mul3A_369 : vector<16xf32> to vector<1x16xf32>
        tpu.vector_store %arg9[%swap3A_370, %swap3A_371], %swap3A_374 {strides = array<i32>} : memref<64x144xf32, #tpu.memory_space<vmem>>, vector<1x16xf32>,
        %mul3A_375 = arith.constant 2 : i32
        %mul3A_376 = arith.muli %mul3A_375, %scan3A_262 : i32
        %add3A_377 = arith.constant 1 : i32
        %add3A_378 = arith.addi %mul3A_376, %add3A_377 : i32
        %get3A_379 = arith.index_cast %add3A_378 : i32 to index
        %get3A_380 = arith.constant 128 : index
        %get3A_381 = tpu.vector_load %arg9[%get3A_379, %get3A_380] {strides = array<i32>} : memref<64x144xf32, #tpu.memory_space<vmem>>, vector<1x16xf32>,
        %get3A_382 = vector.shape_cast %get3A_381 : vector<1x16xf32> to vector<16xf32>
        %get3A_383 = arith.index_cast %add3A_378 : i32 to index
        %get3A_384 = arith.constant 0 : index
        %get3A_385 = tpu.vector_load %arg12[%get3A_383, %get3A_384] {strides = array<i32>} : memref<64x16xf32, #tpu.memory_space<vmem>>, vector<1x16xf32>,
        %get3A_386 = vector.shape_cast %get3A_385 : vector<1x16xf32> to vector<16xf32>
        %add3A_387 = arith.addf %get3A_382, %get3A_386 : vector<16xf32>
        %mul3A_388 = arith.constant 2.000000e-01 : f32
        %mul3A_389 = vector.broadcast %mul3A_388 : f32 to vector<16xf32>
        %mul3A_390 = arith.mulf %mul3A_389, %add3A_387 : vector<16xf32>
        %max3A_391 = arith.maximumf %add3A_387, %mul3A_390 : vector<16xf32>
        %exp3A_392 = math.exp %max3A_391 : vector<16xf32>
        %jit3A_393 = arith.constant 0.000000e+00 : f32
        %broadcast_in_dim3A_394 = vector.broadcast %jit3A_393 : f32 to vector<16xf32>
        %select_n3A_395 = arith.select %lt3A_45, %exp3A_392, %broadcast_in_dim3A_394 : vector<16xi1>, vector<16xf32>
        %swap3A_396 = arith.index_cast %add3A_378 : i32 to index
        %swap3A_397 = arith.constant 128 : index
        %swap3A_398 = tpu.vector_load %arg9[%swap3A_396, %swap3A_397] {strides = array<i32>} : memref<64x144xf32, #tpu.memory_space<vmem>>, vector<1x16xf32>,
        %swap3A_399 = vector.shape_cast %swap3A_398 : vector<1x16xf32> to vector<16xf32>
        %swap3A_400 = vector.shape_cast %select_n3A_395 : vector<16xf32> to vector<1x16xf32>
        tpu.vector_store %arg9[%swap3A_396, %swap3A_397], %swap3A_400 {strides = array<i32>} : memref<64x144xf32, #tpu.memory_space<vmem>>, vector<1x16xf32>,
        %broadcast_in_dim3A_401 = vector.shape_cast %broadcast_in_dim3A_46 : vector<16xi32> to vector<16x1xi32>
        %gather3A_402 = vector.shape_cast %broadcast_in_dim3A_401 : vector<16x1xi32> to vector<16xi32>
        %gather3A_403 = tpu.dynamic_gather %exp3A_392[%gather3A_402] in [0] : vector<16xf32>, vector<16xi32> -> vector<16xf32>
        %broadcast_in_dim3A_404 = vector.shape_cast %broadcast_in_dim3A_48 : vector<16xi32> to vector<16x1xi32>
        %gather3A_405 = vector.shape_cast %broadcast_in_dim3A_404 : vector<16x1xi32> to vector<16xi32>
        %gather3A_406 = tpu.dynamic_gather %exp3A_392[%gather3A_405] in [0] : vector<16xf32>, vector<16xi32> -> vector<16xf32>
        %broadcast_in_dim3A_407 = vector.shape_cast %broadcast_in_dim3A_50 : vector<16xi32> to vector<16x1xi32>
        %gather3A_408 = vector.shape_cast %broadcast_in_dim3A_407 : vector<16x1xi32> to vector<16xi32>
        %gather3A_409 = tpu.dynamic_gather %exp3A_392[%gather3A_408] in [0] : vector<16xf32>, vector<16xi32> -> vector<16xf32>
        %broadcast_in_dim3A_410 = vector.shape_cast %broadcast_in_dim3A_52 : vector<16xi32> to vector<16x1xi32>
        %gather3A_411 = vector.shape_cast %broadcast_in_dim3A_410 : vector<16x1xi32> to vector<16xi32>
        %gather3A_412 = tpu.dynamic_gather %exp3A_392[%gather3A_411] in [0] : vector<16xf32>, vector<16xi32> -> vector<16xf32>
        %get3A_413 = arith.index_cast %add3A_378 : i32 to index
        %get3A_414 = arith.constant 0 : index
        %get3A_415 = tpu.vector_load %arg9[%get3A_413, %get3A_414] {strides = array<i32>} : memref<64x144xf32, #tpu.memory_space<vmem>>, vector<1x16xf32>,
        %get3A_416 = vector.shape_cast %get3A_415 : vector<1x16xf32> to vector<16xf32>
        %mul3A_417 = arith.mulf %get3A_416, %gather3A_403 : vector<16xf32>
        %swap3A_418 = arith.index_cast %add3A_378 : i32 to index
        %swap3A_419 = arith.constant 0 : index
        %swap3A_420 = tpu.vector_load %arg9[%swap3A_418, %swap3A_419] {strides = array<i32>} : memref<64x144xf32, #tpu.memory_space<vmem>>, vector<1x16xf32>,
        %swap3A_421 = vector.shape_cast %swap3A_420 : vector<1x16xf32> to vector<16xf32>
        %swap3A_422 = vector.shape_cast %mul3A_417 : vector<16xf32> to vector<1x16xf32>
        tpu.vector_store %arg9[%swap3A_418, %swap3A_419], %swap3A_422 {strides = array<i32>} : memref<64x144xf32, #tpu.memory_space<vmem>>, vector<1x16xf32>,
        %get3A_423 = arith.index_cast %add3A_378 : i32 to index
        %get3A_424 = arith.constant 16 : index
        %get3A_425 = tpu.vector_load %arg9[%get3A_423, %get3A_424] {strides = array<i32>} : memref<64x144xf32, #tpu.memory_space<vmem>>, vector<1x16xf32>,
        %get3A_426 = vector.shape_cast %get3A_425 : vector<1x16xf32> to vector<16xf32>
        %mul3A_427 = arith.mulf %get3A_426, %gather3A_403 : vector<16xf32>
        %swap3A_428 = arith.index_cast %add3A_378 : i32 to index
        %swap3A_429 = arith.constant 16 : index
        %swap3A_430 = tpu.vector_load %arg9[%swap3A_428, %swap3A_429] {strides = array<i32>} : memref<64x144xf32, #tpu.memory_space<vmem>>, vector<1x16xf32>,
        %swap3A_431 = vector.shape_cast %swap3A_430 : vector<1x16xf32> to vector<16xf32>
        %swap3A_432 = vector.shape_cast %mul3A_427 : vector<16xf32> to vector<1x16xf32>
        tpu.vector_store %arg9[%swap3A_428, %swap3A_429], %swap3A_432 {strides = array<i32>} : memref<64x144xf32, #tpu.memory_space<vmem>>, vector<1x16xf32>,
        %get3A_433 = arith.index_cast %add3A_378 : i32 to index
        %get3A_434 = arith.constant 32 : index
        %get3A_435 = tpu.vector_load %arg9[%get3A_433, %get3A_434] {strides = array<i32>} : memref<64x144xf32, #tpu.memory_space<vmem>>, vector<1x16xf32>,
        %get3A_436 = vector.shape_cast %get3A_435 : vector<1x16xf32> to vector<16xf32>
        %mul3A_437 = arith.mulf %get3A_436, %gather3A_406 : vector<16xf32>
        %swap3A_438 = arith.index_cast %add3A_378 : i32 to index
        %swap3A_439 = arith.constant 32 : index
        %swap3A_440 = tpu.vector_load %arg9[%swap3A_438, %swap3A_439] {strides = array<i32>} : memref<64x144xf32, #tpu.memory_space<vmem>>, vector<1x16xf32>,
        %swap3A_441 = vector.shape_cast %swap3A_440 : vector<1x16xf32> to vector<16xf32>
        %swap3A_442 = vector.shape_cast %mul3A_437 : vector<16xf32> to vector<1x16xf32>
        tpu.vector_store %arg9[%swap3A_438, %swap3A_439], %swap3A_442 {strides = array<i32>} : memref<64x144xf32, #tpu.memory_space<vmem>>, vector<1x16xf32>,
        %get3A_443 = arith.index_cast %add3A_378 : i32 to index
        %get3A_444 = arith.constant 48 : index
        %get3A_445 = tpu.vector_load %arg9[%get3A_443, %get3A_444] {strides = array<i32>} : memref<64x144xf32, #tpu.memory_space<vmem>>, vector<1x16xf32>,
        %get3A_446 = vector.shape_cast %get3A_445 : vector<1x16xf32> to vector<16xf32>
        %mul3A_447 = arith.mulf %get3A_446, %gather3A_406 : vector<16xf32>
        %swap3A_448 = arith.index_cast %add3A_378 : i32 to index
        %swap3A_449 = arith.constant 48 : index
        %swap3A_450 = tpu.vector_load %arg9[%swap3A_448, %swap3A_449] {strides = array<i32>} : memref<64x144xf32, #tpu.memory_space<vmem>>, vector<1x16xf32>,
        %swap3A_451 = vector.shape_cast %swap3A_450 : vector<1x16xf32> to vector<16xf32>
        %swap3A_452 = vector.shape_cast %mul3A_447 : vector<16xf32> to vector<1x16xf32>
        tpu.vector_store %arg9[%swap3A_448, %swap3A_449], %swap3A_452 {strides = array<i32>} : memref<64x144xf32, #tpu.memory_space<vmem>>, vector<1x16xf32>,
        %get3A_453 = arith.index_cast %add3A_378 : i32 to index
        %get3A_454 = arith.constant 64 : index
        %get3A_455 = tpu.vector_load %arg9[%get3A_453, %get3A_454] {strides = array<i32>} : memref<64x144xf32, #tpu.memory_space<vmem>>, vector<1x16xf32>,
        %get3A_456 = vector.shape_cast %get3A_455 : vector<1x16xf32> to vector<16xf32>
        %mul3A_457 = arith.mulf %get3A_456, %gather3A_409 : vector<16xf32>
        %swap3A_458 = arith.index_cast %add3A_378 : i32 to index
        %swap3A_459 = arith.constant 64 : index
        %swap3A_460 = tpu.vector_load %arg9[%swap3A_458, %swap3A_459] {strides = array<i32>} : memref<64x144xf32, #tpu.memory_space<vmem>>, vector<1x16xf32>,
        %swap3A_461 = vector.shape_cast %swap3A_460 : vector<1x16xf32> to vector<16xf32>
        %swap3A_462 = vector.shape_cast %mul3A_457 : vector<16xf32> to vector<1x16xf32>
        tpu.vector_store %arg9[%swap3A_458, %swap3A_459], %swap3A_462 {strides = array<i32>} : memref<64x144xf32, #tpu.memory_space<vmem>>, vector<1x16xf32>,
        %get3A_463 = arith.index_cast %add3A_378 : i32 to index
        %get3A_464 = arith.constant 80 : index
        %get3A_465 = tpu.vector_load %arg9[%get3A_463, %get3A_464] {strides = array<i32>} : memref<64x144xf32, #tpu.memory_space<vmem>>, vector<1x16xf32>,
        %get3A_466 = vector.shape_cast %get3A_465 : vector<1x16xf32> to vector<16xf32>
        %mul3A_467 = arith.mulf %get3A_466, %gather3A_409 : vector<16xf32>
        %swap3A_468 = arith.index_cast %add3A_378 : i32 to index
        %swap3A_469 = arith.constant 80 : index
        %swap3A_470 = tpu.vector_load %arg9[%swap3A_468, %swap3A_469] {strides = array<i32>} : memref<64x144xf32, #tpu.memory_space<vmem>>, vector<1x16xf32>,
        %swap3A_471 = vector.shape_cast %swap3A_470 : vector<1x16xf32> to vector<16xf32>
        %swap3A_472 = vector.shape_cast %mul3A_467 : vector<16xf32> to vector<1x16xf32>
        tpu.vector_store %arg9[%swap3A_468, %swap3A_469], %swap3A_472 {strides = array<i32>} : memref<64x144xf32, #tpu.memory_space<vmem>>, vector<1x16xf32>,
        %get3A_473 = arith.index_cast %add3A_378 : i32 to index
        %get3A_474 = arith.constant 96 : index
        %get3A_475 = tpu.vector_load %arg9[%get3A_473, %get3A_474] {strides = array<i32>} : memref<64x144xf32, #tpu.memory_space<vmem>>, vector<1x16xf32>,
        %get3A_476 = vector.shape_cast %get3A_475 : vector<1x16xf32> to vector<16xf32>
        %mul3A_477 = arith.mulf %get3A_476, %gather3A_412 : vector<16xf32>
        %swap3A_478 = arith.index_cast %add3A_378 : i32 to index
        %swap3A_479 = arith.constant 96 : index
        %swap3A_480 = tpu.vector_load %arg9[%swap3A_478, %swap3A_479] {strides = array<i32>} : memref<64x144xf32, #tpu.memory_space<vmem>>, vector<1x16xf32>,
        %swap3A_481 = vector.shape_cast %swap3A_480 : vector<1x16xf32> to vector<16xf32>
        %swap3A_482 = vector.shape_cast %mul3A_477 : vector<16xf32> to vector<1x16xf32>
        tpu.vector_store %arg9[%swap3A_478, %swap3A_479], %swap3A_482 {strides = array<i32>} : memref<64x144xf32, #tpu.memory_space<vmem>>, vector<1x16xf32>,
        %get3A_483 = arith.index_cast %add3A_378 : i32 to index
        %get3A_484 = arith.constant 112 : index
        %get3A_485 = tpu.vector_load %arg9[%get3A_483, %get3A_484] {strides = array<i32>} : memref<64x144xf32, #tpu.memory_space<vmem>>, vector<1x16xf32>,
        %get3A_486 = vector.shape_cast %get3A_485 : vector<1x16xf32> to vector<16xf32>
        %mul3A_487 = arith.mulf %get3A_486, %gather3A_412 : vector<16xf32>
        %swap3A_488 = arith.index_cast %add3A_378 : i32 to index
        %swap3A_489 = arith.constant 112 : index
        %swap3A_490 = tpu.vector_load %arg9[%swap3A_488, %swap3A_489] {strides = array<i32>} : memref<64x144xf32, #tpu.memory_space<vmem>>, vector<1x16xf32>,
        %swap3A_491 = vector.shape_cast %swap3A_490 : vector<1x16xf32> to vector<16xf32>
        %swap3A_492 = vector.shape_cast %mul3A_487 : vector<16xf32> to vector<1x16xf32>
        tpu.vector_store %arg9[%swap3A_488, %swap3A_489], %swap3A_492 {strides = array<i32>} : memref<64x144xf32, #tpu.memory_space<vmem>>, vector<1x16xf32>,
        %scan3A_493 = arith.constant 0 : i32
        scf.yield %scan3A_493 : i32
      }
      %scan3A_165 = arith.constant 32 : i32
      %dma_start3A_166 = arith.constant 1 : i32
      %dma_start3A_167 = arith.constant 0 : i32
      %dma_start3A_168 = tpu.memref_slice %arg6[%dma_start3A_166, %dma_start3A_167] : memref<2x64xi32, #tpu.memory_space<vmem>> -> memref<1x64xi32, #tpu.memory_space<vmem>>
      %dma_start3A_169 = tpu.memref_squeeze %dma_start3A_168 : memref<1x64xi32, #tpu.memory_space<vmem>> -> memref<64xi32, #tpu.memory_space<vmem>>
      %dma_start3A_170 = arith.constant 0 : i32
      %dma_start3A_171 = arith.constant 0 : i32
      %dma_start3A_172 = tpu.memref_slice %arg15[%dma_start3A_170, %dma_start3A_171] : memref<10240x144xf32, #tpu.memory_space<vmem_shared>> -> memref<10240x144xf32, #tpu.memory_space<vmem_shared>>
      tpu.enqueue_indirect_dma source(%arg9 : memref<64x144xf32, #tpu.memory_space<vmem>>) target(%dma_start3A_172 : memref<10240x144xf32, #tpu.memory_space<vmem_shared>>) offsets(%dma_start3A_169 : memref<64xi32, #tpu.memory_space<vmem>>) semaphore(%arg19 : memref<!tpu.dma_semaphore, #tpu.memory_space<semaphore_mem>>) {add = true}
      %mul3A_173 = arith.constant 3 : i32
      %mul3A_174 = arith.muli %mul3A_173, %scan3A_116 : i32
      %add3A_175 = arith.constant 1 : i32
      %add3A_176 = arith.addi %mul3A_174, %add3A_175 : i32
      %dma_wait3A_177 = arith.constant 1 : i32
      %dma_wait3A_178 = arith.constant 0 : i32
      %dma_wait3A_179 = tpu.memref_slice %arg6[%dma_wait3A_177, %dma_wait3A_178] : memref<2x64xi32, #tpu.memory_space<vmem>> -> memref<1x64xi32, #tpu.memory_space<vmem>>
      %dma_wait3A_180 = tpu.memref_squeeze %dma_wait3A_179 : memref<1x64xi32, #tpu.memory_space<vmem>> -> memref<64xi32, #tpu.memory_space<vmem>>
      %dma_wait3A_181 = arith.constant 0 : i32
      %dma_wait3A_182 = arith.constant 0 : i32
      %dma_wait3A_183 = tpu.memref_slice %arg15[%dma_wait3A_181, %dma_wait3A_182] : memref<10240x144xf32, #tpu.memory_space<vmem_shared>> -> memref<10240x144xf32, #tpu.memory_space<vmem_shared>>
      tpu.wait_indirect_dma semaphore(%arg19 : memref<!tpu.dma_semaphore, #tpu.memory_space<semaphore_mem>>) src(%arg9 : memref<64x144xf32, #tpu.memory_space<vmem>>) dst(%dma_wait3A_183 : memref<10240x144xf32, #tpu.memory_space<vmem_shared>>)
      %lt3A_184 = arith.constant 53 : i32
      %lt3A_185 = arith.cmpi slt, %scan3A_116, %lt3A_184 : i32
      %convert_element_type3A_186 = arith.extui %lt3A_185 : i1 to i32
      %cond3A_187 = arith.constant 0 : i32
      %cond3A_188 = arith.cmpi ne, %convert_element_type3A_186, %cond3A_187 : i32
      scf.if %cond3A_188 {
        %add3A_262 = arith.constant 2 : i32
        %add3A_263 = arith.addi %add3A_176, %add3A_262 : i32
        %mul3A_264 = arith.constant 162 : i32
        %mul3A_265 = arith.muli %add3A_55, %mul3A_264 : i32
        %add3A_266 = arith.addi %mul3A_265, %add3A_263 : i32
        %mul3A_267 = arith.constant 2 : i32
        %mul3A_268 = arith.muli %add3A_266, %mul3A_267 : i32
        "tpu.region"() ({
          %run_scoped3A = tpu.sem_alloc : memref<!tpu.dma_semaphore, #tpu.memory_space<semaphore_mem>>
          %dma_start3A_283 = arith.constant 0 : i32
          %dma_start3A_284 = tpu.memref_slice %arg4[%mul3A_268, %dma_start3A_283] : memref<10368x64xi32, #tpu.memory_space<hbm>> -> memref<2x64xi32, #tpu.memory_space<hbm>>
          %dma_start3A_285 = arith.constant 0 : i32
          %dma_start3A_286 = tpu.memref_slice %arg4[%mul3A_268, %dma_start3A_285] : memref<10368x64xi32, #tpu.memory_space<hbm>> -> memref<2x64xi32, #tpu.memory_space<hbm>>
          tpu.enqueue_dma source(%dma_start3A_286 : memref<2x64xi32, #tpu.memory_space<hbm>>) target(%arg6 : memref<2x64xi32, #tpu.memory_space<vmem>>) target_semaphore(%run_scoped3A : memref<!tpu.dma_semaphore, #tpu.memory_space<semaphore_mem>>)
          %dma_wait3A_287 = arith.constant 0 : i32
          %dma_wait3A_288 = tpu.memref_slice %arg4[%mul3A_268, %dma_wait3A_287] : memref<10368x64xi32, #tpu.memory_space<hbm>> -> memref<2x64xi32, #tpu.memory_space<hbm>>
          %dma_wait3A_289 = arith.constant 0 : i32
          %dma_wait3A_290 = tpu.memref_slice %arg4[%mul3A_268, %dma_wait3A_289] : memref<10368x64xi32, #tpu.memory_space<hbm>> -> memref<2x64xi32, #tpu.memory_space<hbm>>
          tpu.wait_dma2 semaphore(%run_scoped3A : memref<!tpu.dma_semaphore, #tpu.memory_space<semaphore_mem>>) src(%dma_wait3A_290 : memref<2x64xi32, #tpu.memory_space<hbm>>) dst(%arg6 : memref<2x64xi32, #tpu.memory_space<vmem>>)
          tpu.yield
        }) : () -> ()
        %dma_start3A_269 = arith.constant 0 : i32
        %dma_start3A_270 = arith.constant 0 : i32
        %dma_start3A_271 = tpu.memref_slice %arg6[%dma_start3A_269, %dma_start3A_270] : memref<2x64xi32, #tpu.memory_space<vmem>> -> memref<1x64xi32, #tpu.memory_space<vmem>>
        %dma_start3A_272 = tpu.memref_squeeze %dma_start3A_271 : memref<1x64xi32, #tpu.memory_space<vmem>> -> memref<64xi32, #tpu.memory_space<vmem>>
        %dma_start3A_273 = arith.constant 0 : i32
        %dma_start3A_274 = arith.constant 0 : i32
        %dma_start3A_275 = tpu.memref_slice %arg2[%dma_start3A_273, %dma_start3A_274] : memref<10240x144xf32, #tpu.memory_space<hbm>> -> memref<10240x144xf32, #tpu.memory_space<hbm>>
        tpu.enqueue_indirect_dma source(%dma_start3A_275 : memref<10240x144xf32, #tpu.memory_space<hbm>>) target(%arg9 : memref<64x144xf32, #tpu.memory_space<vmem>>) offsets(%dma_start3A_272 : memref<64xi32, #tpu.memory_space<vmem>>) semaphore(%arg16 : memref<!tpu.dma_semaphore, #tpu.memory_space<semaphore_mem>>)
        %dma_start3A_276 = arith.constant 1 : i32
        %dma_start3A_277 = arith.constant 0 : i32
        %dma_start3A_278 = tpu.memref_slice %arg6[%dma_start3A_276, %dma_start3A_277] : memref<2x64xi32, #tpu.memory_space<vmem>> -> memref<1x64xi32, #tpu.memory_space<vmem>>
        %dma_start3A_279 = tpu.memref_squeeze %dma_start3A_278 : memref<1x64xi32, #tpu.memory_space<vmem>> -> memref<64xi32, #tpu.memory_space<vmem>>
        %dma_start3A_280 = arith.constant 0 : i32
        %dma_start3A_281 = arith.constant 0 : i32
        %dma_start3A_282 = tpu.memref_slice %arg3[%dma_start3A_280, %dma_start3A_281] : memref<10240x16xf32, #tpu.memory_space<hbm>> -> memref<10240x16xf32, #tpu.memory_space<hbm>>
        tpu.enqueue_indirect_dma source(%dma_start3A_282 : memref<10240x16xf32, #tpu.memory_space<hbm>>) target(%arg12 : memref<64x16xf32, #tpu.memory_space<vmem>>) offsets(%dma_start3A_279 : memref<64xi32, #tpu.memory_space<vmem>>) semaphore(%arg16 : memref<!tpu.dma_semaphore, #tpu.memory_space<semaphore_mem>>)
      } else {
      }
      %dma_wait3A_189 = arith.constant 0 : i32
      %dma_wait3A_190 = arith.constant 0 : i32
      %dma_wait3A_191 = tpu.memref_slice %arg7[%dma_wait3A_189, %dma_wait3A_190] : memref<2x64xi32, #tpu.memory_space<vmem>> -> memref<1x64xi32, #tpu.memory_space<vmem>>
      %dma_wait3A_192 = tpu.memref_squeeze %dma_wait3A_191 : memref<1x64xi32, #tpu.memory_space<vmem>> -> memref<64xi32, #tpu.memory_space<vmem>>
      %dma_wait3A_193 = arith.constant 0 : i32
      %dma_wait3A_194 = arith.constant 0 : i32
      %dma_wait3A_195 = tpu.memref_slice %arg2[%dma_wait3A_193, %dma_wait3A_194] : memref<10240x144xf32, #tpu.memory_space<hbm>> -> memref<10240x144xf32, #tpu.memory_space<hbm>>
      tpu.wait_indirect_dma semaphore(%arg17 : memref<!tpu.dma_semaphore, #tpu.memory_space<semaphore_mem>>) src(%dma_wait3A_195 : memref<10240x144xf32, #tpu.memory_space<hbm>>) dst(%arg10 : memref<64x144xf32, #tpu.memory_space<vmem>>)
      %dma_wait3A_196 = arith.constant 1 : i32
      %dma_wait3A_197 = arith.constant 0 : i32
      %dma_wait3A_198 = tpu.memref_slice %arg7[%dma_wait3A_196, %dma_wait3A_197] : memref<2x64xi32, #tpu.memory_space<vmem>> -> memref<1x64xi32, #tpu.memory_space<vmem>>
      %dma_wait3A_199 = tpu.memref_squeeze %dma_wait3A_198 : memref<1x64xi32, #tpu.memory_space<vmem>> -> memref<64xi32, #tpu.memory_space<vmem>>
      %dma_wait3A_200 = arith.constant 0 : i32
      %dma_wait3A_201 = arith.constant 0 : i32
      %dma_wait3A_202 = tpu.memref_slice %arg3[%dma_wait3A_200, %dma_wait3A_201] : memref<10240x16xf32, #tpu.memory_space<hbm>> -> memref<10240x16xf32, #tpu.memory_space<hbm>>
      tpu.wait_indirect_dma semaphore(%arg17 : memref<!tpu.dma_semaphore, #tpu.memory_space<semaphore_mem>>) src(%dma_wait3A_202 : memref<10240x16xf32, #tpu.memory_space<hbm>>) dst(%arg13 : memref<64x16xf32, #tpu.memory_space<vmem>>)
      %scan3A_203 = arith.constant 0 : i32
      %scan3A_204 = arith.constant 0 : i32
      %scan3A_205 = arith.constant 32 : i32
      %scan3A_206 = arith.addi %scan3A_204, %scan3A_205 : i32
      %scan3A_207 = arith.constant 1 : i32
      %scan3A_208 = scf.for %scan3A_262 = %scan3A_204 to %scan3A_206 step %scan3A_207 iter_args(%scan3A_263 = %scan3A_203) -> (i32)  : i32 {
        %mul3A_264 = arith.constant 2 : i32
        %mul3A_265 = arith.muli %mul3A_264, %scan3A_262 : i32
        %add3A_266 = arith.constant 0 : i32
        %add3A_267 = arith.addi %mul3A_265, %add3A_266 : i32
        %get3A = arith.index_cast %add3A_267 : i32 to index
        %get3A_268 = arith.constant 128 : index
        %get3A_269 = tpu.vector_load %arg10[%get3A, %get3A_268] {strides = array<i32>} : memref<64x144xf32, #tpu.memory_space<vmem>>, vector<1x16xf32>,
        %get3A_270 = vector.shape_cast %get3A_269 : vector<1x16xf32> to vector<16xf32>
        %get3A_271 = arith.index_cast %add3A_267 : i32 to index
        %get3A_272 = arith.constant 0 : index
        %get3A_273 = tpu.vector_load %arg13[%get3A_271, %get3A_272] {strides = array<i32>} : memref<64x16xf32, #tpu.memory_space<vmem>>, vector<1x16xf32>,
        %get3A_274 = vector.shape_cast %get3A_273 : vector<1x16xf32> to vector<16xf32>
        %add3A_275 = arith.addf %get3A_270, %get3A_274 : vector<16xf32>
        %mul3A_276 = arith.constant 2.000000e-01 : f32
        %mul3A_277 = vector.broadcast %mul3A_276 : f32 to vector<16xf32>
        %mul3A_278 = arith.mulf %mul3A_277, %add3A_275 : vector<16xf32>
        %max3A = arith.maximumf %add3A_275, %mul3A_278 : vector<16xf32>
        %exp3A = math.exp %max3A : vector<16xf32>
        %jit3A = arith.constant 0.000000e+00 : f32
        %broadcast_in_dim3A_279 = vector.broadcast %jit3A : f32 to vector<16xf32>
        %select_n3A = arith.select %lt3A_45, %exp3A, %broadcast_in_dim3A_279 : vector<16xi1>, vector<16xf32>
        %swap3A = arith.index_cast %add3A_267 : i32 to index
        %swap3A_280 = arith.constant 128 : index
        %swap3A_281 = tpu.vector_load %arg10[%swap3A, %swap3A_280] {strides = array<i32>} : memref<64x144xf32, #tpu.memory_space<vmem>>, vector<1x16xf32>,
        %swap3A_282 = vector.shape_cast %swap3A_281 : vector<1x16xf32> to vector<16xf32>
        %swap3A_283 = vector.shape_cast %select_n3A : vector<16xf32> to vector<1x16xf32>
        tpu.vector_store %arg10[%swap3A, %swap3A_280], %swap3A_283 {strides = array<i32>} : memref<64x144xf32, #tpu.memory_space<vmem>>, vector<1x16xf32>,
        %broadcast_in_dim3A_284 = vector.shape_cast %broadcast_in_dim3A_46 : vector<16xi32> to vector<16x1xi32>
        %gather3A = vector.shape_cast %broadcast_in_dim3A_284 : vector<16x1xi32> to vector<16xi32>
        %gather3A_285 = tpu.dynamic_gather %exp3A[%gather3A] in [0] : vector<16xf32>, vector<16xi32> -> vector<16xf32>
        %broadcast_in_dim3A_286 = vector.shape_cast %broadcast_in_dim3A_48 : vector<16xi32> to vector<16x1xi32>
        %gather3A_287 = vector.shape_cast %broadcast_in_dim3A_286 : vector<16x1xi32> to vector<16xi32>
        %gather3A_288 = tpu.dynamic_gather %exp3A[%gather3A_287] in [0] : vector<16xf32>, vector<16xi32> -> vector<16xf32>
        %broadcast_in_dim3A_289 = vector.shape_cast %broadcast_in_dim3A_50 : vector<16xi32> to vector<16x1xi32>
        %gather3A_290 = vector.shape_cast %broadcast_in_dim3A_289 : vector<16x1xi32> to vector<16xi32>
        %gather3A_291 = tpu.dynamic_gather %exp3A[%gather3A_290] in [0] : vector<16xf32>, vector<16xi32> -> vector<16xf32>
        %broadcast_in_dim3A_292 = vector.shape_cast %broadcast_in_dim3A_52 : vector<16xi32> to vector<16x1xi32>
        %gather3A_293 = vector.shape_cast %broadcast_in_dim3A_292 : vector<16x1xi32> to vector<16xi32>
        %gather3A_294 = tpu.dynamic_gather %exp3A[%gather3A_293] in [0] : vector<16xf32>, vector<16xi32> -> vector<16xf32>
        %get3A_295 = arith.index_cast %add3A_267 : i32 to index
        %get3A_296 = arith.constant 0 : index
        %get3A_297 = tpu.vector_load %arg10[%get3A_295, %get3A_296] {strides = array<i32>} : memref<64x144xf32, #tpu.memory_space<vmem>>, vector<1x16xf32>,
        %get3A_298 = vector.shape_cast %get3A_297 : vector<1x16xf32> to vector<16xf32>
        %mul3A_299 = arith.mulf %get3A_298, %gather3A_285 : vector<16xf32>
        %swap3A_300 = arith.index_cast %add3A_267 : i32 to index
        %swap3A_301 = arith.constant 0 : index
        %swap3A_302 = tpu.vector_load %arg10[%swap3A_300, %swap3A_301] {strides = array<i32>} : memref<64x144xf32, #tpu.memory_space<vmem>>, vector<1x16xf32>,
        %swap3A_303 = vector.shape_cast %swap3A_302 : vector<1x16xf32> to vector<16xf32>
        %swap3A_304 = vector.shape_cast %mul3A_299 : vector<16xf32> to vector<1x16xf32>
        tpu.vector_store %arg10[%swap3A_300, %swap3A_301], %swap3A_304 {strides = array<i32>} : memref<64x144xf32, #tpu.memory_space<vmem>>, vector<1x16xf32>,
        %get3A_305 = arith.index_cast %add3A_267 : i32 to index
        %get3A_306 = arith.constant 16 : index
        %get3A_307 = tpu.vector_load %arg10[%get3A_305, %get3A_306] {strides = array<i32>} : memref<64x144xf32, #tpu.memory_space<vmem>>, vector<1x16xf32>,
        %get3A_308 = vector.shape_cast %get3A_307 : vector<1x16xf32> to vector<16xf32>
        %mul3A_309 = arith.mulf %get3A_308, %gather3A_285 : vector<16xf32>
        %swap3A_310 = arith.index_cast %add3A_267 : i32 to index
        %swap3A_311 = arith.constant 16 : index
        %swap3A_312 = tpu.vector_load %arg10[%swap3A_310, %swap3A_311] {strides = array<i32>} : memref<64x144xf32, #tpu.memory_space<vmem>>, vector<1x16xf32>,
        %swap3A_313 = vector.shape_cast %swap3A_312 : vector<1x16xf32> to vector<16xf32>
        %swap3A_314 = vector.shape_cast %mul3A_309 : vector<16xf32> to vector<1x16xf32>
        tpu.vector_store %arg10[%swap3A_310, %swap3A_311], %swap3A_314 {strides = array<i32>} : memref<64x144xf32, #tpu.memory_space<vmem>>, vector<1x16xf32>,
        %get3A_315 = arith.index_cast %add3A_267 : i32 to index
        %get3A_316 = arith.constant 32 : index
        %get3A_317 = tpu.vector_load %arg10[%get3A_315, %get3A_316] {strides = array<i32>} : memref<64x144xf32, #tpu.memory_space<vmem>>, vector<1x16xf32>,
        %get3A_318 = vector.shape_cast %get3A_317 : vector<1x16xf32> to vector<16xf32>
        %mul3A_319 = arith.mulf %get3A_318, %gather3A_288 : vector<16xf32>
        %swap3A_320 = arith.index_cast %add3A_267 : i32 to index
        %swap3A_321 = arith.constant 32 : index
        %swap3A_322 = tpu.vector_load %arg10[%swap3A_320, %swap3A_321] {strides = array<i32>} : memref<64x144xf32, #tpu.memory_space<vmem>>, vector<1x16xf32>,
        %swap3A_323 = vector.shape_cast %swap3A_322 : vector<1x16xf32> to vector<16xf32>
        %swap3A_324 = vector.shape_cast %mul3A_319 : vector<16xf32> to vector<1x16xf32>
        tpu.vector_store %arg10[%swap3A_320, %swap3A_321], %swap3A_324 {strides = array<i32>} : memref<64x144xf32, #tpu.memory_space<vmem>>, vector<1x16xf32>,
        %get3A_325 = arith.index_cast %add3A_267 : i32 to index
        %get3A_326 = arith.constant 48 : index
        %get3A_327 = tpu.vector_load %arg10[%get3A_325, %get3A_326] {strides = array<i32>} : memref<64x144xf32, #tpu.memory_space<vmem>>, vector<1x16xf32>,
        %get3A_328 = vector.shape_cast %get3A_327 : vector<1x16xf32> to vector<16xf32>
        %mul3A_329 = arith.mulf %get3A_328, %gather3A_288 : vector<16xf32>
        %swap3A_330 = arith.index_cast %add3A_267 : i32 to index
        %swap3A_331 = arith.constant 48 : index
        %swap3A_332 = tpu.vector_load %arg10[%swap3A_330, %swap3A_331] {strides = array<i32>} : memref<64x144xf32, #tpu.memory_space<vmem>>, vector<1x16xf32>,
        %swap3A_333 = vector.shape_cast %swap3A_332 : vector<1x16xf32> to vector<16xf32>
        %swap3A_334 = vector.shape_cast %mul3A_329 : vector<16xf32> to vector<1x16xf32>
        tpu.vector_store %arg10[%swap3A_330, %swap3A_331], %swap3A_334 {strides = array<i32>} : memref<64x144xf32, #tpu.memory_space<vmem>>, vector<1x16xf32>,
        %get3A_335 = arith.index_cast %add3A_267 : i32 to index
        %get3A_336 = arith.constant 64 : index
        %get3A_337 = tpu.vector_load %arg10[%get3A_335, %get3A_336] {strides = array<i32>} : memref<64x144xf32, #tpu.memory_space<vmem>>, vector<1x16xf32>,
        %get3A_338 = vector.shape_cast %get3A_337 : vector<1x16xf32> to vector<16xf32>
        %mul3A_339 = arith.mulf %get3A_338, %gather3A_291 : vector<16xf32>
        %swap3A_340 = arith.index_cast %add3A_267 : i32 to index
        %swap3A_341 = arith.constant 64 : index
        %swap3A_342 = tpu.vector_load %arg10[%swap3A_340, %swap3A_341] {strides = array<i32>} : memref<64x144xf32, #tpu.memory_space<vmem>>, vector<1x16xf32>,
        %swap3A_343 = vector.shape_cast %swap3A_342 : vector<1x16xf32> to vector<16xf32>
        %swap3A_344 = vector.shape_cast %mul3A_339 : vector<16xf32> to vector<1x16xf32>
        tpu.vector_store %arg10[%swap3A_340, %swap3A_341], %swap3A_344 {strides = array<i32>} : memref<64x144xf32, #tpu.memory_space<vmem>>, vector<1x16xf32>,
        %get3A_345 = arith.index_cast %add3A_267 : i32 to index
        %get3A_346 = arith.constant 80 : index
        %get3A_347 = tpu.vector_load %arg10[%get3A_345, %get3A_346] {strides = array<i32>} : memref<64x144xf32, #tpu.memory_space<vmem>>, vector<1x16xf32>,
        %get3A_348 = vector.shape_cast %get3A_347 : vector<1x16xf32> to vector<16xf32>
        %mul3A_349 = arith.mulf %get3A_348, %gather3A_291 : vector<16xf32>
        %swap3A_350 = arith.index_cast %add3A_267 : i32 to index
        %swap3A_351 = arith.constant 80 : index
        %swap3A_352 = tpu.vector_load %arg10[%swap3A_350, %swap3A_351] {strides = array<i32>} : memref<64x144xf32, #tpu.memory_space<vmem>>, vector<1x16xf32>,
        %swap3A_353 = vector.shape_cast %swap3A_352 : vector<1x16xf32> to vector<16xf32>
        %swap3A_354 = vector.shape_cast %mul3A_349 : vector<16xf32> to vector<1x16xf32>
        tpu.vector_store %arg10[%swap3A_350, %swap3A_351], %swap3A_354 {strides = array<i32>} : memref<64x144xf32, #tpu.memory_space<vmem>>, vector<1x16xf32>,
        %get3A_355 = arith.index_cast %add3A_267 : i32 to index
        %get3A_356 = arith.constant 96 : index
        %get3A_357 = tpu.vector_load %arg10[%get3A_355, %get3A_356] {strides = array<i32>} : memref<64x144xf32, #tpu.memory_space<vmem>>, vector<1x16xf32>,
        %get3A_358 = vector.shape_cast %get3A_357 : vector<1x16xf32> to vector<16xf32>
        %mul3A_359 = arith.mulf %get3A_358, %gather3A_294 : vector<16xf32>
        %swap3A_360 = arith.index_cast %add3A_267 : i32 to index
        %swap3A_361 = arith.constant 96 : index
        %swap3A_362 = tpu.vector_load %arg10[%swap3A_360, %swap3A_361] {strides = array<i32>} : memref<64x144xf32, #tpu.memory_space<vmem>>, vector<1x16xf32>,
        %swap3A_363 = vector.shape_cast %swap3A_362 : vector<1x16xf32> to vector<16xf32>
        %swap3A_364 = vector.shape_cast %mul3A_359 : vector<16xf32> to vector<1x16xf32>
        tpu.vector_store %arg10[%swap3A_360, %swap3A_361], %swap3A_364 {strides = array<i32>} : memref<64x144xf32, #tpu.memory_space<vmem>>, vector<1x16xf32>,
        %get3A_365 = arith.index_cast %add3A_267 : i32 to index
        %get3A_366 = arith.constant 112 : index
        %get3A_367 = tpu.vector_load %arg10[%get3A_365, %get3A_366] {strides = array<i32>} : memref<64x144xf32, #tpu.memory_space<vmem>>, vector<1x16xf32>,
        %get3A_368 = vector.shape_cast %get3A_367 : vector<1x16xf32> to vector<16xf32>
        %mul3A_369 = arith.mulf %get3A_368, %gather3A_294 : vector<16xf32>
        %swap3A_370 = arith.index_cast %add3A_267 : i32 to index
        %swap3A_371 = arith.constant 112 : index
        %swap3A_372 = tpu.vector_load %arg10[%swap3A_370, %swap3A_371] {strides = array<i32>} : memref<64x144xf32, #tpu.memory_space<vmem>>, vector<1x16xf32>,
        %swap3A_373 = vector.shape_cast %swap3A_372 : vector<1x16xf32> to vector<16xf32>
        %swap3A_374 = vector.shape_cast %mul3A_369 : vector<16xf32> to vector<1x16xf32>
        tpu.vector_store %arg10[%swap3A_370, %swap3A_371], %swap3A_374 {strides = array<i32>} : memref<64x144xf32, #tpu.memory_space<vmem>>, vector<1x16xf32>,
        %mul3A_375 = arith.constant 2 : i32
        %mul3A_376 = arith.muli %mul3A_375, %scan3A_262 : i32
        %add3A_377 = arith.constant 1 : i32
        %add3A_378 = arith.addi %mul3A_376, %add3A_377 : i32
        %get3A_379 = arith.index_cast %add3A_378 : i32 to index
        %get3A_380 = arith.constant 128 : index
        %get3A_381 = tpu.vector_load %arg10[%get3A_379, %get3A_380] {strides = array<i32>} : memref<64x144xf32, #tpu.memory_space<vmem>>, vector<1x16xf32>,
        %get3A_382 = vector.shape_cast %get3A_381 : vector<1x16xf32> to vector<16xf32>
        %get3A_383 = arith.index_cast %add3A_378 : i32 to index
        %get3A_384 = arith.constant 0 : index
        %get3A_385 = tpu.vector_load %arg13[%get3A_383, %get3A_384] {strides = array<i32>} : memref<64x16xf32, #tpu.memory_space<vmem>>, vector<1x16xf32>,
        %get3A_386 = vector.shape_cast %get3A_385 : vector<1x16xf32> to vector<16xf32>
        %add3A_387 = arith.addf %get3A_382, %get3A_386 : vector<16xf32>
        %mul3A_388 = arith.constant 2.000000e-01 : f32
        %mul3A_389 = vector.broadcast %mul3A_388 : f32 to vector<16xf32>
        %mul3A_390 = arith.mulf %mul3A_389, %add3A_387 : vector<16xf32>
        %max3A_391 = arith.maximumf %add3A_387, %mul3A_390 : vector<16xf32>
        %exp3A_392 = math.exp %max3A_391 : vector<16xf32>
        %jit3A_393 = arith.constant 0.000000e+00 : f32
        %broadcast_in_dim3A_394 = vector.broadcast %jit3A_393 : f32 to vector<16xf32>
        %select_n3A_395 = arith.select %lt3A_45, %exp3A_392, %broadcast_in_dim3A_394 : vector<16xi1>, vector<16xf32>
        %swap3A_396 = arith.index_cast %add3A_378 : i32 to index
        %swap3A_397 = arith.constant 128 : index
        %swap3A_398 = tpu.vector_load %arg10[%swap3A_396, %swap3A_397] {strides = array<i32>} : memref<64x144xf32, #tpu.memory_space<vmem>>, vector<1x16xf32>,
        %swap3A_399 = vector.shape_cast %swap3A_398 : vector<1x16xf32> to vector<16xf32>
        %swap3A_400 = vector.shape_cast %select_n3A_395 : vector<16xf32> to vector<1x16xf32>
        tpu.vector_store %arg10[%swap3A_396, %swap3A_397], %swap3A_400 {strides = array<i32>} : memref<64x144xf32, #tpu.memory_space<vmem>>, vector<1x16xf32>,
        %broadcast_in_dim3A_401 = vector.shape_cast %broadcast_in_dim3A_46 : vector<16xi32> to vector<16x1xi32>
        %gather3A_402 = vector.shape_cast %broadcast_in_dim3A_401 : vector<16x1xi32> to vector<16xi32>
        %gather3A_403 = tpu.dynamic_gather %exp3A_392[%gather3A_402] in [0] : vector<16xf32>, vector<16xi32> -> vector<16xf32>
        %broadcast_in_dim3A_404 = vector.shape_cast %broadcast_in_dim3A_48 : vector<16xi32> to vector<16x1xi32>
        %gather3A_405 = vector.shape_cast %broadcast_in_dim3A_404 : vector<16x1xi32> to vector<16xi32>
        %gather3A_406 = tpu.dynamic_gather %exp3A_392[%gather3A_405] in [0] : vector<16xf32>, vector<16xi32> -> vector<16xf32>
        %broadcast_in_dim3A_407 = vector.shape_cast %broadcast_in_dim3A_50 : vector<16xi32> to vector<16x1xi32>
        %gather3A_408 = vector.shape_cast %broadcast_in_dim3A_407 : vector<16x1xi32> to vector<16xi32>
        %gather3A_409 = tpu.dynamic_gather %exp3A_392[%gather3A_408] in [0] : vector<16xf32>, vector<16xi32> -> vector<16xf32>
        %broadcast_in_dim3A_410 = vector.shape_cast %broadcast_in_dim3A_52 : vector<16xi32> to vector<16x1xi32>
        %gather3A_411 = vector.shape_cast %broadcast_in_dim3A_410 : vector<16x1xi32> to vector<16xi32>
        %gather3A_412 = tpu.dynamic_gather %exp3A_392[%gather3A_411] in [0] : vector<16xf32>, vector<16xi32> -> vector<16xf32>
        %get3A_413 = arith.index_cast %add3A_378 : i32 to index
        %get3A_414 = arith.constant 0 : index
        %get3A_415 = tpu.vector_load %arg10[%get3A_413, %get3A_414] {strides = array<i32>} : memref<64x144xf32, #tpu.memory_space<vmem>>, vector<1x16xf32>,
        %get3A_416 = vector.shape_cast %get3A_415 : vector<1x16xf32> to vector<16xf32>
        %mul3A_417 = arith.mulf %get3A_416, %gather3A_403 : vector<16xf32>
        %swap3A_418 = arith.index_cast %add3A_378 : i32 to index
        %swap3A_419 = arith.constant 0 : index
        %swap3A_420 = tpu.vector_load %arg10[%swap3A_418, %swap3A_419] {strides = array<i32>} : memref<64x144xf32, #tpu.memory_space<vmem>>, vector<1x16xf32>,
        %swap3A_421 = vector.shape_cast %swap3A_420 : vector<1x16xf32> to vector<16xf32>
        %swap3A_422 = vector.shape_cast %mul3A_417 : vector<16xf32> to vector<1x16xf32>
        tpu.vector_store %arg10[%swap3A_418, %swap3A_419], %swap3A_422 {strides = array<i32>} : memref<64x144xf32, #tpu.memory_space<vmem>>, vector<1x16xf32>,
        %get3A_423 = arith.index_cast %add3A_378 : i32 to index
        %get3A_424 = arith.constant 16 : index
        %get3A_425 = tpu.vector_load %arg10[%get3A_423, %get3A_424] {strides = array<i32>} : memref<64x144xf32, #tpu.memory_space<vmem>>, vector<1x16xf32>,
        %get3A_426 = vector.shape_cast %get3A_425 : vector<1x16xf32> to vector<16xf32>
        %mul3A_427 = arith.mulf %get3A_426, %gather3A_403 : vector<16xf32>
        %swap3A_428 = arith.index_cast %add3A_378 : i32 to index
        %swap3A_429 = arith.constant 16 : index
        %swap3A_430 = tpu.vector_load %arg10[%swap3A_428, %swap3A_429] {strides = array<i32>} : memref<64x144xf32, #tpu.memory_space<vmem>>, vector<1x16xf32>,
        %swap3A_431 = vector.shape_cast %swap3A_430 : vector<1x16xf32> to vector<16xf32>
        %swap3A_432 = vector.shape_cast %mul3A_427 : vector<16xf32> to vector<1x16xf32>
        tpu.vector_store %arg10[%swap3A_428, %swap3A_429], %swap3A_432 {strides = array<i32>} : memref<64x144xf32, #tpu.memory_space<vmem>>, vector<1x16xf32>,
        %get3A_433 = arith.index_cast %add3A_378 : i32 to index
        %get3A_434 = arith.constant 32 : index
        %get3A_435 = tpu.vector_load %arg10[%get3A_433, %get3A_434] {strides = array<i32>} : memref<64x144xf32, #tpu.memory_space<vmem>>, vector<1x16xf32>,
        %get3A_436 = vector.shape_cast %get3A_435 : vector<1x16xf32> to vector<16xf32>
        %mul3A_437 = arith.mulf %get3A_436, %gather3A_406 : vector<16xf32>
        %swap3A_438 = arith.index_cast %add3A_378 : i32 to index
        %swap3A_439 = arith.constant 32 : index
        %swap3A_440 = tpu.vector_load %arg10[%swap3A_438, %swap3A_439] {strides = array<i32>} : memref<64x144xf32, #tpu.memory_space<vmem>>, vector<1x16xf32>,
        %swap3A_441 = vector.shape_cast %swap3A_440 : vector<1x16xf32> to vector<16xf32>
        %swap3A_442 = vector.shape_cast %mul3A_437 : vector<16xf32> to vector<1x16xf32>
        tpu.vector_store %arg10[%swap3A_438, %swap3A_439], %swap3A_442 {strides = array<i32>} : memref<64x144xf32, #tpu.memory_space<vmem>>, vector<1x16xf32>,
        %get3A_443 = arith.index_cast %add3A_378 : i32 to index
        %get3A_444 = arith.constant 48 : index
        %get3A_445 = tpu.vector_load %arg10[%get3A_443, %get3A_444] {strides = array<i32>} : memref<64x144xf32, #tpu.memory_space<vmem>>, vector<1x16xf32>,
        %get3A_446 = vector.shape_cast %get3A_445 : vector<1x16xf32> to vector<16xf32>
        %mul3A_447 = arith.mulf %get3A_446, %gather3A_406 : vector<16xf32>
        %swap3A_448 = arith.index_cast %add3A_378 : i32 to index
        %swap3A_449 = arith.constant 48 : index
        %swap3A_450 = tpu.vector_load %arg10[%swap3A_448, %swap3A_449] {strides = array<i32>} : memref<64x144xf32, #tpu.memory_space<vmem>>, vector<1x16xf32>,
        %swap3A_451 = vector.shape_cast %swap3A_450 : vector<1x16xf32> to vector<16xf32>
        %swap3A_452 = vector.shape_cast %mul3A_447 : vector<16xf32> to vector<1x16xf32>
        tpu.vector_store %arg10[%swap3A_448, %swap3A_449], %swap3A_452 {strides = array<i32>} : memref<64x144xf32, #tpu.memory_space<vmem>>, vector<1x16xf32>,
        %get3A_453 = arith.index_cast %add3A_378 : i32 to index
        %get3A_454 = arith.constant 64 : index
        %get3A_455 = tpu.vector_load %arg10[%get3A_453, %get3A_454] {strides = array<i32>} : memref<64x144xf32, #tpu.memory_space<vmem>>, vector<1x16xf32>,
        %get3A_456 = vector.shape_cast %get3A_455 : vector<1x16xf32> to vector<16xf32>
        %mul3A_457 = arith.mulf %get3A_456, %gather3A_409 : vector<16xf32>
        %swap3A_458 = arith.index_cast %add3A_378 : i32 to index
        %swap3A_459 = arith.constant 64 : index
        %swap3A_460 = tpu.vector_load %arg10[%swap3A_458, %swap3A_459] {strides = array<i32>} : memref<64x144xf32, #tpu.memory_space<vmem>>, vector<1x16xf32>,
        %swap3A_461 = vector.shape_cast %swap3A_460 : vector<1x16xf32> to vector<16xf32>
        %swap3A_462 = vector.shape_cast %mul3A_457 : vector<16xf32> to vector<1x16xf32>
        tpu.vector_store %arg10[%swap3A_458, %swap3A_459], %swap3A_462 {strides = array<i32>} : memref<64x144xf32, #tpu.memory_space<vmem>>, vector<1x16xf32>,
        %get3A_463 = arith.index_cast %add3A_378 : i32 to index
        %get3A_464 = arith.constant 80 : index
        %get3A_465 = tpu.vector_load %arg10[%get3A_463, %get3A_464] {strides = array<i32>} : memref<64x144xf32, #tpu.memory_space<vmem>>, vector<1x16xf32>,
        %get3A_466 = vector.shape_cast %get3A_465 : vector<1x16xf32> to vector<16xf32>
        %mul3A_467 = arith.mulf %get3A_466, %gather3A_409 : vector<16xf32>
        %swap3A_468 = arith.index_cast %add3A_378 : i32 to index
        %swap3A_469 = arith.constant 80 : index
        %swap3A_470 = tpu.vector_load %arg10[%swap3A_468, %swap3A_469] {strides = array<i32>} : memref<64x144xf32, #tpu.memory_space<vmem>>, vector<1x16xf32>,
        %swap3A_471 = vector.shape_cast %swap3A_470 : vector<1x16xf32> to vector<16xf32>
        %swap3A_472 = vector.shape_cast %mul3A_467 : vector<16xf32> to vector<1x16xf32>
        tpu.vector_store %arg10[%swap3A_468, %swap3A_469], %swap3A_472 {strides = array<i32>} : memref<64x144xf32, #tpu.memory_space<vmem>>, vector<1x16xf32>,
        %get3A_473 = arith.index_cast %add3A_378 : i32 to index
        %get3A_474 = arith.constant 96 : index
        %get3A_475 = tpu.vector_load %arg10[%get3A_473, %get3A_474] {strides = array<i32>} : memref<64x144xf32, #tpu.memory_space<vmem>>, vector<1x16xf32>,
        %get3A_476 = vector.shape_cast %get3A_475 : vector<1x16xf32> to vector<16xf32>
        %mul3A_477 = arith.mulf %get3A_476, %gather3A_412 : vector<16xf32>
        %swap3A_478 = arith.index_cast %add3A_378 : i32 to index
        %swap3A_479 = arith.constant 96 : index
        %swap3A_480 = tpu.vector_load %arg10[%swap3A_478, %swap3A_479] {strides = array<i32>} : memref<64x144xf32, #tpu.memory_space<vmem>>, vector<1x16xf32>,
        %swap3A_481 = vector.shape_cast %swap3A_480 : vector<1x16xf32> to vector<16xf32>
        %swap3A_482 = vector.shape_cast %mul3A_477 : vector<16xf32> to vector<1x16xf32>
        tpu.vector_store %arg10[%swap3A_478, %swap3A_479], %swap3A_482 {strides = array<i32>} : memref<64x144xf32, #tpu.memory_space<vmem>>, vector<1x16xf32>,
        %get3A_483 = arith.index_cast %add3A_378 : i32 to index
        %get3A_484 = arith.constant 112 : index
        %get3A_485 = tpu.vector_load %arg10[%get3A_483, %get3A_484] {strides = array<i32>} : memref<64x144xf32, #tpu.memory_space<vmem>>, vector<1x16xf32>,
        %get3A_486 = vector.shape_cast %get3A_485 : vector<1x16xf32> to vector<16xf32>
        %mul3A_487 = arith.mulf %get3A_486, %gather3A_412 : vector<16xf32>
        %swap3A_488 = arith.index_cast %add3A_378 : i32 to index
        %swap3A_489 = arith.constant 112 : index
        %swap3A_490 = tpu.vector_load %arg10[%swap3A_488, %swap3A_489] {strides = array<i32>} : memref<64x144xf32, #tpu.memory_space<vmem>>, vector<1x16xf32>,
        %swap3A_491 = vector.shape_cast %swap3A_490 : vector<1x16xf32> to vector<16xf32>
        %swap3A_492 = vector.shape_cast %mul3A_487 : vector<16xf32> to vector<1x16xf32>
        tpu.vector_store %arg10[%swap3A_488, %swap3A_489], %swap3A_492 {strides = array<i32>} : memref<64x144xf32, #tpu.memory_space<vmem>>, vector<1x16xf32>,
        %scan3A_493 = arith.constant 0 : i32
        scf.yield %scan3A_493 : i32
      }
      %scan3A_209 = arith.constant 32 : i32
      %dma_start3A_210 = arith.constant 1 : i32
      %dma_start3A_211 = arith.constant 0 : i32
      %dma_start3A_212 = tpu.memref_slice %arg7[%dma_start3A_210, %dma_start3A_211] : memref<2x64xi32, #tpu.memory_space<vmem>> -> memref<1x64xi32, #tpu.memory_space<vmem>>
      %dma_start3A_213 = tpu.memref_squeeze %dma_start3A_212 : memref<1x64xi32, #tpu.memory_space<vmem>> -> memref<64xi32, #tpu.memory_space<vmem>>
      %dma_start3A_214 = arith.constant 0 : i32
      %dma_start3A_215 = arith.constant 0 : i32
      %dma_start3A_216 = tpu.memref_slice %arg15[%dma_start3A_214, %dma_start3A_215] : memref<10240x144xf32, #tpu.memory_space<vmem_shared>> -> memref<10240x144xf32, #tpu.memory_space<vmem_shared>>
      tpu.enqueue_indirect_dma source(%arg10 : memref<64x144xf32, #tpu.memory_space<vmem>>) target(%dma_start3A_216 : memref<10240x144xf32, #tpu.memory_space<vmem_shared>>) offsets(%dma_start3A_213 : memref<64xi32, #tpu.memory_space<vmem>>) semaphore(%arg20 : memref<!tpu.dma_semaphore, #tpu.memory_space<semaphore_mem>>) {add = true}
      %mul3A_217 = arith.constant 3 : i32
      %mul3A_218 = arith.muli %mul3A_217, %scan3A_116 : i32
      %add3A_219 = arith.constant 2 : i32
      %add3A_220 = arith.addi %mul3A_218, %add3A_219 : i32
      %dma_wait3A_221 = arith.constant 1 : i32
      %dma_wait3A_222 = arith.constant 0 : i32
      %dma_wait3A_223 = tpu.memref_slice %arg7[%dma_wait3A_221, %dma_wait3A_222] : memref<2x64xi32, #tpu.memory_space<vmem>> -> memref<1x64xi32, #tpu.memory_space<vmem>>
      %dma_wait3A_224 = tpu.memref_squeeze %dma_wait3A_223 : memref<1x64xi32, #tpu.memory_space<vmem>> -> memref<64xi32, #tpu.memory_space<vmem>>
      %dma_wait3A_225 = arith.constant 0 : i32
      %dma_wait3A_226 = arith.constant 0 : i32
      %dma_wait3A_227 = tpu.memref_slice %arg15[%dma_wait3A_225, %dma_wait3A_226] : memref<10240x144xf32, #tpu.memory_space<vmem_shared>> -> memref<10240x144xf32, #tpu.memory_space<vmem_shared>>
      tpu.wait_indirect_dma semaphore(%arg20 : memref<!tpu.dma_semaphore, #tpu.memory_space<semaphore_mem>>) src(%arg10 : memref<64x144xf32, #tpu.memory_space<vmem>>) dst(%dma_wait3A_227 : memref<10240x144xf32, #tpu.memory_space<vmem_shared>>)
      %lt3A_228 = arith.constant 53 : i32
      %lt3A_229 = arith.cmpi slt, %scan3A_116, %lt3A_228 : i32
      %convert_element_type3A_230 = arith.extui %lt3A_229 : i1 to i32
      %cond3A_231 = arith.constant 0 : i32
      %cond3A_232 = arith.cmpi ne, %convert_element_type3A_230, %cond3A_231 : i32
      scf.if %cond3A_232 {
        %add3A_262 = arith.constant 2 : i32
        %add3A_263 = arith.addi %add3A_220, %add3A_262 : i32
        %mul3A_264 = arith.constant 162 : i32
        %mul3A_265 = arith.muli %add3A_55, %mul3A_264 : i32
        %add3A_266 = arith.addi %mul3A_265, %add3A_263 : i32
        %mul3A_267 = arith.constant 2 : i32
        %mul3A_268 = arith.muli %add3A_266, %mul3A_267 : i32
        "tpu.region"() ({
          %run_scoped3A = tpu.sem_alloc : memref<!tpu.dma_semaphore, #tpu.memory_space<semaphore_mem>>
          %dma_start3A_283 = arith.constant 0 : i32
          %dma_start3A_284 = tpu.memref_slice %arg4[%mul3A_268, %dma_start3A_283] : memref<10368x64xi32, #tpu.memory_space<hbm>> -> memref<2x64xi32, #tpu.memory_space<hbm>>
          %dma_start3A_285 = arith.constant 0 : i32
          %dma_start3A_286 = tpu.memref_slice %arg4[%mul3A_268, %dma_start3A_285] : memref<10368x64xi32, #tpu.memory_space<hbm>> -> memref<2x64xi32, #tpu.memory_space<hbm>>
          tpu.enqueue_dma source(%dma_start3A_286 : memref<2x64xi32, #tpu.memory_space<hbm>>) target(%arg7 : memref<2x64xi32, #tpu.memory_space<vmem>>) target_semaphore(%run_scoped3A : memref<!tpu.dma_semaphore, #tpu.memory_space<semaphore_mem>>)
          %dma_wait3A_287 = arith.constant 0 : i32
          %dma_wait3A_288 = tpu.memref_slice %arg4[%mul3A_268, %dma_wait3A_287] : memref<10368x64xi32, #tpu.memory_space<hbm>> -> memref<2x64xi32, #tpu.memory_space<hbm>>
          %dma_wait3A_289 = arith.constant 0 : i32
          %dma_wait3A_290 = tpu.memref_slice %arg4[%mul3A_268, %dma_wait3A_289] : memref<10368x64xi32, #tpu.memory_space<hbm>> -> memref<2x64xi32, #tpu.memory_space<hbm>>
          tpu.wait_dma2 semaphore(%run_scoped3A : memref<!tpu.dma_semaphore, #tpu.memory_space<semaphore_mem>>) src(%dma_wait3A_290 : memref<2x64xi32, #tpu.memory_space<hbm>>) dst(%arg7 : memref<2x64xi32, #tpu.memory_space<vmem>>)
          tpu.yield
        }) : () -> ()
        %dma_start3A_269 = arith.constant 0 : i32
        %dma_start3A_270 = arith.constant 0 : i32
        %dma_start3A_271 = tpu.memref_slice %arg7[%dma_start3A_269, %dma_start3A_270] : memref<2x64xi32, #tpu.memory_space<vmem>> -> memref<1x64xi32, #tpu.memory_space<vmem>>
        %dma_start3A_272 = tpu.memref_squeeze %dma_start3A_271 : memref<1x64xi32, #tpu.memory_space<vmem>> -> memref<64xi32, #tpu.memory_space<vmem>>
        %dma_start3A_273 = arith.constant 0 : i32
        %dma_start3A_274 = arith.constant 0 : i32
        %dma_start3A_275 = tpu.memref_slice %arg2[%dma_start3A_273, %dma_start3A_274] : memref<10240x144xf32, #tpu.memory_space<hbm>> -> memref<10240x144xf32, #tpu.memory_space<hbm>>
        tpu.enqueue_indirect_dma source(%dma_start3A_275 : memref<10240x144xf32, #tpu.memory_space<hbm>>) target(%arg10 : memref<64x144xf32, #tpu.memory_space<vmem>>) offsets(%dma_start3A_272 : memref<64xi32, #tpu.memory_space<vmem>>) semaphore(%arg17 : memref<!tpu.dma_semaphore, #tpu.memory_space<semaphore_mem>>)
        %dma_start3A_276 = arith.constant 1 : i32
        %dma_start3A_277 = arith.constant 0 : i32
        %dma_start3A_278 = tpu.memref_slice %arg7[%dma_start3A_276, %dma_start3A_277] : memref<2x64xi32, #tpu.memory_space<vmem>> -> memref<1x64xi32, #tpu.memory_space<vmem>>
        %dma_start3A_279 = tpu.memref_squeeze %dma_start3A_278 : memref<1x64xi32, #tpu.memory_space<vmem>> -> memref<64xi32, #tpu.memory_space<vmem>>
        %dma_start3A_280 = arith.constant 0 : i32
        %dma_start3A_281 = arith.constant 0 : i32
        %dma_start3A_282 = tpu.memref_slice %arg3[%dma_start3A_280, %dma_start3A_281] : memref<10240x16xf32, #tpu.memory_space<hbm>> -> memref<10240x16xf32, #tpu.memory_space<hbm>>
        tpu.enqueue_indirect_dma source(%dma_start3A_282 : memref<10240x16xf32, #tpu.memory_space<hbm>>) target(%arg13 : memref<64x16xf32, #tpu.memory_space<vmem>>) offsets(%dma_start3A_279 : memref<64xi32, #tpu.memory_space<vmem>>) semaphore(%arg17 : memref<!tpu.dma_semaphore, #tpu.memory_space<semaphore_mem>>)
      } else {
      }
      %dma_wait3A_233 = arith.constant 0 : i32
      %dma_wait3A_234 = arith.constant 0 : i32
      %dma_wait3A_235 = tpu.memref_slice %arg8[%dma_wait3A_233, %dma_wait3A_234] : memref<2x64xi32, #tpu.memory_space<vmem>> -> memref<1x64xi32, #tpu.memory_space<vmem>>
      %dma_wait3A_236 = tpu.memref_squeeze %dma_wait3A_235 : memref<1x64xi32, #tpu.memory_space<vmem>> -> memref<64xi32, #tpu.memory_space<vmem>>
      %dma_wait3A_237 = arith.constant 0 : i32
      %dma_wait3A_238 = arith.constant 0 : i32
      %dma_wait3A_239 = tpu.memref_slice %arg2[%dma_wait3A_237, %dma_wait3A_238] : memref<10240x144xf32, #tpu.memory_space<hbm>> -> memref<10240x144xf32, #tpu.memory_space<hbm>>
      tpu.wait_indirect_dma semaphore(%arg18 : memref<!tpu.dma_semaphore, #tpu.memory_space<semaphore_mem>>) src(%dma_wait3A_239 : memref<10240x144xf32, #tpu.memory_space<hbm>>) dst(%arg11 : memref<64x144xf32, #tpu.memory_space<vmem>>)
      %dma_wait3A_240 = arith.constant 1 : i32
      %dma_wait3A_241 = arith.constant 0 : i32
      %dma_wait3A_242 = tpu.memref_slice %arg8[%dma_wait3A_240, %dma_wait3A_241] : memref<2x64xi32, #tpu.memory_space<vmem>> -> memref<1x64xi32, #tpu.memory_space<vmem>>
      %dma_wait3A_243 = tpu.memref_squeeze %dma_wait3A_242 : memref<1x64xi32, #tpu.memory_space<vmem>> -> memref<64xi32, #tpu.memory_space<vmem>>
      %dma_wait3A_244 = arith.constant 0 : i32
      %dma_wait3A_245 = arith.constant 0 : i32
      %dma_wait3A_246 = tpu.memref_slice %arg3[%dma_wait3A_244, %dma_wait3A_245] : memref<10240x16xf32, #tpu.memory_space<hbm>> -> memref<10240x16xf32, #tpu.memory_space<hbm>>
      tpu.wait_indirect_dma semaphore(%arg18 : memref<!tpu.dma_semaphore, #tpu.memory_space<semaphore_mem>>) src(%dma_wait3A_246 : memref<10240x16xf32, #tpu.memory_space<hbm>>) dst(%arg14 : memref<64x16xf32, #tpu.memory_space<vmem>>)
      %scan3A_247 = arith.constant 0 : i32
      %scan3A_248 = arith.constant 0 : i32
      %scan3A_249 = arith.constant 32 : i32
      %scan3A_250 = arith.addi %scan3A_248, %scan3A_249 : i32
      %scan3A_251 = arith.constant 1 : i32
      %scan3A_252 = scf.for %scan3A_262 = %scan3A_248 to %scan3A_250 step %scan3A_251 iter_args(%scan3A_263 = %scan3A_247) -> (i32)  : i32 {
        %mul3A_264 = arith.constant 2 : i32
        %mul3A_265 = arith.muli %mul3A_264, %scan3A_262 : i32
        %add3A_266 = arith.constant 0 : i32
        %add3A_267 = arith.addi %mul3A_265, %add3A_266 : i32
        %get3A = arith.index_cast %add3A_267 : i32 to index
        %get3A_268 = arith.constant 128 : index
        %get3A_269 = tpu.vector_load %arg11[%get3A, %get3A_268] {strides = array<i32>} : memref<64x144xf32, #tpu.memory_space<vmem>>, vector<1x16xf32>,
        %get3A_270 = vector.shape_cast %get3A_269 : vector<1x16xf32> to vector<16xf32>
        %get3A_271 = arith.index_cast %add3A_267 : i32 to index
        %get3A_272 = arith.constant 0 : index
        %get3A_273 = tpu.vector_load %arg14[%get3A_271, %get3A_272] {strides = array<i32>} : memref<64x16xf32, #tpu.memory_space<vmem>>, vector<1x16xf32>,
        %get3A_274 = vector.shape_cast %get3A_273 : vector<1x16xf32> to vector<16xf32>
        %add3A_275 = arith.addf %get3A_270, %get3A_274 : vector<16xf32>
        %mul3A_276 = arith.constant 2.000000e-01 : f32
        %mul3A_277 = vector.broadcast %mul3A_276 : f32 to vector<16xf32>
        %mul3A_278 = arith.mulf %mul3A_277, %add3A_275 : vector<16xf32>
        %max3A = arith.maximumf %add3A_275, %mul3A_278 : vector<16xf32>
        %exp3A = math.exp %max3A : vector<16xf32>
        %jit3A = arith.constant 0.000000e+00 : f32
        %broadcast_in_dim3A_279 = vector.broadcast %jit3A : f32 to vector<16xf32>
        %select_n3A = arith.select %lt3A_45, %exp3A, %broadcast_in_dim3A_279 : vector<16xi1>, vector<16xf32>
        %swap3A = arith.index_cast %add3A_267 : i32 to index
        %swap3A_280 = arith.constant 128 : index
        %swap3A_281 = tpu.vector_load %arg11[%swap3A, %swap3A_280] {strides = array<i32>} : memref<64x144xf32, #tpu.memory_space<vmem>>, vector<1x16xf32>,
        %swap3A_282 = vector.shape_cast %swap3A_281 : vector<1x16xf32> to vector<16xf32>
        %swap3A_283 = vector.shape_cast %select_n3A : vector<16xf32> to vector<1x16xf32>
        tpu.vector_store %arg11[%swap3A, %swap3A_280], %swap3A_283 {strides = array<i32>} : memref<64x144xf32, #tpu.memory_space<vmem>>, vector<1x16xf32>,
        %broadcast_in_dim3A_284 = vector.shape_cast %broadcast_in_dim3A_46 : vector<16xi32> to vector<16x1xi32>
        %gather3A = vector.shape_cast %broadcast_in_dim3A_284 : vector<16x1xi32> to vector<16xi32>
        %gather3A_285 = tpu.dynamic_gather %exp3A[%gather3A] in [0] : vector<16xf32>, vector<16xi32> -> vector<16xf32>
        %broadcast_in_dim3A_286 = vector.shape_cast %broadcast_in_dim3A_48 : vector<16xi32> to vector<16x1xi32>
        %gather3A_287 = vector.shape_cast %broadcast_in_dim3A_286 : vector<16x1xi32> to vector<16xi32>
        %gather3A_288 = tpu.dynamic_gather %exp3A[%gather3A_287] in [0] : vector<16xf32>, vector<16xi32> -> vector<16xf32>
        %broadcast_in_dim3A_289 = vector.shape_cast %broadcast_in_dim3A_50 : vector<16xi32> to vector<16x1xi32>
        %gather3A_290 = vector.shape_cast %broadcast_in_dim3A_289 : vector<16x1xi32> to vector<16xi32>
        %gather3A_291 = tpu.dynamic_gather %exp3A[%gather3A_290] in [0] : vector<16xf32>, vector<16xi32> -> vector<16xf32>
        %broadcast_in_dim3A_292 = vector.shape_cast %broadcast_in_dim3A_52 : vector<16xi32> to vector<16x1xi32>
        %gather3A_293 = vector.shape_cast %broadcast_in_dim3A_292 : vector<16x1xi32> to vector<16xi32>
        %gather3A_294 = tpu.dynamic_gather %exp3A[%gather3A_293] in [0] : vector<16xf32>, vector<16xi32> -> vector<16xf32>
        %get3A_295 = arith.index_cast %add3A_267 : i32 to index
        %get3A_296 = arith.constant 0 : index
        %get3A_297 = tpu.vector_load %arg11[%get3A_295, %get3A_296] {strides = array<i32>} : memref<64x144xf32, #tpu.memory_space<vmem>>, vector<1x16xf32>,
        %get3A_298 = vector.shape_cast %get3A_297 : vector<1x16xf32> to vector<16xf32>
        %mul3A_299 = arith.mulf %get3A_298, %gather3A_285 : vector<16xf32>
        %swap3A_300 = arith.index_cast %add3A_267 : i32 to index
        %swap3A_301 = arith.constant 0 : index
        %swap3A_302 = tpu.vector_load %arg11[%swap3A_300, %swap3A_301] {strides = array<i32>} : memref<64x144xf32, #tpu.memory_space<vmem>>, vector<1x16xf32>,
        %swap3A_303 = vector.shape_cast %swap3A_302 : vector<1x16xf32> to vector<16xf32>
        %swap3A_304 = vector.shape_cast %mul3A_299 : vector<16xf32> to vector<1x16xf32>
        tpu.vector_store %arg11[%swap3A_300, %swap3A_301], %swap3A_304 {strides = array<i32>} : memref<64x144xf32, #tpu.memory_space<vmem>>, vector<1x16xf32>,
        %get3A_305 = arith.index_cast %add3A_267 : i32 to index
        %get3A_306 = arith.constant 16 : index
        %get3A_307 = tpu.vector_load %arg11[%get3A_305, %get3A_306] {strides = array<i32>} : memref<64x144xf32, #tpu.memory_space<vmem>>, vector<1x16xf32>,
        %get3A_308 = vector.shape_cast %get3A_307 : vector<1x16xf32> to vector<16xf32>
        %mul3A_309 = arith.mulf %get3A_308, %gather3A_285 : vector<16xf32>
        %swap3A_310 = arith.index_cast %add3A_267 : i32 to index
        %swap3A_311 = arith.constant 16 : index
        %swap3A_312 = tpu.vector_load %arg11[%swap3A_310, %swap3A_311] {strides = array<i32>} : memref<64x144xf32, #tpu.memory_space<vmem>>, vector<1x16xf32>,
        %swap3A_313 = vector.shape_cast %swap3A_312 : vector<1x16xf32> to vector<16xf32>
        %swap3A_314 = vector.shape_cast %mul3A_309 : vector<16xf32> to vector<1x16xf32>
        tpu.vector_store %arg11[%swap3A_310, %swap3A_311], %swap3A_314 {strides = array<i32>} : memref<64x144xf32, #tpu.memory_space<vmem>>, vector<1x16xf32>,
        %get3A_315 = arith.index_cast %add3A_267 : i32 to index
        %get3A_316 = arith.constant 32 : index
        %get3A_317 = tpu.vector_load %arg11[%get3A_315, %get3A_316] {strides = array<i32>} : memref<64x144xf32, #tpu.memory_space<vmem>>, vector<1x16xf32>,
        %get3A_318 = vector.shape_cast %get3A_317 : vector<1x16xf32> to vector<16xf32>
        %mul3A_319 = arith.mulf %get3A_318, %gather3A_288 : vector<16xf32>
        %swap3A_320 = arith.index_cast %add3A_267 : i32 to index
        %swap3A_321 = arith.constant 32 : index
        %swap3A_322 = tpu.vector_load %arg11[%swap3A_320, %swap3A_321] {strides = array<i32>} : memref<64x144xf32, #tpu.memory_space<vmem>>, vector<1x16xf32>,
        %swap3A_323 = vector.shape_cast %swap3A_322 : vector<1x16xf32> to vector<16xf32>
        %swap3A_324 = vector.shape_cast %mul3A_319 : vector<16xf32> to vector<1x16xf32>
        tpu.vector_store %arg11[%swap3A_320, %swap3A_321], %swap3A_324 {strides = array<i32>} : memref<64x144xf32, #tpu.memory_space<vmem>>, vector<1x16xf32>,
        %get3A_325 = arith.index_cast %add3A_267 : i32 to index
        %get3A_326 = arith.constant 48 : index
        %get3A_327 = tpu.vector_load %arg11[%get3A_325, %get3A_326] {strides = array<i32>} : memref<64x144xf32, #tpu.memory_space<vmem>>, vector<1x16xf32>,
        %get3A_328 = vector.shape_cast %get3A_327 : vector<1x16xf32> to vector<16xf32>
        %mul3A_329 = arith.mulf %get3A_328, %gather3A_288 : vector<16xf32>
        %swap3A_330 = arith.index_cast %add3A_267 : i32 to index
        %swap3A_331 = arith.constant 48 : index
        %swap3A_332 = tpu.vector_load %arg11[%swap3A_330, %swap3A_331] {strides = array<i32>} : memref<64x144xf32, #tpu.memory_space<vmem>>, vector<1x16xf32>,
        %swap3A_333 = vector.shape_cast %swap3A_332 : vector<1x16xf32> to vector<16xf32>
        %swap3A_334 = vector.shape_cast %mul3A_329 : vector<16xf32> to vector<1x16xf32>
        tpu.vector_store %arg11[%swap3A_330, %swap3A_331], %swap3A_334 {strides = array<i32>} : memref<64x144xf32, #tpu.memory_space<vmem>>, vector<1x16xf32>,
        %get3A_335 = arith.index_cast %add3A_267 : i32 to index
        %get3A_336 = arith.constant 64 : index
        %get3A_337 = tpu.vector_load %arg11[%get3A_335, %get3A_336] {strides = array<i32>} : memref<64x144xf32, #tpu.memory_space<vmem>>, vector<1x16xf32>,
        %get3A_338 = vector.shape_cast %get3A_337 : vector<1x16xf32> to vector<16xf32>
        %mul3A_339 = arith.mulf %get3A_338, %gather3A_291 : vector<16xf32>
        %swap3A_340 = arith.index_cast %add3A_267 : i32 to index
        %swap3A_341 = arith.constant 64 : index
        %swap3A_342 = tpu.vector_load %arg11[%swap3A_340, %swap3A_341] {strides = array<i32>} : memref<64x144xf32, #tpu.memory_space<vmem>>, vector<1x16xf32>,
        %swap3A_343 = vector.shape_cast %swap3A_342 : vector<1x16xf32> to vector<16xf32>
        %swap3A_344 = vector.shape_cast %mul3A_339 : vector<16xf32> to vector<1x16xf32>
        tpu.vector_store %arg11[%swap3A_340, %swap3A_341], %swap3A_344 {strides = array<i32>} : memref<64x144xf32, #tpu.memory_space<vmem>>, vector<1x16xf32>,
        %get3A_345 = arith.index_cast %add3A_267 : i32 to index
        %get3A_346 = arith.constant 80 : index
        %get3A_347 = tpu.vector_load %arg11[%get3A_345, %get3A_346] {strides = array<i32>} : memref<64x144xf32, #tpu.memory_space<vmem>>, vector<1x16xf32>,
        %get3A_348 = vector.shape_cast %get3A_347 : vector<1x16xf32> to vector<16xf32>
        %mul3A_349 = arith.mulf %get3A_348, %gather3A_291 : vector<16xf32>
        %swap3A_350 = arith.index_cast %add3A_267 : i32 to index
        %swap3A_351 = arith.constant 80 : index
        %swap3A_352 = tpu.vector_load %arg11[%swap3A_350, %swap3A_351] {strides = array<i32>} : memref<64x144xf32, #tpu.memory_space<vmem>>, vector<1x16xf32>,
        %swap3A_353 = vector.shape_cast %swap3A_352 : vector<1x16xf32> to vector<16xf32>
        %swap3A_354 = vector.shape_cast %mul3A_349 : vector<16xf32> to vector<1x16xf32>
        tpu.vector_store %arg11[%swap3A_350, %swap3A_351], %swap3A_354 {strides = array<i32>} : memref<64x144xf32, #tpu.memory_space<vmem>>, vector<1x16xf32>,
        %get3A_355 = arith.index_cast %add3A_267 : i32 to index
        %get3A_356 = arith.constant 96 : index
        %get3A_357 = tpu.vector_load %arg11[%get3A_355, %get3A_356] {strides = array<i32>} : memref<64x144xf32, #tpu.memory_space<vmem>>, vector<1x16xf32>,
        %get3A_358 = vector.shape_cast %get3A_357 : vector<1x16xf32> to vector<16xf32>
        %mul3A_359 = arith.mulf %get3A_358, %gather3A_294 : vector<16xf32>
        %swap3A_360 = arith.index_cast %add3A_267 : i32 to index
        %swap3A_361 = arith.constant 96 : index
        %swap3A_362 = tpu.vector_load %arg11[%swap3A_360, %swap3A_361] {strides = array<i32>} : memref<64x144xf32, #tpu.memory_space<vmem>>, vector<1x16xf32>,
        %swap3A_363 = vector.shape_cast %swap3A_362 : vector<1x16xf32> to vector<16xf32>
        %swap3A_364 = vector.shape_cast %mul3A_359 : vector<16xf32> to vector<1x16xf32>
        tpu.vector_store %arg11[%swap3A_360, %swap3A_361], %swap3A_364 {strides = array<i32>} : memref<64x144xf32, #tpu.memory_space<vmem>>, vector<1x16xf32>,
        %get3A_365 = arith.index_cast %add3A_267 : i32 to index
        %get3A_366 = arith.constant 112 : index
        %get3A_367 = tpu.vector_load %arg11[%get3A_365, %get3A_366] {strides = array<i32>} : memref<64x144xf32, #tpu.memory_space<vmem>>, vector<1x16xf32>,
        %get3A_368 = vector.shape_cast %get3A_367 : vector<1x16xf32> to vector<16xf32>
        %mul3A_369 = arith.mulf %get3A_368, %gather3A_294 : vector<16xf32>
        %swap3A_370 = arith.index_cast %add3A_267 : i32 to index
        %swap3A_371 = arith.constant 112 : index
        %swap3A_372 = tpu.vector_load %arg11[%swap3A_370, %swap3A_371] {strides = array<i32>} : memref<64x144xf32, #tpu.memory_space<vmem>>, vector<1x16xf32>,
        %swap3A_373 = vector.shape_cast %swap3A_372 : vector<1x16xf32> to vector<16xf32>
        %swap3A_374 = vector.shape_cast %mul3A_369 : vector<16xf32> to vector<1x16xf32>
        tpu.vector_store %arg11[%swap3A_370, %swap3A_371], %swap3A_374 {strides = array<i32>} : memref<64x144xf32, #tpu.memory_space<vmem>>, vector<1x16xf32>,
        %mul3A_375 = arith.constant 2 : i32
        %mul3A_376 = arith.muli %mul3A_375, %scan3A_262 : i32
        %add3A_377 = arith.constant 1 : i32
        %add3A_378 = arith.addi %mul3A_376, %add3A_377 : i32
        %get3A_379 = arith.index_cast %add3A_378 : i32 to index
        %get3A_380 = arith.constant 128 : index
        %get3A_381 = tpu.vector_load %arg11[%get3A_379, %get3A_380] {strides = array<i32>} : memref<64x144xf32, #tpu.memory_space<vmem>>, vector<1x16xf32>,
        %get3A_382 = vector.shape_cast %get3A_381 : vector<1x16xf32> to vector<16xf32>
        %get3A_383 = arith.index_cast %add3A_378 : i32 to index
        %get3A_384 = arith.constant 0 : index
        %get3A_385 = tpu.vector_load %arg14[%get3A_383, %get3A_384] {strides = array<i32>} : memref<64x16xf32, #tpu.memory_space<vmem>>, vector<1x16xf32>,
        %get3A_386 = vector.shape_cast %get3A_385 : vector<1x16xf32> to vector<16xf32>
        %add3A_387 = arith.addf %get3A_382, %get3A_386 : vector<16xf32>
        %mul3A_388 = arith.constant 2.000000e-01 : f32
        %mul3A_389 = vector.broadcast %mul3A_388 : f32 to vector<16xf32>
        %mul3A_390 = arith.mulf %mul3A_389, %add3A_387 : vector<16xf32>
        %max3A_391 = arith.maximumf %add3A_387, %mul3A_390 : vector<16xf32>
        %exp3A_392 = math.exp %max3A_391 : vector<16xf32>
        %jit3A_393 = arith.constant 0.000000e+00 : f32
        %broadcast_in_dim3A_394 = vector.broadcast %jit3A_393 : f32 to vector<16xf32>
        %select_n3A_395 = arith.select %lt3A_45, %exp3A_392, %broadcast_in_dim3A_394 : vector<16xi1>, vector<16xf32>
        %swap3A_396 = arith.index_cast %add3A_378 : i32 to index
        %swap3A_397 = arith.constant 128 : index
        %swap3A_398 = tpu.vector_load %arg11[%swap3A_396, %swap3A_397] {strides = array<i32>} : memref<64x144xf32, #tpu.memory_space<vmem>>, vector<1x16xf32>,
        %swap3A_399 = vector.shape_cast %swap3A_398 : vector<1x16xf32> to vector<16xf32>
        %swap3A_400 = vector.shape_cast %select_n3A_395 : vector<16xf32> to vector<1x16xf32>
        tpu.vector_store %arg11[%swap3A_396, %swap3A_397], %swap3A_400 {strides = array<i32>} : memref<64x144xf32, #tpu.memory_space<vmem>>, vector<1x16xf32>,
        %broadcast_in_dim3A_401 = vector.shape_cast %broadcast_in_dim3A_46 : vector<16xi32> to vector<16x1xi32>
        %gather3A_402 = vector.shape_cast %broadcast_in_dim3A_401 : vector<16x1xi32> to vector<16xi32>
        %gather3A_403 = tpu.dynamic_gather %exp3A_392[%gather3A_402] in [0] : vector<16xf32>, vector<16xi32> -> vector<16xf32>
        %broadcast_in_dim3A_404 = vector.shape_cast %broadcast_in_dim3A_48 : vector<16xi32> to vector<16x1xi32>
        %gather3A_405 = vector.shape_cast %broadcast_in_dim3A_404 : vector<16x1xi32> to vector<16xi32>
        %gather3A_406 = tpu.dynamic_gather %exp3A_392[%gather3A_405] in [0] : vector<16xf32>, vector<16xi32> -> vector<16xf32>
        %broadcast_in_dim3A_407 = vector.shape_cast %broadcast_in_dim3A_50 : vector<16xi32> to vector<16x1xi32>
        %gather3A_408 = vector.shape_cast %broadcast_in_dim3A_407 : vector<16x1xi32> to vector<16xi32>
        %gather3A_409 = tpu.dynamic_gather %exp3A_392[%gather3A_408] in [0] : vector<16xf32>, vector<16xi32> -> vector<16xf32>
        %broadcast_in_dim3A_410 = vector.shape_cast %broadcast_in_dim3A_52 : vector<16xi32> to vector<16x1xi32>
        %gather3A_411 = vector.shape_cast %broadcast_in_dim3A_410 : vector<16x1xi32> to vector<16xi32>
        %gather3A_412 = tpu.dynamic_gather %exp3A_392[%gather3A_411] in [0] : vector<16xf32>, vector<16xi32> -> vector<16xf32>
        %get3A_413 = arith.index_cast %add3A_378 : i32 to index
        %get3A_414 = arith.constant 0 : index
        %get3A_415 = tpu.vector_load %arg11[%get3A_413, %get3A_414] {strides = array<i32>} : memref<64x144xf32, #tpu.memory_space<vmem>>, vector<1x16xf32>,
        %get3A_416 = vector.shape_cast %get3A_415 : vector<1x16xf32> to vector<16xf32>
        %mul3A_417 = arith.mulf %get3A_416, %gather3A_403 : vector<16xf32>
        %swap3A_418 = arith.index_cast %add3A_378 : i32 to index
        %swap3A_419 = arith.constant 0 : index
        %swap3A_420 = tpu.vector_load %arg11[%swap3A_418, %swap3A_419] {strides = array<i32>} : memref<64x144xf32, #tpu.memory_space<vmem>>, vector<1x16xf32>,
        %swap3A_421 = vector.shape_cast %swap3A_420 : vector<1x16xf32> to vector<16xf32>
        %swap3A_422 = vector.shape_cast %mul3A_417 : vector<16xf32> to vector<1x16xf32>
        tpu.vector_store %arg11[%swap3A_418, %swap3A_419], %swap3A_422 {strides = array<i32>} : memref<64x144xf32, #tpu.memory_space<vmem>>, vector<1x16xf32>,
        %get3A_423 = arith.index_cast %add3A_378 : i32 to index
        %get3A_424 = arith.constant 16 : index
        %get3A_425 = tpu.vector_load %arg11[%get3A_423, %get3A_424] {strides = array<i32>} : memref<64x144xf32, #tpu.memory_space<vmem>>, vector<1x16xf32>,
        %get3A_426 = vector.shape_cast %get3A_425 : vector<1x16xf32> to vector<16xf32>
        %mul3A_427 = arith.mulf %get3A_426, %gather3A_403 : vector<16xf32>
        %swap3A_428 = arith.index_cast %add3A_378 : i32 to index
        %swap3A_429 = arith.constant 16 : index
        %swap3A_430 = tpu.vector_load %arg11[%swap3A_428, %swap3A_429] {strides = array<i32>} : memref<64x144xf32, #tpu.memory_space<vmem>>, vector<1x16xf32>,
        %swap3A_431 = vector.shape_cast %swap3A_430 : vector<1x16xf32> to vector<16xf32>
        %swap3A_432 = vector.shape_cast %mul3A_427 : vector<16xf32> to vector<1x16xf32>
        tpu.vector_store %arg11[%swap3A_428, %swap3A_429], %swap3A_432 {strides = array<i32>} : memref<64x144xf32, #tpu.memory_space<vmem>>, vector<1x16xf32>,
        %get3A_433 = arith.index_cast %add3A_378 : i32 to index
        %get3A_434 = arith.constant 32 : index
        %get3A_435 = tpu.vector_load %arg11[%get3A_433, %get3A_434] {strides = array<i32>} : memref<64x144xf32, #tpu.memory_space<vmem>>, vector<1x16xf32>,
        %get3A_436 = vector.shape_cast %get3A_435 : vector<1x16xf32> to vector<16xf32>
        %mul3A_437 = arith.mulf %get3A_436, %gather3A_406 : vector<16xf32>
        %swap3A_438 = arith.index_cast %add3A_378 : i32 to index
        %swap3A_439 = arith.constant 32 : index
        %swap3A_440 = tpu.vector_load %arg11[%swap3A_438, %swap3A_439] {strides = array<i32>} : memref<64x144xf32, #tpu.memory_space<vmem>>, vector<1x16xf32>,
        %swap3A_441 = vector.shape_cast %swap3A_440 : vector<1x16xf32> to vector<16xf32>
        %swap3A_442 = vector.shape_cast %mul3A_437 : vector<16xf32> to vector<1x16xf32>
        tpu.vector_store %arg11[%swap3A_438, %swap3A_439], %swap3A_442 {strides = array<i32>} : memref<64x144xf32, #tpu.memory_space<vmem>>, vector<1x16xf32>,
        %get3A_443 = arith.index_cast %add3A_378 : i32 to index
        %get3A_444 = arith.constant 48 : index
        %get3A_445 = tpu.vector_load %arg11[%get3A_443, %get3A_444] {strides = array<i32>} : memref<64x144xf32, #tpu.memory_space<vmem>>, vector<1x16xf32>,
        %get3A_446 = vector.shape_cast %get3A_445 : vector<1x16xf32> to vector<16xf32>
        %mul3A_447 = arith.mulf %get3A_446, %gather3A_406 : vector<16xf32>
        %swap3A_448 = arith.index_cast %add3A_378 : i32 to index
        %swap3A_449 = arith.constant 48 : index
        %swap3A_450 = tpu.vector_load %arg11[%swap3A_448, %swap3A_449] {strides = array<i32>} : memref<64x144xf32, #tpu.memory_space<vmem>>, vector<1x16xf32>,
        %swap3A_451 = vector.shape_cast %swap3A_450 : vector<1x16xf32> to vector<16xf32>
        %swap3A_452 = vector.shape_cast %mul3A_447 : vector<16xf32> to vector<1x16xf32>
        tpu.vector_store %arg11[%swap3A_448, %swap3A_449], %swap3A_452 {strides = array<i32>} : memref<64x144xf32, #tpu.memory_space<vmem>>, vector<1x16xf32>,
        %get3A_453 = arith.index_cast %add3A_378 : i32 to index
        %get3A_454 = arith.constant 64 : index
        %get3A_455 = tpu.vector_load %arg11[%get3A_453, %get3A_454] {strides = array<i32>} : memref<64x144xf32, #tpu.memory_space<vmem>>, vector<1x16xf32>,
        %get3A_456 = vector.shape_cast %get3A_455 : vector<1x16xf32> to vector<16xf32>
        %mul3A_457 = arith.mulf %get3A_456, %gather3A_409 : vector<16xf32>
        %swap3A_458 = arith.index_cast %add3A_378 : i32 to index
        %swap3A_459 = arith.constant 64 : index
        %swap3A_460 = tpu.vector_load %arg11[%swap3A_458, %swap3A_459] {strides = array<i32>} : memref<64x144xf32, #tpu.memory_space<vmem>>, vector<1x16xf32>,
        %swap3A_461 = vector.shape_cast %swap3A_460 : vector<1x16xf32> to vector<16xf32>
        %swap3A_462 = vector.shape_cast %mul3A_457 : vector<16xf32> to vector<1x16xf32>
        tpu.vector_store %arg11[%swap3A_458, %swap3A_459], %swap3A_462 {strides = array<i32>} : memref<64x144xf32, #tpu.memory_space<vmem>>, vector<1x16xf32>,
        %get3A_463 = arith.index_cast %add3A_378 : i32 to index
        %get3A_464 = arith.constant 80 : index
        %get3A_465 = tpu.vector_load %arg11[%get3A_463, %get3A_464] {strides = array<i32>} : memref<64x144xf32, #tpu.memory_space<vmem>>, vector<1x16xf32>,
        %get3A_466 = vector.shape_cast %get3A_465 : vector<1x16xf32> to vector<16xf32>
        %mul3A_467 = arith.mulf %get3A_466, %gather3A_409 : vector<16xf32>
        %swap3A_468 = arith.index_cast %add3A_378 : i32 to index
        %swap3A_469 = arith.constant 80 : index
        %swap3A_470 = tpu.vector_load %arg11[%swap3A_468, %swap3A_469] {strides = array<i32>} : memref<64x144xf32, #tpu.memory_space<vmem>>, vector<1x16xf32>,
        %swap3A_471 = vector.shape_cast %swap3A_470 : vector<1x16xf32> to vector<16xf32>
        %swap3A_472 = vector.shape_cast %mul3A_467 : vector<16xf32> to vector<1x16xf32>
        tpu.vector_store %arg11[%swap3A_468, %swap3A_469], %swap3A_472 {strides = array<i32>} : memref<64x144xf32, #tpu.memory_space<vmem>>, vector<1x16xf32>,
        %get3A_473 = arith.index_cast %add3A_378 : i32 to index
        %get3A_474 = arith.constant 96 : index
        %get3A_475 = tpu.vector_load %arg11[%get3A_473, %get3A_474] {strides = array<i32>} : memref<64x144xf32, #tpu.memory_space<vmem>>, vector<1x16xf32>,
        %get3A_476 = vector.shape_cast %get3A_475 : vector<1x16xf32> to vector<16xf32>
        %mul3A_477 = arith.mulf %get3A_476, %gather3A_412 : vector<16xf32>
        %swap3A_478 = arith.index_cast %add3A_378 : i32 to index
        %swap3A_479 = arith.constant 96 : index
        %swap3A_480 = tpu.vector_load %arg11[%swap3A_478, %swap3A_479] {strides = array<i32>} : memref<64x144xf32, #tpu.memory_space<vmem>>, vector<1x16xf32>,
        %swap3A_481 = vector.shape_cast %swap3A_480 : vector<1x16xf32> to vector<16xf32>
        %swap3A_482 = vector.shape_cast %mul3A_477 : vector<16xf32> to vector<1x16xf32>
        tpu.vector_store %arg11[%swap3A_478, %swap3A_479], %swap3A_482 {strides = array<i32>} : memref<64x144xf32, #tpu.memory_space<vmem>>, vector<1x16xf32>,
        %get3A_483 = arith.index_cast %add3A_378 : i32 to index
        %get3A_484 = arith.constant 112 : index
        %get3A_485 = tpu.vector_load %arg11[%get3A_483, %get3A_484] {strides = array<i32>} : memref<64x144xf32, #tpu.memory_space<vmem>>, vector<1x16xf32>,
        %get3A_486 = vector.shape_cast %get3A_485 : vector<1x16xf32> to vector<16xf32>
        %mul3A_487 = arith.mulf %get3A_486, %gather3A_412 : vector<16xf32>
        %swap3A_488 = arith.index_cast %add3A_378 : i32 to index
        %swap3A_489 = arith.constant 112 : index
        %swap3A_490 = tpu.vector_load %arg11[%swap3A_488, %swap3A_489] {strides = array<i32>} : memref<64x144xf32, #tpu.memory_space<vmem>>, vector<1x16xf32>,
        %swap3A_491 = vector.shape_cast %swap3A_490 : vector<1x16xf32> to vector<16xf32>
        %swap3A_492 = vector.shape_cast %mul3A_487 : vector<16xf32> to vector<1x16xf32>
        tpu.vector_store %arg11[%swap3A_488, %swap3A_489], %swap3A_492 {strides = array<i32>} : memref<64x144xf32, #tpu.memory_space<vmem>>, vector<1x16xf32>,
        %scan3A_493 = arith.constant 0 : i32
        scf.yield %scan3A_493 : i32
      }
      %scan3A_253 = arith.constant 32 : i32
      %dma_start3A_254 = arith.constant 1 : i32
      %dma_start3A_255 = arith.constant 0 : i32
      %dma_start3A_256 = tpu.memref_slice %arg8[%dma_start3A_254, %dma_start3A_255] : memref<2x64xi32, #tpu.memory_space<vmem>> -> memref<1x64xi32, #tpu.memory_space<vmem>>
      %dma_start3A_257 = tpu.memref_squeeze %dma_start3A_256 : memref<1x64xi32, #tpu.memory_space<vmem>> -> memref<64xi32, #tpu.memory_space<vmem>>
      %dma_start3A_258 = arith.constant 0 : i32
      %dma_start3A_259 = arith.constant 0 : i32
      %dma_start3A_260 = tpu.memref_slice %arg15[%dma_start3A_258, %dma_start3A_259] : memref<10240x144xf32, #tpu.memory_space<vmem_shared>> -> memref<10240x144xf32, #tpu.memory_space<vmem_shared>>
      tpu.enqueue_indirect_dma source(%arg11 : memref<64x144xf32, #tpu.memory_space<vmem>>) target(%dma_start3A_260 : memref<10240x144xf32, #tpu.memory_space<vmem_shared>>) offsets(%dma_start3A_257 : memref<64xi32, #tpu.memory_space<vmem>>) semaphore(%arg21 : memref<!tpu.dma_semaphore, #tpu.memory_space<semaphore_mem>>) {add = true}
      %scan3A_261 = arith.constant 0 : i32
      scf.yield %scan3A_261 : i32
    }
    %scan3A_101 = arith.constant 54 : i32
    %dma_wait3A = arith.constant 1 : i32
    %dma_wait3A_102 = arith.constant 0 : i32
    %dma_wait3A_103 = tpu.memref_slice %arg8[%dma_wait3A, %dma_wait3A_102] : memref<2x64xi32, #tpu.memory_space<vmem>> -> memref<1x64xi32, #tpu.memory_space<vmem>>
    %dma_wait3A_104 = tpu.memref_squeeze %dma_wait3A_103 : memref<1x64xi32, #tpu.memory_space<vmem>> -> memref<64xi32, #tpu.memory_space<vmem>>
    %dma_wait3A_105 = arith.constant 0 : i32
    %dma_wait3A_106 = arith.constant 0 : i32
    %dma_wait3A_107 = tpu.memref_slice %arg15[%dma_wait3A_105, %dma_wait3A_106] : memref<10240x144xf32, #tpu.memory_space<vmem_shared>> -> memref<10240x144xf32, #tpu.memory_space<vmem_shared>>
    tpu.wait_indirect_dma semaphore(%arg21 : memref<!tpu.dma_semaphore, #tpu.memory_space<semaphore_mem>>) src(%arg11 : memref<64x144xf32, #tpu.memory_space<vmem>>) dst(%dma_wait3A_107 : memref<10240x144xf32, #tpu.memory_space<vmem_shared>>)
    %barrier3A_108 = arith.constant 0 : index
    tpu.barrier barrier_id(%barrier3A_108)
    %mul3A_109 = arith.constant 640 : i32
    %mul3A_110 = arith.muli %arg1, %mul3A_109 : i32
    %mul3A_111 = arith.constant 10240 : i32
    %mul3A_112 = arith.muli %arg0, %mul3A_111 : i32
    %mul3A_113 = arith.constant 640 : i32
    %mul3A_114 = arith.muli %arg1, %mul3A_113 : i32
    %add3A_115 = arith.addi %mul3A_112, %mul3A_114 : i32
    "tpu.region"() ({
      %run_scoped3A = tpu.sem_alloc : memref<!tpu.dma_semaphore, #tpu.memory_space<semaphore_mem>>
      %dma_start3A_116 = arith.constant 0 : i32
      %dma_start3A_117 = tpu.memref_slice %arg5[%add3A_115, %dma_start3A_116] : memref<20480x144xf32, #tpu.memory_space<hbm>> -> memref<640x144xf32, #tpu.memory_space<hbm>>
      %dma_start3A_118 = arith.constant 0 : i32
      %dma_start3A_119 = tpu.memref_slice %arg15[%mul3A_110, %dma_start3A_118] : memref<10240x144xf32, #tpu.memory_space<vmem_shared>> -> memref<640x144xf32, #tpu.memory_space<vmem_shared>>
      tpu.enqueue_dma source(%dma_start3A_119 : memref<640x144xf32, #tpu.memory_space<vmem_shared>>) target(%dma_start3A_117 : memref<640x144xf32, #tpu.memory_space<hbm>>) target_semaphore(%run_scoped3A : memref<!tpu.dma_semaphore, #tpu.memory_space<semaphore_mem>>)
      %dma_wait3A_120 = arith.constant 0 : i32
      %dma_wait3A_121 = tpu.memref_slice %arg5[%add3A_115, %dma_wait3A_120] : memref<20480x144xf32, #tpu.memory_space<hbm>> -> memref<640x144xf32, #tpu.memory_space<hbm>>
      %dma_wait3A_122 = arith.constant 0 : i32
      %dma_wait3A_123 = tpu.memref_slice %arg15[%mul3A_110, %dma_wait3A_122] : memref<10240x144xf32, #tpu.memory_space<vmem_shared>> -> memref<640x144xf32, #tpu.memory_space<vmem_shared>>
      tpu.wait_dma2 semaphore(%run_scoped3A : memref<!tpu.dma_semaphore, #tpu.memory_space<semaphore_mem>>) src(%dma_wait3A_123 : memref<640x144xf32, #tpu.memory_space<vmem_shared>>) dst(%dma_wait3A_121 : memref<640x144xf32, #tpu.memory_space<hbm>>)
      tpu.yield
    }) : () -> ()
    return
  }
}

module attributes {stable_mosaic.version = 14 : i64} {
  func.func @_pre_body(%arg0: i32, %arg1: memref<256x128xf32, #tpu.memory_space<vmem>>, %arg2: memref<128x144xf32, #tpu.memory_space<vmem>>, %arg3: memref<128x16xf32, #tpu.memory_space<vmem>>, %arg4: memref<256x144xf32, #tpu.memory_space<vmem>>, %arg5: memref<256x16xf32, #tpu.memory_space<vmem>>) attributes {dimension_semantics = [#tpu.dimension_semantics<arbitrary>], iteration_bounds = array<i64: 40>, scalar_prefetch = 0 : i64, scratch_operands = 0 : i64, tpu.core_type = #tpu.core_type<tc>, window_params = [{transform_indices = @transform_0, window_bounds = array<i64: 256, 128>}, {pipeline_mode = #tpu.pipeline_mode<synchronous>, transform_indices = @transform_1, window_bounds = array<i64: 128, 144>}, {pipeline_mode = #tpu.pipeline_mode<synchronous>, transform_indices = @transform_2, window_bounds = array<i64: 128, 16>}, {transform_indices = @transform_3, window_bounds = array<i64: 256, 144>}, {transform_indices = @transform_4, window_bounds = array<i64: 256, 16>}]} {
    %get3A = arith.constant 0 : index
    %get3A_0 = arith.constant 0 : index
    %get3A_1 = vector.load %arg1[%get3A, %get3A_0] : memref<256x128xf32, #tpu.memory_space<vmem>>, vector<256x128xf32>
    %get3A_2 = arith.constant 0 : index
    %get3A_3 = arith.constant 0 : index
    %get3A_4 = vector.load %arg2[%get3A_2, %get3A_3] : memref<128x144xf32, #tpu.memory_space<vmem>>, vector<128x144xf32>
    %dot_general3A = arith.constant dense<0.000000e+00> : vector<256x144xf32>
    %dot_general3A_5 = tpu.matmul %get3A_1, %get3A_4, %dot_general3A {dimension_numbers = #tpu.dot_dimension_numbers<[1], [0], [0], [1], [0, 0, 1, 1], [], []>, transpose_lhs_hint = false} : vector<256x128xf32>, vector<128x144xf32>, vector<256x144xf32> -> vector<256x144xf32>
    %swap3A = arith.constant 0 : index
    %swap3A_6 = arith.constant 0 : index
    %swap3A_7 = vector.load %arg4[%swap3A, %swap3A_6] : memref<256x144xf32, #tpu.memory_space<vmem>>, vector<256x144xf32>
    tpu.vector_store %arg4[%swap3A, %swap3A_6], %dot_general3A_5 {strides = array<i32>} : memref<256x144xf32, #tpu.memory_space<vmem>>, vector<256x144xf32>,
    %get3A_8 = arith.constant 0 : index
    %get3A_9 = arith.constant 0 : index
    %get3A_10 = vector.load %arg3[%get3A_8, %get3A_9] : memref<128x16xf32, #tpu.memory_space<vmem>>, vector<128x16xf32>
    %dot_general3A_11 = arith.constant dense<0.000000e+00> : vector<256x16xf32>
    %dot_general3A_12 = tpu.matmul %get3A_1, %get3A_10, %dot_general3A_11 {dimension_numbers = #tpu.dot_dimension_numbers<[1], [0], [0], [1], [0, 0, 1, 1], [], []>, transpose_lhs_hint = false} : vector<256x128xf32>, vector<128x16xf32>, vector<256x16xf32> -> vector<256x16xf32>
    %swap3A_13 = arith.constant 0 : index
    %swap3A_14 = arith.constant 0 : index
    %swap3A_15 = vector.load %arg5[%swap3A_13, %swap3A_14] : memref<256x16xf32, #tpu.memory_space<vmem>>, vector<256x16xf32>
    tpu.vector_store %arg5[%swap3A_13, %swap3A_14], %dot_general3A_12 {strides = array<i32>} : memref<256x16xf32, #tpu.memory_space<vmem>>, vector<256x16xf32>,
    return
  }
  func.func @transform_0(%arg0: i32) -> (i32, i32) {
    %c0_i32 = arith.constant 0 : i32
    %c0_i32_0 = arith.constant 0 : i32
    return %arg0, %c0_i32 : i32, i32
  }
  func.func @transform_1(%arg0: i32) -> (i32, i32) {
    %c0_i32 = arith.constant 0 : i32
    %c0_i32_0 = arith.constant 0 : i32
    %c0_i32_1 = arith.constant 0 : i32
    return %c0_i32, %c0_i32_0 : i32, i32
  }
  func.func @transform_2(%arg0: i32) -> (i32, i32) {
    %c0_i32 = arith.constant 0 : i32
    %c0_i32_0 = arith.constant 0 : i32
    %c0_i32_1 = arith.constant 0 : i32
    return %c0_i32, %c0_i32_0 : i32, i32
  }
  func.func @transform_3(%arg0: i32) -> (i32, i32) {
    %c0_i32 = arith.constant 0 : i32
    %c0_i32_0 = arith.constant 0 : i32
    return %arg0, %c0_i32 : i32, i32
  }
  func.func @transform_4(%arg0: i32) -> (i32, i32) {
    %c0_i32 = arith.constant 0 : i32
    %c0_i32_0 = arith.constant 0 : i32
    return %arg0, %c0_i32 : i32, i32
  }
}

module attributes {stable_mosaic.version = 14 : i64} {
  func.func @_mid_body(%arg0: i32, %arg1: memref<256x144xf32, #tpu.memory_space<vmem>>, %arg2: memref<256x144xf32, #tpu.memory_space<vmem>>, %arg3: memref<1x128xf32, #tpu.memory_space<vmem>>, %arg4: memref<128x144xf32, #tpu.memory_space<vmem>>, %arg5: memref<128x16xf32, #tpu.memory_space<vmem>>, %arg6: memref<256x144xf32, #tpu.memory_space<vmem>>, %arg7: memref<256x16xf32, #tpu.memory_space<vmem>>) attributes {dimension_semantics = [#tpu.dimension_semantics<arbitrary>], iteration_bounds = array<i64: 40>, scalar_prefetch = 0 : i64, scratch_operands = 0 : i64, tpu.core_type = #tpu.core_type<tc>, window_params = [{transform_indices = @transform_0, window_bounds = array<i64: 256, 144>}, {transform_indices = @transform_1, window_bounds = array<i64: 256, 144>}, {pipeline_mode = #tpu.pipeline_mode<synchronous>, transform_indices = @transform_2, window_bounds = array<i64: 1, 128>}, {pipeline_mode = #tpu.pipeline_mode<synchronous>, transform_indices = @transform_3, window_bounds = array<i64: 128, 144>}, {pipeline_mode = #tpu.pipeline_mode<synchronous>, transform_indices = @transform_4, window_bounds = array<i64: 128, 16>}, {transform_indices = @transform_5, window_bounds = array<i64: 256, 144>}, {transform_indices = @transform_6, window_bounds = array<i64: 256, 16>}]} {
    %get3A = arith.constant 0 : index
    %get3A_0 = arith.constant 0 : index
    %get3A_1 = vector.load %arg1[%get3A, %get3A_0] : memref<256x144xf32, #tpu.memory_space<vmem>>, vector<256x144xf32>
    %get3A_2 = arith.constant 0 : index
    %get3A_3 = arith.constant 0 : index
    %get3A_4 = vector.load %arg2[%get3A_2, %get3A_3] : memref<256x144xf32, #tpu.memory_space<vmem>>, vector<256x144xf32>
    %get3A_5 = arith.constant 0 : index
    %get3A_6 = arith.constant 0 : index
    %get3A_7 = vector.load %arg3[%get3A_5, %get3A_6] : memref<1x128xf32, #tpu.memory_space<vmem>>, vector<1x128xf32>
    %add3A = arith.addf %get3A_1, %get3A_4 : vector<256x144xf32>
    %slice3A = vector.extract_strided_slice %add3A {offsets = [0, 0], sizes = [256, 128], strides = [1, 1]} : vector<256x144xf32> to vector<256x128xf32>
    %slice3A_8 = vector.extract_strided_slice %add3A {offsets = [0, 128], sizes = [256, 4], strides = [1, 1]} : vector<256x144xf32> to vector<256x4xf32>
    %broadcast_in_dim3A = vector.shape_cast %slice3A_8 : vector<256x4xf32> to vector<256x4x1xf32>
    %broadcast_in_dim3A_9 = vector.shape_cast %broadcast_in_dim3A : vector<256x4x1xf32> to vector<256x4x1xf32>
    %broadcast_in_dim3A_10 = vector.broadcast %broadcast_in_dim3A_9 : vector<256x4x1xf32> to vector<256x4x32xf32>
    %reshape3A = vector.shape_cast %broadcast_in_dim3A_10 : vector<256x4x32xf32> to vector<256x128xf32>
    %add3A_11 = arith.constant 1.000000e-16 : f32
    %add3A_12 = vector.broadcast %add3A_11 : f32 to vector<256x128xf32>
    %add3A_13 = arith.addf %reshape3A, %add3A_12 : vector<256x128xf32>
    %div3A = arith.divf %slice3A, %add3A_13 : vector<256x128xf32>
    %add3A_14 = vector.broadcast %get3A_7 : vector<1x128xf32> to vector<256x128xf32>
    %add3A_15 = arith.addf %div3A, %add3A_14 : vector<256x128xf32>
    %max3A = arith.constant 0.000000e+00 : f32
    %max3A_16 = vector.broadcast %max3A : f32 to vector<256x128xf32>
    %max3A_17 = arith.maximumf %add3A_15, %max3A_16 : vector<256x128xf32>
    %get3A_18 = arith.constant 0 : index
    %get3A_19 = arith.constant 0 : index
    %get3A_20 = vector.load %arg4[%get3A_18, %get3A_19] : memref<128x144xf32, #tpu.memory_space<vmem>>, vector<128x144xf32>
    %dot_general3A = arith.constant dense<0.000000e+00> : vector<256x144xf32>
    %dot_general3A_21 = tpu.matmul %max3A_17, %get3A_20, %dot_general3A {dimension_numbers = #tpu.dot_dimension_numbers<[1], [0], [0], [1], [0, 0, 1, 1], [], []>, transpose_lhs_hint = false} : vector<256x128xf32>, vector<128x144xf32>, vector<256x144xf32> -> vector<256x144xf32>
    %swap3A = arith.constant 0 : index
    %swap3A_22 = arith.constant 0 : index
    %swap3A_23 = vector.load %arg6[%swap3A, %swap3A_22] : memref<256x144xf32, #tpu.memory_space<vmem>>, vector<256x144xf32>
    tpu.vector_store %arg6[%swap3A, %swap3A_22], %dot_general3A_21 {strides = array<i32>} : memref<256x144xf32, #tpu.memory_space<vmem>>, vector<256x144xf32>,
    %get3A_24 = arith.constant 0 : index
    %get3A_25 = arith.constant 0 : index
    %get3A_26 = vector.load %arg5[%get3A_24, %get3A_25] : memref<128x16xf32, #tpu.memory_space<vmem>>, vector<128x16xf32>
    %dot_general3A_27 = arith.constant dense<0.000000e+00> : vector<256x16xf32>
    %dot_general3A_28 = tpu.matmul %max3A_17, %get3A_26, %dot_general3A_27 {dimension_numbers = #tpu.dot_dimension_numbers<[1], [0], [0], [1], [0, 0, 1, 1], [], []>, transpose_lhs_hint = false} : vector<256x128xf32>, vector<128x16xf32>, vector<256x16xf32> -> vector<256x16xf32>
    %swap3A_29 = arith.constant 0 : index
    %swap3A_30 = arith.constant 0 : index
    %swap3A_31 = vector.load %arg7[%swap3A_29, %swap3A_30] : memref<256x16xf32, #tpu.memory_space<vmem>>, vector<256x16xf32>
    tpu.vector_store %arg7[%swap3A_29, %swap3A_30], %dot_general3A_28 {strides = array<i32>} : memref<256x16xf32, #tpu.memory_space<vmem>>, vector<256x16xf32>,
    return
  }
  func.func @transform_0(%arg0: i32) -> (i32, i32) {
    %c0_i32 = arith.constant 0 : i32
    %c0_i32_0 = arith.constant 0 : i32
    return %arg0, %c0_i32 : i32, i32
  }
  func.func @transform_1(%arg0: i32) -> (i32, i32) {
    %c0_i32 = arith.constant 0 : i32
    %c0_i32_0 = arith.constant 0 : i32
    return %arg0, %c0_i32 : i32, i32
  }
  func.func @transform_2(%arg0: i32) -> (i32, i32) {
    %c0_i32 = arith.constant 0 : i32
    %c0_i32_0 = arith.constant 0 : i32
    %c0_i32_1 = arith.constant 0 : i32
    return %c0_i32, %c0_i32_0 : i32, i32
  }
  func.func @transform_3(%arg0: i32) -> (i32, i32) {
    %c0_i32 = arith.constant 0 : i32
    %c0_i32_0 = arith.constant 0 : i32
    %c0_i32_1 = arith.constant 0 : i32
    return %c0_i32, %c0_i32_0 : i32, i32
  }
  func.func @transform_4(%arg0: i32) -> (i32, i32) {
    %c0_i32 = arith.constant 0 : i32
    %c0_i32_0 = arith.constant 0 : i32
    %c0_i32_1 = arith.constant 0 : i32
    return %c0_i32, %c0_i32_0 : i32, i32
  }
  func.func @transform_5(%arg0: i32) -> (i32, i32) {
    %c0_i32 = arith.constant 0 : i32
    %c0_i32_0 = arith.constant 0 : i32
    return %arg0, %c0_i32 : i32, i32
  }
  func.func @transform_6(%arg0: i32) -> (i32, i32) {
    %c0_i32 = arith.constant 0 : i32
    %c0_i32_0 = arith.constant 0 : i32
    return %arg0, %c0_i32 : i32, i32
  }
}

module attributes {stable_mosaic.version = 14 : i64} {
  func.func @_post_body(%arg0: i32, %arg1: memref<256x144xf32, #tpu.memory_space<vmem>>, %arg2: memref<256x144xf32, #tpu.memory_space<vmem>>, %arg3: memref<1x128xf32, #tpu.memory_space<vmem>>, %arg4: memref<128x64xf32, #tpu.memory_space<vmem>>, %arg5: memref<1x64xf32, #tpu.memory_space<vmem>>, %arg6: memref<256x64xf32, #tpu.memory_space<vmem>>) attributes {dimension_semantics = [#tpu.dimension_semantics<arbitrary>], iteration_bounds = array<i64: 40>, scalar_prefetch = 0 : i64, scratch_operands = 0 : i64, tpu.core_type = #tpu.core_type<tc>, window_params = [{transform_indices = @transform_0, window_bounds = array<i64: 256, 144>}, {transform_indices = @transform_1, window_bounds = array<i64: 256, 144>}, {pipeline_mode = #tpu.pipeline_mode<synchronous>, transform_indices = @transform_2, window_bounds = array<i64: 1, 128>}, {pipeline_mode = #tpu.pipeline_mode<synchronous>, transform_indices = @transform_3, window_bounds = array<i64: 128, 64>}, {pipeline_mode = #tpu.pipeline_mode<synchronous>, transform_indices = @transform_4, window_bounds = array<i64: 1, 64>}, {transform_indices = @transform_5, window_bounds = array<i64: 256, 64>}]} {
    %get3A = arith.constant 0 : index
    %get3A_0 = arith.constant 0 : index
    %get3A_1 = vector.load %arg1[%get3A, %get3A_0] : memref<256x144xf32, #tpu.memory_space<vmem>>, vector<256x144xf32>
    %get3A_2 = arith.constant 0 : index
    %get3A_3 = arith.constant 0 : index
    %get3A_4 = vector.load %arg2[%get3A_2, %get3A_3] : memref<256x144xf32, #tpu.memory_space<vmem>>, vector<256x144xf32>
    %get3A_5 = arith.constant 0 : index
    %get3A_6 = arith.constant 0 : index
    %get3A_7 = vector.load %arg3[%get3A_5, %get3A_6] : memref<1x128xf32, #tpu.memory_space<vmem>>, vector<1x128xf32>
    %add3A = arith.addf %get3A_1, %get3A_4 : vector<256x144xf32>
    %slice3A = vector.extract_strided_slice %add3A {offsets = [0, 0], sizes = [256, 128], strides = [1, 1]} : vector<256x144xf32> to vector<256x128xf32>
    %slice3A_8 = vector.extract_strided_slice %add3A {offsets = [0, 128], sizes = [256, 4], strides = [1, 1]} : vector<256x144xf32> to vector<256x4xf32>
    %broadcast_in_dim3A = vector.shape_cast %slice3A_8 : vector<256x4xf32> to vector<256x4x1xf32>
    %broadcast_in_dim3A_9 = vector.shape_cast %broadcast_in_dim3A : vector<256x4x1xf32> to vector<256x4x1xf32>
    %broadcast_in_dim3A_10 = vector.broadcast %broadcast_in_dim3A_9 : vector<256x4x1xf32> to vector<256x4x32xf32>
    %reshape3A = vector.shape_cast %broadcast_in_dim3A_10 : vector<256x4x32xf32> to vector<256x128xf32>
    %add3A_11 = arith.constant 1.000000e-16 : f32
    %add3A_12 = vector.broadcast %add3A_11 : f32 to vector<256x128xf32>
    %add3A_13 = arith.addf %reshape3A, %add3A_12 : vector<256x128xf32>
    %div3A = arith.divf %slice3A, %add3A_13 : vector<256x128xf32>
    %add3A_14 = vector.broadcast %get3A_7 : vector<1x128xf32> to vector<256x128xf32>
    %add3A_15 = arith.addf %div3A, %add3A_14 : vector<256x128xf32>
    %max3A = arith.constant 0.000000e+00 : f32
    %max3A_16 = vector.broadcast %max3A : f32 to vector<256x128xf32>
    %max3A_17 = arith.maximumf %add3A_15, %max3A_16 : vector<256x128xf32>
    %get3A_18 = arith.constant 0 : index
    %get3A_19 = arith.constant 0 : index
    %get3A_20 = vector.load %arg4[%get3A_18, %get3A_19] : memref<128x64xf32, #tpu.memory_space<vmem>>, vector<128x64xf32>
    %dot_general3A = arith.constant dense<0.000000e+00> : vector<256x64xf32>
    %dot_general3A_21 = tpu.matmul %max3A_17, %get3A_20, %dot_general3A {dimension_numbers = #tpu.dot_dimension_numbers<[1], [0], [0], [1], [0, 0, 1, 1], [], []>, transpose_lhs_hint = false} : vector<256x128xf32>, vector<128x64xf32>, vector<256x64xf32> -> vector<256x64xf32>
    %get3A_22 = arith.constant 0 : index
    %get3A_23 = arith.constant 0 : index
    %get3A_24 = vector.load %arg5[%get3A_22, %get3A_23] : memref<1x64xf32, #tpu.memory_space<vmem>>, vector<1x64xf32>
    %add3A_25 = vector.broadcast %get3A_24 : vector<1x64xf32> to vector<256x64xf32>
    %add3A_26 = arith.addf %dot_general3A_21, %add3A_25 : vector<256x64xf32>
    %reduce_max3A = arith.constant dense<0xFF800000> : vector<256xf32>
    %reduce_max3A_27 = vector.multi_reduction <maximumf>, %add3A_26, %reduce_max3A [1] : vector<256x64xf32> to vector<256xf32>
    %broadcast_in_dim3A_28 = vector.shape_cast %reduce_max3A_27 : vector<256xf32> to vector<256x1xf32>
    %sub3A = vector.broadcast %broadcast_in_dim3A_28 : vector<256x1xf32> to vector<256x64xf32>
    %sub3A_29 = arith.subf %add3A_26, %sub3A : vector<256x64xf32>
    %exp3A = math.exp %sub3A_29 : vector<256x64xf32>
    %sub3A_30 = vector.broadcast %broadcast_in_dim3A_28 : vector<256x1xf32> to vector<256x64xf32>
    %sub3A_31 = arith.subf %add3A_26, %sub3A_30 : vector<256x64xf32>
    %reduce_sum3A = arith.constant dense<0.000000e+00> : vector<256xf32>
    %reduce_sum3A_32 = vector.multi_reduction <add>, %exp3A, %reduce_sum3A [1] : vector<256x64xf32> to vector<256xf32>
    %broadcast_in_dim3A_33 = vector.shape_cast %reduce_sum3A_32 : vector<256xf32> to vector<256x1xf32>
    %log3A = math.log %broadcast_in_dim3A_33 : vector<256x1xf32>
    %sub3A_34 = vector.broadcast %log3A : vector<256x1xf32> to vector<256x64xf32>
    %sub3A_35 = arith.subf %sub3A_31, %sub3A_34 : vector<256x64xf32>
    %swap3A = arith.constant 0 : index
    %swap3A_36 = arith.constant 0 : index
    %swap3A_37 = vector.load %arg6[%swap3A, %swap3A_36] : memref<256x64xf32, #tpu.memory_space<vmem>>, vector<256x64xf32>
    tpu.vector_store %arg6[%swap3A, %swap3A_36], %sub3A_35 {strides = array<i32>} : memref<256x64xf32, #tpu.memory_space<vmem>>, vector<256x64xf32>,
    return
  }
  func.func @transform_0(%arg0: i32) -> (i32, i32) {
    %c0_i32 = arith.constant 0 : i32
    %c0_i32_0 = arith.constant 0 : i32
    return %arg0, %c0_i32 : i32, i32
  }
  func.func @transform_1(%arg0: i32) -> (i32, i32) {
    %c0_i32 = arith.constant 0 : i32
    %c0_i32_0 = arith.constant 0 : i32
    return %arg0, %c0_i32 : i32, i32
  }
  func.func @transform_2(%arg0: i32) -> (i32, i32) {
    %c0_i32 = arith.constant 0 : i32
    %c0_i32_0 = arith.constant 0 : i32
    %c0_i32_1 = arith.constant 0 : i32
    return %c0_i32, %c0_i32_0 : i32, i32
  }
  func.func @transform_3(%arg0: i32) -> (i32, i32) {
    %c0_i32 = arith.constant 0 : i32
    %c0_i32_0 = arith.constant 0 : i32
    %c0_i32_1 = arith.constant 0 : i32
    return %c0_i32, %c0_i32_0 : i32, i32
  }
  func.func @transform_4(%arg0: i32) -> (i32, i32) {
    %c0_i32 = arith.constant 0 : i32
    %c0_i32_0 = arith.constant 0 : i32
    %c0_i32_1 = arith.constant 0 : i32
    return %c0_i32, %c0_i32_0 : i32, i32
  }
  func.func @transform_5(%arg0: i32) -> (i32, i32) {
    %c0_i32 = arith.constant 0 : i32
    %c0_i32_0 = arith.constant 0 : i32
    return %arg0, %c0_i32 : i32, i32
  }
}

</mosaic_0001>

<sc_bundles>
// kernel: kernel.10.cloned.1.call-start
scs
__scs_entry_jumppad:
0x0: {  	(pc) =	sbr.rel $0x88, $3  }
0x1: {  	(tag) =	ssettag $0x0;
	lr =	simm.s32 $0x1  }
0x2: {  	[smem:$0x3F95] =	sst lr;
	_ =	strace $0xD0000000  }
0x3: {  	_ = 	snop  }
0x4: {  	_ = 	snop  }
0x5: {  	_ = 	snop  }
0x6: {  	_ = 	snop  }
0x7: {  	_ = 	snop  }
__scs_overlays_trampoline_lowered:
0x8: {  	[smem:$0x3FA4] =	sst s0  }
0x9: {  	[smem:$0x3FA5] =	sst s1  }
0xa: {  	[smem:$0x3FA6] =	sst s2  }
0xb: {  	[smem:$0x3FA7] =	sst s3  }
0xc: {  	[smem:$0x3FA8] =	sst s4  }
0xd: {  	[smem:$0x3FA9] =	sst s5  }
0xe: {  	[smem:$0x3FAA] =	sst s6  }
0xf: {  	[smem:$0x3FAB] =	sst s7  }
0x10: {  	[smem:$0x3FAC] =	sst s8  }
0x11: {  	[smem:$0x3FAD] =	sst s9;
	s0 =	simm.s32 @!p0 $0x0  }
0x12: {  	s1 =	sld [smem:$0x3F93];
	s0 =	simm.s32 @p0 $0x1  }
0x13: {  	[smem:$0x3FAE] =	sst s0;
	s0 =	simm.s32 @!p1 $0x0  }
0x14: {  	s2 =	sld [smem:$0x3F92];
	s0 =	simm.s32 @p1 $0x1  }
0x15: {  	[smem:$0x3FAF] =	sst s0;
	s0 =	simm.s32 @!p2 $0x0  }
0x16: {  	s3 =	sld [smem:$0x3FDB];
	s0 =	simm.s32 @p2 $0x1  }
0x17: {  	s4 =	simm.s32 $0x1BF5;
	[smem:$0x3FB1] =	sst s0  }
0x18: {  	s0 =	sld [smem:$0x3F94];
	_ =	swait.ge [sflag:s4], $0x0  }
0x19: {  	s7 =	sld [smem:$0x3F95]  }
0x1a: {  	s8 =	sadd.s32 $0xFFFFE003, lr  }
0x1b: {  	s9 =	sadd.s32 $0xFFFFFEF7, lr;
	s5 =	simm.s32 $0xFFFFFFFF;
	p2 =	slt.u32 s8, $0xFFFFF086  }
0x1c: {  	p1 =	slt.u32 s9, $0xF7A;
	s5 =	simm.s32 @!p2 $0x0  }
0x1d: {  	s5 =	simm.s32 @p1 $0x1;
	p0 =	seq.s32 s7, s2  }
0x1e: {  	s7 =	smul.u32 @!p0 $0xF7A, s2;
	p2 =	seq.s32 @!p0 s5, $0x0  }
0x1f: {  	s9 =	smul.u32 $0xF7A, s1;
	s8 =	simm.s32 @!p0 $0x1BF5;
	p2 =	por !p2, p0  }
0x20: {  	[sflag:s8] =	ssyncset.s32 @!p0 $0xFFFFF086;
	s6 =	sadd.s32 @!p0 s3, s7;
	s7 =	simm.s32 @!p0 $0x108  }
0x21: {  	s3 =	sadd.s32 s3, s9;
	s6 =	sadd.s32 @!p0 $0x88, s6;
	s7 =	simm.s32 @p2 $0x1082  }
0x22: {  	[simem:s7], [sflag:s8] =	dma.local @!p0 [hbm:s6], $0xF7A  }
0x23: {  	s9 =	sor.u32 $0xD0000000, s2;
	s6 =	simm.s32 $0x108;
	_ =	swait.ge @!p0 [sflag:s8], $0x0  }
0x24: {  	s3 =	sadd.s32 $0x88, s3;
	s6 =	simm.s32 @!p1 $0x1082;
	[sflag:s4] =	ssyncset.s32 $0xFFFFF086  }
0x25: {  	[simem:s6], [sflag:s4] =	dma.local [hbm:s3], $0xF7A  }
0x26: {  	[smem:$0x3F95] =	sst s1;
	(tag) =	ssettag s2;
	_ =	strace s9  }
0x27: {  	s1 =	sld [smem:$0x3FA5]  }
0x28: {  	s2 =	sld [smem:$0x3FA6]  }
0x29: {  	s4 =	sld [smem:$0x3FA8]  }
0x2a: {  	p0 =	seq.s32 s5, $0x0;
	s5 =	sld [smem:$0x3FA9]  }
0x2b: {  	s6 =	sld [smem:$0x3FAA]  }
0x2c: {  	s7 =	sld [smem:$0x3FAB]  }
0x2d: {  	s3 =	simm.s32 $0x108;
	s8 =	sld [smem:$0x3FAC]  }
0x2e: {  	s3 =	simm.s32 @!p0 $0x1082;
	s9 =	sld [smem:$0x3FAD]  }
0x2f: {  	lr =	sadd.s32 s0, s3;
	s0 =	sld [smem:$0x3FA4]  }
0x30: {  	s3 =	sld [smem:$0x3FA7]  }
0x31: {  	[smem:$0x3FB0] =	sst s10  }
0x32: {  	s10 =	sld [smem:$0x3FAE];
	_ =	sdelay $0x3  }
0x33: {  	p0 =	seq.s32 s10, $0x1;
	s10 =	sld [smem:$0x3FB0];
	_ =	sdelay $0x3  }
0x34: {  	[smem:$0x3FB0] =	sst s10  }
0x35: {  	s10 =	sld [smem:$0x3FAF];
	_ =	sdelay $0x3  }
0x36: {  	p1 =	seq.s32 s10, $0x1;
	s10 =	sld [smem:$0x3FB0];
	_ =	sdelay $0x3  }
0x37: {  	[smem:$0x3FB0] =	sst s10  }
0x38: {  	s10 =	sld [smem:$0x3FB1]  }
0x39: {  	_ = 	snop;
	(pc) =	sbr.ind lr, $3  }
0x3a: {  	_ = 	snop  }
0x3b: {  	_ = 	snop  }
0x3c: {  	p2 =	seq.s32 s10, $0x1;
	s10 =	sld [smem:$0x3FB0]  }
0x3d: {  	_ =	shalt  }
0x3e: {  	_ =	shalt  }
0x3f: {  	_ =	shalt  }
0x40: {  	_ =	shalt  }
0x41: {  	_ =	shalt  }
0x42: {  	_ =	shalt  }
0x43: {  	_ =	shalt  }
0x44: {  	_ =	shalt  }
0x45: {  	_ =	shalt  }
0x46: {  	_ =	shalt  }
0x47: {  	_ =	shalt  }
0x48: {  	_ =	shalt  }
0x49: {  	_ =	shalt  }
0x4a: {  	_ =	shalt  }
0x4b: {  	_ =	shalt  }
0x4c: {  	_ =	shalt  }
0x4d: {  	_ =	shalt  }
0x4e: {  	_ =	shalt  }
0x4f: {  	_ =	shalt  }
0x50: {  	_ =	shalt  }
0x51: {  	_ =	shalt  }
0x52: {  	_ =	shalt  }
0x53: {  	_ =	shalt  }
0x54: {  	_ =	shalt  }
0x55: {  	_ =	shalt  }
0x56: {  	_ =	shalt  }
0x57: {  	_ =	shalt  }
0x58: {  	_ =	shalt  }
0x59: {  	_ =	shalt  }
0x5a: {  	_ =	shalt  }
0x5b: {  	_ =	shalt  }
0x5c: {  	_ =	shalt  }
0x5d: {  	_ =	shalt  }
0x5e: {  	_ =	shalt  }
0x5f: {  	_ =	shalt  }
0x60: {  	_ =	shalt  }
0x61: {  	_ =	shalt  }
0x62: {  	_ =	shalt  }
0x63: {  	_ =	shalt  }
0x64: {  	_ =	shalt  }
0x65: {  	_ =	shalt  }
0x66: {  	_ =	shalt  }
0x67: {  	_ =	shalt  }
0x68: {  	_ =	shalt  }
0x69: {  	_ =	shalt  }
0x6a: {  	_ =	shalt  }
0x6b: {  	_ =	shalt  }
0x6c: {  	_ =	shalt  }
0x6d: {  	_ =	shalt  }
0x6e: {  	_ =	shalt  }
0x6f: {  	_ =	shalt  }
0x70: {  	_ =	shalt  }
0x71: {  	_ =	shalt  }
0x72: {  	_ =	shalt  }
0x73: {  	_ =	shalt  }
0x74: {  	_ =	shalt  }
0x75: {  	_ =	shalt  }
0x76: {  	_ =	shalt  }
0x77: {  	_ =	shalt  }
0x78: {  	_ =	shalt  }
0x79: {  	_ =	shalt  }
0x7a: {  	_ =	shalt  }
0x7b: {  	_ =	shalt  }
0x7c: {  	_ =	shalt  }
0x7d: {  	_ =	shalt  }
0x7e: {  	_ =	shalt  }
0x7f: {  	_ =	shalt  }
0x80: {  	_ =	shalt  }
0x81: {  	_ =	shalt  }
0x82: {  	_ =	shalt  }
0x83: {  	_ =	shalt  }
0x84: {  	_ =	shalt  }
0x85: {  	_ =	shalt  }
0x86: {  	_ =	shalt  }
0x87: {  	_ =	shalt  }
.Lfunc_end0:
.L_simem_size_0:
called_computation.1_lowered:
.L_overlay_start_0:
0x88: {  	s2 =	sld [smem:$0x3FD9]  }
0x89: {  	s3 =	sld [smem:$0x3FFE];
	_ =	sdelay $0x1  }
0x8a: {  	s1 =	srdreg.scid  }
0x8b: {  	s0 =	sand.u32 $0x1, s1  }
0x8c: {  	s17 =	sshll.u32 s0, $0xA;
	s2 =	sadd.s32 s3, s2  }
0x8d: {  	s2 =	sadd.s32 s2, s17  }
0x8e: {  	[smem:$0x3FBC] =	sst s2  }
0x8f: {  	_ = 	snop  }
0x90: {  	s2 =	sld [smem:$0x3FD0];
	(tm) =	ssettm $0x1  }
0x91: {  	s18 =	sld [smem:$0x3FFB];
	_ =	sdelay $0x3  }
0x92: {  	_ =	strace s18  }
0x93: {  	s3 =	sld [smem:$0x3FFC];
	_ =	sdelay $0x3  }
0x94: {  	_ =	strace s3  }
0x95: {  	s3 =	sld [smem:$0x3FFD];
	_ =	sdelay $0x3  }
0x96: {  	_ =	strace s3  }
0x97: {  	_ =	strace $0x8FFFFFFF  }
0x98: {  	s19 =	sld [smem:$0x3FDB];
	_ =	sdelay $0x1  }
0x99: {  	s4 =	simm.s32 $_scs_section_size  }
0x9a: {  	s5 =	simm.s32 $_size__tile_overlayer_lowered;
	s6 =	simm.s32 $_tile_overlayer_lowered  }
0x9b: {  	s22 =	simm.s32 $0x1BFF;
	s21 =	sshll.u32 s6, $0x1;
	s3 =	sadd.s32 s4, s19  }
0x9c: {  	s7 =	simm.s32 $0x0;
	s20 =	sshll.u32 s5, $0x1;
	s5 =	sadd.s32 s21, s3  }
0x9d: {  	[timem:s7], [sflag:s22] =	dma.local [hbm:s5], s20  }
0x9e: {  	_ =	swait.ge [sflag:s22], s20  }
0x9f: {  	s4 =	ssub.s32 $0x0, s20;
	[sflag:s22] =	ssyncset.done $0x0  }
0xa0: {  	[sflag:s22] =	ssyncadd.s32 s4;
	_ =	sdelay $0x1  }
0xa1: {  	s23 =	simm.s32 $0x1B8B  }
0xa2: {  	_ =	swait.ge [sflag:s23], $0x1  }
0xa3: {  	[sflag:s23] =	ssyncset.done $0x0  }
0xa4: {  	s25 =	simm.s32 $0x1B8E;
	s24 =	sld [smem:$0x3FFE];
	[sflag:s23] =	ssyncadd.s32 $0xFFFFFFFF  }
0xa5: {  	s26 =	simm.s32 $execute0_lowered;
	[smem:$0x3FD2] =	sst s25  }
0xa6: {  	s5 =	sshll.u32 s26, $0x1;
	_ =	strace $0x80000049;
	[dreg:$0x1] =	wrdreg $0xFFFFFFFF  }
0xa7: {  	s28 =	simm.s32 $_size_execute0_lowered;
	s3 =	sadd.s32 s3, s5;
	[dreg:$0x0] =	wrdreg $0x0  }
0xa8: {  	s5 =	sshll.u32 s28, $0x1;
	[dreg:$0x2] =	wrdreg s3  }
0xa9: {  	[dreg:$0x3] =	wrdreg s5  }
0xaa: {  	[dreg:$0x4] =	wrdreg $0xC0  }
0xab: {  	_ =	task [dreg:s7], $0x5FFFF  }
0xac: {  	[dreg:$0x1] =	wrdreg $0xFFFFFFFF  }
0xad: {  	[dreg:$0x0] =	wrdreg $0x60  }
0xae: {  	[dreg:$0x2] =	wrdreg s24  }
0xaf: {  	[dreg:$0x3] =	wrdreg s2  }
0xb0: {  	[dreg:$0x4] =	wrdreg $0x79800  }
0xb1: {  	[dreg:$0x5] =	wrdreg $0x9  }
0xb2: {  	_ =	task.clear_ibuf [dreg:s7], $0x6FFFF;
	_ =	strace $0x90000049  }
0xb3: {  	s29 =	simm.s32 $0x9;
	_ =	strace $0x8000004B  }
0xb4: {  	_ =	swait.ge [sflag:s29], $0x1  }
0xb5: {  	[sflag:s29] =	ssyncadd.s32 $0xFFFFFFFF  }
0xb6: {  	_ =	strace $0x9000004B  }
0xb7: {  	_ =	sfence  }
0xb8: {  	s30 =	sld [smem:$0x0];
	_ =	sdelay $0x2  }
0xb9: {  	s31 =	sshll.u32 s1, $0xD;
	s1 =	sshrl.u32 s1, $0x2  }
0xba: {  	s3 =	sand.u32 $0x4000, s31;
	s1 =	sadd.s32 s1, s30  }
0xbb: {  	s0 =	sor.u32 s3, s0;
	s1 =	sshll.u32 s1, $0x11  }
0xbc: {  	s0 =	sor.u32 s1, s0  }
0xbd: {  	s0 =	sadd.s32 $0x8F2B, s0  }
0xbe: {  	[sflag:s0] =	ssyncadd.remote.s32 $0x1  }
0xbf: {  	_ =	sfence.sel $0xFFFF  }
0xc0: {  	[dreg:$0x0] =	wrdreg $0xFFFFFFFF;
	(pc) =	sbr.abs _section_cstart, $3  }
0xc1: {  	[dreg:$0x1] =	wrdreg $0xFFFFFFFF  }
0xc2: {  	_ =	task.clear_ibuf [dreg:s7], $0x2FFFF;
	_ =	strace $0x9FFFFFFF  }
0xc3: {  	(tm) =	ssettm $0x7FFFFFFF  }
tec
execute0_lowered:
.L_overlay_start_1:
0x0: {  	(tag) =	ssettag $0x1  }
0x1: {  	s0 =	rddreg [dreg:$0x0]  }
0x2: {  	s2 =	rddreg [dreg:$0x1]  }
0x3: {  	s1 =	srdreg.scid;
	s11 =	stileid.u32  }
0x4: {  	s3 =	rddreg [dreg:$0x2];
	s4 =	simm.s32 $0x0;
	s30 =	simm.s32 $0x2580  }
0x5: {  	s31 =	simm.s32 $0xC0;
	s28 =	simm.s32 $0x100;
	s12 =	simm.s32 $0x5  }
0x6: {  	s13 =	simm.s32 $0x3;
	s14 =	simm.s32 $0x6;
	s7 =	smul.u32 $0x2D00, s11  }
0x7: {  	s29 =	simm.s32 $0x0;
	s1 =	sand.u32 $0x1, s1;
	s9 =	smul.u32 $0x5A000, s11  }
0x8: {  	[smem:$0x7FF] =	sst s4;
	s8 =	smul.u32 $0x2D000, s1;
	s16 =	ssub.s32 $0x2, s1  }
0x9: {  	s5 =	sadd.s32 $0x1A00, s0;
	s6 =	sadd.s32 $0x2EA00, s0;
	s10 =	sshrl.u32 s16, $0x1  }
0xa: {  	s9 =	sshrl.u32 s9, $0x2;
	s7 =	sadd.s32 s7, s8;
	s8 =	ssub.s32 s16, s10  }
0xb: {  	s0 =	sadd.s32 s7, s0;
	s7 =	sadd.s32 s9, s3;
	s26 =	smax.u32 s8, $0x1  }
0xc: {  	_ =	strace $0x8000004A;
	s9 =	sadd.s32 $0x2400, s7;
	[dreg:$0x10] =	wrdreg s26  }
0xd: {  	s1 =	sshll.u32 s1, $0x4;
	s17 =	sadd.s32 $0x4800, s7;
	[dreg:$0x4] =	wrdreg s9  }
0xe: {  	s1 =	sor.u32 s11, s1;
	s18 =	sadd.s32 $0x6C00, s7;
	[dreg:$0x5] =	wrdreg s17  }
0xf: {  	s11 =	simm.s32 $0x2;
	s19 =	sadd.s32 $0x9000, s7;
	[dreg:$0x6] =	wrdreg s18  }
0x10: {  	s21 =	smul.u32 $0xA20, s1;
	s20 =	sadd.s32 $0xB400, s7;
	[dreg:$0x7] =	wrdreg s19  }
0x11: {  	s1 =	smul.u32 $0xA2, s1;
	s22 =	sadd.s32 $0xD800, s7;
	[dreg:$0x8] =	wrdreg s20  }
0x12: {  	s10 =	simm.s32 $0x4;
	s23 =	sadd.s32 $0xFC00, s7;
	[dreg:$0x9] =	wrdreg s22  }
0x13: {  	s8 =	simm.s32 $0x7580;
	s24 =	sadd.s32 $0x12000, s7;
	[dreg:$0xa] =	wrdreg s23  }
0x14: {  	s25 =	sadd.s32 $0x14400, s7;
	s0 =	sadd.s32 $0x42E00, s0;
	[dreg:$0xb] =	wrdreg s24  }
0x15: {  	s26 =	simm.s32 $0x40;
	[dreg:$0xc] =	wrdreg s25;
	s9 =	sadd.s32 s6, s21  }
0x16: {  	s19 =	sadd.s32 $0x2, s1;
	s20 =	sadd.s32 $0x3, s1;
	s21 =	sadd.s32 $0x4, s1  }
0x17: {  	[dreg:$0xf] =	wrdreg s0;
	s24 =	simm.s32 $0x180;
	s25 =	simm.s32 $0x7  }
0x18: {  	v0 =	vimm.f32 $0.0e+00;
	vm0 =	vmmov $0xf;
	v1 =	vimm.s32 $0x0;
	s1 =	simm.s32 $0x4980;
	[dreg:$0xd] =	wrdreg s9;
	s9 =	sadd.s32 $0x10, s9  }
0x19: {  	v2 =	vimm.s32 $0x1;
	v3 =	vimm.s32 $0x2;
	v4 =	vimm.s32 $0x3;
	s0 =	simm.s32 $0x140;
	[dreg:$0xe] =	wrdreg s9;
	s9 =	simm.s32 $0x1  }
.LBB2_1:
0x1a: {  	s15 =	simm.s32 $0x0;
	s16 =	simm.s32 $0x240  }
.LBB2_2:
0x1b: {  	p0 =	sne.s32 s16, $0x8DC0;
	[tilespmem:s15+$0x200] =	vst v0  }
0x1c: {  	[tilespmem:s15+$0x180] =	vst v0  }
0x1d: {  	[tilespmem:s15+$0x190] =	vst v0  }
0x1e: {  	[tilespmem:s15+$0x1A0] =	vst v0  }
.Ltmp0:
0x1f: {  	[tilespmem:s15+$0x1B0] =	vst v0;
	(pc) =	sbr.rel @p0 .LBB2_2-.Ltmp0, $4  }
0x20: {  	[tilespmem:s15+$0x1C0] =	vst v0  }
0x21: {  	[tilespmem:s15+$0x1D0] =	vst v0  }
0x22: {  	[tilespmem:s15+$0x1E0] =	vst v0  }
0x23: {  	[tilespmem:s15+$0x1F0] =	vst v0;
	s15 =	sshra.s32 s16, $0x2;
	s16 =	sadd.s32 $0x240, s16  }
0x24: {  	[tilespmem:s15+$0x200] =	vst v0  }
0x25: {  	[tilespmem:s15+$0x180] =	vst v0  }
0x26: {  	[tilespmem:s15+$0x190] =	vst v0  }
0x27: {  	[tilespmem:s15+$0x1A0] =	vst v0  }
0x28: {  	[tilespmem:s15+$0x1B0] =	vst v0  }
0x29: {  	[tilespmem:s15+$0x1C0] =	vst v0  }
0x2a: {  	[tilespmem:s15+$0x1D0] =	vst v0  }
0x2b: {  	[tilespmem:s15+$0x1E0] =	vst v0  }
0x2c: {  	[tilespmem:s15+$0x1F0] =	vst v0  }
0x2d: {  	[spmem:s7] =	stream.linear.scatter [tilespmem:s24], [sflag:$0x7], $0x2400, $0x38;
	[tilespmem:$0x1E180] =	vst v63  }
0x2e: {  	_ =	swait.ge [sflag:s25], $0x2400  }
0x2f: {  	[sflag:s25] =	ssyncset.done $0x0  }
0x30: {  	s18 =	rddreg [dreg:$0x4];
	[sflag:s25] =	ssyncadd.s32 $0xFFFFDC00  }
0x31: {  	[spmem:s18] =	stream.linear.scatter [tilespmem:s24], [sflag:$0x7], $0x2400, $0x38;
	[tilespmem:$0x1E180] =	vst v63  }
0x32: {  	_ =	swait.ge [sflag:s25], $0x2400  }
0x33: {  	[sflag:s25] =	ssyncset.done $0x0  }
0x34: {  	s22 =	rddreg [dreg:$0x5];
	[sflag:s25] =	ssyncadd.s32 $0xFFFFDC00  }
0x35: {  	[spmem:s22] =	stream.linear.scatter [tilespmem:s24], [sflag:$0x7], $0x2400, $0x38;
	[tilespmem:$0x1E180] =	vst v63  }
0x36: {  	_ =	swait.ge [sflag:s25], $0x2400  }
0x37: {  	[sflag:s25] =	ssyncset.done $0x0  }
0x38: {  	s23 =	rddreg [dreg:$0x6];
	[sflag:s25] =	ssyncadd.s32 $0xFFFFDC00  }
0x39: {  	[spmem:s23] =	stream.linear.scatter [tilespmem:s24], [sflag:$0x7], $0x2400, $0x38;
	[tilespmem:$0x1E180] =	vst v63  }
0x3a: {  	_ =	swait.ge [sflag:s25], $0x2400  }
0x3b: {  	[sflag:s25] =	ssyncset.done $0x0  }
0x3c: {  	s16 =	rddreg [dreg:$0x7];
	[sflag:s25] =	ssyncadd.s32 $0xFFFFDC00  }
0x3d: {  	[spmem:s16] =	stream.linear.scatter [tilespmem:s24], [sflag:$0x7], $0x2400, $0x38;
	[tilespmem:$0x1E180] =	vst v63  }
0x3e: {  	_ =	swait.ge [sflag:s25], $0x2400  }
0x3f: {  	[sflag:s25] =	ssyncset.done $0x0  }
0x40: {  	s17 =	rddreg [dreg:$0x8];
	[sflag:s25] =	ssyncadd.s32 $0xFFFFDC00  }
0x41: {  	[spmem:s17] =	stream.linear.scatter [tilespmem:s24], [sflag:$0x7], $0x2400, $0x38;
	[tilespmem:$0x1E180] =	vst v63  }
0x42: {  	_ =	swait.ge [sflag:s25], $0x2400  }
0x43: {  	[sflag:s25] =	ssyncset.done $0x0  }
0x44: {  	s18 =	rddreg [dreg:$0x9];
	[sflag:s25] =	ssyncadd.s32 $0xFFFFDC00  }
0x45: {  	[spmem:s18] =	stream.linear.scatter [tilespmem:s24], [sflag:$0x7], $0x2400, $0x38;
	[tilespmem:$0x1E180] =	vst v63  }
0x46: {  	_ =	swait.ge [sflag:s25], $0x2400  }
0x47: {  	[sflag:s25] =	ssyncset.done $0x0  }
0x48: {  	s22 =	rddreg [dreg:$0xa];
	[sflag:s25] =	ssyncadd.s32 $0xFFFFDC00  }
0x49: {  	[spmem:s22] =	stream.linear.scatter [tilespmem:s24], [sflag:$0x7], $0x2400, $0x38;
	[tilespmem:$0x1E180] =	vst v63  }
0x4a: {  	_ =	swait.ge [sflag:s25], $0x2400  }
0x4b: {  	[sflag:s25] =	ssyncset.done $0x0  }
0x4c: {  	s23 =	rddreg [dreg:$0xb];
	[sflag:s25] =	ssyncadd.s32 $0xFFFFDC00  }
0x4d: {  	[spmem:s23] =	stream.linear.scatter [tilespmem:s24], [sflag:$0x7], $0x2400, $0x38;
	[tilespmem:$0x1E180] =	vst v63  }
0x4e: {  	_ =	swait.ge [sflag:s25], $0x2400  }
0x4f: {  	[sflag:s25] =	ssyncset.done $0x0  }
0x50: {  	s16 =	rddreg [dreg:$0xc];
	[sflag:s25] =	ssyncadd.s32 $0xFFFFDC00  }
0x51: {  	[spmem:s16] =	stream.linear.scatter [tilespmem:s24], [sflag:$0x7], $0x2400, $0x38;
	[tilespmem:$0x1E180] =	vst v63  }
0x52: {  	_ =	swait.ge [sflag:s25], $0x2400  }
0x53: {  	[sflag:s25] =	ssyncset.done $0x0  }
0x54: {  	[sflag:s25] =	ssyncadd.s32 $0xFFFFDC00  }
0x55: {  	[bflag:$0x0] =	sbarrier.arrive $0xFFFF  }
0x56: {  	s17 =	rddreg [dreg:$0xd]  }
0x57: {  	[tilespmem:s29], [sflag:$0x7] =	stream.linear.gather [hbm4b:s17+s29], $0x80, $0x38;
	[tilespmem:$0x1E180] =	vst v63  }
0x58: {  	_ =	swait.ge [sflag:s25], $0x80  }
0x59: {  	[sflag:s25] =	ssyncset.done $0x0  }
0x5a: {  	[sflag:s25] =	ssyncadd.s32 $0xFFFFFF80  }
0x5b: {  	[tilespmem:s24], [sflag:$0x1] =	stream.indirect.gather [hbm4b:s5+s26], $0x90, s29, s26, $0xb8;
	[tilespmem:$0x1E180] =	vst v63  }
0x5c: {  	s18 =	simm.s32 $0x6D80  }
0x5d: {  	[tilespmem:s18], [sflag:$0x1] =	stream.indirect.gather [hbm4b:s2+s26], $0x10, s26, s26, $0xb8;
	[tilespmem:$0x1E180] =	vst v63  }
0x5e: {  	s16 =	simm.s32 $0x80;
	s22 =	rddreg [dreg:$0xe]  }
0x5f: {  	[tilespmem:s16], [sflag:$0x7] =	stream.linear.gather [hbm4b:s22+s29], $0x80, $0x38;
	[tilespmem:$0x1E180] =	vst v63  }
0x60: {  	_ =	swait.ge [sflag:s25], $0x80  }
0x61: {  	[sflag:s25] =	ssyncset.done $0x0  }
0x62: {  	[sflag:s25] =	ssyncadd.s32 $0xFFFFFF80  }
0x63: {  	[tilespmem:s30], [sflag:$0x2] =	stream.indirect.gather [hbm4b:s5+s26], $0x90, s16, s26, $0xb8;
	[tilespmem:$0x1E180] =	vst v63  }
0x64: {  	s15 =	simm.s32 $0x0;
	s23 =	simm.s32 $0x7180  }
0x65: {  	[tilespmem:s23], [sflag:$0x2] =	stream.indirect.gather [hbm4b:s2+s26], $0x10, s31, s26, $0xb8;
	[tilespmem:$0x1E180] =	vst v63  }
.LBB2_4:
0x66: {  	s16 =	smul.u32 $0x3, s15  }
0x67: {  	p0 =	seq.s32 s15, $0x0  }
0x68: {  	s17 =	simm.s32 @!p0 $0x6;
	s18 =	sadd.s32 s16, s19  }
0x69: {  	_ =	swait.ge @!p0 [sflag:s17], $0x2400;
	s18 =	sshll.u32 s18, $0x4  }
0x6a: {  	[sflag:s17] =	ssyncset.done @!p0 $0x0;
	s18 =	sand.u32 $0x1FFFFFF0, s18  }
0x6b: {  	[sflag:s17] =	ssyncadd.s32 @!p0 $0xFFFFDC00;
	s22 =	sadd.s32 s6, s18  }
0x6c: {  	[tilespmem:s28], [sflag:$0x7] =	stream.linear.gather [hbm4b:s22+s29], $0x80, $0x38;
	[tilespmem:$0x1E180] =	vst v63  }
0x6d: {  	_ =	swait.ge [sflag:s25], $0x80  }
0x6e: {  	[sflag:s25] =	ssyncset.done $0x0  }
0x6f: {  	[sflag:s25] =	ssyncadd.s32 $0xFFFFFF80  }
0x70: {  	[tilespmem:s1], [sflag:$0x3] =	stream.indirect.gather [hbm4b:s5+s26], $0x90, s28, s26, $0xb8;
	[tilespmem:$0x1E180] =	vst v63  }
0x71: {  	_ = 	snop  }
0x72: {  	[tilespmem:s8], [sflag:$0x3] =	stream.indirect.gather [hbm4b:s2+s26], $0x10, s0, s26, $0xb8;
	[tilespmem:$0x1E180] =	vst v63  }
0x73: {  	_ =	swait.ge [sflag:s9], $0x2400  }
0x74: {  	[sflag:s9] =	ssyncset.done $0x0  }
0x75: {  	[sflag:s9] =	ssyncadd.s32 $0xFFFFDC00  }
0x76: {  	_ =	swait.ge [sflag:s9], $0x400  }
0x77: {  	[sflag:s9] =	ssyncset.done $0x0  }
0x78: {  	s18 =	simm.s32 $0x210;
	[sflag:s9] =	ssyncadd.s32 $0xFFFFFC00  }
0x79: {  	s23 =	simm.s32 $0x0;
	v5 =	vld [tilespmem:s18+$0xFFFFFFF0]  }
0x7a: {  	v6 =	vld [tilespmem:s23+$0x6D80];
	_ =	sdelay $0x4  }
0x7b: {  	v5 =	vadd.f32 v6, v5;
	_ =	sdelay $0x1  }
0x7c: {  	v6 =	vmul.f32 $2.000000030e-01, v5;
	_ =	sdelay $0x1  }
0x7d: {  	v5 =	vmax.f32 v5, v6  }
0x7e: {  	v5 =	vmul.f32 $1.442695020e+00, v5;
	_ =	sdelay $0x1  }
0x7f: {  	(erf) = vpow2.f32 v5;
	_ =	sdelay $0x6  }
0x80: {  	v7 =	vld [tilespmem:s18+$0xFFFFFF70]  }
0x81: {  	v8 =	vld [tilespmem:s18+$0xFFFFFFD0]  }
0x82: {  	v9 =	vld [tilespmem:s18+$0xFFFFFF90];
	v10 =	vpop (erf)  }
0x83: {  	v11 =	vld [tilespmem:s18+$0xFFFFFFE0];
	v12 =	vperm.xlane v10, v1  }
0x84: {  	v14 =	vld [tilespmem:s18+$0xFFFFFF80];
	v13 =	vperm.xlane v10, v4  }
0x85: {  	v15 =	vld [tilespmem:s18+$0xFFFFFFC0];
	v16 =	vnsel vm0, $0x0, v10;
	v17 =	vperm.xlane v10, v2;
	v7 =	vmul.f32 v7, v12  }
0x86: {  	v18 =	vld [tilespmem:s18+$0xFFFFFFA0];
	[tilespmem:s18+$0xFFFFFFF0] =	vst v16;
	v8 =	vmul.f32 v8, v13  }
0x87: {  	v63 =	vld [tilespmem:s18+$0xFFFFFFB0];
	v9 =	vmul.f32 v9, v17;
	[tilespmem:s18+$0xFFFFFF70] =	vst v7  }
0x88: {  	v7 =	vperm.xlane v10, v3;
	v10 =	vmul.f32 v11, v13;
	[tilespmem:s18+$0xFFFFFFD0] =	vst v8  }
0x89: {  	v8 =	vmul.f32 v14, v12;
	[tilespmem:s18+$0xFFFFFF90] =	vst v9  }
0x8a: {  	v9 =	vmul.f32 v15, v7;
	[tilespmem:s18+$0xFFFFFFE0] =	vst v10  }
0x8b: {  	v10 =	vmul.f32 v18, v17;
	[tilespmem:s18+$0xFFFFFF80] =	vst v8  }
0x8c: {  	v7 =	vmul.f32 v63, v7;
	[tilespmem:s18+$0xFFFFFFC0] =	vst v9  }
0x8d: {  	[tilespmem:s18+$0xFFFFFFA0] =	vst v10  }
0x8e: {  	[tilespmem:s18+$0xFFFFFFB0] =	vst v7;
	v7 =	vld [tilespmem:s18+$0x80]  }
0x8f: {  	v8 =	vld [tilespmem:s23+$0x6D90];
	_ =	sdelay $0x4  }
0x90: {  	v7 =	vadd.f32 v8, v7;
	_ =	sdelay $0x1  }
0x91: {  	v8 =	vmul.f32 $2.000000030e-01, v7;
	_ =	sdelay $0x1  }
0x92: {  	v7 =	vmax.f32 v7, v8  }
0x93: {  	v8 =	vmul.f32 $1.442695020e+00, v7;
	_ =	sdelay $0x1  }
0x94: {  	(erf) = vpow2.f32 v8;
	_ =	sdelay $0x1  }
0x95: {  	v6 =	vld [tilespmem:s18+$0x10]  }
0x96: {  	v5 =	vld [tilespmem:s18+$0x0]  }
0x97: {  	v7 =	vld [tilespmem:s18+$0x40]  }
0x98: {  	s22 =	simm.s32 $0x80;
	s23 =	simm.s32 $0x210;
	v8 =	vld [tilespmem:s18+$0x50]  }
.LBB2_5:
0x99: {  	p0 =	sne.s32 s22, $0xF80  }
0x9a: {  	v9 =	vld [tilespmem:s18+$0x60];
	s23 =	sadd.s32 $0x120, s23;
	s17 =	smov.u32 s22;
	s22 =	sadd.s32 $0x80, s22  }
0x9b: {  	v10 =	vld [tilespmem:s18+$0x20]  }
0x9c: {  	v11 =	vld [tilespmem:s18+$0x70];
	v12 =	vpop (erf)  }
0x9d: {  	v13 =	vnsel vm0, $0x0, v12;
	v14 =	vperm.xlane v12, v1;
	v15 =	vperm.xlane v12, v2;
	v16 =	vld [tilespmem:s18+$0x30]  }
0x9e: {  	[tilespmem:s18+$0x80] =	vst v13;
	v13 =	vperm.xlane v12, v3;
	v12 =	vperm.xlane v12, v4  }
0x9f: {  	v5 =	vmul.f32 v5, v14;
	v6 =	vmul.f32 v6, v14  }
0xa0: {  	v10 =	vmul.f32 v10, v15;
	v8 =	vmul.f32 v8, v13  }
0xa1: {  	v9 =	vmul.f32 v9, v12;
	[tilespmem:s18+$0x0] =	vst v5;
	v11 =	vmul.f32 v11, v12  }
0xa2: {  	v7 =	vmul.f32 v7, v13;
	v12 =	vmul.f32 v16, v15;
	[tilespmem:s18+$0x50] =	vst v8  }
0xa3: {  	v5 =	vld [tilespmem:s23+$0x0];
	[tilespmem:s18+$0x10] =	vst v6  }
0xa4: {  	[tilespmem:s18+$0x40] =	vst v7  }
0xa5: {  	[tilespmem:s18+$0x60] =	vst v9  }
0xa6: {  	v6 =	vld [tilespmem:s23+$0x10];
	[tilespmem:s18+$0x30] =	vst v12  }
0xa7: {  	[tilespmem:s18+$0x70] =	vst v11  }
0xa8: {  	s17 =	sshra.s32 s17, $0x2;
	v7 =	vld [tilespmem:s23+$0xFFFFFFF0];
	[tilespmem:s18+$0x20] =	vst v10;
	s18 =	smov.u32 s23  }
0xa9: {  	v8 =	vld [tilespmem:s17+$0x6D80];
	_ =	sdelay $0x4  }
0xaa: {  	v7 =	vadd.f32 v8, v7;
	_ =	sdelay $0x1  }
0xab: {  	v8 =	vmul.f32 $2.000000030e-01, v7;
	_ =	sdelay $0x1  }
0xac: {  	v7 =	vmax.f32 v7, v8  }
0xad: {  	v7 =	vmul.f32 $1.442695020e+00, v7;
	_ =	sdelay $0x1  }
0xae: {  	(erf) = vpow2.f32 v7;
	_ =	sdelay $0x2  }
0xaf: {  	v7 =	vld [tilespmem:s23+$0xFFFFFFA0]  }
0xb0: {  	v8 =	vld [tilespmem:s23+$0xFFFFFFC0]  }
0xb1: {  	v9 =	vld [tilespmem:s23+$0xFFFFFFE0]  }
0xb2: {  	v10 =	vld [tilespmem:s23+$0xFFFFFFD0]  }
0xb3: {  	v11 =	vld [tilespmem:s23+$0xFFFFFF70]  }
0xb4: {  	v12 =	vld [tilespmem:s23+$0xFFFFFF90]  }
0xb5: {  	v13 =	vld [tilespmem:s23+$0xFFFFFFB0];
	v14 =	vpop (erf)  }
0xb6: {  	v15 =	vnsel vm0, $0x0, v14;
	v16 =	vperm.xlane v14, v1;
	v17 =	vperm.xlane v14, v4;
	v18 =	vld [tilespmem:s23+$0xFFFFFF80]  }
0xb7: {  	[tilespmem:s23+$0xFFFFFFF0] =	vst v15;
	v15 =	vperm.xlane v14, v2;
	v14 =	vperm.xlane v14, v3  }
0xb8: {  	v11 =	vmul.f32 v11, v16;
	v10 =	vmul.f32 v10, v17  }
0xb9: {  	v9 =	vmul.f32 v9, v17;
	v12 =	vmul.f32 v12, v15  }
0xba: {  	v8 =	vmul.f32 v8, v14;
	[tilespmem:s23+$0xFFFFFF70] =	vst v11;
	v11 =	vmul.f32 v13, v14  }
0xbb: {  	v7 =	vmul.f32 v7, v15;
	v13 =	vmul.f32 v18, v16;
	[tilespmem:s23+$0xFFFFFFD0] =	vst v10  }
0xbc: {  	[tilespmem:s23+$0xFFFFFF90] =	vst v12  }
0xbd: {  	[tilespmem:s23+$0xFFFFFFE0] =	vst v9  }
0xbe: {  	[tilespmem:s23+$0xFFFFFF80] =	vst v13  }
0xbf: {  	[tilespmem:s23+$0xFFFFFFC0] =	vst v8  }
0xc0: {  	[tilespmem:s23+$0xFFFFFFA0] =	vst v7  }
0xc1: {  	[tilespmem:s23+$0xFFFFFFB0] =	vst v11;
	v7 =	vld [tilespmem:s23+$0x80]  }
0xc2: {  	v8 =	vld [tilespmem:s17+$0x6D90];
	_ =	sdelay $0x4  }
0xc3: {  	v7 =	vadd.f32 v8, v7;
	_ =	sdelay $0x1  }
0xc4: {  	v8 =	vmul.f32 $2.000000030e-01, v7;
	_ =	sdelay $0x1  }
0xc5: {  	v7 =	vmax.f32 v7, v8  }
0xc6: {  	v7 =	vmul.f32 $1.442695020e+00, v7;
	_ =	sdelay $0x1  }
0xc7: {  	(erf) = vpow2.f32 v7;
	_ =	sdelay $0x1  }
.Ltmp1:
0xc8: {  	(pc) =	sbr.rel @p0 .LBB2_5-.Ltmp1, $3  }
0xc9: {  	_ =	sdelay $0x1  }
0xca: {  	v7 =	vld [tilespmem:s23+$0x40]  }
0xcb: {  	v8 =	vld [tilespmem:s23+$0x50]  }
0xcc: {  	_ =	sdelay $0x1  }
0xcd: {  	v9 =	vpop (erf)  }
0xce: {  	v11 =	vperm.xlane v9, v1  }
0xcf: {  	v10 =	vld [tilespmem:s18+$0x60];
	v13 =	vperm.xlane v9, v3  }
0xd0: {  	v12 =	vld [tilespmem:s18+$0x70];
	v14 =	vnsel vm0, $0x0, v9;
	v5 =	vmul.f32 v5, v11  }
0xd1: {  	v15 =	vld [tilespmem:s18+$0x30];
	[tilespmem:s18+$0x80] =	vst v14;
	v8 =	vmul.f32 v8, v13  }
0xd2: {  	v16 =	vld [tilespmem:s18+$0x20];
	v57 =	vperm.xlane v9, v4;
	v6 =	vmul.f32 v6, v11;
	[tilespmem:s18+$0x0] =	vst v5  }
0xd3: {  	v7 =	vmul.f32 v7, v13;
	[tilespmem:s18+$0x50] =	vst v8  }
0xd4: {  	v5 =	vperm.xlane v9, v2;
	v8 =	vmul.f32 v10, v57;
	[tilespmem:s18+$0x10] =	vst v6  }
0xd5: {  	[tilespmem:s18+$0x40] =	vst v7;
	v7 =	vmul.f32 v12, v57  }
0xd6: {  	v6 =	vmul.f32 v15, v5;
	[tilespmem:s18+$0x60] =	vst v8  }
0xd7: {  	v5 =	vmul.f32 v16, v5;
	[tilespmem:s18+$0x70] =	vst v7  }
0xd8: {  	p0 =	seq.s32 s15, $0x35;
	[tilespmem:s18+$0x30] =	vst v6  }
0xd9: {  	s17 =	sadd.s32 @!p0 s16, s20;
	[tilespmem:s18+$0x20] =	vst v5  }
0xda: {  	[spmem:s3] =	stream.indirect.scatter.add.f32 [tilespmem:s24], [sflag:$0x4], $0x90, s26, s26, $0xb8;
	[tilespmem:$0x1E180] =	vst v63  }
0xdb: {  	s17 =	sshll.u32 @!p0 s17, $0x4;
	_ =	swait.ge [sflag:s10], $0x2400  }
0xdc: {  	s17 =	sand.u32 @!p0 $0x1FFFFFF0, s17;
	[sflag:s10] =	ssyncset.done $0x0  }
0xdd: {  	s17 =	sadd.s32 @!p0 s6, s17;
	s18 =	simm.s32 @!p0 $0x0;
	[sflag:s10] =	ssyncadd.s32 $0xFFFFDC00  }
0xde: {  	[tilespmem:s18], [sflag:$0x7] =	stream.linear.gather @!p0 [hbm4b:s17+s18], $0x80, $0x38;
	[tilespmem:$0x1E180] =	vst v63  }
0xdf: {  	s17 =	simm.s32 @!p0 $0x7  }
0xe0: {  	_ =	swait.ge @!p0 [sflag:s17], $0x80  }
0xe1: {  	[sflag:s17] =	ssyncset.done @!p0 $0x0  }
0xe2: {  	s22 =	simm.s32 @!p0 $0x180;
	[sflag:s17] =	ssyncadd.s32 @!p0 $0xFFFFFF80;
	s17 =	simm.s32 @!p0 $0x40  }
0xe3: {  	[tilespmem:s22], [sflag:$0x1] =	stream.indirect.gather @!p0 [hbm4b:s5+s17], $0x90, s18, s17, $0xb8;
	[tilespmem:$0x1E180] =	vst v63  }
0xe4: {  	s18 =	simm.s32 @!p0 $0x6D80  }
0xe5: {  	[tilespmem:s18], [sflag:$0x1] =	stream.indirect.gather @!p0 [hbm4b:s2+s17], $0x10, s17, s17, $0xb8;
	[tilespmem:$0x1E180] =	vst v63  }
0xe6: {  	_ =	swait.ge [sflag:s11], $0x2400  }
0xe7: {  	[sflag:s11] =	ssyncset.done $0x0  }
0xe8: {  	[sflag:s11] =	ssyncadd.s32 $0xFFFFDC00  }
0xe9: {  	_ =	swait.ge [sflag:s11], $0x400  }
0xea: {  	[sflag:s11] =	ssyncset.done $0x0  }
0xeb: {  	s18 =	simm.s32 $0x2610;
	[sflag:s11] =	ssyncadd.s32 $0xFFFFFC00  }
0xec: {  	s23 =	simm.s32 $0x0;
	v5 =	vld [tilespmem:s18+$0xFFFFFFF0]  }
0xed: {  	v6 =	vld [tilespmem:s23+$0x7180];
	_ =	sdelay $0x4  }
0xee: {  	v5 =	vadd.f32 v6, v5;
	_ =	sdelay $0x1  }
0xef: {  	v6 =	vmul.f32 $2.000000030e-01, v5;
	_ =	sdelay $0x1  }
0xf0: {  	v5 =	vmax.f32 v5, v6  }
0xf1: {  	v5 =	vmul.f32 $1.442695020e+00, v5;
	_ =	sdelay $0x1  }
0xf2: {  	(erf) = vpow2.f32 v5;
	_ =	sdelay $0x6  }
0xf3: {  	v7 =	vld [tilespmem:s18+$0xFFFFFF70]  }
0xf4: {  	v8 =	vld [tilespmem:s18+$0xFFFFFFD0]  }
0xf5: {  	v9 =	vld [tilespmem:s18+$0xFFFFFF90];
	v10 =	vpop (erf)  }
0xf6: {  	v11 =	vld [tilespmem:s18+$0xFFFFFFE0];
	v58 =	vperm.xlane v10, v1  }
0xf7: {  	v60 =	vld [tilespmem:s18+$0xFFFFFF80];
	v59 =	vperm.xlane v10, v4  }
0xf8: {  	v61 =	vld [tilespmem:s18+$0xFFFFFFC0];
	v62 =	vnsel vm0, $0x0, v10;
	v17 =	vperm.xlane v10, v2;
	v7 =	vmul.f32 v7, v58  }
0xf9: {  	v18 =	vld [tilespmem:s18+$0xFFFFFFA0];
	[tilespmem:s18+$0xFFFFFFF0] =	vst v62;
	v8 =	vmul.f32 v8, v59  }
0xfa: {  	v63 =	vld [tilespmem:s18+$0xFFFFFFB0];
	v9 =	vmul.f32 v9, v17;
	[tilespmem:s18+$0xFFFFFF70] =	vst v7  }
0xfb: {  	v7 =	vperm.xlane v10, v3;
	v10 =	vmul.f32 v11, v59;
	[tilespmem:s18+$0xFFFFFFD0] =	vst v8  }
0xfc: {  	v8 =	vmul.f32 v60, v58;
	[tilespmem:s18+$0xFFFFFF90] =	vst v9  }
0xfd: {  	v9 =	vmul.f32 v61, v7;
	[tilespmem:s18+$0xFFFFFFE0] =	vst v10  }
0xfe: {  	v10 =	vmul.f32 v18, v17;
	[tilespmem:s18+$0xFFFFFF80] =	vst v8  }
0xff: {  	v7 =	vmul.f32 v63, v7;
	[tilespmem:s18+$0xFFFFFFC0] =	vst v9  }
0x100: {  	[tilespmem:s18+$0xFFFFFFA0] =	vst v10  }
0x101: {  	[tilespmem:s18+$0xFFFFFFB0] =	vst v7;
	v7 =	vld [tilespmem:s18+$0x80]  }
0x102: {  	v8 =	vld [tilespmem:s23+$0x7190];
	_ =	sdelay $0x4  }
0x103: {  	v7 =	vadd.f32 v8, v7;
	_ =	sdelay $0x1  }
0x104: {  	v8 =	vmul.f32 $2.000000030e-01, v7;
	_ =	sdelay $0x1  }
0x105: {  	v7 =	vmax.f32 v7, v8  }
0x106: {  	v8 =	vmul.f32 $1.442695020e+00, v7;
	_ =	sdelay $0x1  }
0x107: {  	(erf) = vpow2.f32 v8;
	_ =	sdelay $0x1  }
0x108: {  	v6 =	vld [tilespmem:s18+$0x10]  }
0x109: {  	v5 =	vld [tilespmem:s18+$0x0]  }
0x10a: {  	v7 =	vld [tilespmem:s18+$0x40]  }
0x10b: {  	s22 =	simm.s32 $0x80;
	s23 =	simm.s32 $0x2610;
	v8 =	vld [tilespmem:s18+$0x50]  }
.LBB2_7:
0x10c: {  	p1 =	sne.s32 s22, $0xF80  }
0x10d: {  	v9 =	vld [tilespmem:s18+$0x60];
	s23 =	sadd.s32 $0x120, s23;
	s17 =	smov.u32 s22;
	s22 =	sadd.s32 $0x80, s22  }
0x10e: {  	v10 =	vld [tilespmem:s18+$0x20]  }
0x10f: {  	v11 =	vld [tilespmem:s18+$0x70];
	v12 =	vpop (erf)  }
0x110: {  	v13 =	vnsel vm0, $0x0, v12;
	v14 =	vperm.xlane v12, v1;
	v15 =	vperm.xlane v12, v2;
	v16 =	vld [tilespmem:s18+$0x30]  }
0x111: {  	[tilespmem:s18+$0x80] =	vst v13;
	v13 =	vperm.xlane v12, v3;
	v12 =	vperm.xlane v12, v4  }
0x112: {  	v5 =	vmul.f32 v5, v14;
	v6 =	vmul.f32 v6, v14  }
0x113: {  	v10 =	vmul.f32 v10, v15;
	v8 =	vmul.f32 v8, v13  }
0x114: {  	v9 =	vmul.f32 v9, v12;
	[tilespmem:s18+$0x0] =	vst v5;
	v11 =	vmul.f32 v11, v12  }
0x115: {  	v7 =	vmul.f32 v7, v13;
	v12 =	vmul.f32 v16, v15;
	[tilespmem:s18+$0x50] =	vst v8  }
0x116: {  	v5 =	vld [tilespmem:s23+$0x0];
	[tilespmem:s18+$0x10] =	vst v6  }
0x117: {  	[tilespmem:s18+$0x40] =	vst v7  }
0x118: {  	[tilespmem:s18+$0x60] =	vst v9  }
0x119: {  	v6 =	vld [tilespmem:s23+$0x10];
	[tilespmem:s18+$0x30] =	vst v12  }
0x11a: {  	[tilespmem:s18+$0x70] =	vst v11  }
0x11b: {  	s17 =	sshra.s32 s17, $0x2;
	v7 =	vld [tilespmem:s23+$0xFFFFFFF0];
	[tilespmem:s18+$0x20] =	vst v10;
	s18 =	smov.u32 s23  }
0x11c: {  	v8 =	vld [tilespmem:s17+$0x7180];
	_ =	sdelay $0x4  }
0x11d: {  	v7 =	vadd.f32 v8, v7;
	_ =	sdelay $0x1  }
0x11e: {  	v8 =	vmul.f32 $2.000000030e-01, v7;
	_ =	sdelay $0x1  }
0x11f: {  	v7 =	vmax.f32 v7, v8  }
0x120: {  	v7 =	vmul.f32 $1.442695020e+00, v7;
	_ =	sdelay $0x1  }
0x121: {  	(erf) = vpow2.f32 v7;
	_ =	sdelay $0x2  }
0x122: {  	v7 =	vld [tilespmem:s23+$0xFFFFFFA0]  }
0x123: {  	v8 =	vld [tilespmem:s23+$0xFFFFFFC0]  }
0x124: {  	v9 =	vld [tilespmem:s23+$0xFFFFFFE0]  }
0x125: {  	v10 =	vld [tilespmem:s23+$0xFFFFFFD0]  }
0x126: {  	v11 =	vld [tilespmem:s23+$0xFFFFFF70]  }
0x127: {  	v12 =	vld [tilespmem:s23+$0xFFFFFF90]  }
0x128: {  	v13 =	vld [tilespmem:s23+$0xFFFFFFB0];
	v14 =	vpop (erf)  }
0x129: {  	v15 =	vnsel vm0, $0x0, v14;
	v16 =	vperm.xlane v14, v1;
	v17 =	vperm.xlane v14, v4;
	v18 =	vld [tilespmem:s23+$0xFFFFFF80]  }
0x12a: {  	[tilespmem:s23+$0xFFFFFFF0] =	vst v15;
	v15 =	vperm.xlane v14, v2;
	v14 =	vperm.xlane v14, v3  }
0x12b: {  	v11 =	vmul.f32 v11, v16;
	v10 =	vmul.f32 v10, v17  }
0x12c: {  	v9 =	vmul.f32 v9, v17;
	v12 =	vmul.f32 v12, v15  }
0x12d: {  	v8 =	vmul.f32 v8, v14;
	[tilespmem:s23+$0xFFFFFF70] =	vst v11;
	v11 =	vmul.f32 v13, v14  }
0x12e: {  	v7 =	vmul.f32 v7, v15;
	v13 =	vmul.f32 v18, v16;
	[tilespmem:s23+$0xFFFFFFD0] =	vst v10  }
0x12f: {  	[tilespmem:s23+$0xFFFFFF90] =	vst v12  }
0x130: {  	[tilespmem:s23+$0xFFFFFFE0] =	vst v9  }
0x131: {  	[tilespmem:s23+$0xFFFFFF80] =	vst v13  }
0x132: {  	[tilespmem:s23+$0xFFFFFFC0] =	vst v8  }
0x133: {  	[tilespmem:s23+$0xFFFFFFA0] =	vst v7  }
0x134: {  	[tilespmem:s23+$0xFFFFFFB0] =	vst v11;
	v7 =	vld [tilespmem:s23+$0x80]  }
0x135: {  	v8 =	vld [tilespmem:s17+$0x7190];
	_ =	sdelay $0x4  }
0x136: {  	v7 =	vadd.f32 v8, v7;
	_ =	sdelay $0x1  }
0x137: {  	v8 =	vmul.f32 $2.000000030e-01, v7;
	_ =	sdelay $0x1  }
0x138: {  	v7 =	vmax.f32 v7, v8  }
0x139: {  	v7 =	vmul.f32 $1.442695020e+00, v7;
	_ =	sdelay $0x1  }
0x13a: {  	(erf) = vpow2.f32 v7;
	_ =	sdelay $0x1  }
.Ltmp2:
0x13b: {  	(pc) =	sbr.rel @p1 .LBB2_7-.Ltmp2, $3  }
0x13c: {  	_ =	sdelay $0x1  }
0x13d: {  	v7 =	vld [tilespmem:s23+$0x40]  }
0x13e: {  	v8 =	vld [tilespmem:s23+$0x50]  }
0x13f: {  	_ =	sdelay $0x1  }
0x140: {  	v9 =	vpop (erf)  }
0x141: {  	v11 =	vperm.xlane v9, v1  }
0x142: {  	v10 =	vld [tilespmem:s18+$0x60];
	v13 =	vperm.xlane v9, v3  }
0x143: {  	v12 =	vld [tilespmem:s18+$0x70];
	v14 =	vnsel vm0, $0x0, v9;
	v5 =	vmul.f32 v5, v11  }
0x144: {  	v15 =	vld [tilespmem:s18+$0x30];
	[tilespmem:s18+$0x80] =	vst v14;
	v8 =	vmul.f32 v8, v13  }
0x145: {  	v16 =	vld [tilespmem:s18+$0x20];
	v57 =	vperm.xlane v9, v4;
	v6 =	vmul.f32 v6, v11;
	[tilespmem:s18+$0x0] =	vst v5  }
0x146: {  	v7 =	vmul.f32 v7, v13;
	[tilespmem:s18+$0x50] =	vst v8  }
0x147: {  	v5 =	vperm.xlane v9, v2;
	v8 =	vmul.f32 v10, v57;
	[tilespmem:s18+$0x10] =	vst v6  }
0x148: {  	[tilespmem:s18+$0x40] =	vst v7;
	v7 =	vmul.f32 v12, v57  }
0x149: {  	v6 =	vmul.f32 v15, v5;
	[tilespmem:s18+$0x60] =	vst v8  }
0x14a: {  	v5 =	vmul.f32 v16, v5;
	[tilespmem:s18+$0x70] =	vst v7  }
0x14b: {  	[tilespmem:s18+$0x30] =	vst v6  }
0x14c: {  	s16 =	sadd.s32 @!p0 s16, s21;
	[tilespmem:s18+$0x20] =	vst v5  }
0x14d: {  	[spmem:s3] =	stream.indirect.scatter.add.f32 [tilespmem:s30], [sflag:$0x5], $0x90, s31, s26, $0xb8;
	[tilespmem:$0x1E180] =	vst v63  }
0x14e: {  	s16 =	sshll.u32 @!p0 s16, $0x4;
	_ =	swait.ge [sflag:s12], $0x2400  }
0x14f: {  	s17 =	simm.s32 @!p0 $0x0;
	s16 =	sand.u32 @!p0 $0x1FFFFFF0, s16;
	[sflag:s12] =	ssyncset.done $0x0  }
0x150: {  	s16 =	sadd.s32 @!p0 s6, s16;
	s18 =	simm.s32 @!p0 $0x80;
	[sflag:s12] =	ssyncadd.s32 $0xFFFFDC00  }
0x151: {  	[tilespmem:s18], [sflag:$0x7] =	stream.linear.gather @!p0 [hbm4b:s16+s17], $0x80, $0x38;
	[tilespmem:$0x1E180] =	vst v63  }
0x152: {  	s16 =	simm.s32 @!p0 $0x7  }
0x153: {  	_ =	swait.ge @!p0 [sflag:s16], $0x80  }
0x154: {  	[sflag:s16] =	ssyncset.done @!p0 $0x0  }
0x155: {  	s17 =	simm.s32 @!p0 $0x2580;
	[sflag:s16] =	ssyncadd.s32 @!p0 $0xFFFFFF80;
	s16 =	simm.s32 @!p0 $0x40  }
0x156: {  	[tilespmem:s17], [sflag:$0x2] =	stream.indirect.gather @!p0 [hbm4b:s5+s16], $0x90, s18, s16, $0xb8;
	[tilespmem:$0x1E180] =	vst v63  }
0x157: {  	s17 =	simm.s32 @!p0 $0xC0;
	s18 =	simm.s32 @!p0 $0x7180  }
0x158: {  	[tilespmem:s18], [sflag:$0x2] =	stream.indirect.gather @!p0 [hbm4b:s2+s16], $0x10, s17, s16, $0xb8;
	[tilespmem:$0x1E180] =	vst v63  }
0x159: {  	_ =	swait.ge [sflag:s13], $0x2400  }
0x15a: {  	[sflag:s13] =	ssyncset.done $0x0  }
0x15b: {  	[sflag:s13] =	ssyncadd.s32 $0xFFFFDC00  }
0x15c: {  	_ =	swait.ge [sflag:s13], $0x400  }
0x15d: {  	[sflag:s13] =	ssyncset.done $0x0  }
0x15e: {  	s16 =	simm.s32 $0x4A10;
	[sflag:s13] =	ssyncadd.s32 $0xFFFFFC00  }
0x15f: {  	s23 =	simm.s32 $0x0;
	v5 =	vld [tilespmem:s16+$0xFFFFFFF0]  }
0x160: {  	v6 =	vld [tilespmem:s23+$0x7580];
	_ =	sdelay $0x4  }
0x161: {  	v5 =	vadd.f32 v6, v5;
	_ =	sdelay $0x1  }
0x162: {  	v6 =	vmul.f32 $2.000000030e-01, v5;
	_ =	sdelay $0x1  }
0x163: {  	v5 =	vmax.f32 v5, v6  }
0x164: {  	v5 =	vmul.f32 $1.442695020e+00, v5;
	_ =	sdelay $0x1  }
0x165: {  	(erf) = vpow2.f32 v5;
	_ =	sdelay $0x6  }
0x166: {  	v7 =	vld [tilespmem:s16+$0xFFFFFF70]  }
0x167: {  	v8 =	vld [tilespmem:s16+$0xFFFFFFD0]  }
0x168: {  	v9 =	vld [tilespmem:s16+$0xFFFFFF90];
	v10 =	vpop (erf)  }
0x169: {  	v11 =	vld [tilespmem:s16+$0xFFFFFFE0];
	v58 =	vperm.xlane v10, v1  }
0x16a: {  	v60 =	vld [tilespmem:s16+$0xFFFFFF80];
	v59 =	vperm.xlane v10, v4  }
0x16b: {  	v61 =	vld [tilespmem:s16+$0xFFFFFFC0];
	v62 =	vnsel vm0, $0x0, v10;
	v17 =	vperm.xlane v10, v2;
	v7 =	vmul.f32 v7, v58  }
0x16c: {  	v18 =	vld [tilespmem:s16+$0xFFFFFFA0];
	[tilespmem:s16+$0xFFFFFFF0] =	vst v62;
	v8 =	vmul.f32 v8, v59  }
0x16d: {  	v63 =	vld [tilespmem:s16+$0xFFFFFFB0];
	v9 =	vmul.f32 v9, v17;
	[tilespmem:s16+$0xFFFFFF70] =	vst v7  }
0x16e: {  	v7 =	vperm.xlane v10, v3;
	v10 =	vmul.f32 v11, v59;
	[tilespmem:s16+$0xFFFFFFD0] =	vst v8  }
0x16f: {  	v8 =	vmul.f32 v60, v58;
	[tilespmem:s16+$0xFFFFFF90] =	vst v9  }
0x170: {  	v9 =	vmul.f32 v61, v7;
	[tilespmem:s16+$0xFFFFFFE0] =	vst v10  }
0x171: {  	v10 =	vmul.f32 v18, v17;
	[tilespmem:s16+$0xFFFFFF80] =	vst v8  }
0x172: {  	v7 =	vmul.f32 v63, v7;
	[tilespmem:s16+$0xFFFFFFC0] =	vst v9  }
0x173: {  	[tilespmem:s16+$0xFFFFFFA0] =	vst v10  }
0x174: {  	[tilespmem:s16+$0xFFFFFFB0] =	vst v7;
	v7 =	vld [tilespmem:s16+$0x80]  }
0x175: {  	v8 =	vld [tilespmem:s23+$0x7590];
	_ =	sdelay $0x4  }
0x176: {  	v7 =	vadd.f32 v8, v7;
	_ =	sdelay $0x1  }
0x177: {  	v8 =	vmul.f32 $2.000000030e-01, v7;
	_ =	sdelay $0x1  }
0x178: {  	v7 =	vmax.f32 v7, v8  }
0x179: {  	v8 =	vmul.f32 $1.442695020e+00, v7;
	_ =	sdelay $0x1  }
0x17a: {  	(erf) = vpow2.f32 v8;
	_ =	sdelay $0x1  }
0x17b: {  	v6 =	vld [tilespmem:s16+$0x10]  }
0x17c: {  	v5 =	vld [tilespmem:s16+$0x0]  }
0x17d: {  	v7 =	vld [tilespmem:s16+$0x40]  }
0x17e: {  	s22 =	simm.s32 $0x4A10;
	s18 =	simm.s32 $0x80;
	v8 =	vld [tilespmem:s16+$0x50]  }
.LBB2_9:
0x17f: {  	p0 =	sne.s32 s18, $0xF80  }
0x180: {  	v9 =	vld [tilespmem:s16+$0x60];
	s22 =	sadd.s32 $0x120, s22;
	s17 =	smov.u32 s18;
	s18 =	sadd.s32 $0x80, s18  }
0x181: {  	v10 =	vld [tilespmem:s16+$0x20]  }
0x182: {  	v11 =	vld [tilespmem:s16+$0x70];
	v12 =	vpop (erf)  }
0x183: {  	v13 =	vnsel vm0, $0x0, v12;
	v14 =	vperm.xlane v12, v1;
	v15 =	vperm.xlane v12, v2;
	v16 =	vld [tilespmem:s16+$0x30]  }
0x184: {  	[tilespmem:s16+$0x80] =	vst v13;
	v13 =	vperm.xlane v12, v3;
	v12 =	vperm.xlane v12, v4  }
0x185: {  	v5 =	vmul.f32 v5, v14;
	v6 =	vmul.f32 v6, v14  }
0x186: {  	v10 =	vmul.f32 v10, v15;
	v8 =	vmul.f32 v8, v13  }
0x187: {  	v9 =	vmul.f32 v9, v12;
	[tilespmem:s16+$0x0] =	vst v5;
	v11 =	vmul.f32 v11, v12  }
0x188: {  	v7 =	vmul.f32 v7, v13;
	v12 =	vmul.f32 v16, v15;
	[tilespmem:s16+$0x50] =	vst v8  }
0x189: {  	v5 =	vld [tilespmem:s22+$0x0];
	[tilespmem:s16+$0x10] =	vst v6  }
0x18a: {  	[tilespmem:s16+$0x40] =	vst v7  }
0x18b: {  	[tilespmem:s16+$0x60] =	vst v9  }
0x18c: {  	v6 =	vld [tilespmem:s22+$0x10];
	[tilespmem:s16+$0x30] =	vst v12  }
0x18d: {  	[tilespmem:s16+$0x70] =	vst v11  }
0x18e: {  	s17 =	sshra.s32 s17, $0x2;
	v7 =	vld [tilespmem:s22+$0xFFFFFFF0];
	[tilespmem:s16+$0x20] =	vst v10;
	s16 =	smov.u32 s22  }
0x18f: {  	v8 =	vld [tilespmem:s17+$0x7580];
	_ =	sdelay $0x4  }
0x190: {  	v7 =	vadd.f32 v8, v7;
	_ =	sdelay $0x1  }
0x191: {  	v8 =	vmul.f32 $2.000000030e-01, v7;
	_ =	sdelay $0x1  }
0x192: {  	v7 =	vmax.f32 v7, v8  }
0x193: {  	v7 =	vmul.f32 $1.442695020e+00, v7;
	_ =	sdelay $0x1  }
0x194: {  	(erf) = vpow2.f32 v7;
	_ =	sdelay $0x2  }
0x195: {  	v7 =	vld [tilespmem:s22+$0xFFFFFFA0]  }
0x196: {  	v8 =	vld [tilespmem:s22+$0xFFFFFFC0]  }
0x197: {  	v9 =	vld [tilespmem:s22+$0xFFFFFFE0]  }
0x198: {  	v10 =	vld [tilespmem:s22+$0xFFFFFFD0]  }
0x199: {  	v11 =	vld [tilespmem:s22+$0xFFFFFF70]  }
0x19a: {  	v12 =	vld [tilespmem:s22+$0xFFFFFF90]  }
0x19b: {  	v13 =	vld [tilespmem:s22+$0xFFFFFFB0];
	v14 =	vpop (erf)  }
0x19c: {  	v15 =	vnsel vm0, $0x0, v14;
	v16 =	vperm.xlane v14, v1;
	v17 =	vperm.xlane v14, v4;
	v18 =	vld [tilespmem:s22+$0xFFFFFF80]  }
0x19d: {  	[tilespmem:s22+$0xFFFFFFF0] =	vst v15;
	v15 =	vperm.xlane v14, v2;
	v14 =	vperm.xlane v14, v3  }
0x19e: {  	v11 =	vmul.f32 v11, v16;
	v10 =	vmul.f32 v10, v17  }
0x19f: {  	v9 =	vmul.f32 v9, v17;
	v12 =	vmul.f32 v12, v15  }
0x1a0: {  	v8 =	vmul.f32 v8, v14;
	[tilespmem:s22+$0xFFFFFF70] =	vst v11;
	v11 =	vmul.f32 v13, v14  }
0x1a1: {  	v7 =	vmul.f32 v7, v15;
	v13 =	vmul.f32 v18, v16;
	[tilespmem:s22+$0xFFFFFFD0] =	vst v10  }
0x1a2: {  	[tilespmem:s22+$0xFFFFFF90] =	vst v12  }
0x1a3: {  	[tilespmem:s22+$0xFFFFFFE0] =	vst v9  }
0x1a4: {  	[tilespmem:s22+$0xFFFFFF80] =	vst v13  }
0x1a5: {  	[tilespmem:s22+$0xFFFFFFC0] =	vst v8  }
0x1a6: {  	[tilespmem:s22+$0xFFFFFFA0] =	vst v7  }
0x1a7: {  	[tilespmem:s22+$0xFFFFFFB0] =	vst v11;
	v7 =	vld [tilespmem:s22+$0x80]  }
0x1a8: {  	v8 =	vld [tilespmem:s17+$0x7590];
	_ =	sdelay $0x4  }
0x1a9: {  	v7 =	vadd.f32 v8, v7;
	_ =	sdelay $0x1  }
0x1aa: {  	v8 =	vmul.f32 $2.000000030e-01, v7;
	_ =	sdelay $0x1  }
0x1ab: {  	v7 =	vmax.f32 v7, v8  }
0x1ac: {  	v7 =	vmul.f32 $1.442695020e+00, v7;
	_ =	sdelay $0x1  }
0x1ad: {  	(erf) = vpow2.f32 v7;
	_ =	sdelay $0x1  }
.Ltmp3:
0x1ae: {  	(pc) =	sbr.rel @p0 .LBB2_9-.Ltmp3, $3  }
0x1af: {  	_ =	sdelay $0x1  }
0x1b0: {  	v7 =	vld [tilespmem:s22+$0x40]  }
0x1b1: {  	v8 =	vld [tilespmem:s22+$0x50]  }
0x1b2: {  	_ =	sdelay $0x1  }
0x1b3: {  	v9 =	vpop (erf)  }
0x1b4: {  	v11 =	vperm.xlane v9, v1  }
0x1b5: {  	v10 =	vld [tilespmem:s16+$0x60];
	v13 =	vperm.xlane v9, v3  }
0x1b6: {  	v12 =	vld [tilespmem:s16+$0x70];
	v14 =	vnsel vm0, $0x0, v9;
	v5 =	vmul.f32 v5, v11  }
0x1b7: {  	v15 =	vld [tilespmem:s16+$0x30];
	[tilespmem:s16+$0x80] =	vst v14;
	v8 =	vmul.f32 v8, v13  }
0x1b8: {  	v16 =	vld [tilespmem:s16+$0x20];
	v62 =	vperm.xlane v9, v4;
	v6 =	vmul.f32 v6, v11;
	[tilespmem:s16+$0x0] =	vst v5  }
0x1b9: {  	v7 =	vmul.f32 v7, v13;
	[tilespmem:s16+$0x50] =	vst v8  }
0x1ba: {  	s15 =	sadd.s32 $0x1, s15;
	v63 =	vmul.f32 v10, v62;
	v5 =	vperm.xlane v9, v2;
	[tilespmem:s16+$0x10] =	vst v6  }
0x1bb: {  	p0 =	sne.s32 s15, $0x36;
	[tilespmem:s16+$0x40] =	vst v7;
	v7 =	vmul.f32 v12, v62  }
.Ltmp4:
0x1bc: {  	[tilespmem:s16+$0x60] =	vst v63;
	v6 =	vmul.f32 v15, v5;
	(pc) =	sbr.rel @p0 .LBB2_4-.Ltmp4, $4  }
0x1bd: {  	v5 =	vmul.f32 v16, v5;
	[tilespmem:s16+$0x70] =	vst v7  }
0x1be: {  	[tilespmem:s16+$0x30] =	vst v6  }
0x1bf: {  	[tilespmem:s16+$0x20] =	vst v5  }
0x1c0: {  	[spmem:s3] =	stream.indirect.scatter.add.f32 [tilespmem:s1], [sflag:$0x6], $0x90, s0, s26, $0xb8;
	[tilespmem:$0x1E180] =	vst v63  }
0x1c1: {  	_ =	swait.ge [sflag:s14], $0x2400  }
0x1c2: {  	[sflag:s14] =	ssyncset.done $0x0  }
0x1c3: {  	s15 =	stileid.u32;
	[sflag:s14] =	ssyncadd.s32 $0xFFFFDC00  }
0x1c4: {  	s15 =	sshll.u32 s15, $0x6;
	[bflag:$0x0] =	sbarrier.arrive $0xFFFF  }
0x1c5: {  	s16 =	sshrl.u32 s7, $0x3;
	s15 =	sor.u32 $0x1C07, s15;
	s17 =	rddreg [dreg:$0xf]  }
0x1c6: {  	[hbm:s17], [sflag:s15] =	dma.local [spmem:s16], $0x2D00  }
0x1c7: {  	_ =	swait.ge [sflag:s25], $0x2D00  }
0x1c8: {  	s4 =	sadd.s32 $0x1, s4;
	s23 =	rddreg [dreg:$0x10]  }
0x1c9: {  	p0 =	sne.s32 s4, s23  }
.Ltmp5:
0x1ca: {  	_ = 	snop;
	(pc) =	sbr.rel @p0 .LBB2_1-.Ltmp5, $3  }
0x1cb: {  	_ =	sdelay $0x1  }
0x1cc: {  	[sflag:s25] =	ssyncset.done $0x0  }
0x1cd: {  	[sflag:s25] =	ssyncadd.s32 $0xFFFFD300  }
0x1ce: {  	_ =	sfence.sel $0x180000  }
0x1cf: {  	[bflag:$0x0] =	sbarrier.arrive $0xFFFF  }
0x1d0: {  	_ =	strace $0x9000004A  }
0x1d1: {  	s0 =	stileid.u32;
	[bflag:$0x2] =	sbarrier.arrive $0xFFFF  }
0x1d2: {  	p0 =	sne.s32 s0, $0x0;
	s0 =	rddreg [dreg:$0x3]  }
0x1d3: {  	s0 =	sadd.s32 @!p0 $0x100000, s0  }
0x1d4: {  	[sflag:s0] =	ssyncadd.tile.s32 @!p0 $0x1;
	_ =	shalt  }
.Lfunc_end2:
_tile_overlayer_lowered:
.L_overlay_start_2:
0x1d5: {  	(tag) =	ssettag $0x2  }
0x1d6: {  	s0 =	rddreg [dreg:$0x0];
	s2 =	stileid.u32  }
0x1d7: {  	s1 =	rddreg [dreg:$0x1];
	p0 =	sne.s32 s2, $0x0  }
0x1d8: {  	s3 =	rddreg [dreg:$0x2];
	[bflag:$0x3] =	sbarrier.arrive $0xFFFF;
	s2 =	simm.s32 @!p0 $0x1C07  }
0x1d9: {  	[timem:s3], [sflag:s2] =	dma.local @!p0 [hbm:s0], s1  }
0x1da: {  	s0 =	simm.s32 @!p0 $0x7  }
0x1db: {  	_ =	swait.ge @!p0 [sflag:s0], s1  }
0x1dc: {  	s1 =	ssub.s32 @!p0 $0x0, s1;
	[sflag:s0] =	ssyncset.done @!p0 $0x0  }
0x1dd: {  	[sflag:s0] =	ssyncadd.s32 @!p0 s1  }
0x1de: {  	[bflag:$0x3] =	sbarrier.arrive $0xFFFF  }
0x1df: {  	_ =	shalt  }

// kernel: kernel.7.cloned.1.call-start
scs
__scs_entry_jumppad:
0x0: {  	(pc) =	sbr.rel $0x88, $3  }
0x1: {  	(tag) =	ssettag $0x0;
	lr =	simm.s32 $0x1  }
0x2: {  	[smem:$0x3F95] =	sst lr;
	_ =	strace $0xD0000000  }
0x3: {  	_ = 	snop  }
0x4: {  	_ = 	snop  }
0x5: {  	_ = 	snop  }
0x6: {  	_ = 	snop  }
0x7: {  	_ = 	snop  }
__scs_overlays_trampoline_lowered:
0x8: {  	[smem:$0x3FA4] =	sst s0  }
0x9: {  	[smem:$0x3FA5] =	sst s1  }
0xa: {  	[smem:$0x3FA6] =	sst s2  }
0xb: {  	[smem:$0x3FA7] =	sst s3  }
0xc: {  	[smem:$0x3FA8] =	sst s4  }
0xd: {  	[smem:$0x3FA9] =	sst s5  }
0xe: {  	[smem:$0x3FAA] =	sst s6  }
0xf: {  	[smem:$0x3FAB] =	sst s7  }
0x10: {  	[smem:$0x3FAC] =	sst s8  }
0x11: {  	[smem:$0x3FAD] =	sst s9;
	s0 =	simm.s32 @!p0 $0x0  }
0x12: {  	s1 =	sld [smem:$0x3F93];
	s0 =	simm.s32 @p0 $0x1  }
0x13: {  	[smem:$0x3FAE] =	sst s0;
	s0 =	simm.s32 @!p1 $0x0  }
0x14: {  	s2 =	sld [smem:$0x3F92];
	s0 =	simm.s32 @p1 $0x1  }
0x15: {  	[smem:$0x3FAF] =	sst s0;
	s0 =	simm.s32 @!p2 $0x0  }
0x16: {  	s3 =	sld [smem:$0x3FDB];
	s0 =	simm.s32 @p2 $0x1  }
0x17: {  	s4 =	simm.s32 $0x1BF5;
	[smem:$0x3FB1] =	sst s0  }
0x18: {  	s0 =	sld [smem:$0x3F94];
	_ =	swait.ge [sflag:s4], $0x0  }
0x19: {  	s7 =	sld [smem:$0x3F95]  }
0x1a: {  	s8 =	sadd.s32 $0xFFFFE003, lr  }
0x1b: {  	s9 =	sadd.s32 $0xFFFFFEF7, lr;
	s5 =	simm.s32 $0xFFFFFFFF;
	p2 =	slt.u32 s8, $0xFFFFF086  }
0x1c: {  	p1 =	slt.u32 s9, $0xF7A;
	s5 =	simm.s32 @!p2 $0x0  }
0x1d: {  	s5 =	simm.s32 @p1 $0x1;
	p0 =	seq.s32 s7, s2  }
0x1e: {  	s7 =	smul.u32 @!p0 $0xF7A, s2;
	p2 =	seq.s32 @!p0 s5, $0x0  }
0x1f: {  	s9 =	smul.u32 $0xF7A, s1;
	s8 =	simm.s32 @!p0 $0x1BF5;
	p2 =	por !p2, p0  }
0x20: {  	[sflag:s8] =	ssyncset.s32 @!p0 $0xFFFFF086;
	s6 =	sadd.s32 @!p0 s3, s7;
	s7 =	simm.s32 @!p0 $0x108  }
0x21: {  	s3 =	sadd.s32 s3, s9;
	s6 =	sadd.s32 @!p0 $0x88, s6;
	s7 =	simm.s32 @p2 $0x1082  }
0x22: {  	[simem:s7], [sflag:s8] =	dma.local @!p0 [hbm:s6], $0xF7A  }
0x23: {  	s9 =	sor.u32 $0xD0000000, s2;
	s6 =	simm.s32 $0x108;
	_ =	swait.ge @!p0 [sflag:s8], $0x0  }
0x24: {  	s3 =	sadd.s32 $0x88, s3;
	s6 =	simm.s32 @!p1 $0x1082;
	[sflag:s4] =	ssyncset.s32 $0xFFFFF086  }
0x25: {  	[simem:s6], [sflag:s4] =	dma.local [hbm:s3], $0xF7A  }
0x26: {  	[smem:$0x3F95] =	sst s1;
	(tag) =	ssettag s2;
	_ =	strace s9  }
0x27: {  	s1 =	sld [smem:$0x3FA5]  }
0x28: {  	s2 =	sld [smem:$0x3FA6]  }
0x29: {  	s4 =	sld [smem:$0x3FA8]  }
0x2a: {  	p0 =	seq.s32 s5, $0x0;
	s5 =	sld [smem:$0x3FA9]  }
0x2b: {  	s6 =	sld [smem:$0x3FAA]  }
0x2c: {  	s7 =	sld [smem:$0x3FAB]  }
0x2d: {  	s3 =	simm.s32 $0x108;
	s8 =	sld [smem:$0x3FAC]  }
0x2e: {  	s3 =	simm.s32 @!p0 $0x1082;
	s9 =	sld [smem:$0x3FAD]  }
0x2f: {  	lr =	sadd.s32 s0, s3;
	s0 =	sld [smem:$0x3FA4]  }
0x30: {  	s3 =	sld [smem:$0x3FA7]  }
0x31: {  	[smem:$0x3FB0] =	sst s10  }
0x32: {  	s10 =	sld [smem:$0x3FAE];
	_ =	sdelay $0x3  }
0x33: {  	p0 =	seq.s32 s10, $0x1;
	s10 =	sld [smem:$0x3FB0];
	_ =	sdelay $0x3  }
0x34: {  	[smem:$0x3FB0] =	sst s10  }
0x35: {  	s10 =	sld [smem:$0x3FAF];
	_ =	sdelay $0x3  }
0x36: {  	p1 =	seq.s32 s10, $0x1;
	s10 =	sld [smem:$0x3FB0];
	_ =	sdelay $0x3  }
0x37: {  	[smem:$0x3FB0] =	sst s10  }
0x38: {  	s10 =	sld [smem:$0x3FB1]  }
0x39: {  	_ = 	snop;
	(pc) =	sbr.ind lr, $3  }
0x3a: {  	_ = 	snop  }
0x3b: {  	_ = 	snop  }
0x3c: {  	p2 =	seq.s32 s10, $0x1;
	s10 =	sld [smem:$0x3FB0]  }
0x3d: {  	_ =	shalt  }
0x3e: {  	_ =	shalt  }
0x3f: {  	_ =	shalt  }
0x40: {  	_ =	shalt  }
0x41: {  	_ =	shalt  }
0x42: {  	_ =	shalt  }
0x43: {  	_ =	shalt  }
0x44: {  	_ =	shalt  }
0x45: {  	_ =	shalt  }
0x46: {  	_ =	shalt  }
0x47: {  	_ =	shalt  }
0x48: {  	_ =	shalt  }
0x49: {  	_ =	shalt  }
0x4a: {  	_ =	shalt  }
0x4b: {  	_ =	shalt  }
0x4c: {  	_ =	shalt  }
0x4d: {  	_ =	shalt  }
0x4e: {  	_ =	shalt  }
0x4f: {  	_ =	shalt  }
0x50: {  	_ =	shalt  }
0x51: {  	_ =	shalt  }
0x52: {  	_ =	shalt  }
0x53: {  	_ =	shalt  }
0x54: {  	_ =	shalt  }
0x55: {  	_ =	shalt  }
0x56: {  	_ =	shalt  }
0x57: {  	_ =	shalt  }
0x58: {  	_ =	shalt  }
0x59: {  	_ =	shalt  }
0x5a: {  	_ =	shalt  }
0x5b: {  	_ =	shalt  }
0x5c: {  	_ =	shalt  }
0x5d: {  	_ =	shalt  }
0x5e: {  	_ =	shalt  }
0x5f: {  	_ =	shalt  }
0x60: {  	_ =	shalt  }
0x61: {  	_ =	shalt  }
0x62: {  	_ =	shalt  }
0x63: {  	_ =	shalt  }
0x64: {  	_ =	shalt  }
0x65: {  	_ =	shalt  }
0x66: {  	_ =	shalt  }
0x67: {  	_ =	shalt  }
0x68: {  	_ =	shalt  }
0x69: {  	_ =	shalt  }
0x6a: {  	_ =	shalt  }
0x6b: {  	_ =	shalt  }
0x6c: {  	_ =	shalt  }
0x6d: {  	_ =	shalt  }
0x6e: {  	_ =	shalt  }
0x6f: {  	_ =	shalt  }
0x70: {  	_ =	shalt  }
0x71: {  	_ =	shalt  }
0x72: {  	_ =	shalt  }
0x73: {  	_ =	shalt  }
0x74: {  	_ =	shalt  }
0x75: {  	_ =	shalt  }
0x76: {  	_ =	shalt  }
0x77: {  	_ =	shalt  }
0x78: {  	_ =	shalt  }
0x79: {  	_ =	shalt  }
0x7a: {  	_ =	shalt  }
0x7b: {  	_ =	shalt  }
0x7c: {  	_ =	shalt  }
0x7d: {  	_ =	shalt  }
0x7e: {  	_ =	shalt  }
0x7f: {  	_ =	shalt  }
0x80: {  	_ =	shalt  }
0x81: {  	_ =	shalt  }
0x82: {  	_ =	shalt  }
0x83: {  	_ =	shalt  }
0x84: {  	_ =	shalt  }
0x85: {  	_ =	shalt  }
0x86: {  	_ =	shalt  }
0x87: {  	_ =	shalt  }
.Lfunc_end0:
.L_simem_size_0:
called_computation_lowered:
.L_overlay_start_0:
0x88: {  	s2 =	sld [smem:$0x3FD9]  }
0x89: {  	s3 =	sld [smem:$0x3FFE];
	_ =	sdelay $0x1  }
0x8a: {  	s1 =	srdreg.scid  }
0x8b: {  	s0 =	sand.u32 $0x1, s1  }
0x8c: {  	s17 =	sshll.u32 s0, $0xA;
	s2 =	sadd.s32 s3, s2  }
0x8d: {  	s2 =	sadd.s32 s2, s17  }
0x8e: {  	[smem:$0x3FBC] =	sst s2  }
0x8f: {  	_ = 	snop  }
0x90: {  	s2 =	sld [smem:$0x3FD0];
	(tm) =	ssettm $0x1  }
0x91: {  	s18 =	sld [smem:$0x3FFB];
	_ =	sdelay $0x3  }
0x92: {  	_ =	strace s18  }
0x93: {  	s3 =	sld [smem:$0x3FFC];
	_ =	sdelay $0x3  }
0x94: {  	_ =	strace s3  }
0x95: {  	s3 =	sld [smem:$0x3FFD];
	_ =	sdelay $0x3  }
0x96: {  	_ =	strace s3  }
0x97: {  	_ =	strace $0x8FFFFFFF  }
0x98: {  	s19 =	sld [smem:$0x3FDB];
	_ =	sdelay $0x1  }
0x99: {  	s4 =	simm.s32 $_scs_section_size  }
0x9a: {  	s5 =	simm.s32 $_size__tile_overlayer_lowered;
	s6 =	simm.s32 $_tile_overlayer_lowered  }
0x9b: {  	s22 =	simm.s32 $0x1BFF;
	s21 =	sshll.u32 s6, $0x1;
	s3 =	sadd.s32 s4, s19  }
0x9c: {  	s7 =	simm.s32 $0x0;
	s20 =	sshll.u32 s5, $0x1;
	s5 =	sadd.s32 s21, s3  }
0x9d: {  	[timem:s7], [sflag:s22] =	dma.local [hbm:s5], s20  }
0x9e: {  	_ =	swait.ge [sflag:s22], s20  }
0x9f: {  	s4 =	ssub.s32 $0x0, s20;
	[sflag:s22] =	ssyncset.done $0x0  }
0xa0: {  	[sflag:s22] =	ssyncadd.s32 s4;
	_ =	sdelay $0x1  }
0xa1: {  	s23 =	simm.s32 $0x1B8B  }
0xa2: {  	_ =	swait.ge [sflag:s23], $0x1  }
0xa3: {  	[sflag:s23] =	ssyncset.done $0x0  }
0xa4: {  	s25 =	simm.s32 $0x1B8E;
	s24 =	sld [smem:$0x3FFE];
	[sflag:s23] =	ssyncadd.s32 $0xFFFFFFFF  }
0xa5: {  	s26 =	simm.s32 $execute0_lowered;
	[smem:$0x3FD2] =	sst s25  }
0xa6: {  	s5 =	sshll.u32 s26, $0x1;
	_ =	strace $0x80000046;
	[dreg:$0x1] =	wrdreg $0xFFFFFFFF  }
0xa7: {  	s28 =	simm.s32 $_size_execute0_lowered;
	s3 =	sadd.s32 s3, s5;
	[dreg:$0x0] =	wrdreg $0x0  }
0xa8: {  	s5 =	sshll.u32 s28, $0x1;
	[dreg:$0x2] =	wrdreg s3  }
0xa9: {  	[dreg:$0x3] =	wrdreg s5  }
0xaa: {  	[dreg:$0x4] =	wrdreg $0xC0  }
0xab: {  	_ =	task [dreg:s7], $0x5FFFF  }
0xac: {  	[dreg:$0x1] =	wrdreg $0xFFFFFFFF  }
0xad: {  	[dreg:$0x0] =	wrdreg $0x60  }
0xae: {  	[dreg:$0x2] =	wrdreg s24  }
0xaf: {  	[dreg:$0x3] =	wrdreg s2  }
0xb0: {  	[dreg:$0x4] =	wrdreg $0x79800  }
0xb1: {  	[dreg:$0x5] =	wrdreg $0x9  }
0xb2: {  	_ =	task.clear_ibuf [dreg:s7], $0x6FFFF;
	_ =	strace $0x90000046  }
0xb3: {  	s29 =	simm.s32 $0x9;
	_ =	strace $0x80000048  }
0xb4: {  	_ =	swait.ge [sflag:s29], $0x1  }
0xb5: {  	[sflag:s29] =	ssyncadd.s32 $0xFFFFFFFF  }
0xb6: {  	_ =	strace $0x90000048  }
0xb7: {  	_ =	sfence  }
0xb8: {  	s30 =	sld [smem:$0x0];
	_ =	sdelay $0x2  }
0xb9: {  	s31 =	sshll.u32 s1, $0xD;
	s1 =	sshrl.u32 s1, $0x2  }
0xba: {  	s3 =	sand.u32 $0x4000, s31;
	s1 =	sadd.s32 s1, s30  }
0xbb: {  	s0 =	sor.u32 s3, s0;
	s1 =	sshll.u32 s1, $0x11  }
0xbc: {  	s0 =	sor.u32 s1, s0  }
0xbd: {  	s0 =	sadd.s32 $0x8F2B, s0  }
0xbe: {  	[sflag:s0] =	ssyncadd.remote.s32 $0x1  }
0xbf: {  	_ =	sfence.sel $0xFFFF  }
0xc0: {  	[dreg:$0x0] =	wrdreg $0xFFFFFFFF;
	(pc) =	sbr.abs _section_cstart, $3  }
0xc1: {  	[dreg:$0x1] =	wrdreg $0xFFFFFFFF  }
0xc2: {  	_ =	task.clear_ibuf [dreg:s7], $0x2FFFF;
	_ =	strace $0x9FFFFFFF  }
0xc3: {  	(tm) =	ssettm $0x7FFFFFFF  }
tec
execute0_lowered:
.L_overlay_start_1:
0x0: {  	(tag) =	ssettag $0x1  }
0x1: {  	s0 =	rddreg [dreg:$0x0]  }
0x2: {  	s2 =	rddreg [dreg:$0x1]  }
0x3: {  	s1 =	srdreg.scid;
	s11 =	stileid.u32  }
0x4: {  	s3 =	rddreg [dreg:$0x2];
	s4 =	simm.s32 $0x0;
	s30 =	simm.s32 $0x2580  }
0x5: {  	s31 =	simm.s32 $0xC0;
	s28 =	simm.s32 $0x100;
	s12 =	simm.s32 $0x5  }
0x6: {  	s13 =	simm.s32 $0x3;
	s14 =	simm.s32 $0x6;
	s7 =	smul.u32 $0x2D00, s11  }
0x7: {  	s29 =	simm.s32 $0x0;
	s1 =	sand.u32 $0x1, s1;
	s9 =	smul.u32 $0x5A000, s11  }
0x8: {  	[smem:$0x7FF] =	sst s4;
	s8 =	smul.u32 $0x2D000, s1;
	s16 =	ssub.s32 $0x2, s1  }
0x9: {  	s5 =	sadd.s32 $0x1A00, s0;
	s6 =	sadd.s32 $0x2EA00, s0;
	s10 =	sshrl.u32 s16, $0x1  }
0xa: {  	s9 =	sshrl.u32 s9, $0x2;
	s7 =	sadd.s32 s7, s8;
	s8 =	ssub.s32 s16, s10  }
0xb: {  	s0 =	sadd.s32 s7, s0;
	s7 =	sadd.s32 s9, s3;
	s26 =	smax.u32 s8, $0x1  }
0xc: {  	_ =	strace $0x80000047;
	s9 =	sadd.s32 $0x2400, s7;
	[dreg:$0x10] =	wrdreg s26  }
0xd: {  	s1 =	sshll.u32 s1, $0x4;
	s17 =	sadd.s32 $0x4800, s7;
	[dreg:$0x4] =	wrdreg s9  }
0xe: {  	s1 =	sor.u32 s11, s1;
	s18 =	sadd.s32 $0x6C00, s7;
	[dreg:$0x5] =	wrdreg s17  }
0xf: {  	s11 =	simm.s32 $0x2;
	s19 =	sadd.s32 $0x9000, s7;
	[dreg:$0x6] =	wrdreg s18  }
0x10: {  	s21 =	smul.u32 $0xA20, s1;
	s20 =	sadd.s32 $0xB400, s7;
	[dreg:$0x7] =	wrdreg s19  }
0x11: {  	s1 =	smul.u32 $0xA2, s1;
	s22 =	sadd.s32 $0xD800, s7;
	[dreg:$0x8] =	wrdreg s20  }
0x12: {  	s10 =	simm.s32 $0x4;
	s23 =	sadd.s32 $0xFC00, s7;
	[dreg:$0x9] =	wrdreg s22  }
0x13: {  	s8 =	simm.s32 $0x7580;
	s24 =	sadd.s32 $0x12000, s7;
	[dreg:$0xa] =	wrdreg s23  }
0x14: {  	s25 =	sadd.s32 $0x14400, s7;
	s0 =	sadd.s32 $0x42E00, s0;
	[dreg:$0xb] =	wrdreg s24  }
0x15: {  	s26 =	simm.s32 $0x40;
	[dreg:$0xc] =	wrdreg s25;
	s9 =	sadd.s32 s6, s21  }
0x16: {  	s19 =	sadd.s32 $0x2, s1;
	s20 =	sadd.s32 $0x3, s1;
	s21 =	sadd.s32 $0x4, s1  }
0x17: {  	[dreg:$0xf] =	wrdreg s0;
	s24 =	simm.s32 $0x180;
	s25 =	simm.s32 $0x7  }
0x18: {  	v0 =	vimm.f32 $0.0e+00;
	vm0 =	vmmov $0xf;
	v1 =	vimm.s32 $0x0;
	s1 =	simm.s32 $0x4980;
	[dreg:$0xd] =	wrdreg s9;
	s9 =	sadd.s32 $0x10, s9  }
0x19: {  	v2 =	vimm.s32 $0x1;
	v3 =	vimm.s32 $0x2;
	v4 =	vimm.s32 $0x3;
	s0 =	simm.s32 $0x140;
	[dreg:$0xe] =	wrdreg s9;
	s9 =	simm.s32 $0x1  }
.LBB2_1:
0x1a: {  	s15 =	simm.s32 $0x0;
	s16 =	simm.s32 $0x240  }
.LBB2_2:
0x1b: {  	p0 =	sne.s32 s16, $0x8DC0;
	[tilespmem:s15+$0x200] =	vst v0  }
0x1c: {  	[tilespmem:s15+$0x180] =	vst v0  }
0x1d: {  	[tilespmem:s15+$0x190] =	vst v0  }
0x1e: {  	[tilespmem:s15+$0x1A0] =	vst v0  }
.Ltmp0:
0x1f: {  	[tilespmem:s15+$0x1B0] =	vst v0;
	(pc) =	sbr.rel @p0 .LBB2_2-.Ltmp0, $4  }
0x20: {  	[tilespmem:s15+$0x1C0] =	vst v0  }
0x21: {  	[tilespmem:s15+$0x1D0] =	vst v0  }
0x22: {  	[tilespmem:s15+$0x1E0] =	vst v0  }
0x23: {  	[tilespmem:s15+$0x1F0] =	vst v0;
	s15 =	sshra.s32 s16, $0x2;
	s16 =	sadd.s32 $0x240, s16  }
0x24: {  	[tilespmem:s15+$0x200] =	vst v0  }
0x25: {  	[tilespmem:s15+$0x180] =	vst v0  }
0x26: {  	[tilespmem:s15+$0x190] =	vst v0  }
0x27: {  	[tilespmem:s15+$0x1A0] =	vst v0  }
0x28: {  	[tilespmem:s15+$0x1B0] =	vst v0  }
0x29: {  	[tilespmem:s15+$0x1C0] =	vst v0  }
0x2a: {  	[tilespmem:s15+$0x1D0] =	vst v0  }
0x2b: {  	[tilespmem:s15+$0x1E0] =	vst v0  }
0x2c: {  	[tilespmem:s15+$0x1F0] =	vst v0  }
0x2d: {  	[spmem:s7] =	stream.linear.scatter [tilespmem:s24], [sflag:$0x7], $0x2400, $0x38;
	[tilespmem:$0x1E180] =	vst v63  }
0x2e: {  	_ =	swait.ge [sflag:s25], $0x2400  }
0x2f: {  	[sflag:s25] =	ssyncset.done $0x0  }
0x30: {  	s18 =	rddreg [dreg:$0x4];
	[sflag:s25] =	ssyncadd.s32 $0xFFFFDC00  }
0x31: {  	[spmem:s18] =	stream.linear.scatter [tilespmem:s24], [sflag:$0x7], $0x2400, $0x38;
	[tilespmem:$0x1E180] =	vst v63  }
0x32: {  	_ =	swait.ge [sflag:s25], $0x2400  }
0x33: {  	[sflag:s25] =	ssyncset.done $0x0  }
0x34: {  	s22 =	rddreg [dreg:$0x5];
	[sflag:s25] =	ssyncadd.s32 $0xFFFFDC00  }
0x35: {  	[spmem:s22] =	stream.linear.scatter [tilespmem:s24], [sflag:$0x7], $0x2400, $0x38;
	[tilespmem:$0x1E180] =	vst v63  }
0x36: {  	_ =	swait.ge [sflag:s25], $0x2400  }
0x37: {  	[sflag:s25] =	ssyncset.done $0x0  }
0x38: {  	s23 =	rddreg [dreg:$0x6];
	[sflag:s25] =	ssyncadd.s32 $0xFFFFDC00  }
0x39: {  	[spmem:s23] =	stream.linear.scatter [tilespmem:s24], [sflag:$0x7], $0x2400, $0x38;
	[tilespmem:$0x1E180] =	vst v63  }
0x3a: {  	_ =	swait.ge [sflag:s25], $0x2400  }
0x3b: {  	[sflag:s25] =	ssyncset.done $0x0  }
0x3c: {  	s16 =	rddreg [dreg:$0x7];
	[sflag:s25] =	ssyncadd.s32 $0xFFFFDC00  }
0x3d: {  	[spmem:s16] =	stream.linear.scatter [tilespmem:s24], [sflag:$0x7], $0x2400, $0x38;
	[tilespmem:$0x1E180] =	vst v63  }
0x3e: {  	_ =	swait.ge [sflag:s25], $0x2400  }
0x3f: {  	[sflag:s25] =	ssyncset.done $0x0  }
0x40: {  	s17 =	rddreg [dreg:$0x8];
	[sflag:s25] =	ssyncadd.s32 $0xFFFFDC00  }
0x41: {  	[spmem:s17] =	stream.linear.scatter [tilespmem:s24], [sflag:$0x7], $0x2400, $0x38;
	[tilespmem:$0x1E180] =	vst v63  }
0x42: {  	_ =	swait.ge [sflag:s25], $0x2400  }
0x43: {  	[sflag:s25] =	ssyncset.done $0x0  }
0x44: {  	s18 =	rddreg [dreg:$0x9];
	[sflag:s25] =	ssyncadd.s32 $0xFFFFDC00  }
0x45: {  	[spmem:s18] =	stream.linear.scatter [tilespmem:s24], [sflag:$0x7], $0x2400, $0x38;
	[tilespmem:$0x1E180] =	vst v63  }
0x46: {  	_ =	swait.ge [sflag:s25], $0x2400  }
0x47: {  	[sflag:s25] =	ssyncset.done $0x0  }
0x48: {  	s22 =	rddreg [dreg:$0xa];
	[sflag:s25] =	ssyncadd.s32 $0xFFFFDC00  }
0x49: {  	[spmem:s22] =	stream.linear.scatter [tilespmem:s24], [sflag:$0x7], $0x2400, $0x38;
	[tilespmem:$0x1E180] =	vst v63  }
0x4a: {  	_ =	swait.ge [sflag:s25], $0x2400  }
0x4b: {  	[sflag:s25] =	ssyncset.done $0x0  }
0x4c: {  	s23 =	rddreg [dreg:$0xb];
	[sflag:s25] =	ssyncadd.s32 $0xFFFFDC00  }
0x4d: {  	[spmem:s23] =	stream.linear.scatter [tilespmem:s24], [sflag:$0x7], $0x2400, $0x38;
	[tilespmem:$0x1E180] =	vst v63  }
0x4e: {  	_ =	swait.ge [sflag:s25], $0x2400  }
0x4f: {  	[sflag:s25] =	ssyncset.done $0x0  }
0x50: {  	s16 =	rddreg [dreg:$0xc];
	[sflag:s25] =	ssyncadd.s32 $0xFFFFDC00  }
0x51: {  	[spmem:s16] =	stream.linear.scatter [tilespmem:s24], [sflag:$0x7], $0x2400, $0x38;
	[tilespmem:$0x1E180] =	vst v63  }
0x52: {  	_ =	swait.ge [sflag:s25], $0x2400  }
0x53: {  	[sflag:s25] =	ssyncset.done $0x0  }
0x54: {  	[sflag:s25] =	ssyncadd.s32 $0xFFFFDC00  }
0x55: {  	[bflag:$0x0] =	sbarrier.arrive $0xFFFF  }
0x56: {  	s17 =	rddreg [dreg:$0xd]  }
0x57: {  	[tilespmem:s29], [sflag:$0x7] =	stream.linear.gather [hbm4b:s17+s29], $0x80, $0x38;
	[tilespmem:$0x1E180] =	vst v63  }
0x58: {  	_ =	swait.ge [sflag:s25], $0x80  }
0x59: {  	[sflag:s25] =	ssyncset.done $0x0  }
0x5a: {  	[sflag:s25] =	ssyncadd.s32 $0xFFFFFF80  }
0x5b: {  	[tilespmem:s24], [sflag:$0x1] =	stream.indirect.gather [hbm4b:s5+s26], $0x90, s29, s26, $0xb8;
	[tilespmem:$0x1E180] =	vst v63  }
0x5c: {  	s18 =	simm.s32 $0x6D80  }
0x5d: {  	[tilespmem:s18], [sflag:$0x1] =	stream.indirect.gather [hbm4b:s2+s26], $0x10, s26, s26, $0xb8;
	[tilespmem:$0x1E180] =	vst v63  }
0x5e: {  	s16 =	simm.s32 $0x80;
	s22 =	rddreg [dreg:$0xe]  }
0x5f: {  	[tilespmem:s16], [sflag:$0x7] =	stream.linear.gather [hbm4b:s22+s29], $0x80, $0x38;
	[tilespmem:$0x1E180] =	vst v63  }
0x60: {  	_ =	swait.ge [sflag:s25], $0x80  }
0x61: {  	[sflag:s25] =	ssyncset.done $0x0  }
0x62: {  	[sflag:s25] =	ssyncadd.s32 $0xFFFFFF80  }
0x63: {  	[tilespmem:s30], [sflag:$0x2] =	stream.indirect.gather [hbm4b:s5+s26], $0x90, s16, s26, $0xb8;
	[tilespmem:$0x1E180] =	vst v63  }
0x64: {  	s15 =	simm.s32 $0x0;
	s23 =	simm.s32 $0x7180  }
0x65: {  	[tilespmem:s23], [sflag:$0x2] =	stream.indirect.gather [hbm4b:s2+s26], $0x10, s31, s26, $0xb8;
	[tilespmem:$0x1E180] =	vst v63  }
.LBB2_4:
0x66: {  	s16 =	smul.u32 $0x3, s15  }
0x67: {  	p0 =	seq.s32 s15, $0x0  }
0x68: {  	s17 =	simm.s32 @!p0 $0x6;
	s18 =	sadd.s32 s16, s19  }
0x69: {  	_ =	swait.ge @!p0 [sflag:s17], $0x2400;
	s18 =	sshll.u32 s18, $0x4  }
0x6a: {  	[sflag:s17] =	ssyncset.done @!p0 $0x0;
	s18 =	sand.u32 $0x1FFFFFF0, s18  }
0x6b: {  	[sflag:s17] =	ssyncadd.s32 @!p0 $0xFFFFDC00;
	s22 =	sadd.s32 s6, s18  }
0x6c: {  	[tilespmem:s28], [sflag:$0x7] =	stream.linear.gather [hbm4b:s22+s29], $0x80, $0x38;
	[tilespmem:$0x1E180] =	vst v63  }
0x6d: {  	_ =	swait.ge [sflag:s25], $0x80  }
0x6e: {  	[sflag:s25] =	ssyncset.done $0x0  }
0x6f: {  	[sflag:s25] =	ssyncadd.s32 $0xFFFFFF80  }
0x70: {  	[tilespmem:s1], [sflag:$0x3] =	stream.indirect.gather [hbm4b:s5+s26], $0x90, s28, s26, $0xb8;
	[tilespmem:$0x1E180] =	vst v63  }
0x71: {  	_ = 	snop  }
0x72: {  	[tilespmem:s8], [sflag:$0x3] =	stream.indirect.gather [hbm4b:s2+s26], $0x10, s0, s26, $0xb8;
	[tilespmem:$0x1E180] =	vst v63  }
0x73: {  	_ =	swait.ge [sflag:s9], $0x2400  }
0x74: {  	[sflag:s9] =	ssyncset.done $0x0  }
0x75: {  	[sflag:s9] =	ssyncadd.s32 $0xFFFFDC00  }
0x76: {  	_ =	swait.ge [sflag:s9], $0x400  }
0x77: {  	[sflag:s9] =	ssyncset.done $0x0  }
0x78: {  	s18 =	simm.s32 $0x210;
	[sflag:s9] =	ssyncadd.s32 $0xFFFFFC00  }
0x79: {  	s23 =	simm.s32 $0x0;
	v5 =	vld [tilespmem:s18+$0xFFFFFFF0]  }
0x7a: {  	v6 =	vld [tilespmem:s23+$0x6D80];
	_ =	sdelay $0x4  }
0x7b: {  	v5 =	vadd.f32 v6, v5;
	_ =	sdelay $0x1  }
0x7c: {  	v6 =	vmul.f32 $2.000000030e-01, v5;
	_ =	sdelay $0x1  }
0x7d: {  	v5 =	vmax.f32 v5, v6  }
0x7e: {  	v5 =	vmul.f32 $1.442695020e+00, v5;
	_ =	sdelay $0x1  }
0x7f: {  	(erf) = vpow2.f32 v5;
	_ =	sdelay $0x6  }
0x80: {  	v7 =	vld [tilespmem:s18+$0xFFFFFF70]  }
0x81: {  	v8 =	vld [tilespmem:s18+$0xFFFFFFD0]  }
0x82: {  	v9 =	vld [tilespmem:s18+$0xFFFFFF90];
	v10 =	vpop (erf)  }
0x83: {  	v11 =	vld [tilespmem:s18+$0xFFFFFFE0];
	v12 =	vperm.xlane v10, v1  }
0x84: {  	v14 =	vld [tilespmem:s18+$0xFFFFFF80];
	v13 =	vperm.xlane v10, v4  }
0x85: {  	v15 =	vld [tilespmem:s18+$0xFFFFFFC0];
	v16 =	vnsel vm0, $0x0, v10;
	v17 =	vperm.xlane v10, v2;
	v7 =	vmul.f32 v7, v12  }
0x86: {  	v18 =	vld [tilespmem:s18+$0xFFFFFFA0];
	[tilespmem:s18+$0xFFFFFFF0] =	vst v16;
	v8 =	vmul.f32 v8, v13  }
0x87: {  	v63 =	vld [tilespmem:s18+$0xFFFFFFB0];
	v9 =	vmul.f32 v9, v17;
	[tilespmem:s18+$0xFFFFFF70] =	vst v7  }
0x88: {  	v7 =	vperm.xlane v10, v3;
	v10 =	vmul.f32 v11, v13;
	[tilespmem:s18+$0xFFFFFFD0] =	vst v8  }
0x89: {  	v8 =	vmul.f32 v14, v12;
	[tilespmem:s18+$0xFFFFFF90] =	vst v9  }
0x8a: {  	v9 =	vmul.f32 v15, v7;
	[tilespmem:s18+$0xFFFFFFE0] =	vst v10  }
0x8b: {  	v10 =	vmul.f32 v18, v17;
	[tilespmem:s18+$0xFFFFFF80] =	vst v8  }
0x8c: {  	v7 =	vmul.f32 v63, v7;
	[tilespmem:s18+$0xFFFFFFC0] =	vst v9  }
0x8d: {  	[tilespmem:s18+$0xFFFFFFA0] =	vst v10  }
0x8e: {  	[tilespmem:s18+$0xFFFFFFB0] =	vst v7;
	v7 =	vld [tilespmem:s18+$0x80]  }
0x8f: {  	v8 =	vld [tilespmem:s23+$0x6D90];
	_ =	sdelay $0x4  }
0x90: {  	v7 =	vadd.f32 v8, v7;
	_ =	sdelay $0x1  }
0x91: {  	v8 =	vmul.f32 $2.000000030e-01, v7;
	_ =	sdelay $0x1  }
0x92: {  	v7 =	vmax.f32 v7, v8  }
0x93: {  	v8 =	vmul.f32 $1.442695020e+00, v7;
	_ =	sdelay $0x1  }
0x94: {  	(erf) = vpow2.f32 v8;
	_ =	sdelay $0x1  }
0x95: {  	v6 =	vld [tilespmem:s18+$0x10]  }
0x96: {  	v5 =	vld [tilespmem:s18+$0x0]  }
0x97: {  	v7 =	vld [tilespmem:s18+$0x40]  }
0x98: {  	s22 =	simm.s32 $0x80;
	s23 =	simm.s32 $0x210;
	v8 =	vld [tilespmem:s18+$0x50]  }
.LBB2_5:
0x99: {  	p0 =	sne.s32 s22, $0xF80  }
0x9a: {  	v9 =	vld [tilespmem:s18+$0x60];
	s23 =	sadd.s32 $0x120, s23;
	s17 =	smov.u32 s22;
	s22 =	sadd.s32 $0x80, s22  }
0x9b: {  	v10 =	vld [tilespmem:s18+$0x20]  }
0x9c: {  	v11 =	vld [tilespmem:s18+$0x70];
	v12 =	vpop (erf)  }
0x9d: {  	v13 =	vnsel vm0, $0x0, v12;
	v14 =	vperm.xlane v12, v1;
	v15 =	vperm.xlane v12, v2;
	v16 =	vld [tilespmem:s18+$0x30]  }
0x9e: {  	[tilespmem:s18+$0x80] =	vst v13;
	v13 =	vperm.xlane v12, v3;
	v12 =	vperm.xlane v12, v4  }
0x9f: {  	v5 =	vmul.f32 v5, v14;
	v6 =	vmul.f32 v6, v14  }
0xa0: {  	v10 =	vmul.f32 v10, v15;
	v8 =	vmul.f32 v8, v13  }
0xa1: {  	v9 =	vmul.f32 v9, v12;
	[tilespmem:s18+$0x0] =	vst v5;
	v11 =	vmul.f32 v11, v12  }
0xa2: {  	v7 =	vmul.f32 v7, v13;
	v12 =	vmul.f32 v16, v15;
	[tilespmem:s18+$0x50] =	vst v8  }
0xa3: {  	v5 =	vld [tilespmem:s23+$0x0];
	[tilespmem:s18+$0x10] =	vst v6  }
0xa4: {  	[tilespmem:s18+$0x40] =	vst v7  }
0xa5: {  	[tilespmem:s18+$0x60] =	vst v9  }
0xa6: {  	v6 =	vld [tilespmem:s23+$0x10];
	[tilespmem:s18+$0x30] =	vst v12  }
0xa7: {  	[tilespmem:s18+$0x70] =	vst v11  }
0xa8: {  	s17 =	sshra.s32 s17, $0x2;
	v7 =	vld [tilespmem:s23+$0xFFFFFFF0];
	[tilespmem:s18+$0x20] =	vst v10;
	s18 =	smov.u32 s23  }
0xa9: {  	v8 =	vld [tilespmem:s17+$0x6D80];
	_ =	sdelay $0x4  }
0xaa: {  	v7 =	vadd.f32 v8, v7;
	_ =	sdelay $0x1  }
0xab: {  	v8 =	vmul.f32 $2.000000030e-01, v7;
	_ =	sdelay $0x1  }
0xac: {  	v7 =	vmax.f32 v7, v8  }
0xad: {  	v7 =	vmul.f32 $1.442695020e+00, v7;
	_ =	sdelay $0x1  }
0xae: {  	(erf) = vpow2.f32 v7;
	_ =	sdelay $0x2  }
0xaf: {  	v7 =	vld [tilespmem:s23+$0xFFFFFFA0]  }
0xb0: {  	v8 =	vld [tilespmem:s23+$0xFFFFFFC0]  }
0xb1: {  	v9 =	vld [tilespmem:s23+$0xFFFFFFE0]  }
0xb2: {  	v10 =	vld [tilespmem:s23+$0xFFFFFFD0]  }
0xb3: {  	v11 =	vld [tilespmem:s23+$0xFFFFFF70]  }
0xb4: {  	v12 =	vld [tilespmem:s23+$0xFFFFFF90]  }
0xb5: {  	v13 =	vld [tilespmem:s23+$0xFFFFFFB0];
	v14 =	vpop (erf)  }
0xb6: {  	v15 =	vnsel vm0, $0x0, v14;
	v16 =	vperm.xlane v14, v1;
	v17 =	vperm.xlane v14, v4;
	v18 =	vld [tilespmem:s23+$0xFFFFFF80]  }
0xb7: {  	[tilespmem:s23+$0xFFFFFFF0] =	vst v15;
	v15 =	vperm.xlane v14, v2;
	v14 =	vperm.xlane v14, v3  }
0xb8: {  	v11 =	vmul.f32 v11, v16;
	v10 =	vmul.f32 v10, v17  }
0xb9: {  	v9 =	vmul.f32 v9, v17;
	v12 =	vmul.f32 v12, v15  }
0xba: {  	v8 =	vmul.f32 v8, v14;
	[tilespmem:s23+$0xFFFFFF70] =	vst v11;
	v11 =	vmul.f32 v13, v14  }
0xbb: {  	v7 =	vmul.f32 v7, v15;
	v13 =	vmul.f32 v18, v16;
	[tilespmem:s23+$0xFFFFFFD0] =	vst v10  }
0xbc: {  	[tilespmem:s23+$0xFFFFFF90] =	vst v12  }
0xbd: {  	[tilespmem:s23+$0xFFFFFFE0] =	vst v9  }
0xbe: {  	[tilespmem:s23+$0xFFFFFF80] =	vst v13  }
0xbf: {  	[tilespmem:s23+$0xFFFFFFC0] =	vst v8  }
0xc0: {  	[tilespmem:s23+$0xFFFFFFA0] =	vst v7  }
0xc1: {  	[tilespmem:s23+$0xFFFFFFB0] =	vst v11;
	v7 =	vld [tilespmem:s23+$0x80]  }
0xc2: {  	v8 =	vld [tilespmem:s17+$0x6D90];
	_ =	sdelay $0x4  }
0xc3: {  	v7 =	vadd.f32 v8, v7;
	_ =	sdelay $0x1  }
0xc4: {  	v8 =	vmul.f32 $2.000000030e-01, v7;
	_ =	sdelay $0x1  }
0xc5: {  	v7 =	vmax.f32 v7, v8  }
0xc6: {  	v7 =	vmul.f32 $1.442695020e+00, v7;
	_ =	sdelay $0x1  }
0xc7: {  	(erf) = vpow2.f32 v7;
	_ =	sdelay $0x1  }
.Ltmp1:
0xc8: {  	(pc) =	sbr.rel @p0 .LBB2_5-.Ltmp1, $3  }
0xc9: {  	_ =	sdelay $0x1  }
0xca: {  	v7 =	vld [tilespmem:s23+$0x40]  }
0xcb: {  	v8 =	vld [tilespmem:s23+$0x50]  }
0xcc: {  	_ =	sdelay $0x1  }
0xcd: {  	v9 =	vpop (erf)  }
0xce: {  	v11 =	vperm.xlane v9, v1  }
0xcf: {  	v10 =	vld [tilespmem:s18+$0x60];
	v13 =	vperm.xlane v9, v3  }
0xd0: {  	v12 =	vld [tilespmem:s18+$0x70];
	v14 =	vnsel vm0, $0x0, v9;
	v5 =	vmul.f32 v5, v11  }
0xd1: {  	v15 =	vld [tilespmem:s18+$0x30];
	[tilespmem:s18+$0x80] =	vst v14;
	v8 =	vmul.f32 v8, v13  }
0xd2: {  	v16 =	vld [tilespmem:s18+$0x20];
	v57 =	vperm.xlane v9, v4;
	v6 =	vmul.f32 v6, v11;
	[tilespmem:s18+$0x0] =	vst v5  }
0xd3: {  	v7 =	vmul.f32 v7, v13;
	[tilespmem:s18+$0x50] =	vst v8  }
0xd4: {  	v5 =	vperm.xlane v9, v2;
	v8 =	vmul.f32 v10, v57;
	[tilespmem:s18+$0x10] =	vst v6  }
0xd5: {  	[tilespmem:s18+$0x40] =	vst v7;
	v7 =	vmul.f32 v12, v57  }
0xd6: {  	v6 =	vmul.f32 v15, v5;
	[tilespmem:s18+$0x60] =	vst v8  }
0xd7: {  	v5 =	vmul.f32 v16, v5;
	[tilespmem:s18+$0x70] =	vst v7  }
0xd8: {  	p0 =	seq.s32 s15, $0x35;
	[tilespmem:s18+$0x30] =	vst v6  }
0xd9: {  	s17 =	sadd.s32 @!p0 s16, s20;
	[tilespmem:s18+$0x20] =	vst v5  }
0xda: {  	[spmem:s3] =	stream.indirect.scatter.add.f32 [tilespmem:s24], [sflag:$0x4], $0x90, s26, s26, $0xb8;
	[tilespmem:$0x1E180] =	vst v63  }
0xdb: {  	s17 =	sshll.u32 @!p0 s17, $0x4;
	_ =	swait.ge [sflag:s10], $0x2400  }
0xdc: {  	s17 =	sand.u32 @!p0 $0x1FFFFFF0, s17;
	[sflag:s10] =	ssyncset.done $0x0  }
0xdd: {  	s17 =	sadd.s32 @!p0 s6, s17;
	s18 =	simm.s32 @!p0 $0x0;
	[sflag:s10] =	ssyncadd.s32 $0xFFFFDC00  }
0xde: {  	[tilespmem:s18], [sflag:$0x7] =	stream.linear.gather @!p0 [hbm4b:s17+s18], $0x80, $0x38;
	[tilespmem:$0x1E180] =	vst v63  }
0xdf: {  	s17 =	simm.s32 @!p0 $0x7  }
0xe0: {  	_ =	swait.ge @!p0 [sflag:s17], $0x80  }
0xe1: {  	[sflag:s17] =	ssyncset.done @!p0 $0x0  }
0xe2: {  	s22 =	simm.s32 @!p0 $0x180;
	[sflag:s17] =	ssyncadd.s32 @!p0 $0xFFFFFF80;
	s17 =	simm.s32 @!p0 $0x40  }
0xe3: {  	[tilespmem:s22], [sflag:$0x1] =	stream.indirect.gather @!p0 [hbm4b:s5+s17], $0x90, s18, s17, $0xb8;
	[tilespmem:$0x1E180] =	vst v63  }
0xe4: {  	s18 =	simm.s32 @!p0 $0x6D80  }
0xe5: {  	[tilespmem:s18], [sflag:$0x1] =	stream.indirect.gather @!p0 [hbm4b:s2+s17], $0x10, s17, s17, $0xb8;
	[tilespmem:$0x1E180] =	vst v63  }
0xe6: {  	_ =	swait.ge [sflag:s11], $0x2400  }
0xe7: {  	[sflag:s11] =	ssyncset.done $0x0  }
0xe8: {  	[sflag:s11] =	ssyncadd.s32 $0xFFFFDC00  }
0xe9: {  	_ =	swait.ge [sflag:s11], $0x400  }
0xea: {  	[sflag:s11] =	ssyncset.done $0x0  }
0xeb: {  	s18 =	simm.s32 $0x2610;
	[sflag:s11] =	ssyncadd.s32 $0xFFFFFC00  }
0xec: {  	s23 =	simm.s32 $0x0;
	v5 =	vld [tilespmem:s18+$0xFFFFFFF0]  }
0xed: {  	v6 =	vld [tilespmem:s23+$0x7180];
	_ =	sdelay $0x4  }
0xee: {  	v5 =	vadd.f32 v6, v5;
	_ =	sdelay $0x1  }
0xef: {  	v6 =	vmul.f32 $2.000000030e-01, v5;
	_ =	sdelay $0x1  }
0xf0: {  	v5 =	vmax.f32 v5, v6  }
0xf1: {  	v5 =	vmul.f32 $1.442695020e+00, v5;
	_ =	sdelay $0x1  }
0xf2: {  	(erf) = vpow2.f32 v5;
	_ =	sdelay $0x6  }
0xf3: {  	v7 =	vld [tilespmem:s18+$0xFFFFFF70]  }
0xf4: {  	v8 =	vld [tilespmem:s18+$0xFFFFFFD0]  }
0xf5: {  	v9 =	vld [tilespmem:s18+$0xFFFFFF90];
	v10 =	vpop (erf)  }
0xf6: {  	v11 =	vld [tilespmem:s18+$0xFFFFFFE0];
	v58 =	vperm.xlane v10, v1  }
0xf7: {  	v60 =	vld [tilespmem:s18+$0xFFFFFF80];
	v59 =	vperm.xlane v10, v4  }
0xf8: {  	v61 =	vld [tilespmem:s18+$0xFFFFFFC0];
	v62 =	vnsel vm0, $0x0, v10;
	v17 =	vperm.xlane v10, v2;
	v7 =	vmul.f32 v7, v58  }
0xf9: {  	v18 =	vld [tilespmem:s18+$0xFFFFFFA0];
	[tilespmem:s18+$0xFFFFFFF0] =	vst v62;
	v8 =	vmul.f32 v8, v59  }
0xfa: {  	v63 =	vld [tilespmem:s18+$0xFFFFFFB0];
	v9 =	vmul.f32 v9, v17;
	[tilespmem:s18+$0xFFFFFF70] =	vst v7  }
0xfb: {  	v7 =	vperm.xlane v10, v3;
	v10 =	vmul.f32 v11, v59;
	[tilespmem:s18+$0xFFFFFFD0] =	vst v8  }
0xfc: {  	v8 =	vmul.f32 v60, v58;
	[tilespmem:s18+$0xFFFFFF90] =	vst v9  }
0xfd: {  	v9 =	vmul.f32 v61, v7;
	[tilespmem:s18+$0xFFFFFFE0] =	vst v10  }
0xfe: {  	v10 =	vmul.f32 v18, v17;
	[tilespmem:s18+$0xFFFFFF80] =	vst v8  }
0xff: {  	v7 =	vmul.f32 v63, v7;
	[tilespmem:s18+$0xFFFFFFC0] =	vst v9  }
0x100: {  	[tilespmem:s18+$0xFFFFFFA0] =	vst v10  }
0x101: {  	[tilespmem:s18+$0xFFFFFFB0] =	vst v7;
	v7 =	vld [tilespmem:s18+$0x80]  }
0x102: {  	v8 =	vld [tilespmem:s23+$0x7190];
	_ =	sdelay $0x4  }
0x103: {  	v7 =	vadd.f32 v8, v7;
	_ =	sdelay $0x1  }
0x104: {  	v8 =	vmul.f32 $2.000000030e-01, v7;
	_ =	sdelay $0x1  }
0x105: {  	v7 =	vmax.f32 v7, v8  }
0x106: {  	v8 =	vmul.f32 $1.442695020e+00, v7;
	_ =	sdelay $0x1  }
0x107: {  	(erf) = vpow2.f32 v8;
	_ =	sdelay $0x1  }
0x108: {  	v6 =	vld [tilespmem:s18+$0x10]  }
0x109: {  	v5 =	vld [tilespmem:s18+$0x0]  }
0x10a: {  	v7 =	vld [tilespmem:s18+$0x40]  }
0x10b: {  	s22 =	simm.s32 $0x80;
	s23 =	simm.s32 $0x2610;
	v8 =	vld [tilespmem:s18+$0x50]  }
.LBB2_7:
0x10c: {  	p1 =	sne.s32 s22, $0xF80  }
0x10d: {  	v9 =	vld [tilespmem:s18+$0x60];
	s23 =	sadd.s32 $0x120, s23;
	s17 =	smov.u32 s22;
	s22 =	sadd.s32 $0x80, s22  }
0x10e: {  	v10 =	vld [tilespmem:s18+$0x20]  }
0x10f: {  	v11 =	vld [tilespmem:s18+$0x70];
	v12 =	vpop (erf)  }
0x110: {  	v13 =	vnsel vm0, $0x0, v12;
	v14 =	vperm.xlane v12, v1;
	v15 =	vperm.xlane v12, v2;
	v16 =	vld [tilespmem:s18+$0x30]  }
0x111: {  	[tilespmem:s18+$0x80] =	vst v13;
	v13 =	vperm.xlane v12, v3;
	v12 =	vperm.xlane v12, v4  }
0x112: {  	v5 =	vmul.f32 v5, v14;
	v6 =	vmul.f32 v6, v14  }
0x113: {  	v10 =	vmul.f32 v10, v15;
	v8 =	vmul.f32 v8, v13  }
0x114: {  	v9 =	vmul.f32 v9, v12;
	[tilespmem:s18+$0x0] =	vst v5;
	v11 =	vmul.f32 v11, v12  }
0x115: {  	v7 =	vmul.f32 v7, v13;
	v12 =	vmul.f32 v16, v15;
	[tilespmem:s18+$0x50] =	vst v8  }
0x116: {  	v5 =	vld [tilespmem:s23+$0x0];
	[tilespmem:s18+$0x10] =	vst v6  }
0x117: {  	[tilespmem:s18+$0x40] =	vst v7  }
0x118: {  	[tilespmem:s18+$0x60] =	vst v9  }
0x119: {  	v6 =	vld [tilespmem:s23+$0x10];
	[tilespmem:s18+$0x30] =	vst v12  }
0x11a: {  	[tilespmem:s18+$0x70] =	vst v11  }
0x11b: {  	s17 =	sshra.s32 s17, $0x2;
	v7 =	vld [tilespmem:s23+$0xFFFFFFF0];
	[tilespmem:s18+$0x20] =	vst v10;
	s18 =	smov.u32 s23  }
0x11c: {  	v8 =	vld [tilespmem:s17+$0x7180];
	_ =	sdelay $0x4  }
0x11d: {  	v7 =	vadd.f32 v8, v7;
	_ =	sdelay $0x1  }
0x11e: {  	v8 =	vmul.f32 $2.000000030e-01, v7;
	_ =	sdelay $0x1  }
0x11f: {  	v7 =	vmax.f32 v7, v8  }
0x120: {  	v7 =	vmul.f32 $1.442695020e+00, v7;
	_ =	sdelay $0x1  }
0x121: {  	(erf) = vpow2.f32 v7;
	_ =	sdelay $0x2  }
0x122: {  	v7 =	vld [tilespmem:s23+$0xFFFFFFA0]  }
0x123: {  	v8 =	vld [tilespmem:s23+$0xFFFFFFC0]  }
0x124: {  	v9 =	vld [tilespmem:s23+$0xFFFFFFE0]  }
0x125: {  	v10 =	vld [tilespmem:s23+$0xFFFFFFD0]  }
0x126: {  	v11 =	vld [tilespmem:s23+$0xFFFFFF70]  }
0x127: {  	v12 =	vld [tilespmem:s23+$0xFFFFFF90]  }
0x128: {  	v13 =	vld [tilespmem:s23+$0xFFFFFFB0];
	v14 =	vpop (erf)  }
0x129: {  	v15 =	vnsel vm0, $0x0, v14;
	v16 =	vperm.xlane v14, v1;
	v17 =	vperm.xlane v14, v4;
	v18 =	vld [tilespmem:s23+$0xFFFFFF80]  }
0x12a: {  	[tilespmem:s23+$0xFFFFFFF0] =	vst v15;
	v15 =	vperm.xlane v14, v2;
	v14 =	vperm.xlane v14, v3  }
0x12b: {  	v11 =	vmul.f32 v11, v16;
	v10 =	vmul.f32 v10, v17  }
0x12c: {  	v9 =	vmul.f32 v9, v17;
	v12 =	vmul.f32 v12, v15  }
0x12d: {  	v8 =	vmul.f32 v8, v14;
	[tilespmem:s23+$0xFFFFFF70] =	vst v11;
	v11 =	vmul.f32 v13, v14  }
0x12e: {  	v7 =	vmul.f32 v7, v15;
	v13 =	vmul.f32 v18, v16;
	[tilespmem:s23+$0xFFFFFFD0] =	vst v10  }
0x12f: {  	[tilespmem:s23+$0xFFFFFF90] =	vst v12  }
0x130: {  	[tilespmem:s23+$0xFFFFFFE0] =	vst v9  }
0x131: {  	[tilespmem:s23+$0xFFFFFF80] =	vst v13  }
0x132: {  	[tilespmem:s23+$0xFFFFFFC0] =	vst v8  }
0x133: {  	[tilespmem:s23+$0xFFFFFFA0] =	vst v7  }
0x134: {  	[tilespmem:s23+$0xFFFFFFB0] =	vst v11;
	v7 =	vld [tilespmem:s23+$0x80]  }
0x135: {  	v8 =	vld [tilespmem:s17+$0x7190];
	_ =	sdelay $0x4  }
0x136: {  	v7 =	vadd.f32 v8, v7;
	_ =	sdelay $0x1  }
0x137: {  	v8 =	vmul.f32 $2.000000030e-01, v7;
	_ =	sdelay $0x1  }
0x138: {  	v7 =	vmax.f32 v7, v8  }
0x139: {  	v7 =	vmul.f32 $1.442695020e+00, v7;
	_ =	sdelay $0x1  }
0x13a: {  	(erf) = vpow2.f32 v7;
	_ =	sdelay $0x1  }
.Ltmp2:
0x13b: {  	(pc) =	sbr.rel @p1 .LBB2_7-.Ltmp2, $3  }
0x13c: {  	_ =	sdelay $0x1  }
0x13d: {  	v7 =	vld [tilespmem:s23+$0x40]  }
0x13e: {  	v8 =	vld [tilespmem:s23+$0x50]  }
0x13f: {  	_ =	sdelay $0x1  }
0x140: {  	v9 =	vpop (erf)  }
0x141: {  	v11 =	vperm.xlane v9, v1  }
0x142: {  	v10 =	vld [tilespmem:s18+$0x60];
	v13 =	vperm.xlane v9, v3  }
0x143: {  	v12 =	vld [tilespmem:s18+$0x70];
	v14 =	vnsel vm0, $0x0, v9;
	v5 =	vmul.f32 v5, v11  }
0x144: {  	v15 =	vld [tilespmem:s18+$0x30];
	[tilespmem:s18+$0x80] =	vst v14;
	v8 =	vmul.f32 v8, v13  }
0x145: {  	v16 =	vld [tilespmem:s18+$0x20];
	v57 =	vperm.xlane v9, v4;
	v6 =	vmul.f32 v6, v11;
	[tilespmem:s18+$0x0] =	vst v5  }
0x146: {  	v7 =	vmul.f32 v7, v13;
	[tilespmem:s18+$0x50] =	vst v8  }
0x147: {  	v5 =	vperm.xlane v9, v2;
	v8 =	vmul.f32 v10, v57;
	[tilespmem:s18+$0x10] =	vst v6  }
0x148: {  	[tilespmem:s18+$0x40] =	vst v7;
	v7 =	vmul.f32 v12, v57  }
0x149: {  	v6 =	vmul.f32 v15, v5;
	[tilespmem:s18+$0x60] =	vst v8  }
0x14a: {  	v5 =	vmul.f32 v16, v5;
	[tilespmem:s18+$0x70] =	vst v7  }
0x14b: {  	[tilespmem:s18+$0x30] =	vst v6  }
0x14c: {  	s16 =	sadd.s32 @!p0 s16, s21;
	[tilespmem:s18+$0x20] =	vst v5  }
0x14d: {  	[spmem:s3] =	stream.indirect.scatter.add.f32 [tilespmem:s30], [sflag:$0x5], $0x90, s31, s26, $0xb8;
	[tilespmem:$0x1E180] =	vst v63  }
0x14e: {  	s16 =	sshll.u32 @!p0 s16, $0x4;
	_ =	swait.ge [sflag:s12], $0x2400  }
0x14f: {  	s17 =	simm.s32 @!p0 $0x0;
	s16 =	sand.u32 @!p0 $0x1FFFFFF0, s16;
	[sflag:s12] =	ssyncset.done $0x0  }
0x150: {  	s16 =	sadd.s32 @!p0 s6, s16;
	s18 =	simm.s32 @!p0 $0x80;
	[sflag:s12] =	ssyncadd.s32 $0xFFFFDC00  }
0x151: {  	[tilespmem:s18], [sflag:$0x7] =	stream.linear.gather @!p0 [hbm4b:s16+s17], $0x80, $0x38;
	[tilespmem:$0x1E180] =	vst v63  }
0x152: {  	s16 =	simm.s32 @!p0 $0x7  }
0x153: {  	_ =	swait.ge @!p0 [sflag:s16], $0x80  }
0x154: {  	[sflag:s16] =	ssyncset.done @!p0 $0x0  }
0x155: {  	s17 =	simm.s32 @!p0 $0x2580;
	[sflag:s16] =	ssyncadd.s32 @!p0 $0xFFFFFF80;
	s16 =	simm.s32 @!p0 $0x40  }
0x156: {  	[tilespmem:s17], [sflag:$0x2] =	stream.indirect.gather @!p0 [hbm4b:s5+s16], $0x90, s18, s16, $0xb8;
	[tilespmem:$0x1E180] =	vst v63  }
0x157: {  	s17 =	simm.s32 @!p0 $0xC0;
	s18 =	simm.s32 @!p0 $0x7180  }
0x158: {  	[tilespmem:s18], [sflag:$0x2] =	stream.indirect.gather @!p0 [hbm4b:s2+s16], $0x10, s17, s16, $0xb8;
	[tilespmem:$0x1E180] =	vst v63  }
0x159: {  	_ =	swait.ge [sflag:s13], $0x2400  }
0x15a: {  	[sflag:s13] =	ssyncset.done $0x0  }
0x15b: {  	[sflag:s13] =	ssyncadd.s32 $0xFFFFDC00  }
0x15c: {  	_ =	swait.ge [sflag:s13], $0x400  }
0x15d: {  	[sflag:s13] =	ssyncset.done $0x0  }
0x15e: {  	s16 =	simm.s32 $0x4A10;
	[sflag:s13] =	ssyncadd.s32 $0xFFFFFC00  }
0x15f: {  	s23 =	simm.s32 $0x0;
	v5 =	vld [tilespmem:s16+$0xFFFFFFF0]  }
0x160: {  	v6 =	vld [tilespmem:s23+$0x7580];
	_ =	sdelay $0x4  }
0x161: {  	v5 =	vadd.f32 v6, v5;
	_ =	sdelay $0x1  }
0x162: {  	v6 =	vmul.f32 $2.000000030e-01, v5;
	_ =	sdelay $0x1  }
0x163: {  	v5 =	vmax.f32 v5, v6  }
0x164: {  	v5 =	vmul.f32 $1.442695020e+00, v5;
	_ =	sdelay $0x1  }
0x165: {  	(erf) = vpow2.f32 v5;
	_ =	sdelay $0x6  }
0x166: {  	v7 =	vld [tilespmem:s16+$0xFFFFFF70]  }
0x167: {  	v8 =	vld [tilespmem:s16+$0xFFFFFFD0]  }
0x168: {  	v9 =	vld [tilespmem:s16+$0xFFFFFF90];
	v10 =	vpop (erf)  }
0x169: {  	v11 =	vld [tilespmem:s16+$0xFFFFFFE0];
	v58 =	vperm.xlane v10, v1  }
0x16a: {  	v60 =	vld [tilespmem:s16+$0xFFFFFF80];
	v59 =	vperm.xlane v10, v4  }
0x16b: {  	v61 =	vld [tilespmem:s16+$0xFFFFFFC0];
	v62 =	vnsel vm0, $0x0, v10;
	v17 =	vperm.xlane v10, v2;
	v7 =	vmul.f32 v7, v58  }
0x16c: {  	v18 =	vld [tilespmem:s16+$0xFFFFFFA0];
	[tilespmem:s16+$0xFFFFFFF0] =	vst v62;
	v8 =	vmul.f32 v8, v59  }
0x16d: {  	v63 =	vld [tilespmem:s16+$0xFFFFFFB0];
	v9 =	vmul.f32 v9, v17;
	[tilespmem:s16+$0xFFFFFF70] =	vst v7  }
0x16e: {  	v7 =	vperm.xlane v10, v3;
	v10 =	vmul.f32 v11, v59;
	[tilespmem:s16+$0xFFFFFFD0] =	vst v8  }
0x16f: {  	v8 =	vmul.f32 v60, v58;
	[tilespmem:s16+$0xFFFFFF90] =	vst v9  }
0x170: {  	v9 =	vmul.f32 v61, v7;
	[tilespmem:s16+$0xFFFFFFE0] =	vst v10  }
0x171: {  	v10 =	vmul.f32 v18, v17;
	[tilespmem:s16+$0xFFFFFF80] =	vst v8  }
0x172: {  	v7 =	vmul.f32 v63, v7;
	[tilespmem:s16+$0xFFFFFFC0] =	vst v9  }
0x173: {  	[tilespmem:s16+$0xFFFFFFA0] =	vst v10  }
0x174: {  	[tilespmem:s16+$0xFFFFFFB0] =	vst v7;
	v7 =	vld [tilespmem:s16+$0x80]  }
0x175: {  	v8 =	vld [tilespmem:s23+$0x7590];
	_ =	sdelay $0x4  }
0x176: {  	v7 =	vadd.f32 v8, v7;
	_ =	sdelay $0x1  }
0x177: {  	v8 =	vmul.f32 $2.000000030e-01, v7;
	_ =	sdelay $0x1  }
0x178: {  	v7 =	vmax.f32 v7, v8  }
0x179: {  	v8 =	vmul.f32 $1.442695020e+00, v7;
	_ =	sdelay $0x1  }
0x17a: {  	(erf) = vpow2.f32 v8;
	_ =	sdelay $0x1  }
0x17b: {  	v6 =	vld [tilespmem:s16+$0x10]  }
0x17c: {  	v5 =	vld [tilespmem:s16+$0x0]  }
0x17d: {  	v7 =	vld [tilespmem:s16+$0x40]  }
0x17e: {  	s22 =	simm.s32 $0x4A10;
	s18 =	simm.s32 $0x80;
	v8 =	vld [tilespmem:s16+$0x50]  }
.LBB2_9:
0x17f: {  	p0 =	sne.s32 s18, $0xF80  }
0x180: {  	v9 =	vld [tilespmem:s16+$0x60];
	s22 =	sadd.s32 $0x120, s22;
	s17 =	smov.u32 s18;
	s18 =	sadd.s32 $0x80, s18  }
0x181: {  	v10 =	vld [tilespmem:s16+$0x20]  }
0x182: {  	v11 =	vld [tilespmem:s16+$0x70];
	v12 =	vpop (erf)  }
0x183: {  	v13 =	vnsel vm0, $0x0, v12;
	v14 =	vperm.xlane v12, v1;
	v15 =	vperm.xlane v12, v2;
	v16 =	vld [tilespmem:s16+$0x30]  }
0x184: {  	[tilespmem:s16+$0x80] =	vst v13;
	v13 =	vperm.xlane v12, v3;
	v12 =	vperm.xlane v12, v4  }
0x185: {  	v5 =	vmul.f32 v5, v14;
	v6 =	vmul.f32 v6, v14  }
0x186: {  	v10 =	vmul.f32 v10, v15;
	v8 =	vmul.f32 v8, v13  }
0x187: {  	v9 =	vmul.f32 v9, v12;
	[tilespmem:s16+$0x0] =	vst v5;
	v11 =	vmul.f32 v11, v12  }
0x188: {  	v7 =	vmul.f32 v7, v13;
	v12 =	vmul.f32 v16, v15;
	[tilespmem:s16+$0x50] =	vst v8  }
0x189: {  	v5 =	vld [tilespmem:s22+$0x0];
	[tilespmem:s16+$0x10] =	vst v6  }
0x18a: {  	[tilespmem:s16+$0x40] =	vst v7  }
0x18b: {  	[tilespmem:s16+$0x60] =	vst v9  }
0x18c: {  	v6 =	vld [tilespmem:s22+$0x10];
	[tilespmem:s16+$0x30] =	vst v12  }
0x18d: {  	[tilespmem:s16+$0x70] =	vst v11  }
0x18e: {  	s17 =	sshra.s32 s17, $0x2;
	v7 =	vld [tilespmem:s22+$0xFFFFFFF0];
	[tilespmem:s16+$0x20] =	vst v10;
	s16 =	smov.u32 s22  }
0x18f: {  	v8 =	vld [tilespmem:s17+$0x7580];
	_ =	sdelay $0x4  }
0x190: {  	v7 =	vadd.f32 v8, v7;
	_ =	sdelay $0x1  }
0x191: {  	v8 =	vmul.f32 $2.000000030e-01, v7;
	_ =	sdelay $0x1  }
0x192: {  	v7 =	vmax.f32 v7, v8  }
0x193: {  	v7 =	vmul.f32 $1.442695020e+00, v7;
	_ =	sdelay $0x1  }
0x194: {  	(erf) = vpow2.f32 v7;
	_ =	sdelay $0x2  }
0x195: {  	v7 =	vld [tilespmem:s22+$0xFFFFFFA0]  }
0x196: {  	v8 =	vld [tilespmem:s22+$0xFFFFFFC0]  }
0x197: {  	v9 =	vld [tilespmem:s22+$0xFFFFFFE0]  }
0x198: {  	v10 =	vld [tilespmem:s22+$0xFFFFFFD0]  }
0x199: {  	v11 =	vld [tilespmem:s22+$0xFFFFFF70]  }
0x19a: {  	v12 =	vld [tilespmem:s22+$0xFFFFFF90]  }
0x19b: {  	v13 =	vld [tilespmem:s22+$0xFFFFFFB0];
	v14 =	vpop (erf)  }
0x19c: {  	v15 =	vnsel vm0, $0x0, v14;
	v16 =	vperm.xlane v14, v1;
	v17 =	vperm.xlane v14, v4;
	v18 =	vld [tilespmem:s22+$0xFFFFFF80]  }
0x19d: {  	[tilespmem:s22+$0xFFFFFFF0] =	vst v15;
	v15 =	vperm.xlane v14, v2;
	v14 =	vperm.xlane v14, v3  }
0x19e: {  	v11 =	vmul.f32 v11, v16;
	v10 =	vmul.f32 v10, v17  }
0x19f: {  	v9 =	vmul.f32 v9, v17;
	v12 =	vmul.f32 v12, v15  }
0x1a0: {  	v8 =	vmul.f32 v8, v14;
	[tilespmem:s22+$0xFFFFFF70] =	vst v11;
	v11 =	vmul.f32 v13, v14  }
0x1a1: {  	v7 =	vmul.f32 v7, v15;
	v13 =	vmul.f32 v18, v16;
	[tilespmem:s22+$0xFFFFFFD0] =	vst v10  }
0x1a2: {  	[tilespmem:s22+$0xFFFFFF90] =	vst v12  }
0x1a3: {  	[tilespmem:s22+$0xFFFFFFE0] =	vst v9  }
0x1a4: {  	[tilespmem:s22+$0xFFFFFF80] =	vst v13  }
0x1a5: {  	[tilespmem:s22+$0xFFFFFFC0] =	vst v8  }
0x1a6: {  	[tilespmem:s22+$0xFFFFFFA0] =	vst v7  }
0x1a7: {  	[tilespmem:s22+$0xFFFFFFB0] =	vst v11;
	v7 =	vld [tilespmem:s22+$0x80]  }
0x1a8: {  	v8 =	vld [tilespmem:s17+$0x7590];
	_ =	sdelay $0x4  }
0x1a9: {  	v7 =	vadd.f32 v8, v7;
	_ =	sdelay $0x1  }
0x1aa: {  	v8 =	vmul.f32 $2.000000030e-01, v7;
	_ =	sdelay $0x1  }
0x1ab: {  	v7 =	vmax.f32 v7, v8  }
0x1ac: {  	v7 =	vmul.f32 $1.442695020e+00, v7;
	_ =	sdelay $0x1  }
0x1ad: {  	(erf) = vpow2.f32 v7;
	_ =	sdelay $0x1  }
.Ltmp3:
0x1ae: {  	(pc) =	sbr.rel @p0 .LBB2_9-.Ltmp3, $3  }
0x1af: {  	_ =	sdelay $0x1  }
0x1b0: {  	v7 =	vld [tilespmem:s22+$0x40]  }
0x1b1: {  	v8 =	vld [tilespmem:s22+$0x50]  }
0x1b2: {  	_ =	sdelay $0x1  }
0x1b3: {  	v9 =	vpop (erf)  }
0x1b4: {  	v11 =	vperm.xlane v9, v1  }
0x1b5: {  	v10 =	vld [tilespmem:s16+$0x60];
	v13 =	vperm.xlane v9, v3  }
0x1b6: {  	v12 =	vld [tilespmem:s16+$0x70];
	v14 =	vnsel vm0, $0x0, v9;
	v5 =	vmul.f32 v5, v11  }
0x1b7: {  	v15 =	vld [tilespmem:s16+$0x30];
	[tilespmem:s16+$0x80] =	vst v14;
	v8 =	vmul.f32 v8, v13  }
0x1b8: {  	v16 =	vld [tilespmem:s16+$0x20];
	v62 =	vperm.xlane v9, v4;
	v6 =	vmul.f32 v6, v11;
	[tilespmem:s16+$0x0] =	vst v5  }
0x1b9: {  	v7 =	vmul.f32 v7, v13;
	[tilespmem:s16+$0x50] =	vst v8  }
0x1ba: {  	s15 =	sadd.s32 $0x1, s15;
	v63 =	vmul.f32 v10, v62;
	v5 =	vperm.xlane v9, v2;
	[tilespmem:s16+$0x10] =	vst v6  }
0x1bb: {  	p0 =	sne.s32 s15, $0x36;
	[tilespmem:s16+$0x40] =	vst v7;
	v7 =	vmul.f32 v12, v62  }
.Ltmp4:
0x1bc: {  	[tilespmem:s16+$0x60] =	vst v63;
	v6 =	vmul.f32 v15, v5;
	(pc) =	sbr.rel @p0 .LBB2_4-.Ltmp4, $4  }
0x1bd: {  	v5 =	vmul.f32 v16, v5;
	[tilespmem:s16+$0x70] =	vst v7  }
0x1be: {  	[tilespmem:s16+$0x30] =	vst v6  }
0x1bf: {  	[tilespmem:s16+$0x20] =	vst v5  }
0x1c0: {  	[spmem:s3] =	stream.indirect.scatter.add.f32 [tilespmem:s1], [sflag:$0x6], $0x90, s0, s26, $0xb8;
	[tilespmem:$0x1E180] =	vst v63  }
0x1c1: {  	_ =	swait.ge [sflag:s14], $0x2400  }
0x1c2: {  	[sflag:s14] =	ssyncset.done $0x0  }
0x1c3: {  	s15 =	stileid.u32;
	[sflag:s14] =	ssyncadd.s32 $0xFFFFDC00  }
0x1c4: {  	s15 =	sshll.u32 s15, $0x6;
	[bflag:$0x0] =	sbarrier.arrive $0xFFFF  }
0x1c5: {  	s16 =	sshrl.u32 s7, $0x3;
	s15 =	sor.u32 $0x1C07, s15;
	s17 =	rddreg [dreg:$0xf]  }
0x1c6: {  	[hbm:s17], [sflag:s15] =	dma.local [spmem:s16], $0x2D00  }
0x1c7: {  	_ =	swait.ge [sflag:s25], $0x2D00  }
0x1c8: {  	s4 =	sadd.s32 $0x1, s4;
	s23 =	rddreg [dreg:$0x10]  }
0x1c9: {  	p0 =	sne.s32 s4, s23  }
.Ltmp5:
0x1ca: {  	_ = 	snop;
	(pc) =	sbr.rel @p0 .LBB2_1-.Ltmp5, $3  }
0x1cb: {  	_ =	sdelay $0x1  }
0x1cc: {  	[sflag:s25] =	ssyncset.done $0x0  }
0x1cd: {  	[sflag:s25] =	ssyncadd.s32 $0xFFFFD300  }
0x1ce: {  	_ =	sfence.sel $0x180000  }
0x1cf: {  	[bflag:$0x0] =	sbarrier.arrive $0xFFFF  }
0x1d0: {  	_ =	strace $0x90000047  }
0x1d1: {  	s0 =	stileid.u32;
	[bflag:$0x2] =	sbarrier.arrive $0xFFFF  }
0x1d2: {  	p0 =	sne.s32 s0, $0x0;
	s0 =	rddreg [dreg:$0x3]  }
0x1d3: {  	s0 =	sadd.s32 @!p0 $0x100000, s0  }
0x1d4: {  	[sflag:s0] =	ssyncadd.tile.s32 @!p0 $0x1;
	_ =	shalt  }
.Lfunc_end2:
_tile_overlayer_lowered:
.L_overlay_start_2:
0x1d5: {  	(tag) =	ssettag $0x2  }
0x1d6: {  	s0 =	rddreg [dreg:$0x0];
	s2 =	stileid.u32  }
0x1d7: {  	s1 =	rddreg [dreg:$0x1];
	p0 =	sne.s32 s2, $0x0  }
0x1d8: {  	s3 =	rddreg [dreg:$0x2];
	[bflag:$0x3] =	sbarrier.arrive $0xFFFF;
	s2 =	simm.s32 @!p0 $0x1C07  }
0x1d9: {  	[timem:s3], [sflag:s2] =	dma.local @!p0 [hbm:s0], s1  }
0x1da: {  	s0 =	simm.s32 @!p0 $0x7  }
0x1db: {  	_ =	swait.ge @!p0 [sflag:s0], s1  }
0x1dc: {  	s1 =	ssub.s32 @!p0 $0x0, s1;
	[sflag:s0] =	ssyncset.done @!p0 $0x0  }
0x1dd: {  	[sflag:s0] =	ssyncadd.s32 @!p0 s1  }
0x1de: {  	[bflag:$0x3] =	sbarrier.arrive $0xFFFF  }
0x1df: {  	_ =	shalt  }

</sc_bundles>
